<compile_context>
chip_gen: v7x
topology: tpu7x:2x2x1
jax: 0.10.2.dev20260603
libtpu: 0.0.44.dev20260713+nightly
codegen_flags: <defaults>
</compile_context>

<pallas_src>
import functools

import jax
import jax.numpy as jnp
from jax import lax
from jax.experimental import pallas as pl
from jax.experimental.pallas import tpu as pltpu
from jax.experimental.pallas import tpu_sc as plsc

NC = 2
NS = 16
CHUNK = 128
CORE0_FRAC = 0.65


def _mesh():
    return plsc.VectorSubcoreMesh(core_axis_name="c", subcore_axis_name="s")


def _chunk_split(p):
    a = min(p - 8, max(8, int(round(p * CORE0_FRAC / 4)) * 4))
    return a, p - a


def _make_deg_kernel(n, n_acc, p):
    rows_per_tile = n_acc // NS
    last = n - (NS - 1) * rows_per_tile
    a, b = _chunk_split(p)

    @functools.partial(
        pl.kernel,
        out_type=jax.ShapeDtypeStruct((NC, n), jnp.float32),
        mesh=_mesh(),
        scratch_types=[
            pltpu.VMEM((max(a, b), CHUNK), jnp.int32),
            pltpu.VMEM((CHUNK,), jnp.float32),
            pltpu.VMEM((CHUNK,), jnp.float32),
            pltpu.VMEM_SHARED((n_acc,), jnp.float32),
            pltpu.SemaphoreType.DMA,
        ],
        compiler_params=pltpu.CompilerParams(use_tc_tiling_on_sc=False),
    )
    def deg_kernel(dst_hbm, out_hbm, idx_v, ones_v, zeros_v, acc_sp, sem):
        c = lax.axis_index("c")
        s = lax.axis_index("s")
        for i in range(CHUNK // 16):
            ones_v[pl.ds(16 * i, 16)] = jnp.ones((16,), jnp.float32)
            zeros_v[pl.ds(16 * i, 16)] = jnp.zeros((16,), jnp.float32)
        base = s * rows_per_tile
        for k in range(rows_per_tile // CHUNK):
            pltpu.sync_copy(zeros_v, acc_sp.at[pl.ds(base + k * CHUNK, CHUNK)])

        def scatter_loop(cnt):
            depth = 8

            def wait_s():
                pltpu.make_async_copy(out_hbm.at[0, pl.ds(0, CHUNK)],
                                      ones_v, sem).wait()

            def body(j, carry):
                pltpu.async_copy(ones_v, acc_sp.at[idx_v.at[j]], sem,
                                 add=True)

                @pl.when(j >= depth)
                def _():
                    wait_s()

                return carry

            lax.fori_loop(0, cnt, body, 0)
            for _ in range(depth):
                wait_s()

        @pl.when(c == 0)
        def _():
            pltpu.sync_copy(dst_hbm.at[pl.ds(s * a, a)],
                            idx_v.at[pl.ds(0, a)])

        @pl.when(c == 1)
        def _():
            pltpu.sync_copy(dst_hbm.at[pl.ds(NS * a + s * b, b)],
                            idx_v.at[pl.ds(0, b)])

        plsc.subcore_barrier()

        @pl.when(c == 0)
        def _():
            scatter_loop(a)

        @pl.when(c == 1)
        def _():
            scatter_loop(b)

        plsc.subcore_barrier()

        @pl.when(s < NS - 1)
        def _():
            pltpu.sync_copy(acc_sp.at[pl.ds(base, rows_per_tile)],
                            out_hbm.at[c, pl.ds(base, rows_per_tile)])

        @pl.when(s == NS - 1)
        def _():
            pltpu.sync_copy(acc_sp.at[pl.ds(base, last)],
                            out_hbm.at[c, pl.ds(base, last)])

    return deg_kernel


def _make_agg_kernel(n, n_acc, p, width):
    rows_per_tile = n_acc // NS
    last = n - (NS - 1) * rows_per_tile
    a, b = _chunk_split(p)

    @functools.partial(
        pl.kernel,
        out_type=jax.ShapeDtypeStruct((NC, n, width), jnp.float32),
        mesh=_mesh(),
        scratch_types=[
            pltpu.VMEM((max(a, b), CHUNK), jnp.int32),
            pltpu.VMEM((max(a, b), CHUNK), jnp.int32),
            pltpu.VMEM((4, CHUNK, width), jnp.float32),
            pltpu.VMEM_SHARED((n_acc, width), jnp.float32),
            pltpu.SemaphoreType.DMA,
            pltpu.SemaphoreType.DMA,
        ],
        compiler_params=pltpu.CompilerParams(use_tc_tiling_on_sc=False),
    )
    def agg_kernel(g_hbm, src_hbm, dst_hbm, out_hbm, si_v, di_v, msg_v,
                   acc_sp, sem_g, sem_s):
        c = lax.axis_index("c")
        s = lax.axis_index("s")
        base = s * rows_per_tile
        @pl.when(s < NS - 1)
        def _():
            pltpu.sync_copy(g_hbm.at[pl.ds(base, rows_per_tile)],
                            acc_sp.at[pl.ds(base, rows_per_tile)])

        @pl.when(s == NS - 1)
        def _():
            pltpu.sync_copy(g_hbm.at[pl.ds(base, last)],
                            acc_sp.at[pl.ds(base, last)])

        @pl.when(c == 0)
        def _():
            pltpu.sync_copy(src_hbm.at[pl.ds(s * a, a)],
                            si_v.at[pl.ds(0, a)])
            pltpu.sync_copy(dst_hbm.at[pl.ds(s * a, a)],
                            di_v.at[pl.ds(0, a)])

        @pl.when(c == 1)
        def _():
            pltpu.sync_copy(src_hbm.at[pl.ds(NS * a + s * b, b)],
                            si_v.at[pl.ds(0, b)])
            pltpu.sync_copy(dst_hbm.at[pl.ds(NS * a + s * b, b)],
                            di_v.at[pl.ds(0, b)])

        plsc.subcore_barrier()

        def edge_loop(cnt):
            def fire_g(j, slot):
                pltpu.async_copy(g_hbm.at[si_v.at[j]], msg_v.at[slot],
                                 sem_g)

            def wait_g():
                pltpu.make_async_copy(g_hbm.at[pl.ds(0, CHUNK)],
                                      msg_v.at[0], sem_g).wait()

            for b in range(4):
                fire_g(b, b)

            def body(i, carry):
                for b in range(4):
                    j = 4 * i + b
                    wait_g()
                    pltpu.sync_copy(msg_v.at[b], acc_sp.at[di_v.at[j]],
                                    add=True)

                    @pl.when(j + 4 < cnt)
                    def _():
                        fire_g(j + 4, b)

                return carry

            lax.fori_loop(0, cnt // 4, body, 0)

        @pl.when(c == 0)
        def _():
            edge_loop(a)

        @pl.when(c == 1)
        def _():
            edge_loop(b)

        plsc.subcore_barrier()

        @pl.when(s < NS - 1)
        def _():
            pltpu.sync_copy(acc_sp.at[pl.ds(base, rows_per_tile)],
                            out_hbm.at[c, pl.ds(base, rows_per_tile)])

        @pl.when(s == NS - 1)
        def _():
            pltpu.sync_copy(acc_sp.at[pl.ds(base, last)],
                            out_hbm.at[c, pl.ds(base, last)])

    return agg_kernel


def _tc_matmul(x3, W1):
    n8, _, d = x3.shape
    h = W1.shape[1]

    def body(x_ref, w_ref, h_ref):
        w = w_ref[...]
        for k in range(8):
            h_ref[:, h * k:h * (k + 1)] = jnp.dot(
                x_ref[:, k, :], w, preferred_element_type=jnp.float32)

    return pl.pallas_call(
        body,
        out_shape=jax.ShapeDtypeStruct((n8, 8 * h), jnp.float32),
    )(x3, W1)


def _tc_scale(h_pack, d3):
    n8, hw = h_pack.shape
    h = hw // 8

    def body(h_ref, d_ref, g_ref, s_ref):
        dd = d_ref[...]
        hh = h_ref[...]
        for k in range(8):
            sck = lax.rsqrt(1.0 + dd[0, :, k] + dd[1, :, k])[:, None]
            g_ref[:, h * k:h * (k + 1)] = sck * hh[:, h * k:h * (k + 1)]
            s_ref[:, h * k:h * (k + 1)] = jnp.broadcast_to(sck, (n8, h))

    return pl.pallas_call(
        body,
        out_shape=(
            jax.ShapeDtypeStruct((n8, hw), jnp.float32),
            jax.ShapeDtypeStruct((n8, hw), jnp.float32),
        ),
    )(h_pack, d3)


def _tc_mid(p, g1, s_pack, b1p):

    def body(p_ref, g_ref, s_ref, b_ref, u_ref):
        sc = s_ref[...]
        agg = p_ref[0] + p_ref[1] - g_ref[...]
        u_ref[...] = sc * jnp.maximum(sc * agg + b_ref[...], 0.0)

    return pl.pallas_call(
        body,
        out_shape=jax.ShapeDtypeStruct(g1.shape, jnp.float32),
    )(p, g1, s_pack, b1p)


def _tc_final(q, u, s_pack, W2p, b2p, c):
    n8, hw = u.shape
    cw = 8 * c

    def body(q_ref, u_ref, s_ref, w_ref, b_ref, o_ref):
        t = s_ref[...] * (q_ref[0] + q_ref[1] - u_ref[...])
        z = jnp.dot(t, w_ref[...], preferred_element_type=jnp.float32)
        z = z + b_ref[...]
        zl = jnp.concatenate([z[:, 1:], z[:, :1]], axis=1)
        zr = jnp.concatenate([z[:, cw - 1:], z[:, :cw - 1]], axis=1)
        lane = lax.broadcasted_iota(jnp.int32, (n8, cw), 1)
        partner = jnp.where(lane % 2 == 0, zl, zr)
        m = jnp.maximum(z, partner)
        lse = m + jnp.log(jnp.exp(z - m) + jnp.exp(partner - m))
        o_ref[...] = z - lse

    return pl.pallas_call(
        body,
        out_shape=jax.ShapeDtypeStruct((n8, cw), jnp.float32),
    )(q, u, s_pack, W2p, b2p)


def kernel(x, edge_index, W1, b1, W2, b2):
    n, d = x.shape
    h = W1.shape[1]
    c = W2.shape[1]
    e = edge_index.shape[1]
    n8 = n // 8

    n_acc = ((n + NS * 8) + NS * 8 - 1) // (NS * 8) * (NS * 8)
    p = (e + NS * CHUNK - 1) // (NS * CHUNK)
    p = (p + 3) // 4 * 4
    e_pad = NS * CHUNK * p

    dst_pad = n + jnp.arange(e_pad - e, dtype=jnp.int32) % (n_acc - n)
    src = jnp.concatenate(
        [edge_index[0], jnp.zeros((e_pad - e,), jnp.int32)]).reshape(
            NS * p, CHUNK)
    dst = jnp.concatenate([edge_index[1], dst_pad]).reshape(NS * p, CHUNK)

    deg_kernel = _make_deg_kernel(n, n_acc, p)
    agg_kernel = _make_agg_kernel(n, n_acc, p, h)

    x3 = x.reshape(n8, 8, d)
    b1p = jnp.tile(b1, 8).reshape(1, 8 * h)
    W2p = jnp.kron(jnp.eye(8, dtype=W2.dtype), W2)
    b2p = jnp.tile(b2, 8).reshape(1, 8 * c)

    h_pack = _tc_matmul(x3, W1)
    degp = deg_kernel(dst)
    g1, s_pack = _tc_scale(h_pack, degp.reshape(NC, n8, 8))
    pagg = agg_kernel(g1.reshape(n, h), src, dst)
    u = _tc_mid(pagg.reshape(NC, n8, 8 * h), g1, s_pack, b1p)
    q = agg_kernel(u.reshape(n, h), src, dst)
    out = _tc_final(q.reshape(NC, n8, 8 * h), u, s_pack, W2p, b2p, c)
    return out.reshape(n, c)

# --- scband reference (transcript-rebuilt; emitter-appended) ---
"""Pipeline reference for scband-gcn-44143673868574 (READ-ONLY COPY).

The authoritative reference and input builder live on the scoring server;
editing this copy changes nothing except your own understanding.
"""

import jax, jax.numpy as jnp
import numpy as np

N = 10000
E = 160000
D = 256
H = 16
C = 2


def gcn_conv(x, edge_index, W, b):
    num_nodes = x.shape[0]
    # linear transform first (as in PyG GCNConv)
    h = x @ W
    # add self loops
    loop = jnp.arange(num_nodes, dtype=edge_index.dtype)
    src = jnp.concatenate([edge_index[0], loop])
    dst = jnp.concatenate([edge_index[1], loop])
    # symmetric normalization D^{-1/2} (A+I) D^{-1/2}
    deg = jnp.zeros((num_nodes,), dtype=h.dtype).at[dst].add(1.0)
    deg_inv_sqrt = jnp.where(deg > 0, jax.lax.rsqrt(jnp.maximum(deg, 1e-12)), 0.0)
    norm = deg_inv_sqrt[src] * deg_inv_sqrt[dst]
    # gather messages, scale, scatter-add to destination nodes
    msg = h[src] * norm[:, None]
    out = jnp.zeros((num_nodes, h.shape[1]), dtype=h.dtype).at[dst].add(msg)
    return out + b


def setup_inputs(seed: int = 0) -> dict:
    key = jax.random.key(seed)
    k1, k2, k3, k4, k5, k6 = jax.random.split(key, 6)
    x = jax.random.normal(k1, (N, D), dtype=jnp.float32)
    edge_index = jax.random.randint(k2, (2, E), 0, N).astype(jnp.int32)
    W1 = jax.random.normal(k3, (D, H), dtype=jnp.float32) * (1.0 / np.sqrt(D))
    b1 = jnp.zeros((H,), dtype=jnp.float32)
    W2 = jax.random.normal(k4, (H, C), dtype=jnp.float32) * (1.0 / np.sqrt(H))
    b2 = jnp.zeros((C,), dtype=jnp.float32)
    return {"x": x, "edge_index": edge_index, "W1": W1, "b1": b1, "W2": W2, "b2": b2}


def reference(x, edge_index, W1, b1, W2, b2):
    h = gcn_conv(x, edge_index, W1, b1)
    h = jax.nn.relu(h)
    h = gcn_conv(h, edge_index, W2, b2)
    return jax.nn.log_softmax(h, axis=1)

if __name__ == "__main__":
    import jax
    _d = setup_inputs()
    print(jax.jit(kernel)(*tuple(_d.values())))

</pallas_src>

<mosaic_0001>
#map = affine_map<(d0, d1) -> (0, 0)>
#map1 = affine_map<(d0, d1) -> (0, 0, 0)>
module attributes {stable_mosaic.version = 14 : i64} {
  func.func @agg_kernel(%arg0: i32, %arg1: i32, %arg2: memref<10000x16xf32, #tpu.memory_space<hbm>>, %arg3: memref<1280x128xi32, #tpu.memory_space<hbm>>, %arg4: memref<1280x128xi32, #tpu.memory_space<hbm>>, %arg5: memref<2x10000x16xf32, #tpu.memory_space<hbm>>, %arg6: memref<52x128xi32, #tpu.memory_space<vmem>>, %arg7: memref<52x128xi32, #tpu.memory_space<vmem>>, %arg8: memref<4x128x16xf32, #tpu.memory_space<vmem>>, %arg9: memref<10240x16xf32, #tpu.memory_space<vmem_shared>>, %arg10: memref<!tpu.dma_semaphore, #tpu.memory_space<semaphore_mem>>, %arg11: memref<!tpu.dma_semaphore, #tpu.memory_space<semaphore_mem>>) attributes {dimension_semantics = [#tpu.dimension_semantics<core_parallel>, #tpu.dimension_semantics<subcore_parallel>], iteration_bounds = array<i64: 2, 16>, scalar_prefetch = 0 : i64, scratch_operands = 6 : i64, tpu.core_type = #tpu.core_type<sc_vector_subcore>, window_params = [{transform_indices = #map}, {transform_indices = #map}, {transform_indices = #map}, {transform_indices = #map1}]} {
    %mul3A = arith.constant 640 : i32
    %mul3A_0 = arith.muli %arg1, %mul3A : i32
    %lt3A = arith.constant 15 : i32
    %lt3A_1 = arith.cmpi slt, %arg1, %lt3A : i32
    %convert_element_type3A = arith.extui %lt3A_1 : i1 to i32
    %cond3A = arith.constant 0 : i32
    %cond3A_2 = arith.cmpi ne, %convert_element_type3A, %cond3A : i32
    scf.if %cond3A_2 {
      "tpu.region"() ({
        %run_scoped3A = tpu.sem_alloc : memref<!tpu.dma_semaphore, #tpu.memory_space<semaphore_mem>>
        %dma_start3A = arith.constant 0 : i32
        %dma_start3A_38 = tpu.memref_slice %arg9[%mul3A_0, %dma_start3A] : memref<10240x16xf32, #tpu.memory_space<vmem_shared>> -> memref<640x16xf32, #tpu.memory_space<vmem_shared>>
        %dma_start3A_39 = arith.constant 0 : i32
        %dma_start3A_40 = tpu.memref_slice %arg2[%mul3A_0, %dma_start3A_39] : memref<10000x16xf32, #tpu.memory_space<hbm>> -> memref<640x16xf32, #tpu.memory_space<hbm>>
        tpu.enqueue_dma source(%dma_start3A_40 : memref<640x16xf32, #tpu.memory_space<hbm>>) target(%dma_start3A_38 : memref<640x16xf32, #tpu.memory_space<vmem_shared>>) target_semaphore(%run_scoped3A : memref<!tpu.dma_semaphore, #tpu.memory_space<semaphore_mem>>)
        %dma_wait3A = arith.constant 0 : i32
        %dma_wait3A_41 = tpu.memref_slice %arg9[%mul3A_0, %dma_wait3A] : memref<10240x16xf32, #tpu.memory_space<vmem_shared>> -> memref<640x16xf32, #tpu.memory_space<vmem_shared>>
        %dma_wait3A_42 = arith.constant 0 : i32
        %dma_wait3A_43 = tpu.memref_slice %arg2[%mul3A_0, %dma_wait3A_42] : memref<10000x16xf32, #tpu.memory_space<hbm>> -> memref<640x16xf32, #tpu.memory_space<hbm>>
        tpu.wait_dma2 semaphore(%run_scoped3A : memref<!tpu.dma_semaphore, #tpu.memory_space<semaphore_mem>>) src(%dma_wait3A_43 : memref<640x16xf32, #tpu.memory_space<hbm>>) dst(%dma_wait3A_41 : memref<640x16xf32, #tpu.memory_space<vmem_shared>>)
        tpu.yield
      }) : () -> ()
    } else {
    }
    %eq3A = arith.constant 15 : i32
    %eq3A_3 = arith.cmpi eq, %arg1, %eq3A : i32
    %convert_element_type3A_4 = arith.extui %eq3A_3 : i1 to i32
    %cond3A_5 = arith.constant 0 : i32
    %cond3A_6 = arith.cmpi ne, %convert_element_type3A_4, %cond3A_5 : i32
    scf.if %cond3A_6 {
      "tpu.region"() ({
        %run_scoped3A = tpu.sem_alloc : memref<!tpu.dma_semaphore, #tpu.memory_space<semaphore_mem>>
        %dma_start3A = arith.constant 0 : i32
        %dma_start3A_38 = tpu.memref_slice %arg9[%mul3A_0, %dma_start3A] : memref<10240x16xf32, #tpu.memory_space<vmem_shared>> -> memref<400x16xf32, #tpu.memory_space<vmem_shared>>
        %dma_start3A_39 = arith.constant 0 : i32
        %dma_start3A_40 = tpu.memref_slice %arg2[%mul3A_0, %dma_start3A_39] : memref<10000x16xf32, #tpu.memory_space<hbm>> -> memref<400x16xf32, #tpu.memory_space<hbm>>
        tpu.enqueue_dma source(%dma_start3A_40 : memref<400x16xf32, #tpu.memory_space<hbm>>) target(%dma_start3A_38 : memref<400x16xf32, #tpu.memory_space<vmem_shared>>) target_semaphore(%run_scoped3A : memref<!tpu.dma_semaphore, #tpu.memory_space<semaphore_mem>>)
        %dma_wait3A = arith.constant 0 : i32
        %dma_wait3A_41 = tpu.memref_slice %arg9[%mul3A_0, %dma_wait3A] : memref<10240x16xf32, #tpu.memory_space<vmem_shared>> -> memref<400x16xf32, #tpu.memory_space<vmem_shared>>
        %dma_wait3A_42 = arith.constant 0 : i32
        %dma_wait3A_43 = tpu.memref_slice %arg2[%mul3A_0, %dma_wait3A_42] : memref<10000x16xf32, #tpu.memory_space<hbm>> -> memref<400x16xf32, #tpu.memory_space<hbm>>
        tpu.wait_dma2 semaphore(%run_scoped3A : memref<!tpu.dma_semaphore, #tpu.memory_space<semaphore_mem>>) src(%dma_wait3A_43 : memref<400x16xf32, #tpu.memory_space<hbm>>) dst(%dma_wait3A_41 : memref<400x16xf32, #tpu.memory_space<vmem_shared>>)
        tpu.yield
      }) : () -> ()
    } else {
    }
    %eq3A_7 = arith.constant 0 : i32
    %eq3A_8 = arith.cmpi eq, %arg0, %eq3A_7 : i32
    %convert_element_type3A_9 = arith.extui %eq3A_8 : i1 to i32
    %cond3A_10 = arith.constant 0 : i32
    %cond3A_11 = arith.cmpi ne, %convert_element_type3A_9, %cond3A_10 : i32
    scf.if %cond3A_11 {
      %mul3A_38 = arith.constant 52 : i32
      %mul3A_39 = arith.muli %arg1, %mul3A_38 : i32
      "tpu.region"() ({
        %run_scoped3A = tpu.sem_alloc : memref<!tpu.dma_semaphore, #tpu.memory_space<semaphore_mem>>
        %dma_start3A = arith.constant 0 : i32
        %dma_start3A_42 = arith.constant 0 : i32
        %dma_start3A_43 = tpu.memref_slice %arg6[%dma_start3A, %dma_start3A_42] : memref<52x128xi32, #tpu.memory_space<vmem>> -> memref<52x128xi32, #tpu.memory_space<vmem>>
        %dma_start3A_44 = arith.constant 0 : i32
        %dma_start3A_45 = tpu.memref_slice %arg3[%mul3A_39, %dma_start3A_44] : memref<1280x128xi32, #tpu.memory_space<hbm>> -> memref<52x128xi32, #tpu.memory_space<hbm>>
        %dma_start3A_46 = arith.constant 0 : i32
        %dma_start3A_47 = arith.constant 0 : i32
        %dma_start3A_48 = tpu.memref_slice %arg6[%dma_start3A_46, %dma_start3A_47] : memref<52x128xi32, #tpu.memory_space<vmem>> -> memref<52x128xi32, #tpu.memory_space<vmem>>
        %dma_start3A_49 = arith.constant 0 : i32
        %dma_start3A_50 = tpu.memref_slice %arg3[%mul3A_39, %dma_start3A_49] : memref<1280x128xi32, #tpu.memory_space<hbm>> -> memref<52x128xi32, #tpu.memory_space<hbm>>
        tpu.enqueue_dma source(%dma_start3A_50 : memref<52x128xi32, #tpu.memory_space<hbm>>) target(%dma_start3A_48 : memref<52x128xi32, #tpu.memory_space<vmem>>) target_semaphore(%run_scoped3A : memref<!tpu.dma_semaphore, #tpu.memory_space<semaphore_mem>>)
        %dma_wait3A = arith.constant 0 : i32
        %dma_wait3A_51 = arith.constant 0 : i32
        %dma_wait3A_52 = tpu.memref_slice %arg6[%dma_wait3A, %dma_wait3A_51] : memref<52x128xi32, #tpu.memory_space<vmem>> -> memref<52x128xi32, #tpu.memory_space<vmem>>
        %dma_wait3A_53 = arith.constant 0 : i32
        %dma_wait3A_54 = tpu.memref_slice %arg3[%mul3A_39, %dma_wait3A_53] : memref<1280x128xi32, #tpu.memory_space<hbm>> -> memref<52x128xi32, #tpu.memory_space<hbm>>
        %dma_wait3A_55 = arith.constant 0 : i32
        %dma_wait3A_56 = arith.constant 0 : i32
        %dma_wait3A_57 = tpu.memref_slice %arg6[%dma_wait3A_55, %dma_wait3A_56] : memref<52x128xi32, #tpu.memory_space<vmem>> -> memref<52x128xi32, #tpu.memory_space<vmem>>
        %dma_wait3A_58 = arith.constant 0 : i32
        %dma_wait3A_59 = tpu.memref_slice %arg3[%mul3A_39, %dma_wait3A_58] : memref<1280x128xi32, #tpu.memory_space<hbm>> -> memref<52x128xi32, #tpu.memory_space<hbm>>
        tpu.wait_dma2 semaphore(%run_scoped3A : memref<!tpu.dma_semaphore, #tpu.memory_space<semaphore_mem>>) src(%dma_wait3A_59 : memref<52x128xi32, #tpu.memory_space<hbm>>) dst(%dma_wait3A_57 : memref<52x128xi32, #tpu.memory_space<vmem>>)
        tpu.yield
      }) : () -> ()
      %mul3A_40 = arith.constant 52 : i32
      %mul3A_41 = arith.muli %arg1, %mul3A_40 : i32
      "tpu.region"() ({
        %run_scoped3A = tpu.sem_alloc : memref<!tpu.dma_semaphore, #tpu.memory_space<semaphore_mem>>
        %dma_start3A = arith.constant 0 : i32
        %dma_start3A_42 = arith.constant 0 : i32
        %dma_start3A_43 = tpu.memref_slice %arg7[%dma_start3A, %dma_start3A_42] : memref<52x128xi32, #tpu.memory_space<vmem>> -> memref<52x128xi32, #tpu.memory_space<vmem>>
        %dma_start3A_44 = arith.constant 0 : i32
        %dma_start3A_45 = tpu.memref_slice %arg4[%mul3A_41, %dma_start3A_44] : memref<1280x128xi32, #tpu.memory_space<hbm>> -> memref<52x128xi32, #tpu.memory_space<hbm>>
        %dma_start3A_46 = arith.constant 0 : i32
        %dma_start3A_47 = arith.constant 0 : i32
        %dma_start3A_48 = tpu.memref_slice %arg7[%dma_start3A_46, %dma_start3A_47] : memref<52x128xi32, #tpu.memory_space<vmem>> -> memref<52x128xi32, #tpu.memory_space<vmem>>
        %dma_start3A_49 = arith.constant 0 : i32
        %dma_start3A_50 = tpu.memref_slice %arg4[%mul3A_41, %dma_start3A_49] : memref<1280x128xi32, #tpu.memory_space<hbm>> -> memref<52x128xi32, #tpu.memory_space<hbm>>
        tpu.enqueue_dma source(%dma_start3A_50 : memref<52x128xi32, #tpu.memory_space<hbm>>) target(%dma_start3A_48 : memref<52x128xi32, #tpu.memory_space<vmem>>) target_semaphore(%run_scoped3A : memref<!tpu.dma_semaphore, #tpu.memory_space<semaphore_mem>>)
        %dma_wait3A = arith.constant 0 : i32
        %dma_wait3A_51 = arith.constant 0 : i32
        %dma_wait3A_52 = tpu.memref_slice %arg7[%dma_wait3A, %dma_wait3A_51] : memref<52x128xi32, #tpu.memory_space<vmem>> -> memref<52x128xi32, #tpu.memory_space<vmem>>
        %dma_wait3A_53 = arith.constant 0 : i32
        %dma_wait3A_54 = tpu.memref_slice %arg4[%mul3A_41, %dma_wait3A_53] : memref<1280x128xi32, #tpu.memory_space<hbm>> -> memref<52x128xi32, #tpu.memory_space<hbm>>
        %dma_wait3A_55 = arith.constant 0 : i32
        %dma_wait3A_56 = arith.constant 0 : i32
        %dma_wait3A_57 = tpu.memref_slice %arg7[%dma_wait3A_55, %dma_wait3A_56] : memref<52x128xi32, #tpu.memory_space<vmem>> -> memref<52x128xi32, #tpu.memory_space<vmem>>
        %dma_wait3A_58 = arith.constant 0 : i32
        %dma_wait3A_59 = tpu.memref_slice %arg4[%mul3A_41, %dma_wait3A_58] : memref<1280x128xi32, #tpu.memory_space<hbm>> -> memref<52x128xi32, #tpu.memory_space<hbm>>
        tpu.wait_dma2 semaphore(%run_scoped3A : memref<!tpu.dma_semaphore, #tpu.memory_space<semaphore_mem>>) src(%dma_wait3A_59 : memref<52x128xi32, #tpu.memory_space<hbm>>) dst(%dma_wait3A_57 : memref<52x128xi32, #tpu.memory_space<vmem>>)
        tpu.yield
      }) : () -> ()
    } else {
    }
    %eq3A_12 = arith.constant 1 : i32
    %eq3A_13 = arith.cmpi eq, %arg0, %eq3A_12 : i32
    %convert_element_type3A_14 = arith.extui %eq3A_13 : i1 to i32
    %cond3A_15 = arith.constant 0 : i32
    %cond3A_16 = arith.cmpi ne, %convert_element_type3A_14, %cond3A_15 : i32
    scf.if %cond3A_16 {
      %mul3A_38 = arith.constant 28 : i32
      %mul3A_39 = arith.muli %arg1, %mul3A_38 : i32
      %add3A = arith.constant 832 : i32
      %add3A_40 = arith.addi %add3A, %mul3A_39 : i32
      "tpu.region"() ({
        %run_scoped3A = tpu.sem_alloc : memref<!tpu.dma_semaphore, #tpu.memory_space<semaphore_mem>>
        %dma_start3A = arith.constant 0 : i32
        %dma_start3A_45 = arith.constant 0 : i32
        %dma_start3A_46 = tpu.memref_slice %arg6[%dma_start3A, %dma_start3A_45] : memref<52x128xi32, #tpu.memory_space<vmem>> -> memref<28x128xi32, #tpu.memory_space<vmem>>
        %dma_start3A_47 = arith.constant 0 : i32
        %dma_start3A_48 = tpu.memref_slice %arg3[%add3A_40, %dma_start3A_47] : memref<1280x128xi32, #tpu.memory_space<hbm>> -> memref<28x128xi32, #tpu.memory_space<hbm>>
        %dma_start3A_49 = arith.constant 0 : i32
        %dma_start3A_50 = arith.constant 0 : i32
        %dma_start3A_51 = tpu.memref_slice %arg6[%dma_start3A_49, %dma_start3A_50] : memref<52x128xi32, #tpu.memory_space<vmem>> -> memref<28x128xi32, #tpu.memory_space<vmem>>
        %dma_start3A_52 = arith.constant 0 : i32
        %dma_start3A_53 = tpu.memref_slice %arg3[%add3A_40, %dma_start3A_52] : memref<1280x128xi32, #tpu.memory_space<hbm>> -> memref<28x128xi32, #tpu.memory_space<hbm>>
        tpu.enqueue_dma source(%dma_start3A_53 : memref<28x128xi32, #tpu.memory_space<hbm>>) target(%dma_start3A_51 : memref<28x128xi32, #tpu.memory_space<vmem>>) target_semaphore(%run_scoped3A : memref<!tpu.dma_semaphore, #tpu.memory_space<semaphore_mem>>)
        %dma_wait3A = arith.constant 0 : i32
        %dma_wait3A_54 = arith.constant 0 : i32
        %dma_wait3A_55 = tpu.memref_slice %arg6[%dma_wait3A, %dma_wait3A_54] : memref<52x128xi32, #tpu.memory_space<vmem>> -> memref<28x128xi32, #tpu.memory_space<vmem>>
        %dma_wait3A_56 = arith.constant 0 : i32
        %dma_wait3A_57 = tpu.memref_slice %arg3[%add3A_40, %dma_wait3A_56] : memref<1280x128xi32, #tpu.memory_space<hbm>> -> memref<28x128xi32, #tpu.memory_space<hbm>>
        %dma_wait3A_58 = arith.constant 0 : i32
        %dma_wait3A_59 = arith.constant 0 : i32
        %dma_wait3A_60 = tpu.memref_slice %arg6[%dma_wait3A_58, %dma_wait3A_59] : memref<52x128xi32, #tpu.memory_space<vmem>> -> memref<28x128xi32, #tpu.memory_space<vmem>>
        %dma_wait3A_61 = arith.constant 0 : i32
        %dma_wait3A_62 = tpu.memref_slice %arg3[%add3A_40, %dma_wait3A_61] : memref<1280x128xi32, #tpu.memory_space<hbm>> -> memref<28x128xi32, #tpu.memory_space<hbm>>
        tpu.wait_dma2 semaphore(%run_scoped3A : memref<!tpu.dma_semaphore, #tpu.memory_space<semaphore_mem>>) src(%dma_wait3A_62 : memref<28x128xi32, #tpu.memory_space<hbm>>) dst(%dma_wait3A_60 : memref<28x128xi32, #tpu.memory_space<vmem>>)
        tpu.yield
      }) : () -> ()
      %mul3A_41 = arith.constant 28 : i32
      %mul3A_42 = arith.muli %arg1, %mul3A_41 : i32
      %add3A_43 = arith.constant 832 : i32
      %add3A_44 = arith.addi %add3A_43, %mul3A_42 : i32
      "tpu.region"() ({
        %run_scoped3A = tpu.sem_alloc : memref<!tpu.dma_semaphore, #tpu.memory_space<semaphore_mem>>
        %dma_start3A = arith.constant 0 : i32
        %dma_start3A_45 = arith.constant 0 : i32
        %dma_start3A_46 = tpu.memref_slice %arg7[%dma_start3A, %dma_start3A_45] : memref<52x128xi32, #tpu.memory_space<vmem>> -> memref<28x128xi32, #tpu.memory_space<vmem>>
        %dma_start3A_47 = arith.constant 0 : i32
        %dma_start3A_48 = tpu.memref_slice %arg4[%add3A_44, %dma_start3A_47] : memref<1280x128xi32, #tpu.memory_space<hbm>> -> memref<28x128xi32, #tpu.memory_space<hbm>>
        %dma_start3A_49 = arith.constant 0 : i32
        %dma_start3A_50 = arith.constant 0 : i32
        %dma_start3A_51 = tpu.memref_slice %arg7[%dma_start3A_49, %dma_start3A_50] : memref<52x128xi32, #tpu.memory_space<vmem>> -> memref<28x128xi32, #tpu.memory_space<vmem>>
        %dma_start3A_52 = arith.constant 0 : i32
        %dma_start3A_53 = tpu.memref_slice %arg4[%add3A_44, %dma_start3A_52] : memref<1280x128xi32, #tpu.memory_space<hbm>> -> memref<28x128xi32, #tpu.memory_space<hbm>>
        tpu.enqueue_dma source(%dma_start3A_53 : memref<28x128xi32, #tpu.memory_space<hbm>>) target(%dma_start3A_51 : memref<28x128xi32, #tpu.memory_space<vmem>>) target_semaphore(%run_scoped3A : memref<!tpu.dma_semaphore, #tpu.memory_space<semaphore_mem>>)
        %dma_wait3A = arith.constant 0 : i32
        %dma_wait3A_54 = arith.constant 0 : i32
        %dma_wait3A_55 = tpu.memref_slice %arg7[%dma_wait3A, %dma_wait3A_54] : memref<52x128xi32, #tpu.memory_space<vmem>> -> memref<28x128xi32, #tpu.memory_space<vmem>>
        %dma_wait3A_56 = arith.constant 0 : i32
        %dma_wait3A_57 = tpu.memref_slice %arg4[%add3A_44, %dma_wait3A_56] : memref<1280x128xi32, #tpu.memory_space<hbm>> -> memref<28x128xi32, #tpu.memory_space<hbm>>
        %dma_wait3A_58 = arith.constant 0 : i32
        %dma_wait3A_59 = arith.constant 0 : i32
        %dma_wait3A_60 = tpu.memref_slice %arg7[%dma_wait3A_58, %dma_wait3A_59] : memref<52x128xi32, #tpu.memory_space<vmem>> -> memref<28x128xi32, #tpu.memory_space<vmem>>
        %dma_wait3A_61 = arith.constant 0 : i32
        %dma_wait3A_62 = tpu.memref_slice %arg4[%add3A_44, %dma_wait3A_61] : memref<1280x128xi32, #tpu.memory_space<hbm>> -> memref<28x128xi32, #tpu.memory_space<hbm>>
        tpu.wait_dma2 semaphore(%run_scoped3A : memref<!tpu.dma_semaphore, #tpu.memory_space<semaphore_mem>>) src(%dma_wait3A_62 : memref<28x128xi32, #tpu.memory_space<hbm>>) dst(%dma_wait3A_60 : memref<28x128xi32, #tpu.memory_space<vmem>>)
        tpu.yield
      }) : () -> ()
    } else {
    }
    %barrier3A = arith.constant 0 : index
    tpu.barrier barrier_id(%barrier3A)
    %eq3A_17 = arith.constant 0 : i32
    %eq3A_18 = arith.cmpi eq, %arg0, %eq3A_17 : i32
    %convert_element_type3A_19 = arith.extui %eq3A_18 : i1 to i32
    %cond3A_20 = arith.constant 0 : i32
    %cond3A_21 = arith.cmpi ne, %convert_element_type3A_19, %cond3A_20 : i32
    scf.if %cond3A_21 {
      %dma_start3A = arith.constant 0 : i32
      %dma_start3A_38 = arith.constant 0 : i32
      %dma_start3A_39 = arith.constant 0 : i32
      %dma_start3A_40 = arith.constant 0 : i32
      %dma_start3A_41 = tpu.memref_slice %arg8[%dma_start3A_38, %dma_start3A_39, %dma_start3A_40] : memref<4x128x16xf32, #tpu.memory_space<vmem>> -> memref<1x128x16xf32, #tpu.memory_space<vmem>>
      %dma_start3A_42 = tpu.memref_squeeze %dma_start3A_41 : memref<1x128x16xf32, #tpu.memory_space<vmem>> -> memref<128x16xf32, #tpu.memory_space<vmem>>
      %dma_start3A_43 = arith.constant 0 : i32
      %dma_start3A_44 = tpu.memref_slice %arg6[%dma_start3A, %dma_start3A_43] : memref<52x128xi32, #tpu.memory_space<vmem>> -> memref<1x128xi32, #tpu.memory_space<vmem>>
      %dma_start3A_45 = tpu.memref_squeeze %dma_start3A_44 : memref<1x128xi32, #tpu.memory_space<vmem>> -> memref<128xi32, #tpu.memory_space<vmem>>
      %dma_start3A_46 = arith.constant 0 : i32
      %dma_start3A_47 = arith.constant 0 : i32
      %dma_start3A_48 = tpu.memref_slice %arg2[%dma_start3A_46, %dma_start3A_47] : memref<10000x16xf32, #tpu.memory_space<hbm>> -> memref<10000x16xf32, #tpu.memory_space<hbm>>
      tpu.enqueue_indirect_dma source(%dma_start3A_48 : memref<10000x16xf32, #tpu.memory_space<hbm>>) target(%dma_start3A_42 : memref<128x16xf32, #tpu.memory_space<vmem>>) offsets(%dma_start3A_45 : memref<128xi32, #tpu.memory_space<vmem>>) semaphore(%arg10 : memref<!tpu.dma_semaphore, #tpu.memory_space<semaphore_mem>>)
      %dma_start3A_49 = arith.constant 1 : i32
      %dma_start3A_50 = arith.constant 1 : i32
      %dma_start3A_51 = arith.constant 0 : i32
      %dma_start3A_52 = arith.constant 0 : i32
      %dma_start3A_53 = tpu.memref_slice %arg8[%dma_start3A_50, %dma_start3A_51, %dma_start3A_52] : memref<4x128x16xf32, #tpu.memory_space<vmem>> -> memref<1x128x16xf32, #tpu.memory_space<vmem>>
      %dma_start3A_54 = tpu.memref_squeeze %dma_start3A_53 : memref<1x128x16xf32, #tpu.memory_space<vmem>> -> memref<128x16xf32, #tpu.memory_space<vmem>>
      %dma_start3A_55 = arith.constant 0 : i32
      %dma_start3A_56 = tpu.memref_slice %arg6[%dma_start3A_49, %dma_start3A_55] : memref<52x128xi32, #tpu.memory_space<vmem>> -> memref<1x128xi32, #tpu.memory_space<vmem>>
      %dma_start3A_57 = tpu.memref_squeeze %dma_start3A_56 : memref<1x128xi32, #tpu.memory_space<vmem>> -> memref<128xi32, #tpu.memory_space<vmem>>
      %dma_start3A_58 = arith.constant 0 : i32
      %dma_start3A_59 = arith.constant 0 : i32
      %dma_start3A_60 = tpu.memref_slice %arg2[%dma_start3A_58, %dma_start3A_59] : memref<10000x16xf32, #tpu.memory_space<hbm>> -> memref<10000x16xf32, #tpu.memory_space<hbm>>
      tpu.enqueue_indirect_dma source(%dma_start3A_60 : memref<10000x16xf32, #tpu.memory_space<hbm>>) target(%dma_start3A_54 : memref<128x16xf32, #tpu.memory_space<vmem>>) offsets(%dma_start3A_57 : memref<128xi32, #tpu.memory_space<vmem>>) semaphore(%arg10 : memref<!tpu.dma_semaphore, #tpu.memory_space<semaphore_mem>>)
      %dma_start3A_61 = arith.constant 2 : i32
      %dma_start3A_62 = arith.constant 2 : i32
      %dma_start3A_63 = arith.constant 0 : i32
      %dma_start3A_64 = arith.constant 0 : i32
      %dma_start3A_65 = tpu.memref_slice %arg8[%dma_start3A_62, %dma_start3A_63, %dma_start3A_64] : memref<4x128x16xf32, #tpu.memory_space<vmem>> -> memref<1x128x16xf32, #tpu.memory_space<vmem>>
      %dma_start3A_66 = tpu.memref_squeeze %dma_start3A_65 : memref<1x128x16xf32, #tpu.memory_space<vmem>> -> memref<128x16xf32, #tpu.memory_space<vmem>>
      %dma_start3A_67 = arith.constant 0 : i32
      %dma_start3A_68 = tpu.memref_slice %arg6[%dma_start3A_61, %dma_start3A_67] : memref<52x128xi32, #tpu.memory_space<vmem>> -> memref<1x128xi32, #tpu.memory_space<vmem>>
      %dma_start3A_69 = tpu.memref_squeeze %dma_start3A_68 : memref<1x128xi32, #tpu.memory_space<vmem>> -> memref<128xi32, #tpu.memory_space<vmem>>
      %dma_start3A_70 = arith.constant 0 : i32
      %dma_start3A_71 = arith.constant 0 : i32
      %dma_start3A_72 = tpu.memref_slice %arg2[%dma_start3A_70, %dma_start3A_71] : memref<10000x16xf32, #tpu.memory_space<hbm>> -> memref<10000x16xf32, #tpu.memory_space<hbm>>
      tpu.enqueue_indirect_dma source(%dma_start3A_72 : memref<10000x16xf32, #tpu.memory_space<hbm>>) target(%dma_start3A_66 : memref<128x16xf32, #tpu.memory_space<vmem>>) offsets(%dma_start3A_69 : memref<128xi32, #tpu.memory_space<vmem>>) semaphore(%arg10 : memref<!tpu.dma_semaphore, #tpu.memory_space<semaphore_mem>>)
      %dma_start3A_73 = arith.constant 3 : i32
      %dma_start3A_74 = arith.constant 3 : i32
      %dma_start3A_75 = arith.constant 0 : i32
      %dma_start3A_76 = arith.constant 0 : i32
      %dma_start3A_77 = tpu.memref_slice %arg8[%dma_start3A_74, %dma_start3A_75, %dma_start3A_76] : memref<4x128x16xf32, #tpu.memory_space<vmem>> -> memref<1x128x16xf32, #tpu.memory_space<vmem>>
      %dma_start3A_78 = tpu.memref_squeeze %dma_start3A_77 : memref<1x128x16xf32, #tpu.memory_space<vmem>> -> memref<128x16xf32, #tpu.memory_space<vmem>>
      %dma_start3A_79 = arith.constant 0 : i32
      %dma_start3A_80 = tpu.memref_slice %arg6[%dma_start3A_73, %dma_start3A_79] : memref<52x128xi32, #tpu.memory_space<vmem>> -> memref<1x128xi32, #tpu.memory_space<vmem>>
      %dma_start3A_81 = tpu.memref_squeeze %dma_start3A_80 : memref<1x128xi32, #tpu.memory_space<vmem>> -> memref<128xi32, #tpu.memory_space<vmem>>
      %dma_start3A_82 = arith.constant 0 : i32
      %dma_start3A_83 = arith.constant 0 : i32
      %dma_start3A_84 = tpu.memref_slice %arg2[%dma_start3A_82, %dma_start3A_83] : memref<10000x16xf32, #tpu.memory_space<hbm>> -> memref<10000x16xf32, #tpu.memory_space<hbm>>
      tpu.enqueue_indirect_dma source(%dma_start3A_84 : memref<10000x16xf32, #tpu.memory_space<hbm>>) target(%dma_start3A_78 : memref<128x16xf32, #tpu.memory_space<vmem>>) offsets(%dma_start3A_81 : memref<128xi32, #tpu.memory_space<vmem>>) semaphore(%arg10 : memref<!tpu.dma_semaphore, #tpu.memory_space<semaphore_mem>>)
      %scan3A = arith.constant 0 : i32
      %scan3A_85 = arith.constant 0 : i32
      %scan3A_86 = arith.constant 13 : i32
      %scan3A_87 = arith.addi %scan3A_85, %scan3A_86 : i32
      %scan3A_88 = arith.constant 1 : i32
      scf.for %scan3A_90 = %scan3A_85 to %scan3A_87 step %scan3A_88  : i32 {
        %mul3A_91 = arith.constant 4 : i32
        %mul3A_92 = arith.muli %mul3A_91, %scan3A_90 : i32
        %add3A = arith.constant 0 : i32
        %add3A_93 = arith.addi %mul3A_92, %add3A : i32
        %dma_wait3A = arith.constant 0 : i32
        %dma_wait3A_94 = arith.constant 0 : i32
        %dma_wait3A_95 = arith.constant 0 : i32
        %dma_wait3A_96 = tpu.memref_slice %arg8[%dma_wait3A, %dma_wait3A_94, %dma_wait3A_95] : memref<4x128x16xf32, #tpu.memory_space<vmem>> -> memref<1x128x16xf32, #tpu.memory_space<vmem>>
        %dma_wait3A_97 = tpu.memref_squeeze %dma_wait3A_96 : memref<1x128x16xf32, #tpu.memory_space<vmem>> -> memref<128x16xf32, #tpu.memory_space<vmem>>
        %dma_wait3A_98 = arith.constant 0 : i32
        %dma_wait3A_99 = arith.constant 0 : i32
        %dma_wait3A_100 = tpu.memref_slice %arg2[%dma_wait3A_98, %dma_wait3A_99] : memref<10000x16xf32, #tpu.memory_space<hbm>> -> memref<128x16xf32, #tpu.memory_space<hbm>>
        %dma_wait3A_101 = arith.constant 0 : i32
        %dma_wait3A_102 = arith.constant 0 : i32
        %dma_wait3A_103 = tpu.memref_slice %arg8[%dma_wait3A, %dma_wait3A_101, %dma_wait3A_102] : memref<4x128x16xf32, #tpu.memory_space<vmem>> -> memref<1x128x16xf32, #tpu.memory_space<vmem>>
        %dma_wait3A_104 = tpu.memref_squeeze %dma_wait3A_103 : memref<1x128x16xf32, #tpu.memory_space<vmem>> -> memref<128x16xf32, #tpu.memory_space<vmem>>
        %dma_wait3A_105 = arith.constant 0 : i32
        %dma_wait3A_106 = arith.constant 0 : i32
        %dma_wait3A_107 = tpu.memref_slice %arg2[%dma_wait3A_105, %dma_wait3A_106] : memref<10000x16xf32, #tpu.memory_space<hbm>> -> memref<128x16xf32, #tpu.memory_space<hbm>>
        tpu.wait_dma2 semaphore(%arg10 : memref<!tpu.dma_semaphore, #tpu.memory_space<semaphore_mem>>) src(%dma_wait3A_107 : memref<128x16xf32, #tpu.memory_space<hbm>>) dst(%dma_wait3A_104 : memref<128x16xf32, #tpu.memory_space<vmem>>)
        %run_scoped3A = arith.constant 0 : i32
        "tpu.region"() ({
          %run_scoped3A_196 = tpu.sem_alloc : memref<!tpu.dma_semaphore, #tpu.memory_space<semaphore_mem>>
          %dma_start3A_197 = arith.constant 0 : i32
          %dma_start3A_198 = arith.constant 0 : i32
          %dma_start3A_199 = tpu.memref_slice %arg8[%run_scoped3A, %dma_start3A_197, %dma_start3A_198] : memref<4x128x16xf32, #tpu.memory_space<vmem>> -> memref<1x128x16xf32, #tpu.memory_space<vmem>>
          %dma_start3A_200 = tpu.memref_squeeze %dma_start3A_199 : memref<1x128x16xf32, #tpu.memory_space<vmem>> -> memref<128x16xf32, #tpu.memory_space<vmem>>
          %dma_start3A_201 = arith.constant 0 : i32
          %dma_start3A_202 = tpu.memref_slice %arg7[%add3A_93, %dma_start3A_201] : memref<52x128xi32, #tpu.memory_space<vmem>> -> memref<1x128xi32, #tpu.memory_space<vmem>>
          %dma_start3A_203 = tpu.memref_squeeze %dma_start3A_202 : memref<1x128xi32, #tpu.memory_space<vmem>> -> memref<128xi32, #tpu.memory_space<vmem>>
          %dma_start3A_204 = arith.constant 0 : i32
          %dma_start3A_205 = arith.constant 0 : i32
          %dma_start3A_206 = tpu.memref_slice %arg9[%dma_start3A_204, %dma_start3A_205] : memref<10240x16xf32, #tpu.memory_space<vmem_shared>> -> memref<10240x16xf32, #tpu.memory_space<vmem_shared>>
          tpu.enqueue_indirect_dma source(%dma_start3A_200 : memref<128x16xf32, #tpu.memory_space<vmem>>) target(%dma_start3A_206 : memref<10240x16xf32, #tpu.memory_space<vmem_shared>>) offsets(%dma_start3A_203 : memref<128xi32, #tpu.memory_space<vmem>>) semaphore(%run_scoped3A_196 : memref<!tpu.dma_semaphore, #tpu.memory_space<semaphore_mem>>) {add = true}
          %dma_wait3A_207 = arith.constant 0 : i32
          %dma_wait3A_208 = arith.constant 0 : i32
          %dma_wait3A_209 = tpu.memref_slice %arg8[%run_scoped3A, %dma_wait3A_207, %dma_wait3A_208] : memref<4x128x16xf32, #tpu.memory_space<vmem>> -> memref<1x128x16xf32, #tpu.memory_space<vmem>>
          %dma_wait3A_210 = tpu.memref_squeeze %dma_wait3A_209 : memref<1x128x16xf32, #tpu.memory_space<vmem>> -> memref<128x16xf32, #tpu.memory_space<vmem>>
          %dma_wait3A_211 = arith.constant 0 : i32
          %dma_wait3A_212 = tpu.memref_slice %arg7[%add3A_93, %dma_wait3A_211] : memref<52x128xi32, #tpu.memory_space<vmem>> -> memref<1x128xi32, #tpu.memory_space<vmem>>
          %dma_wait3A_213 = tpu.memref_squeeze %dma_wait3A_212 : memref<1x128xi32, #tpu.memory_space<vmem>> -> memref<128xi32, #tpu.memory_space<vmem>>
          %dma_wait3A_214 = arith.constant 0 : i32
          %dma_wait3A_215 = arith.constant 0 : i32
          %dma_wait3A_216 = tpu.memref_slice %arg9[%dma_wait3A_214, %dma_wait3A_215] : memref<10240x16xf32, #tpu.memory_space<vmem_shared>> -> memref<10240x16xf32, #tpu.memory_space<vmem_shared>>
          tpu.wait_indirect_dma semaphore(%run_scoped3A_196 : memref<!tpu.dma_semaphore, #tpu.memory_space<semaphore_mem>>) src(%dma_wait3A_210 : memref<128x16xf32, #tpu.memory_space<vmem>>) dst(%dma_wait3A_216 : memref<10240x16xf32, #tpu.memory_space<vmem_shared>>)
          tpu.yield
        }) : () -> ()
        %add3A_108 = arith.constant 4 : i32
        %add3A_109 = arith.addi %add3A_93, %add3A_108 : i32
        %lt3A_110 = arith.constant 52 : i32
        %lt3A_111 = arith.cmpi slt, %add3A_109, %lt3A_110 : i32
        %convert_element_type3A_112 = arith.extui %lt3A_111 : i1 to i32
        %cond3A_113 = arith.constant 0 : i32
        %cond3A_114 = arith.cmpi ne, %convert_element_type3A_112, %cond3A_113 : i32
        scf.if %cond3A_114 {
          %add3A_196 = arith.constant 4 : i32
          %add3A_197 = arith.addi %add3A_93, %add3A_196 : i32
          %dma_start3A_198 = arith.constant 0 : i32
          %dma_start3A_199 = arith.constant 0 : i32
          %dma_start3A_200 = arith.constant 0 : i32
          %dma_start3A_201 = tpu.memref_slice %arg8[%dma_start3A_198, %dma_start3A_199, %dma_start3A_200] : memref<4x128x16xf32, #tpu.memory_space<vmem>> -> memref<1x128x16xf32, #tpu.memory_space<vmem>>
          %dma_start3A_202 = tpu.memref_squeeze %dma_start3A_201 : memref<1x128x16xf32, #tpu.memory_space<vmem>> -> memref<128x16xf32, #tpu.memory_space<vmem>>
          %dma_start3A_203 = arith.constant 0 : i32
          %dma_start3A_204 = tpu.memref_slice %arg6[%add3A_197, %dma_start3A_203] : memref<52x128xi32, #tpu.memory_space<vmem>> -> memref<1x128xi32, #tpu.memory_space<vmem>>
          %dma_start3A_205 = tpu.memref_squeeze %dma_start3A_204 : memref<1x128xi32, #tpu.memory_space<vmem>> -> memref<128xi32, #tpu.memory_space<vmem>>
          %dma_start3A_206 = arith.constant 0 : i32
          %dma_start3A_207 = arith.constant 0 : i32
          %dma_start3A_208 = tpu.memref_slice %arg2[%dma_start3A_206, %dma_start3A_207] : memref<10000x16xf32, #tpu.memory_space<hbm>> -> memref<10000x16xf32, #tpu.memory_space<hbm>>
          tpu.enqueue_indirect_dma source(%dma_start3A_208 : memref<10000x16xf32, #tpu.memory_space<hbm>>) target(%dma_start3A_202 : memref<128x16xf32, #tpu.memory_space<vmem>>) offsets(%dma_start3A_205 : memref<128xi32, #tpu.memory_space<vmem>>) semaphore(%arg10 : memref<!tpu.dma_semaphore, #tpu.memory_space<semaphore_mem>>)
        } else {
        }
        %mul3A_115 = arith.constant 4 : i32
        %mul3A_116 = arith.muli %mul3A_115, %scan3A_90 : i32
        %add3A_117 = arith.constant 1 : i32
        %add3A_118 = arith.addi %mul3A_116, %add3A_117 : i32
        %dma_wait3A_119 = arith.constant 0 : i32
        %dma_wait3A_120 = arith.constant 0 : i32
        %dma_wait3A_121 = arith.constant 0 : i32
        %dma_wait3A_122 = tpu.memref_slice %arg8[%dma_wait3A_119, %dma_wait3A_120, %dma_wait3A_121] : memref<4x128x16xf32, #tpu.memory_space<vmem>> -> memref<1x128x16xf32, #tpu.memory_space<vmem>>
        %dma_wait3A_123 = tpu.memref_squeeze %dma_wait3A_122 : memref<1x128x16xf32, #tpu.memory_space<vmem>> -> memref<128x16xf32, #tpu.memory_space<vmem>>
        %dma_wait3A_124 = arith.constant 0 : i32
        %dma_wait3A_125 = arith.constant 0 : i32
        %dma_wait3A_126 = tpu.memref_slice %arg2[%dma_wait3A_124, %dma_wait3A_125] : memref<10000x16xf32, #tpu.memory_space<hbm>> -> memref<128x16xf32, #tpu.memory_space<hbm>>
        %dma_wait3A_127 = arith.constant 0 : i32
        %dma_wait3A_128 = arith.constant 0 : i32
        %dma_wait3A_129 = tpu.memref_slice %arg8[%dma_wait3A_119, %dma_wait3A_127, %dma_wait3A_128] : memref<4x128x16xf32, #tpu.memory_space<vmem>> -> memref<1x128x16xf32, #tpu.memory_space<vmem>>
        %dma_wait3A_130 = tpu.memref_squeeze %dma_wait3A_129 : memref<1x128x16xf32, #tpu.memory_space<vmem>> -> memref<128x16xf32, #tpu.memory_space<vmem>>
        %dma_wait3A_131 = arith.constant 0 : i32
        %dma_wait3A_132 = arith.constant 0 : i32
        %dma_wait3A_133 = tpu.memref_slice %arg2[%dma_wait3A_131, %dma_wait3A_132] : memref<10000x16xf32, #tpu.memory_space<hbm>> -> memref<128x16xf32, #tpu.memory_space<hbm>>
        tpu.wait_dma2 semaphore(%arg10 : memref<!tpu.dma_semaphore, #tpu.memory_space<semaphore_mem>>) src(%dma_wait3A_133 : memref<128x16xf32, #tpu.memory_space<hbm>>) dst(%dma_wait3A_130 : memref<128x16xf32, #tpu.memory_space<vmem>>)
        %run_scoped3A_134 = arith.constant 1 : i32
        "tpu.region"() ({
          %run_scoped3A_196 = tpu.sem_alloc : memref<!tpu.dma_semaphore, #tpu.memory_space<semaphore_mem>>
          %dma_start3A_197 = arith.constant 0 : i32
          %dma_start3A_198 = arith.constant 0 : i32
          %dma_start3A_199 = tpu.memref_slice %arg8[%run_scoped3A_134, %dma_start3A_197, %dma_start3A_198] : memref<4x128x16xf32, #tpu.memory_space<vmem>> -> memref<1x128x16xf32, #tpu.memory_space<vmem>>
          %dma_start3A_200 = tpu.memref_squeeze %dma_start3A_199 : memref<1x128x16xf32, #tpu.memory_space<vmem>> -> memref<128x16xf32, #tpu.memory_space<vmem>>
          %dma_start3A_201 = arith.constant 0 : i32
          %dma_start3A_202 = tpu.memref_slice %arg7[%add3A_118, %dma_start3A_201] : memref<52x128xi32, #tpu.memory_space<vmem>> -> memref<1x128xi32, #tpu.memory_space<vmem>>
          %dma_start3A_203 = tpu.memref_squeeze %dma_start3A_202 : memref<1x128xi32, #tpu.memory_space<vmem>> -> memref<128xi32, #tpu.memory_space<vmem>>
          %dma_start3A_204 = arith.constant 0 : i32
          %dma_start3A_205 = arith.constant 0 : i32
          %dma_start3A_206 = tpu.memref_slice %arg9[%dma_start3A_204, %dma_start3A_205] : memref<10240x16xf32, #tpu.memory_space<vmem_shared>> -> memref<10240x16xf32, #tpu.memory_space<vmem_shared>>
          tpu.enqueue_indirect_dma source(%dma_start3A_200 : memref<128x16xf32, #tpu.memory_space<vmem>>) target(%dma_start3A_206 : memref<10240x16xf32, #tpu.memory_space<vmem_shared>>) offsets(%dma_start3A_203 : memref<128xi32, #tpu.memory_space<vmem>>) semaphore(%run_scoped3A_196 : memref<!tpu.dma_semaphore, #tpu.memory_space<semaphore_mem>>) {add = true}
          %dma_wait3A_207 = arith.constant 0 : i32
          %dma_wait3A_208 = arith.constant 0 : i32
          %dma_wait3A_209 = tpu.memref_slice %arg8[%run_scoped3A_134, %dma_wait3A_207, %dma_wait3A_208] : memref<4x128x16xf32, #tpu.memory_space<vmem>> -> memref<1x128x16xf32, #tpu.memory_space<vmem>>
          %dma_wait3A_210 = tpu.memref_squeeze %dma_wait3A_209 : memref<1x128x16xf32, #tpu.memory_space<vmem>> -> memref<128x16xf32, #tpu.memory_space<vmem>>
          %dma_wait3A_211 = arith.constant 0 : i32
          %dma_wait3A_212 = tpu.memref_slice %arg7[%add3A_118, %dma_wait3A_211] : memref<52x128xi32, #tpu.memory_space<vmem>> -> memref<1x128xi32, #tpu.memory_space<vmem>>
          %dma_wait3A_213 = tpu.memref_squeeze %dma_wait3A_212 : memref<1x128xi32, #tpu.memory_space<vmem>> -> memref<128xi32, #tpu.memory_space<vmem>>
          %dma_wait3A_214 = arith.constant 0 : i32
          %dma_wait3A_215 = arith.constant 0 : i32
          %dma_wait3A_216 = tpu.memref_slice %arg9[%dma_wait3A_214, %dma_wait3A_215] : memref<10240x16xf32, #tpu.memory_space<vmem_shared>> -> memref<10240x16xf32, #tpu.memory_space<vmem_shared>>
          tpu.wait_indirect_dma semaphore(%run_scoped3A_196 : memref<!tpu.dma_semaphore, #tpu.memory_space<semaphore_mem>>) src(%dma_wait3A_210 : memref<128x16xf32, #tpu.memory_space<vmem>>) dst(%dma_wait3A_216 : memref<10240x16xf32, #tpu.memory_space<vmem_shared>>)
          tpu.yield
        }) : () -> ()
        %add3A_135 = arith.constant 4 : i32
        %add3A_136 = arith.addi %add3A_118, %add3A_135 : i32
        %lt3A_137 = arith.constant 52 : i32
        %lt3A_138 = arith.cmpi slt, %add3A_136, %lt3A_137 : i32
        %convert_element_type3A_139 = arith.extui %lt3A_138 : i1 to i32
        %cond3A_140 = arith.constant 0 : i32
        %cond3A_141 = arith.cmpi ne, %convert_element_type3A_139, %cond3A_140 : i32
        scf.if %cond3A_141 {
          %add3A_196 = arith.constant 4 : i32
          %add3A_197 = arith.addi %add3A_118, %add3A_196 : i32
          %dma_start3A_198 = arith.constant 1 : i32
          %dma_start3A_199 = arith.constant 0 : i32
          %dma_start3A_200 = arith.constant 0 : i32
          %dma_start3A_201 = tpu.memref_slice %arg8[%dma_start3A_198, %dma_start3A_199, %dma_start3A_200] : memref<4x128x16xf32, #tpu.memory_space<vmem>> -> memref<1x128x16xf32, #tpu.memory_space<vmem>>
          %dma_start3A_202 = tpu.memref_squeeze %dma_start3A_201 : memref<1x128x16xf32, #tpu.memory_space<vmem>> -> memref<128x16xf32, #tpu.memory_space<vmem>>
          %dma_start3A_203 = arith.constant 0 : i32
          %dma_start3A_204 = tpu.memref_slice %arg6[%add3A_197, %dma_start3A_203] : memref<52x128xi32, #tpu.memory_space<vmem>> -> memref<1x128xi32, #tpu.memory_space<vmem>>
          %dma_start3A_205 = tpu.memref_squeeze %dma_start3A_204 : memref<1x128xi32, #tpu.memory_space<vmem>> -> memref<128xi32, #tpu.memory_space<vmem>>
          %dma_start3A_206 = arith.constant 0 : i32
          %dma_start3A_207 = arith.constant 0 : i32
          %dma_start3A_208 = tpu.memref_slice %arg2[%dma_start3A_206, %dma_start3A_207] : memref<10000x16xf32, #tpu.memory_space<hbm>> -> memref<10000x16xf32, #tpu.memory_space<hbm>>
          tpu.enqueue_indirect_dma source(%dma_start3A_208 : memref<10000x16xf32, #tpu.memory_space<hbm>>) target(%dma_start3A_202 : memref<128x16xf32, #tpu.memory_space<vmem>>) offsets(%dma_start3A_205 : memref<128xi32, #tpu.memory_space<vmem>>) semaphore(%arg10 : memref<!tpu.dma_semaphore, #tpu.memory_space<semaphore_mem>>)
        } else {
        }
        %mul3A_142 = arith.constant 4 : i32
        %mul3A_143 = arith.muli %mul3A_142, %scan3A_90 : i32
        %add3A_144 = arith.constant 2 : i32
        %add3A_145 = arith.addi %mul3A_143, %add3A_144 : i32
        %dma_wait3A_146 = arith.constant 0 : i32
        %dma_wait3A_147 = arith.constant 0 : i32
        %dma_wait3A_148 = arith.constant 0 : i32
        %dma_wait3A_149 = tpu.memref_slice %arg8[%dma_wait3A_146, %dma_wait3A_147, %dma_wait3A_148] : memref<4x128x16xf32, #tpu.memory_space<vmem>> -> memref<1x128x16xf32, #tpu.memory_space<vmem>>
        %dma_wait3A_150 = tpu.memref_squeeze %dma_wait3A_149 : memref<1x128x16xf32, #tpu.memory_space<vmem>> -> memref<128x16xf32, #tpu.memory_space<vmem>>
        %dma_wait3A_151 = arith.constant 0 : i32
        %dma_wait3A_152 = arith.constant 0 : i32
        %dma_wait3A_153 = tpu.memref_slice %arg2[%dma_wait3A_151, %dma_wait3A_152] : memref<10000x16xf32, #tpu.memory_space<hbm>> -> memref<128x16xf32, #tpu.memory_space<hbm>>
        %dma_wait3A_154 = arith.constant 0 : i32
        %dma_wait3A_155 = arith.constant 0 : i32
        %dma_wait3A_156 = tpu.memref_slice %arg8[%dma_wait3A_146, %dma_wait3A_154, %dma_wait3A_155] : memref<4x128x16xf32, #tpu.memory_space<vmem>> -> memref<1x128x16xf32, #tpu.memory_space<vmem>>
        %dma_wait3A_157 = tpu.memref_squeeze %dma_wait3A_156 : memref<1x128x16xf32, #tpu.memory_space<vmem>> -> memref<128x16xf32, #tpu.memory_space<vmem>>
        %dma_wait3A_158 = arith.constant 0 : i32
        %dma_wait3A_159 = arith.constant 0 : i32
        %dma_wait3A_160 = tpu.memref_slice %arg2[%dma_wait3A_158, %dma_wait3A_159] : memref<10000x16xf32, #tpu.memory_space<hbm>> -> memref<128x16xf32, #tpu.memory_space<hbm>>
        tpu.wait_dma2 semaphore(%arg10 : memref<!tpu.dma_semaphore, #tpu.memory_space<semaphore_mem>>) src(%dma_wait3A_160 : memref<128x16xf32, #tpu.memory_space<hbm>>) dst(%dma_wait3A_157 : memref<128x16xf32, #tpu.memory_space<vmem>>)
        %run_scoped3A_161 = arith.constant 2 : i32
        "tpu.region"() ({
          %run_scoped3A_196 = tpu.sem_alloc : memref<!tpu.dma_semaphore, #tpu.memory_space<semaphore_mem>>
          %dma_start3A_197 = arith.constant 0 : i32
          %dma_start3A_198 = arith.constant 0 : i32
          %dma_start3A_199 = tpu.memref_slice %arg8[%run_scoped3A_161, %dma_start3A_197, %dma_start3A_198] : memref<4x128x16xf32, #tpu.memory_space<vmem>> -> memref<1x128x16xf32, #tpu.memory_space<vmem>>
          %dma_start3A_200 = tpu.memref_squeeze %dma_start3A_199 : memref<1x128x16xf32, #tpu.memory_space<vmem>> -> memref<128x16xf32, #tpu.memory_space<vmem>>
          %dma_start3A_201 = arith.constant 0 : i32
          %dma_start3A_202 = tpu.memref_slice %arg7[%add3A_145, %dma_start3A_201] : memref<52x128xi32, #tpu.memory_space<vmem>> -> memref<1x128xi32, #tpu.memory_space<vmem>>
          %dma_start3A_203 = tpu.memref_squeeze %dma_start3A_202 : memref<1x128xi32, #tpu.memory_space<vmem>> -> memref<128xi32, #tpu.memory_space<vmem>>
          %dma_start3A_204 = arith.constant 0 : i32
          %dma_start3A_205 = arith.constant 0 : i32
          %dma_start3A_206 = tpu.memref_slice %arg9[%dma_start3A_204, %dma_start3A_205] : memref<10240x16xf32, #tpu.memory_space<vmem_shared>> -> memref<10240x16xf32, #tpu.memory_space<vmem_shared>>
          tpu.enqueue_indirect_dma source(%dma_start3A_200 : memref<128x16xf32, #tpu.memory_space<vmem>>) target(%dma_start3A_206 : memref<10240x16xf32, #tpu.memory_space<vmem_shared>>) offsets(%dma_start3A_203 : memref<128xi32, #tpu.memory_space<vmem>>) semaphore(%run_scoped3A_196 : memref<!tpu.dma_semaphore, #tpu.memory_space<semaphore_mem>>) {add = true}
          %dma_wait3A_207 = arith.constant 0 : i32
          %dma_wait3A_208 = arith.constant 0 : i32
          %dma_wait3A_209 = tpu.memref_slice %arg8[%run_scoped3A_161, %dma_wait3A_207, %dma_wait3A_208] : memref<4x128x16xf32, #tpu.memory_space<vmem>> -> memref<1x128x16xf32, #tpu.memory_space<vmem>>
          %dma_wait3A_210 = tpu.memref_squeeze %dma_wait3A_209 : memref<1x128x16xf32, #tpu.memory_space<vmem>> -> memref<128x16xf32, #tpu.memory_space<vmem>>
          %dma_wait3A_211 = arith.constant 0 : i32
          %dma_wait3A_212 = tpu.memref_slice %arg7[%add3A_145, %dma_wait3A_211] : memref<52x128xi32, #tpu.memory_space<vmem>> -> memref<1x128xi32, #tpu.memory_space<vmem>>
          %dma_wait3A_213 = tpu.memref_squeeze %dma_wait3A_212 : memref<1x128xi32, #tpu.memory_space<vmem>> -> memref<128xi32, #tpu.memory_space<vmem>>
          %dma_wait3A_214 = arith.constant 0 : i32
          %dma_wait3A_215 = arith.constant 0 : i32
          %dma_wait3A_216 = tpu.memref_slice %arg9[%dma_wait3A_214, %dma_wait3A_215] : memref<10240x16xf32, #tpu.memory_space<vmem_shared>> -> memref<10240x16xf32, #tpu.memory_space<vmem_shared>>
          tpu.wait_indirect_dma semaphore(%run_scoped3A_196 : memref<!tpu.dma_semaphore, #tpu.memory_space<semaphore_mem>>) src(%dma_wait3A_210 : memref<128x16xf32, #tpu.memory_space<vmem>>) dst(%dma_wait3A_216 : memref<10240x16xf32, #tpu.memory_space<vmem_shared>>)
          tpu.yield
        }) : () -> ()
        %add3A_162 = arith.constant 4 : i32
        %add3A_163 = arith.addi %add3A_145, %add3A_162 : i32
        %lt3A_164 = arith.constant 52 : i32
        %lt3A_165 = arith.cmpi slt, %add3A_163, %lt3A_164 : i32
        %convert_element_type3A_166 = arith.extui %lt3A_165 : i1 to i32
        %cond3A_167 = arith.constant 0 : i32
        %cond3A_168 = arith.cmpi ne, %convert_element_type3A_166, %cond3A_167 : i32
        scf.if %cond3A_168 {
          %add3A_196 = arith.constant 4 : i32
          %add3A_197 = arith.addi %add3A_145, %add3A_196 : i32
          %dma_start3A_198 = arith.constant 2 : i32
          %dma_start3A_199 = arith.constant 0 : i32
          %dma_start3A_200 = arith.constant 0 : i32
          %dma_start3A_201 = tpu.memref_slice %arg8[%dma_start3A_198, %dma_start3A_199, %dma_start3A_200] : memref<4x128x16xf32, #tpu.memory_space<vmem>> -> memref<1x128x16xf32, #tpu.memory_space<vmem>>
          %dma_start3A_202 = tpu.memref_squeeze %dma_start3A_201 : memref<1x128x16xf32, #tpu.memory_space<vmem>> -> memref<128x16xf32, #tpu.memory_space<vmem>>
          %dma_start3A_203 = arith.constant 0 : i32
          %dma_start3A_204 = tpu.memref_slice %arg6[%add3A_197, %dma_start3A_203] : memref<52x128xi32, #tpu.memory_space<vmem>> -> memref<1x128xi32, #tpu.memory_space<vmem>>
          %dma_start3A_205 = tpu.memref_squeeze %dma_start3A_204 : memref<1x128xi32, #tpu.memory_space<vmem>> -> memref<128xi32, #tpu.memory_space<vmem>>
          %dma_start3A_206 = arith.constant 0 : i32
          %dma_start3A_207 = arith.constant 0 : i32
          %dma_start3A_208 = tpu.memref_slice %arg2[%dma_start3A_206, %dma_start3A_207] : memref<10000x16xf32, #tpu.memory_space<hbm>> -> memref<10000x16xf32, #tpu.memory_space<hbm>>
          tpu.enqueue_indirect_dma source(%dma_start3A_208 : memref<10000x16xf32, #tpu.memory_space<hbm>>) target(%dma_start3A_202 : memref<128x16xf32, #tpu.memory_space<vmem>>) offsets(%dma_start3A_205 : memref<128xi32, #tpu.memory_space<vmem>>) semaphore(%arg10 : memref<!tpu.dma_semaphore, #tpu.memory_space<semaphore_mem>>)
        } else {
        }
        %mul3A_169 = arith.constant 4 : i32
        %mul3A_170 = arith.muli %mul3A_169, %scan3A_90 : i32
        %add3A_171 = arith.constant 3 : i32
        %add3A_172 = arith.addi %mul3A_170, %add3A_171 : i32
        %dma_wait3A_173 = arith.constant 0 : i32
        %dma_wait3A_174 = arith.constant 0 : i32
        %dma_wait3A_175 = arith.constant 0 : i32
        %dma_wait3A_176 = tpu.memref_slice %arg8[%dma_wait3A_173, %dma_wait3A_174, %dma_wait3A_175] : memref<4x128x16xf32, #tpu.memory_space<vmem>> -> memref<1x128x16xf32, #tpu.memory_space<vmem>>
        %dma_wait3A_177 = tpu.memref_squeeze %dma_wait3A_176 : memref<1x128x16xf32, #tpu.memory_space<vmem>> -> memref<128x16xf32, #tpu.memory_space<vmem>>
        %dma_wait3A_178 = arith.constant 0 : i32
        %dma_wait3A_179 = arith.constant 0 : i32
        %dma_wait3A_180 = tpu.memref_slice %arg2[%dma_wait3A_178, %dma_wait3A_179] : memref<10000x16xf32, #tpu.memory_space<hbm>> -> memref<128x16xf32, #tpu.memory_space<hbm>>
        %dma_wait3A_181 = arith.constant 0 : i32
        %dma_wait3A_182 = arith.constant 0 : i32
        %dma_wait3A_183 = tpu.memref_slice %arg8[%dma_wait3A_173, %dma_wait3A_181, %dma_wait3A_182] : memref<4x128x16xf32, #tpu.memory_space<vmem>> -> memref<1x128x16xf32, #tpu.memory_space<vmem>>
        %dma_wait3A_184 = tpu.memref_squeeze %dma_wait3A_183 : memref<1x128x16xf32, #tpu.memory_space<vmem>> -> memref<128x16xf32, #tpu.memory_space<vmem>>
        %dma_wait3A_185 = arith.constant 0 : i32
        %dma_wait3A_186 = arith.constant 0 : i32
        %dma_wait3A_187 = tpu.memref_slice %arg2[%dma_wait3A_185, %dma_wait3A_186] : memref<10000x16xf32, #tpu.memory_space<hbm>> -> memref<128x16xf32, #tpu.memory_space<hbm>>
        tpu.wait_dma2 semaphore(%arg10 : memref<!tpu.dma_semaphore, #tpu.memory_space<semaphore_mem>>) src(%dma_wait3A_187 : memref<128x16xf32, #tpu.memory_space<hbm>>) dst(%dma_wait3A_184 : memref<128x16xf32, #tpu.memory_space<vmem>>)
        %run_scoped3A_188 = arith.constant 3 : i32
        "tpu.region"() ({
          %run_scoped3A_196 = tpu.sem_alloc : memref<!tpu.dma_semaphore, #tpu.memory_space<semaphore_mem>>
          %dma_start3A_197 = arith.constant 0 : i32
          %dma_start3A_198 = arith.constant 0 : i32
          %dma_start3A_199 = tpu.memref_slice %arg8[%run_scoped3A_188, %dma_start3A_197, %dma_start3A_198] : memref<4x128x16xf32, #tpu.memory_space<vmem>> -> memref<1x128x16xf32, #tpu.memory_space<vmem>>
          %dma_start3A_200 = tpu.memref_squeeze %dma_start3A_199 : memref<1x128x16xf32, #tpu.memory_space<vmem>> -> memref<128x16xf32, #tpu.memory_space<vmem>>
          %dma_start3A_201 = arith.constant 0 : i32
          %dma_start3A_202 = tpu.memref_slice %arg7[%add3A_172, %dma_start3A_201] : memref<52x128xi32, #tpu.memory_space<vmem>> -> memref<1x128xi32, #tpu.memory_space<vmem>>
          %dma_start3A_203 = tpu.memref_squeeze %dma_start3A_202 : memref<1x128xi32, #tpu.memory_space<vmem>> -> memref<128xi32, #tpu.memory_space<vmem>>
          %dma_start3A_204 = arith.constant 0 : i32
          %dma_start3A_205 = arith.constant 0 : i32
          %dma_start3A_206 = tpu.memref_slice %arg9[%dma_start3A_204, %dma_start3A_205] : memref<10240x16xf32, #tpu.memory_space<vmem_shared>> -> memref<10240x16xf32, #tpu.memory_space<vmem_shared>>
          tpu.enqueue_indirect_dma source(%dma_start3A_200 : memref<128x16xf32, #tpu.memory_space<vmem>>) target(%dma_start3A_206 : memref<10240x16xf32, #tpu.memory_space<vmem_shared>>) offsets(%dma_start3A_203 : memref<128xi32, #tpu.memory_space<vmem>>) semaphore(%run_scoped3A_196 : memref<!tpu.dma_semaphore, #tpu.memory_space<semaphore_mem>>) {add = true}
          %dma_wait3A_207 = arith.constant 0 : i32
          %dma_wait3A_208 = arith.constant 0 : i32
          %dma_wait3A_209 = tpu.memref_slice %arg8[%run_scoped3A_188, %dma_wait3A_207, %dma_wait3A_208] : memref<4x128x16xf32, #tpu.memory_space<vmem>> -> memref<1x128x16xf32, #tpu.memory_space<vmem>>
          %dma_wait3A_210 = tpu.memref_squeeze %dma_wait3A_209 : memref<1x128x16xf32, #tpu.memory_space<vmem>> -> memref<128x16xf32, #tpu.memory_space<vmem>>
          %dma_wait3A_211 = arith.constant 0 : i32
          %dma_wait3A_212 = tpu.memref_slice %arg7[%add3A_172, %dma_wait3A_211] : memref<52x128xi32, #tpu.memory_space<vmem>> -> memref<1x128xi32, #tpu.memory_space<vmem>>
          %dma_wait3A_213 = tpu.memref_squeeze %dma_wait3A_212 : memref<1x128xi32, #tpu.memory_space<vmem>> -> memref<128xi32, #tpu.memory_space<vmem>>
          %dma_wait3A_214 = arith.constant 0 : i32
          %dma_wait3A_215 = arith.constant 0 : i32
          %dma_wait3A_216 = tpu.memref_slice %arg9[%dma_wait3A_214, %dma_wait3A_215] : memref<10240x16xf32, #tpu.memory_space<vmem_shared>> -> memref<10240x16xf32, #tpu.memory_space<vmem_shared>>
          tpu.wait_indirect_dma semaphore(%run_scoped3A_196 : memref<!tpu.dma_semaphore, #tpu.memory_space<semaphore_mem>>) src(%dma_wait3A_210 : memref<128x16xf32, #tpu.memory_space<vmem>>) dst(%dma_wait3A_216 : memref<10240x16xf32, #tpu.memory_space<vmem_shared>>)
          tpu.yield
        }) : () -> ()
        %add3A_189 = arith.constant 4 : i32
        %add3A_190 = arith.addi %add3A_172, %add3A_189 : i32
        %lt3A_191 = arith.constant 52 : i32
        %lt3A_192 = arith.cmpi slt, %add3A_190, %lt3A_191 : i32
        %convert_element_type3A_193 = arith.extui %lt3A_192 : i1 to i32
        %cond3A_194 = arith.constant 0 : i32
        %cond3A_195 = arith.cmpi ne, %convert_element_type3A_193, %cond3A_194 : i32
        scf.if %cond3A_195 {
          %add3A_196 = arith.constant 4 : i32
          %add3A_197 = arith.addi %add3A_172, %add3A_196 : i32
          %dma_start3A_198 = arith.constant 3 : i32
          %dma_start3A_199 = arith.constant 0 : i32
          %dma_start3A_200 = arith.constant 0 : i32
          %dma_start3A_201 = tpu.memref_slice %arg8[%dma_start3A_198, %dma_start3A_199, %dma_start3A_200] : memref<4x128x16xf32, #tpu.memory_space<vmem>> -> memref<1x128x16xf32, #tpu.memory_space<vmem>>
          %dma_start3A_202 = tpu.memref_squeeze %dma_start3A_201 : memref<1x128x16xf32, #tpu.memory_space<vmem>> -> memref<128x16xf32, #tpu.memory_space<vmem>>
          %dma_start3A_203 = arith.constant 0 : i32
          %dma_start3A_204 = tpu.memref_slice %arg6[%add3A_197, %dma_start3A_203] : memref<52x128xi32, #tpu.memory_space<vmem>> -> memref<1x128xi32, #tpu.memory_space<vmem>>
          %dma_start3A_205 = tpu.memref_squeeze %dma_start3A_204 : memref<1x128xi32, #tpu.memory_space<vmem>> -> memref<128xi32, #tpu.memory_space<vmem>>
          %dma_start3A_206 = arith.constant 0 : i32
          %dma_start3A_207 = arith.constant 0 : i32
          %dma_start3A_208 = tpu.memref_slice %arg2[%dma_start3A_206, %dma_start3A_207] : memref<10000x16xf32, #tpu.memory_space<hbm>> -> memref<10000x16xf32, #tpu.memory_space<hbm>>
          tpu.enqueue_indirect_dma source(%dma_start3A_208 : memref<10000x16xf32, #tpu.memory_space<hbm>>) target(%dma_start3A_202 : memref<128x16xf32, #tpu.memory_space<vmem>>) offsets(%dma_start3A_205 : memref<128xi32, #tpu.memory_space<vmem>>) semaphore(%arg10 : memref<!tpu.dma_semaphore, #tpu.memory_space<semaphore_mem>>)
        } else {
        }
      }
      %scan3A_89 = arith.constant 13 : i32
    } else {
    }
    %eq3A_22 = arith.constant 1 : i32
    %eq3A_23 = arith.cmpi eq, %arg0, %eq3A_22 : i32
    %convert_element_type3A_24 = arith.extui %eq3A_23 : i1 to i32
    %cond3A_25 = arith.constant 0 : i32
    %cond3A_26 = arith.cmpi ne, %convert_element_type3A_24, %cond3A_25 : i32
    scf.if %cond3A_26 {
      %dma_start3A = arith.constant 0 : i32
      %dma_start3A_38 = arith.constant 0 : i32
      %dma_start3A_39 = arith.constant 0 : i32
      %dma_start3A_40 = arith.constant 0 : i32
      %dma_start3A_41 = tpu.memref_slice %arg8[%dma_start3A_38, %dma_start3A_39, %dma_start3A_40] : memref<4x128x16xf32, #tpu.memory_space<vmem>> -> memref<1x128x16xf32, #tpu.memory_space<vmem>>
      %dma_start3A_42 = tpu.memref_squeeze %dma_start3A_41 : memref<1x128x16xf32, #tpu.memory_space<vmem>> -> memref<128x16xf32, #tpu.memory_space<vmem>>
      %dma_start3A_43 = arith.constant 0 : i32
      %dma_start3A_44 = tpu.memref_slice %arg6[%dma_start3A, %dma_start3A_43] : memref<52x128xi32, #tpu.memory_space<vmem>> -> memref<1x128xi32, #tpu.memory_space<vmem>>
      %dma_start3A_45 = tpu.memref_squeeze %dma_start3A_44 : memref<1x128xi32, #tpu.memory_space<vmem>> -> memref<128xi32, #tpu.memory_space<vmem>>
      %dma_start3A_46 = arith.constant 0 : i32
      %dma_start3A_47 = arith.constant 0 : i32
      %dma_start3A_48 = tpu.memref_slice %arg2[%dma_start3A_46, %dma_start3A_47] : memref<10000x16xf32, #tpu.memory_space<hbm>> -> memref<10000x16xf32, #tpu.memory_space<hbm>>
      tpu.enqueue_indirect_dma source(%dma_start3A_48 : memref<10000x16xf32, #tpu.memory_space<hbm>>) target(%dma_start3A_42 : memref<128x16xf32, #tpu.memory_space<vmem>>) offsets(%dma_start3A_45 : memref<128xi32, #tpu.memory_space<vmem>>) semaphore(%arg10 : memref<!tpu.dma_semaphore, #tpu.memory_space<semaphore_mem>>)
      %dma_start3A_49 = arith.constant 1 : i32
      %dma_start3A_50 = arith.constant 1 : i32
      %dma_start3A_51 = arith.constant 0 : i32
      %dma_start3A_52 = arith.constant 0 : i32
      %dma_start3A_53 = tpu.memref_slice %arg8[%dma_start3A_50, %dma_start3A_51, %dma_start3A_52] : memref<4x128x16xf32, #tpu.memory_space<vmem>> -> memref<1x128x16xf32, #tpu.memory_space<vmem>>
      %dma_start3A_54 = tpu.memref_squeeze %dma_start3A_53 : memref<1x128x16xf32, #tpu.memory_space<vmem>> -> memref<128x16xf32, #tpu.memory_space<vmem>>
      %dma_start3A_55 = arith.constant 0 : i32
      %dma_start3A_56 = tpu.memref_slice %arg6[%dma_start3A_49, %dma_start3A_55] : memref<52x128xi32, #tpu.memory_space<vmem>> -> memref<1x128xi32, #tpu.memory_space<vmem>>
      %dma_start3A_57 = tpu.memref_squeeze %dma_start3A_56 : memref<1x128xi32, #tpu.memory_space<vmem>> -> memref<128xi32, #tpu.memory_space<vmem>>
      %dma_start3A_58 = arith.constant 0 : i32
      %dma_start3A_59 = arith.constant 0 : i32
      %dma_start3A_60 = tpu.memref_slice %arg2[%dma_start3A_58, %dma_start3A_59] : memref<10000x16xf32, #tpu.memory_space<hbm>> -> memref<10000x16xf32, #tpu.memory_space<hbm>>
      tpu.enqueue_indirect_dma source(%dma_start3A_60 : memref<10000x16xf32, #tpu.memory_space<hbm>>) target(%dma_start3A_54 : memref<128x16xf32, #tpu.memory_space<vmem>>) offsets(%dma_start3A_57 : memref<128xi32, #tpu.memory_space<vmem>>) semaphore(%arg10 : memref<!tpu.dma_semaphore, #tpu.memory_space<semaphore_mem>>)
      %dma_start3A_61 = arith.constant 2 : i32
      %dma_start3A_62 = arith.constant 2 : i32
      %dma_start3A_63 = arith.constant 0 : i32
      %dma_start3A_64 = arith.constant 0 : i32
      %dma_start3A_65 = tpu.memref_slice %arg8[%dma_start3A_62, %dma_start3A_63, %dma_start3A_64] : memref<4x128x16xf32, #tpu.memory_space<vmem>> -> memref<1x128x16xf32, #tpu.memory_space<vmem>>
      %dma_start3A_66 = tpu.memref_squeeze %dma_start3A_65 : memref<1x128x16xf32, #tpu.memory_space<vmem>> -> memref<128x16xf32, #tpu.memory_space<vmem>>
      %dma_start3A_67 = arith.constant 0 : i32
      %dma_start3A_68 = tpu.memref_slice %arg6[%dma_start3A_61, %dma_start3A_67] : memref<52x128xi32, #tpu.memory_space<vmem>> -> memref<1x128xi32, #tpu.memory_space<vmem>>
      %dma_start3A_69 = tpu.memref_squeeze %dma_start3A_68 : memref<1x128xi32, #tpu.memory_space<vmem>> -> memref<128xi32, #tpu.memory_space<vmem>>
      %dma_start3A_70 = arith.constant 0 : i32
      %dma_start3A_71 = arith.constant 0 : i32
      %dma_start3A_72 = tpu.memref_slice %arg2[%dma_start3A_70, %dma_start3A_71] : memref<10000x16xf32, #tpu.memory_space<hbm>> -> memref<10000x16xf32, #tpu.memory_space<hbm>>
      tpu.enqueue_indirect_dma source(%dma_start3A_72 : memref<10000x16xf32, #tpu.memory_space<hbm>>) target(%dma_start3A_66 : memref<128x16xf32, #tpu.memory_space<vmem>>) offsets(%dma_start3A_69 : memref<128xi32, #tpu.memory_space<vmem>>) semaphore(%arg10 : memref<!tpu.dma_semaphore, #tpu.memory_space<semaphore_mem>>)
      %dma_start3A_73 = arith.constant 3 : i32
      %dma_start3A_74 = arith.constant 3 : i32
      %dma_start3A_75 = arith.constant 0 : i32
      %dma_start3A_76 = arith.constant 0 : i32
      %dma_start3A_77 = tpu.memref_slice %arg8[%dma_start3A_74, %dma_start3A_75, %dma_start3A_76] : memref<4x128x16xf32, #tpu.memory_space<vmem>> -> memref<1x128x16xf32, #tpu.memory_space<vmem>>
      %dma_start3A_78 = tpu.memref_squeeze %dma_start3A_77 : memref<1x128x16xf32, #tpu.memory_space<vmem>> -> memref<128x16xf32, #tpu.memory_space<vmem>>
      %dma_start3A_79 = arith.constant 0 : i32
      %dma_start3A_80 = tpu.memref_slice %arg6[%dma_start3A_73, %dma_start3A_79] : memref<52x128xi32, #tpu.memory_space<vmem>> -> memref<1x128xi32, #tpu.memory_space<vmem>>
      %dma_start3A_81 = tpu.memref_squeeze %dma_start3A_80 : memref<1x128xi32, #tpu.memory_space<vmem>> -> memref<128xi32, #tpu.memory_space<vmem>>
      %dma_start3A_82 = arith.constant 0 : i32
      %dma_start3A_83 = arith.constant 0 : i32
      %dma_start3A_84 = tpu.memref_slice %arg2[%dma_start3A_82, %dma_start3A_83] : memref<10000x16xf32, #tpu.memory_space<hbm>> -> memref<10000x16xf32, #tpu.memory_space<hbm>>
      tpu.enqueue_indirect_dma source(%dma_start3A_84 : memref<10000x16xf32, #tpu.memory_space<hbm>>) target(%dma_start3A_78 : memref<128x16xf32, #tpu.memory_space<vmem>>) offsets(%dma_start3A_81 : memref<128xi32, #tpu.memory_space<vmem>>) semaphore(%arg10 : memref<!tpu.dma_semaphore, #tpu.memory_space<semaphore_mem>>)
      %scan3A = arith.constant 0 : i32
      %scan3A_85 = arith.constant 0 : i32
      %scan3A_86 = arith.constant 7 : i32
      %scan3A_87 = arith.addi %scan3A_85, %scan3A_86 : i32
      %scan3A_88 = arith.constant 1 : i32
      scf.for %scan3A_90 = %scan3A_85 to %scan3A_87 step %scan3A_88  : i32 {
        %mul3A_91 = arith.constant 4 : i32
        %mul3A_92 = arith.muli %mul3A_91, %scan3A_90 : i32
        %add3A = arith.constant 0 : i32
        %add3A_93 = arith.addi %mul3A_92, %add3A : i32
        %dma_wait3A = arith.constant 0 : i32
        %dma_wait3A_94 = arith.constant 0 : i32
        %dma_wait3A_95 = arith.constant 0 : i32
        %dma_wait3A_96 = tpu.memref_slice %arg8[%dma_wait3A, %dma_wait3A_94, %dma_wait3A_95] : memref<4x128x16xf32, #tpu.memory_space<vmem>> -> memref<1x128x16xf32, #tpu.memory_space<vmem>>
        %dma_wait3A_97 = tpu.memref_squeeze %dma_wait3A_96 : memref<1x128x16xf32, #tpu.memory_space<vmem>> -> memref<128x16xf32, #tpu.memory_space<vmem>>
        %dma_wait3A_98 = arith.constant 0 : i32
        %dma_wait3A_99 = arith.constant 0 : i32
        %dma_wait3A_100 = tpu.memref_slice %arg2[%dma_wait3A_98, %dma_wait3A_99] : memref<10000x16xf32, #tpu.memory_space<hbm>> -> memref<128x16xf32, #tpu.memory_space<hbm>>
        %dma_wait3A_101 = arith.constant 0 : i32
        %dma_wait3A_102 = arith.constant 0 : i32
        %dma_wait3A_103 = tpu.memref_slice %arg8[%dma_wait3A, %dma_wait3A_101, %dma_wait3A_102] : memref<4x128x16xf32, #tpu.memory_space<vmem>> -> memref<1x128x16xf32, #tpu.memory_space<vmem>>
        %dma_wait3A_104 = tpu.memref_squeeze %dma_wait3A_103 : memref<1x128x16xf32, #tpu.memory_space<vmem>> -> memref<128x16xf32, #tpu.memory_space<vmem>>
        %dma_wait3A_105 = arith.constant 0 : i32
        %dma_wait3A_106 = arith.constant 0 : i32
        %dma_wait3A_107 = tpu.memref_slice %arg2[%dma_wait3A_105, %dma_wait3A_106] : memref<10000x16xf32, #tpu.memory_space<hbm>> -> memref<128x16xf32, #tpu.memory_space<hbm>>
        tpu.wait_dma2 semaphore(%arg10 : memref<!tpu.dma_semaphore, #tpu.memory_space<semaphore_mem>>) src(%dma_wait3A_107 : memref<128x16xf32, #tpu.memory_space<hbm>>) dst(%dma_wait3A_104 : memref<128x16xf32, #tpu.memory_space<vmem>>)
        %run_scoped3A = arith.constant 0 : i32
        "tpu.region"() ({
          %run_scoped3A_196 = tpu.sem_alloc : memref<!tpu.dma_semaphore, #tpu.memory_space<semaphore_mem>>
          %dma_start3A_197 = arith.constant 0 : i32
          %dma_start3A_198 = arith.constant 0 : i32
          %dma_start3A_199 = tpu.memref_slice %arg8[%run_scoped3A, %dma_start3A_197, %dma_start3A_198] : memref<4x128x16xf32, #tpu.memory_space<vmem>> -> memref<1x128x16xf32, #tpu.memory_space<vmem>>
          %dma_start3A_200 = tpu.memref_squeeze %dma_start3A_199 : memref<1x128x16xf32, #tpu.memory_space<vmem>> -> memref<128x16xf32, #tpu.memory_space<vmem>>
          %dma_start3A_201 = arith.constant 0 : i32
          %dma_start3A_202 = tpu.memref_slice %arg7[%add3A_93, %dma_start3A_201] : memref<52x128xi32, #tpu.memory_space<vmem>> -> memref<1x128xi32, #tpu.memory_space<vmem>>
          %dma_start3A_203 = tpu.memref_squeeze %dma_start3A_202 : memref<1x128xi32, #tpu.memory_space<vmem>> -> memref<128xi32, #tpu.memory_space<vmem>>
          %dma_start3A_204 = arith.constant 0 : i32
          %dma_start3A_205 = arith.constant 0 : i32
          %dma_start3A_206 = tpu.memref_slice %arg9[%dma_start3A_204, %dma_start3A_205] : memref<10240x16xf32, #tpu.memory_space<vmem_shared>> -> memref<10240x16xf32, #tpu.memory_space<vmem_shared>>
          tpu.enqueue_indirect_dma source(%dma_start3A_200 : memref<128x16xf32, #tpu.memory_space<vmem>>) target(%dma_start3A_206 : memref<10240x16xf32, #tpu.memory_space<vmem_shared>>) offsets(%dma_start3A_203 : memref<128xi32, #tpu.memory_space<vmem>>) semaphore(%run_scoped3A_196 : memref<!tpu.dma_semaphore, #tpu.memory_space<semaphore_mem>>) {add = true}
          %dma_wait3A_207 = arith.constant 0 : i32
          %dma_wait3A_208 = arith.constant 0 : i32
          %dma_wait3A_209 = tpu.memref_slice %arg8[%run_scoped3A, %dma_wait3A_207, %dma_wait3A_208] : memref<4x128x16xf32, #tpu.memory_space<vmem>> -> memref<1x128x16xf32, #tpu.memory_space<vmem>>
          %dma_wait3A_210 = tpu.memref_squeeze %dma_wait3A_209 : memref<1x128x16xf32, #tpu.memory_space<vmem>> -> memref<128x16xf32, #tpu.memory_space<vmem>>
          %dma_wait3A_211 = arith.constant 0 : i32
          %dma_wait3A_212 = tpu.memref_slice %arg7[%add3A_93, %dma_wait3A_211] : memref<52x128xi32, #tpu.memory_space<vmem>> -> memref<1x128xi32, #tpu.memory_space<vmem>>
          %dma_wait3A_213 = tpu.memref_squeeze %dma_wait3A_212 : memref<1x128xi32, #tpu.memory_space<vmem>> -> memref<128xi32, #tpu.memory_space<vmem>>
          %dma_wait3A_214 = arith.constant 0 : i32
          %dma_wait3A_215 = arith.constant 0 : i32
          %dma_wait3A_216 = tpu.memref_slice %arg9[%dma_wait3A_214, %dma_wait3A_215] : memref<10240x16xf32, #tpu.memory_space<vmem_shared>> -> memref<10240x16xf32, #tpu.memory_space<vmem_shared>>
          tpu.wait_indirect_dma semaphore(%run_scoped3A_196 : memref<!tpu.dma_semaphore, #tpu.memory_space<semaphore_mem>>) src(%dma_wait3A_210 : memref<128x16xf32, #tpu.memory_space<vmem>>) dst(%dma_wait3A_216 : memref<10240x16xf32, #tpu.memory_space<vmem_shared>>)
          tpu.yield
        }) : () -> ()
        %add3A_108 = arith.constant 4 : i32
        %add3A_109 = arith.addi %add3A_93, %add3A_108 : i32
        %lt3A_110 = arith.constant 28 : i32
        %lt3A_111 = arith.cmpi slt, %add3A_109, %lt3A_110 : i32
        %convert_element_type3A_112 = arith.extui %lt3A_111 : i1 to i32
        %cond3A_113 = arith.constant 0 : i32
        %cond3A_114 = arith.cmpi ne, %convert_element_type3A_112, %cond3A_113 : i32
        scf.if %cond3A_114 {
          %add3A_196 = arith.constant 4 : i32
          %add3A_197 = arith.addi %add3A_93, %add3A_196 : i32
          %dma_start3A_198 = arith.constant 0 : i32
          %dma_start3A_199 = arith.constant 0 : i32
          %dma_start3A_200 = arith.constant 0 : i32
          %dma_start3A_201 = tpu.memref_slice %arg8[%dma_start3A_198, %dma_start3A_199, %dma_start3A_200] : memref<4x128x16xf32, #tpu.memory_space<vmem>> -> memref<1x128x16xf32, #tpu.memory_space<vmem>>
          %dma_start3A_202 = tpu.memref_squeeze %dma_start3A_201 : memref<1x128x16xf32, #tpu.memory_space<vmem>> -> memref<128x16xf32, #tpu.memory_space<vmem>>
          %dma_start3A_203 = arith.constant 0 : i32
          %dma_start3A_204 = tpu.memref_slice %arg6[%add3A_197, %dma_start3A_203] : memref<52x128xi32, #tpu.memory_space<vmem>> -> memref<1x128xi32, #tpu.memory_space<vmem>>
          %dma_start3A_205 = tpu.memref_squeeze %dma_start3A_204 : memref<1x128xi32, #tpu.memory_space<vmem>> -> memref<128xi32, #tpu.memory_space<vmem>>
          %dma_start3A_206 = arith.constant 0 : i32
          %dma_start3A_207 = arith.constant 0 : i32
          %dma_start3A_208 = tpu.memref_slice %arg2[%dma_start3A_206, %dma_start3A_207] : memref<10000x16xf32, #tpu.memory_space<hbm>> -> memref<10000x16xf32, #tpu.memory_space<hbm>>
          tpu.enqueue_indirect_dma source(%dma_start3A_208 : memref<10000x16xf32, #tpu.memory_space<hbm>>) target(%dma_start3A_202 : memref<128x16xf32, #tpu.memory_space<vmem>>) offsets(%dma_start3A_205 : memref<128xi32, #tpu.memory_space<vmem>>) semaphore(%arg10 : memref<!tpu.dma_semaphore, #tpu.memory_space<semaphore_mem>>)
        } else {
        }
        %mul3A_115 = arith.constant 4 : i32
        %mul3A_116 = arith.muli %mul3A_115, %scan3A_90 : i32
        %add3A_117 = arith.constant 1 : i32
        %add3A_118 = arith.addi %mul3A_116, %add3A_117 : i32
        %dma_wait3A_119 = arith.constant 0 : i32
        %dma_wait3A_120 = arith.constant 0 : i32
        %dma_wait3A_121 = arith.constant 0 : i32
        %dma_wait3A_122 = tpu.memref_slice %arg8[%dma_wait3A_119, %dma_wait3A_120, %dma_wait3A_121] : memref<4x128x16xf32, #tpu.memory_space<vmem>> -> memref<1x128x16xf32, #tpu.memory_space<vmem>>
        %dma_wait3A_123 = tpu.memref_squeeze %dma_wait3A_122 : memref<1x128x16xf32, #tpu.memory_space<vmem>> -> memref<128x16xf32, #tpu.memory_space<vmem>>
        %dma_wait3A_124 = arith.constant 0 : i32
        %dma_wait3A_125 = arith.constant 0 : i32
        %dma_wait3A_126 = tpu.memref_slice %arg2[%dma_wait3A_124, %dma_wait3A_125] : memref<10000x16xf32, #tpu.memory_space<hbm>> -> memref<128x16xf32, #tpu.memory_space<hbm>>
        %dma_wait3A_127 = arith.constant 0 : i32
        %dma_wait3A_128 = arith.constant 0 : i32
        %dma_wait3A_129 = tpu.memref_slice %arg8[%dma_wait3A_119, %dma_wait3A_127, %dma_wait3A_128] : memref<4x128x16xf32, #tpu.memory_space<vmem>> -> memref<1x128x16xf32, #tpu.memory_space<vmem>>
        %dma_wait3A_130 = tpu.memref_squeeze %dma_wait3A_129 : memref<1x128x16xf32, #tpu.memory_space<vmem>> -> memref<128x16xf32, #tpu.memory_space<vmem>>
        %dma_wait3A_131 = arith.constant 0 : i32
        %dma_wait3A_132 = arith.constant 0 : i32
        %dma_wait3A_133 = tpu.memref_slice %arg2[%dma_wait3A_131, %dma_wait3A_132] : memref<10000x16xf32, #tpu.memory_space<hbm>> -> memref<128x16xf32, #tpu.memory_space<hbm>>
        tpu.wait_dma2 semaphore(%arg10 : memref<!tpu.dma_semaphore, #tpu.memory_space<semaphore_mem>>) src(%dma_wait3A_133 : memref<128x16xf32, #tpu.memory_space<hbm>>) dst(%dma_wait3A_130 : memref<128x16xf32, #tpu.memory_space<vmem>>)
        %run_scoped3A_134 = arith.constant 1 : i32
        "tpu.region"() ({
          %run_scoped3A_196 = tpu.sem_alloc : memref<!tpu.dma_semaphore, #tpu.memory_space<semaphore_mem>>
          %dma_start3A_197 = arith.constant 0 : i32
          %dma_start3A_198 = arith.constant 0 : i32
          %dma_start3A_199 = tpu.memref_slice %arg8[%run_scoped3A_134, %dma_start3A_197, %dma_start3A_198] : memref<4x128x16xf32, #tpu.memory_space<vmem>> -> memref<1x128x16xf32, #tpu.memory_space<vmem>>
          %dma_start3A_200 = tpu.memref_squeeze %dma_start3A_199 : memref<1x128x16xf32, #tpu.memory_space<vmem>> -> memref<128x16xf32, #tpu.memory_space<vmem>>
          %dma_start3A_201 = arith.constant 0 : i32
          %dma_start3A_202 = tpu.memref_slice %arg7[%add3A_118, %dma_start3A_201] : memref<52x128xi32, #tpu.memory_space<vmem>> -> memref<1x128xi32, #tpu.memory_space<vmem>>
          %dma_start3A_203 = tpu.memref_squeeze %dma_start3A_202 : memref<1x128xi32, #tpu.memory_space<vmem>> -> memref<128xi32, #tpu.memory_space<vmem>>
          %dma_start3A_204 = arith.constant 0 : i32
          %dma_start3A_205 = arith.constant 0 : i32
          %dma_start3A_206 = tpu.memref_slice %arg9[%dma_start3A_204, %dma_start3A_205] : memref<10240x16xf32, #tpu.memory_space<vmem_shared>> -> memref<10240x16xf32, #tpu.memory_space<vmem_shared>>
          tpu.enqueue_indirect_dma source(%dma_start3A_200 : memref<128x16xf32, #tpu.memory_space<vmem>>) target(%dma_start3A_206 : memref<10240x16xf32, #tpu.memory_space<vmem_shared>>) offsets(%dma_start3A_203 : memref<128xi32, #tpu.memory_space<vmem>>) semaphore(%run_scoped3A_196 : memref<!tpu.dma_semaphore, #tpu.memory_space<semaphore_mem>>) {add = true}
          %dma_wait3A_207 = arith.constant 0 : i32
          %dma_wait3A_208 = arith.constant 0 : i32
          %dma_wait3A_209 = tpu.memref_slice %arg8[%run_scoped3A_134, %dma_wait3A_207, %dma_wait3A_208] : memref<4x128x16xf32, #tpu.memory_space<vmem>> -> memref<1x128x16xf32, #tpu.memory_space<vmem>>
          %dma_wait3A_210 = tpu.memref_squeeze %dma_wait3A_209 : memref<1x128x16xf32, #tpu.memory_space<vmem>> -> memref<128x16xf32, #tpu.memory_space<vmem>>
          %dma_wait3A_211 = arith.constant 0 : i32
          %dma_wait3A_212 = tpu.memref_slice %arg7[%add3A_118, %dma_wait3A_211] : memref<52x128xi32, #tpu.memory_space<vmem>> -> memref<1x128xi32, #tpu.memory_space<vmem>>
          %dma_wait3A_213 = tpu.memref_squeeze %dma_wait3A_212 : memref<1x128xi32, #tpu.memory_space<vmem>> -> memref<128xi32, #tpu.memory_space<vmem>>
          %dma_wait3A_214 = arith.constant 0 : i32
          %dma_wait3A_215 = arith.constant 0 : i32
          %dma_wait3A_216 = tpu.memref_slice %arg9[%dma_wait3A_214, %dma_wait3A_215] : memref<10240x16xf32, #tpu.memory_space<vmem_shared>> -> memref<10240x16xf32, #tpu.memory_space<vmem_shared>>
          tpu.wait_indirect_dma semaphore(%run_scoped3A_196 : memref<!tpu.dma_semaphore, #tpu.memory_space<semaphore_mem>>) src(%dma_wait3A_210 : memref<128x16xf32, #tpu.memory_space<vmem>>) dst(%dma_wait3A_216 : memref<10240x16xf32, #tpu.memory_space<vmem_shared>>)
          tpu.yield
        }) : () -> ()
        %add3A_135 = arith.constant 4 : i32
        %add3A_136 = arith.addi %add3A_118, %add3A_135 : i32
        %lt3A_137 = arith.constant 28 : i32
        %lt3A_138 = arith.cmpi slt, %add3A_136, %lt3A_137 : i32
        %convert_element_type3A_139 = arith.extui %lt3A_138 : i1 to i32
        %cond3A_140 = arith.constant 0 : i32
        %cond3A_141 = arith.cmpi ne, %convert_element_type3A_139, %cond3A_140 : i32
        scf.if %cond3A_141 {
          %add3A_196 = arith.constant 4 : i32
          %add3A_197 = arith.addi %add3A_118, %add3A_196 : i32
          %dma_start3A_198 = arith.constant 1 : i32
          %dma_start3A_199 = arith.constant 0 : i32
          %dma_start3A_200 = arith.constant 0 : i32
          %dma_start3A_201 = tpu.memref_slice %arg8[%dma_start3A_198, %dma_start3A_199, %dma_start3A_200] : memref<4x128x16xf32, #tpu.memory_space<vmem>> -> memref<1x128x16xf32, #tpu.memory_space<vmem>>
          %dma_start3A_202 = tpu.memref_squeeze %dma_start3A_201 : memref<1x128x16xf32, #tpu.memory_space<vmem>> -> memref<128x16xf32, #tpu.memory_space<vmem>>
          %dma_start3A_203 = arith.constant 0 : i32
          %dma_start3A_204 = tpu.memref_slice %arg6[%add3A_197, %dma_start3A_203] : memref<52x128xi32, #tpu.memory_space<vmem>> -> memref<1x128xi32, #tpu.memory_space<vmem>>
          %dma_start3A_205 = tpu.memref_squeeze %dma_start3A_204 : memref<1x128xi32, #tpu.memory_space<vmem>> -> memref<128xi32, #tpu.memory_space<vmem>>
          %dma_start3A_206 = arith.constant 0 : i32
          %dma_start3A_207 = arith.constant 0 : i32
          %dma_start3A_208 = tpu.memref_slice %arg2[%dma_start3A_206, %dma_start3A_207] : memref<10000x16xf32, #tpu.memory_space<hbm>> -> memref<10000x16xf32, #tpu.memory_space<hbm>>
          tpu.enqueue_indirect_dma source(%dma_start3A_208 : memref<10000x16xf32, #tpu.memory_space<hbm>>) target(%dma_start3A_202 : memref<128x16xf32, #tpu.memory_space<vmem>>) offsets(%dma_start3A_205 : memref<128xi32, #tpu.memory_space<vmem>>) semaphore(%arg10 : memref<!tpu.dma_semaphore, #tpu.memory_space<semaphore_mem>>)
        } else {
        }
        %mul3A_142 = arith.constant 4 : i32
        %mul3A_143 = arith.muli %mul3A_142, %scan3A_90 : i32
        %add3A_144 = arith.constant 2 : i32
        %add3A_145 = arith.addi %mul3A_143, %add3A_144 : i32
        %dma_wait3A_146 = arith.constant 0 : i32
        %dma_wait3A_147 = arith.constant 0 : i32
        %dma_wait3A_148 = arith.constant 0 : i32
        %dma_wait3A_149 = tpu.memref_slice %arg8[%dma_wait3A_146, %dma_wait3A_147, %dma_wait3A_148] : memref<4x128x16xf32, #tpu.memory_space<vmem>> -> memref<1x128x16xf32, #tpu.memory_space<vmem>>
        %dma_wait3A_150 = tpu.memref_squeeze %dma_wait3A_149 : memref<1x128x16xf32, #tpu.memory_space<vmem>> -> memref<128x16xf32, #tpu.memory_space<vmem>>
        %dma_wait3A_151 = arith.constant 0 : i32
        %dma_wait3A_152 = arith.constant 0 : i32
        %dma_wait3A_153 = tpu.memref_slice %arg2[%dma_wait3A_151, %dma_wait3A_152] : memref<10000x16xf32, #tpu.memory_space<hbm>> -> memref<128x16xf32, #tpu.memory_space<hbm>>
        %dma_wait3A_154 = arith.constant 0 : i32
        %dma_wait3A_155 = arith.constant 0 : i32
        %dma_wait3A_156 = tpu.memref_slice %arg8[%dma_wait3A_146, %dma_wait3A_154, %dma_wait3A_155] : memref<4x128x16xf32, #tpu.memory_space<vmem>> -> memref<1x128x16xf32, #tpu.memory_space<vmem>>
        %dma_wait3A_157 = tpu.memref_squeeze %dma_wait3A_156 : memref<1x128x16xf32, #tpu.memory_space<vmem>> -> memref<128x16xf32, #tpu.memory_space<vmem>>
        %dma_wait3A_158 = arith.constant 0 : i32
        %dma_wait3A_159 = arith.constant 0 : i32
        %dma_wait3A_160 = tpu.memref_slice %arg2[%dma_wait3A_158, %dma_wait3A_159] : memref<10000x16xf32, #tpu.memory_space<hbm>> -> memref<128x16xf32, #tpu.memory_space<hbm>>
        tpu.wait_dma2 semaphore(%arg10 : memref<!tpu.dma_semaphore, #tpu.memory_space<semaphore_mem>>) src(%dma_wait3A_160 : memref<128x16xf32, #tpu.memory_space<hbm>>) dst(%dma_wait3A_157 : memref<128x16xf32, #tpu.memory_space<vmem>>)
        %run_scoped3A_161 = arith.constant 2 : i32
        "tpu.region"() ({
          %run_scoped3A_196 = tpu.sem_alloc : memref<!tpu.dma_semaphore, #tpu.memory_space<semaphore_mem>>
          %dma_start3A_197 = arith.constant 0 : i32
          %dma_start3A_198 = arith.constant 0 : i32
          %dma_start3A_199 = tpu.memref_slice %arg8[%run_scoped3A_161, %dma_start3A_197, %dma_start3A_198] : memref<4x128x16xf32, #tpu.memory_space<vmem>> -> memref<1x128x16xf32, #tpu.memory_space<vmem>>
          %dma_start3A_200 = tpu.memref_squeeze %dma_start3A_199 : memref<1x128x16xf32, #tpu.memory_space<vmem>> -> memref<128x16xf32, #tpu.memory_space<vmem>>
          %dma_start3A_201 = arith.constant 0 : i32
          %dma_start3A_202 = tpu.memref_slice %arg7[%add3A_145, %dma_start3A_201] : memref<52x128xi32, #tpu.memory_space<vmem>> -> memref<1x128xi32, #tpu.memory_space<vmem>>
          %dma_start3A_203 = tpu.memref_squeeze %dma_start3A_202 : memref<1x128xi32, #tpu.memory_space<vmem>> -> memref<128xi32, #tpu.memory_space<vmem>>
          %dma_start3A_204 = arith.constant 0 : i32
          %dma_start3A_205 = arith.constant 0 : i32
          %dma_start3A_206 = tpu.memref_slice %arg9[%dma_start3A_204, %dma_start3A_205] : memref<10240x16xf32, #tpu.memory_space<vmem_shared>> -> memref<10240x16xf32, #tpu.memory_space<vmem_shared>>
          tpu.enqueue_indirect_dma source(%dma_start3A_200 : memref<128x16xf32, #tpu.memory_space<vmem>>) target(%dma_start3A_206 : memref<10240x16xf32, #tpu.memory_space<vmem_shared>>) offsets(%dma_start3A_203 : memref<128xi32, #tpu.memory_space<vmem>>) semaphore(%run_scoped3A_196 : memref<!tpu.dma_semaphore, #tpu.memory_space<semaphore_mem>>) {add = true}
          %dma_wait3A_207 = arith.constant 0 : i32
          %dma_wait3A_208 = arith.constant 0 : i32
          %dma_wait3A_209 = tpu.memref_slice %arg8[%run_scoped3A_161, %dma_wait3A_207, %dma_wait3A_208] : memref<4x128x16xf32, #tpu.memory_space<vmem>> -> memref<1x128x16xf32, #tpu.memory_space<vmem>>
          %dma_wait3A_210 = tpu.memref_squeeze %dma_wait3A_209 : memref<1x128x16xf32, #tpu.memory_space<vmem>> -> memref<128x16xf32, #tpu.memory_space<vmem>>
          %dma_wait3A_211 = arith.constant 0 : i32
          %dma_wait3A_212 = tpu.memref_slice %arg7[%add3A_145, %dma_wait3A_211] : memref<52x128xi32, #tpu.memory_space<vmem>> -> memref<1x128xi32, #tpu.memory_space<vmem>>
          %dma_wait3A_213 = tpu.memref_squeeze %dma_wait3A_212 : memref<1x128xi32, #tpu.memory_space<vmem>> -> memref<128xi32, #tpu.memory_space<vmem>>
          %dma_wait3A_214 = arith.constant 0 : i32
          %dma_wait3A_215 = arith.constant 0 : i32
          %dma_wait3A_216 = tpu.memref_slice %arg9[%dma_wait3A_214, %dma_wait3A_215] : memref<10240x16xf32, #tpu.memory_space<vmem_shared>> -> memref<10240x16xf32, #tpu.memory_space<vmem_shared>>
          tpu.wait_indirect_dma semaphore(%run_scoped3A_196 : memref<!tpu.dma_semaphore, #tpu.memory_space<semaphore_mem>>) src(%dma_wait3A_210 : memref<128x16xf32, #tpu.memory_space<vmem>>) dst(%dma_wait3A_216 : memref<10240x16xf32, #tpu.memory_space<vmem_shared>>)
          tpu.yield
        }) : () -> ()
        %add3A_162 = arith.constant 4 : i32
        %add3A_163 = arith.addi %add3A_145, %add3A_162 : i32
        %lt3A_164 = arith.constant 28 : i32
        %lt3A_165 = arith.cmpi slt, %add3A_163, %lt3A_164 : i32
        %convert_element_type3A_166 = arith.extui %lt3A_165 : i1 to i32
        %cond3A_167 = arith.constant 0 : i32
        %cond3A_168 = arith.cmpi ne, %convert_element_type3A_166, %cond3A_167 : i32
        scf.if %cond3A_168 {
          %add3A_196 = arith.constant 4 : i32
          %add3A_197 = arith.addi %add3A_145, %add3A_196 : i32
          %dma_start3A_198 = arith.constant 2 : i32
          %dma_start3A_199 = arith.constant 0 : i32
          %dma_start3A_200 = arith.constant 0 : i32
          %dma_start3A_201 = tpu.memref_slice %arg8[%dma_start3A_198, %dma_start3A_199, %dma_start3A_200] : memref<4x128x16xf32, #tpu.memory_space<vmem>> -> memref<1x128x16xf32, #tpu.memory_space<vmem>>
          %dma_start3A_202 = tpu.memref_squeeze %dma_start3A_201 : memref<1x128x16xf32, #tpu.memory_space<vmem>> -> memref<128x16xf32, #tpu.memory_space<vmem>>
          %dma_start3A_203 = arith.constant 0 : i32
          %dma_start3A_204 = tpu.memref_slice %arg6[%add3A_197, %dma_start3A_203] : memref<52x128xi32, #tpu.memory_space<vmem>> -> memref<1x128xi32, #tpu.memory_space<vmem>>
          %dma_start3A_205 = tpu.memref_squeeze %dma_start3A_204 : memref<1x128xi32, #tpu.memory_space<vmem>> -> memref<128xi32, #tpu.memory_space<vmem>>
          %dma_start3A_206 = arith.constant 0 : i32
          %dma_start3A_207 = arith.constant 0 : i32
          %dma_start3A_208 = tpu.memref_slice %arg2[%dma_start3A_206, %dma_start3A_207] : memref<10000x16xf32, #tpu.memory_space<hbm>> -> memref<10000x16xf32, #tpu.memory_space<hbm>>
          tpu.enqueue_indirect_dma source(%dma_start3A_208 : memref<10000x16xf32, #tpu.memory_space<hbm>>) target(%dma_start3A_202 : memref<128x16xf32, #tpu.memory_space<vmem>>) offsets(%dma_start3A_205 : memref<128xi32, #tpu.memory_space<vmem>>) semaphore(%arg10 : memref<!tpu.dma_semaphore, #tpu.memory_space<semaphore_mem>>)
        } else {
        }
        %mul3A_169 = arith.constant 4 : i32
        %mul3A_170 = arith.muli %mul3A_169, %scan3A_90 : i32
        %add3A_171 = arith.constant 3 : i32
        %add3A_172 = arith.addi %mul3A_170, %add3A_171 : i32
        %dma_wait3A_173 = arith.constant 0 : i32
        %dma_wait3A_174 = arith.constant 0 : i32
        %dma_wait3A_175 = arith.constant 0 : i32
        %dma_wait3A_176 = tpu.memref_slice %arg8[%dma_wait3A_173, %dma_wait3A_174, %dma_wait3A_175] : memref<4x128x16xf32, #tpu.memory_space<vmem>> -> memref<1x128x16xf32, #tpu.memory_space<vmem>>
        %dma_wait3A_177 = tpu.memref_squeeze %dma_wait3A_176 : memref<1x128x16xf32, #tpu.memory_space<vmem>> -> memref<128x16xf32, #tpu.memory_space<vmem>>
        %dma_wait3A_178 = arith.constant 0 : i32
        %dma_wait3A_179 = arith.constant 0 : i32
        %dma_wait3A_180 = tpu.memref_slice %arg2[%dma_wait3A_178, %dma_wait3A_179] : memref<10000x16xf32, #tpu.memory_space<hbm>> -> memref<128x16xf32, #tpu.memory_space<hbm>>
        %dma_wait3A_181 = arith.constant 0 : i32
        %dma_wait3A_182 = arith.constant 0 : i32
        %dma_wait3A_183 = tpu.memref_slice %arg8[%dma_wait3A_173, %dma_wait3A_181, %dma_wait3A_182] : memref<4x128x16xf32, #tpu.memory_space<vmem>> -> memref<1x128x16xf32, #tpu.memory_space<vmem>>
        %dma_wait3A_184 = tpu.memref_squeeze %dma_wait3A_183 : memref<1x128x16xf32, #tpu.memory_space<vmem>> -> memref<128x16xf32, #tpu.memory_space<vmem>>
        %dma_wait3A_185 = arith.constant 0 : i32
        %dma_wait3A_186 = arith.constant 0 : i32
        %dma_wait3A_187 = tpu.memref_slice %arg2[%dma_wait3A_185, %dma_wait3A_186] : memref<10000x16xf32, #tpu.memory_space<hbm>> -> memref<128x16xf32, #tpu.memory_space<hbm>>
        tpu.wait_dma2 semaphore(%arg10 : memref<!tpu.dma_semaphore, #tpu.memory_space<semaphore_mem>>) src(%dma_wait3A_187 : memref<128x16xf32, #tpu.memory_space<hbm>>) dst(%dma_wait3A_184 : memref<128x16xf32, #tpu.memory_space<vmem>>)
        %run_scoped3A_188 = arith.constant 3 : i32
        "tpu.region"() ({
          %run_scoped3A_196 = tpu.sem_alloc : memref<!tpu.dma_semaphore, #tpu.memory_space<semaphore_mem>>
          %dma_start3A_197 = arith.constant 0 : i32
          %dma_start3A_198 = arith.constant 0 : i32
          %dma_start3A_199 = tpu.memref_slice %arg8[%run_scoped3A_188, %dma_start3A_197, %dma_start3A_198] : memref<4x128x16xf32, #tpu.memory_space<vmem>> -> memref<1x128x16xf32, #tpu.memory_space<vmem>>
          %dma_start3A_200 = tpu.memref_squeeze %dma_start3A_199 : memref<1x128x16xf32, #tpu.memory_space<vmem>> -> memref<128x16xf32, #tpu.memory_space<vmem>>
          %dma_start3A_201 = arith.constant 0 : i32
          %dma_start3A_202 = tpu.memref_slice %arg7[%add3A_172, %dma_start3A_201] : memref<52x128xi32, #tpu.memory_space<vmem>> -> memref<1x128xi32, #tpu.memory_space<vmem>>
          %dma_start3A_203 = tpu.memref_squeeze %dma_start3A_202 : memref<1x128xi32, #tpu.memory_space<vmem>> -> memref<128xi32, #tpu.memory_space<vmem>>
          %dma_start3A_204 = arith.constant 0 : i32
          %dma_start3A_205 = arith.constant 0 : i32
          %dma_start3A_206 = tpu.memref_slice %arg9[%dma_start3A_204, %dma_start3A_205] : memref<10240x16xf32, #tpu.memory_space<vmem_shared>> -> memref<10240x16xf32, #tpu.memory_space<vmem_shared>>
          tpu.enqueue_indirect_dma source(%dma_start3A_200 : memref<128x16xf32, #tpu.memory_space<vmem>>) target(%dma_start3A_206 : memref<10240x16xf32, #tpu.memory_space<vmem_shared>>) offsets(%dma_start3A_203 : memref<128xi32, #tpu.memory_space<vmem>>) semaphore(%run_scoped3A_196 : memref<!tpu.dma_semaphore, #tpu.memory_space<semaphore_mem>>) {add = true}
          %dma_wait3A_207 = arith.constant 0 : i32
          %dma_wait3A_208 = arith.constant 0 : i32
          %dma_wait3A_209 = tpu.memref_slice %arg8[%run_scoped3A_188, %dma_wait3A_207, %dma_wait3A_208] : memref<4x128x16xf32, #tpu.memory_space<vmem>> -> memref<1x128x16xf32, #tpu.memory_space<vmem>>
          %dma_wait3A_210 = tpu.memref_squeeze %dma_wait3A_209 : memref<1x128x16xf32, #tpu.memory_space<vmem>> -> memref<128x16xf32, #tpu.memory_space<vmem>>
          %dma_wait3A_211 = arith.constant 0 : i32
          %dma_wait3A_212 = tpu.memref_slice %arg7[%add3A_172, %dma_wait3A_211] : memref<52x128xi32, #tpu.memory_space<vmem>> -> memref<1x128xi32, #tpu.memory_space<vmem>>
          %dma_wait3A_213 = tpu.memref_squeeze %dma_wait3A_212 : memref<1x128xi32, #tpu.memory_space<vmem>> -> memref<128xi32, #tpu.memory_space<vmem>>
          %dma_wait3A_214 = arith.constant 0 : i32
          %dma_wait3A_215 = arith.constant 0 : i32
          %dma_wait3A_216 = tpu.memref_slice %arg9[%dma_wait3A_214, %dma_wait3A_215] : memref<10240x16xf32, #tpu.memory_space<vmem_shared>> -> memref<10240x16xf32, #tpu.memory_space<vmem_shared>>
          tpu.wait_indirect_dma semaphore(%run_scoped3A_196 : memref<!tpu.dma_semaphore, #tpu.memory_space<semaphore_mem>>) src(%dma_wait3A_210 : memref<128x16xf32, #tpu.memory_space<vmem>>) dst(%dma_wait3A_216 : memref<10240x16xf32, #tpu.memory_space<vmem_shared>>)
          tpu.yield
        }) : () -> ()
        %add3A_189 = arith.constant 4 : i32
        %add3A_190 = arith.addi %add3A_172, %add3A_189 : i32
        %lt3A_191 = arith.constant 28 : i32
        %lt3A_192 = arith.cmpi slt, %add3A_190, %lt3A_191 : i32
        %convert_element_type3A_193 = arith.extui %lt3A_192 : i1 to i32
        %cond3A_194 = arith.constant 0 : i32
        %cond3A_195 = arith.cmpi ne, %convert_element_type3A_193, %cond3A_194 : i32
        scf.if %cond3A_195 {
          %add3A_196 = arith.constant 4 : i32
          %add3A_197 = arith.addi %add3A_172, %add3A_196 : i32
          %dma_start3A_198 = arith.constant 3 : i32
          %dma_start3A_199 = arith.constant 0 : i32
          %dma_start3A_200 = arith.constant 0 : i32
          %dma_start3A_201 = tpu.memref_slice %arg8[%dma_start3A_198, %dma_start3A_199, %dma_start3A_200] : memref<4x128x16xf32, #tpu.memory_space<vmem>> -> memref<1x128x16xf32, #tpu.memory_space<vmem>>
          %dma_start3A_202 = tpu.memref_squeeze %dma_start3A_201 : memref<1x128x16xf32, #tpu.memory_space<vmem>> -> memref<128x16xf32, #tpu.memory_space<vmem>>
          %dma_start3A_203 = arith.constant 0 : i32
          %dma_start3A_204 = tpu.memref_slice %arg6[%add3A_197, %dma_start3A_203] : memref<52x128xi32, #tpu.memory_space<vmem>> -> memref<1x128xi32, #tpu.memory_space<vmem>>
          %dma_start3A_205 = tpu.memref_squeeze %dma_start3A_204 : memref<1x128xi32, #tpu.memory_space<vmem>> -> memref<128xi32, #tpu.memory_space<vmem>>
          %dma_start3A_206 = arith.constant 0 : i32
          %dma_start3A_207 = arith.constant 0 : i32
          %dma_start3A_208 = tpu.memref_slice %arg2[%dma_start3A_206, %dma_start3A_207] : memref<10000x16xf32, #tpu.memory_space<hbm>> -> memref<10000x16xf32, #tpu.memory_space<hbm>>
          tpu.enqueue_indirect_dma source(%dma_start3A_208 : memref<10000x16xf32, #tpu.memory_space<hbm>>) target(%dma_start3A_202 : memref<128x16xf32, #tpu.memory_space<vmem>>) offsets(%dma_start3A_205 : memref<128xi32, #tpu.memory_space<vmem>>) semaphore(%arg10 : memref<!tpu.dma_semaphore, #tpu.memory_space<semaphore_mem>>)
        } else {
        }
      }
      %scan3A_89 = arith.constant 7 : i32
    } else {
    }
    %barrier3A_27 = arith.constant 0 : index
    tpu.barrier barrier_id(%barrier3A_27)
    %lt3A_28 = arith.constant 15 : i32
    %lt3A_29 = arith.cmpi slt, %arg1, %lt3A_28 : i32
    %convert_element_type3A_30 = arith.extui %lt3A_29 : i1 to i32
    %cond3A_31 = arith.constant 0 : i32
    %cond3A_32 = arith.cmpi ne, %convert_element_type3A_30, %cond3A_31 : i32
    scf.if %cond3A_32 {
      "tpu.region"() ({
        %run_scoped3A = tpu.sem_alloc : memref<!tpu.dma_semaphore, #tpu.memory_space<semaphore_mem>>
        %dma_start3A = arith.constant 0 : i32
        %dma_start3A_38 = tpu.memref_slice %arg5[%arg0, %mul3A_0, %dma_start3A] : memref<2x10000x16xf32, #tpu.memory_space<hbm>> -> memref<1x640x16xf32, #tpu.memory_space<hbm>>
        %dma_start3A_39 = tpu.memref_squeeze %dma_start3A_38 : memref<1x640x16xf32, #tpu.memory_space<hbm>> -> memref<640x16xf32, #tpu.memory_space<hbm>>
        %dma_start3A_40 = arith.constant 0 : i32
        %dma_start3A_41 = tpu.memref_slice %arg9[%mul3A_0, %dma_start3A_40] : memref<10240x16xf32, #tpu.memory_space<vmem_shared>> -> memref<640x16xf32, #tpu.memory_space<vmem_shared>>
        tpu.enqueue_dma source(%dma_start3A_41 : memref<640x16xf32, #tpu.memory_space<vmem_shared>>) target(%dma_start3A_39 : memref<640x16xf32, #tpu.memory_space<hbm>>) target_semaphore(%run_scoped3A : memref<!tpu.dma_semaphore, #tpu.memory_space<semaphore_mem>>)
        %dma_wait3A = arith.constant 0 : i32
        %dma_wait3A_42 = tpu.memref_slice %arg5[%arg0, %mul3A_0, %dma_wait3A] : memref<2x10000x16xf32, #tpu.memory_space<hbm>> -> memref<1x640x16xf32, #tpu.memory_space<hbm>>
        %dma_wait3A_43 = tpu.memref_squeeze %dma_wait3A_42 : memref<1x640x16xf32, #tpu.memory_space<hbm>> -> memref<640x16xf32, #tpu.memory_space<hbm>>
        %dma_wait3A_44 = arith.constant 0 : i32
        %dma_wait3A_45 = tpu.memref_slice %arg9[%mul3A_0, %dma_wait3A_44] : memref<10240x16xf32, #tpu.memory_space<vmem_shared>> -> memref<640x16xf32, #tpu.memory_space<vmem_shared>>
        tpu.wait_dma2 semaphore(%run_scoped3A : memref<!tpu.dma_semaphore, #tpu.memory_space<semaphore_mem>>) src(%dma_wait3A_45 : memref<640x16xf32, #tpu.memory_space<vmem_shared>>) dst(%dma_wait3A_43 : memref<640x16xf32, #tpu.memory_space<hbm>>)
        tpu.yield
      }) : () -> ()
    } else {
    }
    %eq3A_33 = arith.constant 15 : i32
    %eq3A_34 = arith.cmpi eq, %arg1, %eq3A_33 : i32
    %convert_element_type3A_35 = arith.extui %eq3A_34 : i1 to i32
    %cond3A_36 = arith.constant 0 : i32
    %cond3A_37 = arith.cmpi ne, %convert_element_type3A_35, %cond3A_36 : i32
    scf.if %cond3A_37 {
      "tpu.region"() ({
        %run_scoped3A = tpu.sem_alloc : memref<!tpu.dma_semaphore, #tpu.memory_space<semaphore_mem>>
        %dma_start3A = arith.constant 0 : i32
        %dma_start3A_38 = tpu.memref_slice %arg5[%arg0, %mul3A_0, %dma_start3A] : memref<2x10000x16xf32, #tpu.memory_space<hbm>> -> memref<1x400x16xf32, #tpu.memory_space<hbm>>
        %dma_start3A_39 = tpu.memref_squeeze %dma_start3A_38 : memref<1x400x16xf32, #tpu.memory_space<hbm>> -> memref<400x16xf32, #tpu.memory_space<hbm>>
        %dma_start3A_40 = arith.constant 0 : i32
        %dma_start3A_41 = tpu.memref_slice %arg9[%mul3A_0, %dma_start3A_40] : memref<10240x16xf32, #tpu.memory_space<vmem_shared>> -> memref<400x16xf32, #tpu.memory_space<vmem_shared>>
        tpu.enqueue_dma source(%dma_start3A_41 : memref<400x16xf32, #tpu.memory_space<vmem_shared>>) target(%dma_start3A_39 : memref<400x16xf32, #tpu.memory_space<hbm>>) target_semaphore(%run_scoped3A : memref<!tpu.dma_semaphore, #tpu.memory_space<semaphore_mem>>)
        %dma_wait3A = arith.constant 0 : i32
        %dma_wait3A_42 = tpu.memref_slice %arg5[%arg0, %mul3A_0, %dma_wait3A] : memref<2x10000x16xf32, #tpu.memory_space<hbm>> -> memref<1x400x16xf32, #tpu.memory_space<hbm>>
        %dma_wait3A_43 = tpu.memref_squeeze %dma_wait3A_42 : memref<1x400x16xf32, #tpu.memory_space<hbm>> -> memref<400x16xf32, #tpu.memory_space<hbm>>
        %dma_wait3A_44 = arith.constant 0 : i32
        %dma_wait3A_45 = tpu.memref_slice %arg9[%mul3A_0, %dma_wait3A_44] : memref<10240x16xf32, #tpu.memory_space<vmem_shared>> -> memref<400x16xf32, #tpu.memory_space<vmem_shared>>
        tpu.wait_dma2 semaphore(%run_scoped3A : memref<!tpu.dma_semaphore, #tpu.memory_space<semaphore_mem>>) src(%dma_wait3A_45 : memref<400x16xf32, #tpu.memory_space<vmem_shared>>) dst(%dma_wait3A_43 : memref<400x16xf32, #tpu.memory_space<hbm>>)
        tpu.yield
      }) : () -> ()
    } else {
    }
    return
  }
}

#map = affine_map<(d0, d1) -> (0, 0)>
module attributes {stable_mosaic.version = 14 : i64} {
  func.func @deg_kernel(%arg0: i32, %arg1: i32, %arg2: memref<1280x128xi32, #tpu.memory_space<hbm>>, %arg3: memref<2x10000xf32, #tpu.memory_space<hbm>>, %arg4: memref<52x128xi32, #tpu.memory_space<vmem>>, %arg5: memref<128xf32, #tpu.memory_space<vmem>>, %arg6: memref<128xf32, #tpu.memory_space<vmem>>, %arg7: memref<10240xf32, #tpu.memory_space<vmem_shared>>, %arg8: memref<!tpu.dma_semaphore, #tpu.memory_space<semaphore_mem>>) attributes {dimension_semantics = [#tpu.dimension_semantics<core_parallel>, #tpu.dimension_semantics<subcore_parallel>], iteration_bounds = array<i64: 2, 16>, scalar_prefetch = 0 : i64, scratch_operands = 5 : i64, tpu.core_type = #tpu.core_type<sc_vector_subcore>, window_params = [{transform_indices = #map}, {transform_indices = #map}]} {
    %broadcast_in_dim3A = arith.constant 1.000000e+00 : f32
    %broadcast_in_dim3A_0 = vector.broadcast %broadcast_in_dim3A : f32 to vector<16xf32>
    %swap3A = arith.constant 0 : index
    %swap3A_1 = tpu.vector_load %arg5[%swap3A] {strides = array<i32>} : memref<128xf32, #tpu.memory_space<vmem>>, vector<16xf32>,
    %swap3A_2 = vector.shape_cast %swap3A_1 : vector<16xf32> to vector<16xf32>
    %swap3A_3 = vector.shape_cast %broadcast_in_dim3A_0 : vector<16xf32> to vector<16xf32>
    tpu.vector_store %arg5[%swap3A], %swap3A_3 {strides = array<i32>} : memref<128xf32, #tpu.memory_space<vmem>>, vector<16xf32>,
    %broadcast_in_dim3A_4 = arith.constant 0.000000e+00 : f32
    %broadcast_in_dim3A_5 = vector.broadcast %broadcast_in_dim3A_4 : f32 to vector<16xf32>
    %swap3A_6 = arith.constant 0 : index
    %swap3A_7 = tpu.vector_load %arg6[%swap3A_6] {strides = array<i32>} : memref<128xf32, #tpu.memory_space<vmem>>, vector<16xf32>,
    %swap3A_8 = vector.shape_cast %swap3A_7 : vector<16xf32> to vector<16xf32>
    %swap3A_9 = vector.shape_cast %broadcast_in_dim3A_5 : vector<16xf32> to vector<16xf32>
    tpu.vector_store %arg6[%swap3A_6], %swap3A_9 {strides = array<i32>} : memref<128xf32, #tpu.memory_space<vmem>>, vector<16xf32>,
    %broadcast_in_dim3A_10 = arith.constant 1.000000e+00 : f32
    %broadcast_in_dim3A_11 = vector.broadcast %broadcast_in_dim3A_10 : f32 to vector<16xf32>
    %swap3A_12 = arith.constant 16 : index
    %swap3A_13 = tpu.vector_load %arg5[%swap3A_12] {strides = array<i32>} : memref<128xf32, #tpu.memory_space<vmem>>, vector<16xf32>,
    %swap3A_14 = vector.shape_cast %swap3A_13 : vector<16xf32> to vector<16xf32>
    %swap3A_15 = vector.shape_cast %broadcast_in_dim3A_11 : vector<16xf32> to vector<16xf32>
    tpu.vector_store %arg5[%swap3A_12], %swap3A_15 {strides = array<i32>} : memref<128xf32, #tpu.memory_space<vmem>>, vector<16xf32>,
    %broadcast_in_dim3A_16 = arith.constant 0.000000e+00 : f32
    %broadcast_in_dim3A_17 = vector.broadcast %broadcast_in_dim3A_16 : f32 to vector<16xf32>
    %swap3A_18 = arith.constant 16 : index
    %swap3A_19 = tpu.vector_load %arg6[%swap3A_18] {strides = array<i32>} : memref<128xf32, #tpu.memory_space<vmem>>, vector<16xf32>,
    %swap3A_20 = vector.shape_cast %swap3A_19 : vector<16xf32> to vector<16xf32>
    %swap3A_21 = vector.shape_cast %broadcast_in_dim3A_17 : vector<16xf32> to vector<16xf32>
    tpu.vector_store %arg6[%swap3A_18], %swap3A_21 {strides = array<i32>} : memref<128xf32, #tpu.memory_space<vmem>>, vector<16xf32>,
    %broadcast_in_dim3A_22 = arith.constant 1.000000e+00 : f32
    %broadcast_in_dim3A_23 = vector.broadcast %broadcast_in_dim3A_22 : f32 to vector<16xf32>
    %swap3A_24 = arith.constant 32 : index
    %swap3A_25 = tpu.vector_load %arg5[%swap3A_24] {strides = array<i32>} : memref<128xf32, #tpu.memory_space<vmem>>, vector<16xf32>,
    %swap3A_26 = vector.shape_cast %swap3A_25 : vector<16xf32> to vector<16xf32>
    %swap3A_27 = vector.shape_cast %broadcast_in_dim3A_23 : vector<16xf32> to vector<16xf32>
    tpu.vector_store %arg5[%swap3A_24], %swap3A_27 {strides = array<i32>} : memref<128xf32, #tpu.memory_space<vmem>>, vector<16xf32>,
    %broadcast_in_dim3A_28 = arith.constant 0.000000e+00 : f32
    %broadcast_in_dim3A_29 = vector.broadcast %broadcast_in_dim3A_28 : f32 to vector<16xf32>
    %swap3A_30 = arith.constant 32 : index
    %swap3A_31 = tpu.vector_load %arg6[%swap3A_30] {strides = array<i32>} : memref<128xf32, #tpu.memory_space<vmem>>, vector<16xf32>,
    %swap3A_32 = vector.shape_cast %swap3A_31 : vector<16xf32> to vector<16xf32>
    %swap3A_33 = vector.shape_cast %broadcast_in_dim3A_29 : vector<16xf32> to vector<16xf32>
    tpu.vector_store %arg6[%swap3A_30], %swap3A_33 {strides = array<i32>} : memref<128xf32, #tpu.memory_space<vmem>>, vector<16xf32>,
    %broadcast_in_dim3A_34 = arith.constant 1.000000e+00 : f32
    %broadcast_in_dim3A_35 = vector.broadcast %broadcast_in_dim3A_34 : f32 to vector<16xf32>
    %swap3A_36 = arith.constant 48 : index
    %swap3A_37 = tpu.vector_load %arg5[%swap3A_36] {strides = array<i32>} : memref<128xf32, #tpu.memory_space<vmem>>, vector<16xf32>,
    %swap3A_38 = vector.shape_cast %swap3A_37 : vector<16xf32> to vector<16xf32>
    %swap3A_39 = vector.shape_cast %broadcast_in_dim3A_35 : vector<16xf32> to vector<16xf32>
    tpu.vector_store %arg5[%swap3A_36], %swap3A_39 {strides = array<i32>} : memref<128xf32, #tpu.memory_space<vmem>>, vector<16xf32>,
    %broadcast_in_dim3A_40 = arith.constant 0.000000e+00 : f32
    %broadcast_in_dim3A_41 = vector.broadcast %broadcast_in_dim3A_40 : f32 to vector<16xf32>
    %swap3A_42 = arith.constant 48 : index
    %swap3A_43 = tpu.vector_load %arg6[%swap3A_42] {strides = array<i32>} : memref<128xf32, #tpu.memory_space<vmem>>, vector<16xf32>,
    %swap3A_44 = vector.shape_cast %swap3A_43 : vector<16xf32> to vector<16xf32>
    %swap3A_45 = vector.shape_cast %broadcast_in_dim3A_41 : vector<16xf32> to vector<16xf32>
    tpu.vector_store %arg6[%swap3A_42], %swap3A_45 {strides = array<i32>} : memref<128xf32, #tpu.memory_space<vmem>>, vector<16xf32>,
    %broadcast_in_dim3A_46 = arith.constant 1.000000e+00 : f32
    %broadcast_in_dim3A_47 = vector.broadcast %broadcast_in_dim3A_46 : f32 to vector<16xf32>
    %swap3A_48 = arith.constant 64 : index
    %swap3A_49 = tpu.vector_load %arg5[%swap3A_48] {strides = array<i32>} : memref<128xf32, #tpu.memory_space<vmem>>, vector<16xf32>,
    %swap3A_50 = vector.shape_cast %swap3A_49 : vector<16xf32> to vector<16xf32>
    %swap3A_51 = vector.shape_cast %broadcast_in_dim3A_47 : vector<16xf32> to vector<16xf32>
    tpu.vector_store %arg5[%swap3A_48], %swap3A_51 {strides = array<i32>} : memref<128xf32, #tpu.memory_space<vmem>>, vector<16xf32>,
    %broadcast_in_dim3A_52 = arith.constant 0.000000e+00 : f32
    %broadcast_in_dim3A_53 = vector.broadcast %broadcast_in_dim3A_52 : f32 to vector<16xf32>
    %swap3A_54 = arith.constant 64 : index
    %swap3A_55 = tpu.vector_load %arg6[%swap3A_54] {strides = array<i32>} : memref<128xf32, #tpu.memory_space<vmem>>, vector<16xf32>,
    %swap3A_56 = vector.shape_cast %swap3A_55 : vector<16xf32> to vector<16xf32>
    %swap3A_57 = vector.shape_cast %broadcast_in_dim3A_53 : vector<16xf32> to vector<16xf32>
    tpu.vector_store %arg6[%swap3A_54], %swap3A_57 {strides = array<i32>} : memref<128xf32, #tpu.memory_space<vmem>>, vector<16xf32>,
    %broadcast_in_dim3A_58 = arith.constant 1.000000e+00 : f32
    %broadcast_in_dim3A_59 = vector.broadcast %broadcast_in_dim3A_58 : f32 to vector<16xf32>
    %swap3A_60 = arith.constant 80 : index
    %swap3A_61 = tpu.vector_load %arg5[%swap3A_60] {strides = array<i32>} : memref<128xf32, #tpu.memory_space<vmem>>, vector<16xf32>,
    %swap3A_62 = vector.shape_cast %swap3A_61 : vector<16xf32> to vector<16xf32>
    %swap3A_63 = vector.shape_cast %broadcast_in_dim3A_59 : vector<16xf32> to vector<16xf32>
    tpu.vector_store %arg5[%swap3A_60], %swap3A_63 {strides = array<i32>} : memref<128xf32, #tpu.memory_space<vmem>>, vector<16xf32>,
    %broadcast_in_dim3A_64 = arith.constant 0.000000e+00 : f32
    %broadcast_in_dim3A_65 = vector.broadcast %broadcast_in_dim3A_64 : f32 to vector<16xf32>
    %swap3A_66 = arith.constant 80 : index
    %swap3A_67 = tpu.vector_load %arg6[%swap3A_66] {strides = array<i32>} : memref<128xf32, #tpu.memory_space<vmem>>, vector<16xf32>,
    %swap3A_68 = vector.shape_cast %swap3A_67 : vector<16xf32> to vector<16xf32>
    %swap3A_69 = vector.shape_cast %broadcast_in_dim3A_65 : vector<16xf32> to vector<16xf32>
    tpu.vector_store %arg6[%swap3A_66], %swap3A_69 {strides = array<i32>} : memref<128xf32, #tpu.memory_space<vmem>>, vector<16xf32>,
    %broadcast_in_dim3A_70 = arith.constant 1.000000e+00 : f32
    %broadcast_in_dim3A_71 = vector.broadcast %broadcast_in_dim3A_70 : f32 to vector<16xf32>
    %swap3A_72 = arith.constant 96 : index
    %swap3A_73 = tpu.vector_load %arg5[%swap3A_72] {strides = array<i32>} : memref<128xf32, #tpu.memory_space<vmem>>, vector<16xf32>,
    %swap3A_74 = vector.shape_cast %swap3A_73 : vector<16xf32> to vector<16xf32>
    %swap3A_75 = vector.shape_cast %broadcast_in_dim3A_71 : vector<16xf32> to vector<16xf32>
    tpu.vector_store %arg5[%swap3A_72], %swap3A_75 {strides = array<i32>} : memref<128xf32, #tpu.memory_space<vmem>>, vector<16xf32>,
    %broadcast_in_dim3A_76 = arith.constant 0.000000e+00 : f32
    %broadcast_in_dim3A_77 = vector.broadcast %broadcast_in_dim3A_76 : f32 to vector<16xf32>
    %swap3A_78 = arith.constant 96 : index
    %swap3A_79 = tpu.vector_load %arg6[%swap3A_78] {strides = array<i32>} : memref<128xf32, #tpu.memory_space<vmem>>, vector<16xf32>,
    %swap3A_80 = vector.shape_cast %swap3A_79 : vector<16xf32> to vector<16xf32>
    %swap3A_81 = vector.shape_cast %broadcast_in_dim3A_77 : vector<16xf32> to vector<16xf32>
    tpu.vector_store %arg6[%swap3A_78], %swap3A_81 {strides = array<i32>} : memref<128xf32, #tpu.memory_space<vmem>>, vector<16xf32>,
    %broadcast_in_dim3A_82 = arith.constant 1.000000e+00 : f32
    %broadcast_in_dim3A_83 = vector.broadcast %broadcast_in_dim3A_82 : f32 to vector<16xf32>
    %swap3A_84 = arith.constant 112 : index
    %swap3A_85 = tpu.vector_load %arg5[%swap3A_84] {strides = array<i32>} : memref<128xf32, #tpu.memory_space<vmem>>, vector<16xf32>,
    %swap3A_86 = vector.shape_cast %swap3A_85 : vector<16xf32> to vector<16xf32>
    %swap3A_87 = vector.shape_cast %broadcast_in_dim3A_83 : vector<16xf32> to vector<16xf32>
    tpu.vector_store %arg5[%swap3A_84], %swap3A_87 {strides = array<i32>} : memref<128xf32, #tpu.memory_space<vmem>>, vector<16xf32>,
    %broadcast_in_dim3A_88 = arith.constant 0.000000e+00 : f32
    %broadcast_in_dim3A_89 = vector.broadcast %broadcast_in_dim3A_88 : f32 to vector<16xf32>
    %swap3A_90 = arith.constant 112 : index
    %swap3A_91 = tpu.vector_load %arg6[%swap3A_90] {strides = array<i32>} : memref<128xf32, #tpu.memory_space<vmem>>, vector<16xf32>,
    %swap3A_92 = vector.shape_cast %swap3A_91 : vector<16xf32> to vector<16xf32>
    %swap3A_93 = vector.shape_cast %broadcast_in_dim3A_89 : vector<16xf32> to vector<16xf32>
    tpu.vector_store %arg6[%swap3A_90], %swap3A_93 {strides = array<i32>} : memref<128xf32, #tpu.memory_space<vmem>>, vector<16xf32>,
    %mul3A = arith.constant 640 : i32
    %mul3A_94 = arith.muli %arg1, %mul3A : i32
    %add3A = arith.constant 0 : i32
    %add3A_95 = arith.addi %mul3A_94, %add3A : i32
    "tpu.region"() ({
      %run_scoped3A = tpu.sem_alloc : memref<!tpu.dma_semaphore, #tpu.memory_space<semaphore_mem>>
      %dma_start3A = tpu.memref_slice %arg7[%add3A_95] : memref<10240xf32, #tpu.memory_space<vmem_shared>> -> memref<128xf32, #tpu.memory_space<vmem_shared>>
      %dma_start3A_131 = tpu.memref_slice %arg7[%add3A_95] : memref<10240xf32, #tpu.memory_space<vmem_shared>> -> memref<128xf32, #tpu.memory_space<vmem_shared>>
      tpu.enqueue_dma source(%arg6 : memref<128xf32, #tpu.memory_space<vmem>>) target(%dma_start3A_131 : memref<128xf32, #tpu.memory_space<vmem_shared>>) target_semaphore(%run_scoped3A : memref<!tpu.dma_semaphore, #tpu.memory_space<semaphore_mem>>)
      %dma_wait3A = tpu.memref_slice %arg7[%add3A_95] : memref<10240xf32, #tpu.memory_space<vmem_shared>> -> memref<128xf32, #tpu.memory_space<vmem_shared>>
      %dma_wait3A_132 = tpu.memref_slice %arg7[%add3A_95] : memref<10240xf32, #tpu.memory_space<vmem_shared>> -> memref<128xf32, #tpu.memory_space<vmem_shared>>
      tpu.wait_dma2 semaphore(%run_scoped3A : memref<!tpu.dma_semaphore, #tpu.memory_space<semaphore_mem>>) src(%arg6 : memref<128xf32, #tpu.memory_space<vmem>>) dst(%dma_wait3A_132 : memref<128xf32, #tpu.memory_space<vmem_shared>>)
      tpu.yield
    }) : () -> ()
    %add3A_96 = arith.constant 128 : i32
    %add3A_97 = arith.addi %mul3A_94, %add3A_96 : i32
    "tpu.region"() ({
      %run_scoped3A = tpu.sem_alloc : memref<!tpu.dma_semaphore, #tpu.memory_space<semaphore_mem>>
      %dma_start3A = tpu.memref_slice %arg7[%add3A_97] : memref<10240xf32, #tpu.memory_space<vmem_shared>> -> memref<128xf32, #tpu.memory_space<vmem_shared>>
      %dma_start3A_131 = tpu.memref_slice %arg7[%add3A_97] : memref<10240xf32, #tpu.memory_space<vmem_shared>> -> memref<128xf32, #tpu.memory_space<vmem_shared>>
      tpu.enqueue_dma source(%arg6 : memref<128xf32, #tpu.memory_space<vmem>>) target(%dma_start3A_131 : memref<128xf32, #tpu.memory_space<vmem_shared>>) target_semaphore(%run_scoped3A : memref<!tpu.dma_semaphore, #tpu.memory_space<semaphore_mem>>)
      %dma_wait3A = tpu.memref_slice %arg7[%add3A_97] : memref<10240xf32, #tpu.memory_space<vmem_shared>> -> memref<128xf32, #tpu.memory_space<vmem_shared>>
      %dma_wait3A_132 = tpu.memref_slice %arg7[%add3A_97] : memref<10240xf32, #tpu.memory_space<vmem_shared>> -> memref<128xf32, #tpu.memory_space<vmem_shared>>
      tpu.wait_dma2 semaphore(%run_scoped3A : memref<!tpu.dma_semaphore, #tpu.memory_space<semaphore_mem>>) src(%arg6 : memref<128xf32, #tpu.memory_space<vmem>>) dst(%dma_wait3A_132 : memref<128xf32, #tpu.memory_space<vmem_shared>>)
      tpu.yield
    }) : () -> ()
    %add3A_98 = arith.constant 256 : i32
    %add3A_99 = arith.addi %mul3A_94, %add3A_98 : i32
    "tpu.region"() ({
      %run_scoped3A = tpu.sem_alloc : memref<!tpu.dma_semaphore, #tpu.memory_space<semaphore_mem>>
      %dma_start3A = tpu.memref_slice %arg7[%add3A_99] : memref<10240xf32, #tpu.memory_space<vmem_shared>> -> memref<128xf32, #tpu.memory_space<vmem_shared>>
      %dma_start3A_131 = tpu.memref_slice %arg7[%add3A_99] : memref<10240xf32, #tpu.memory_space<vmem_shared>> -> memref<128xf32, #tpu.memory_space<vmem_shared>>
      tpu.enqueue_dma source(%arg6 : memref<128xf32, #tpu.memory_space<vmem>>) target(%dma_start3A_131 : memref<128xf32, #tpu.memory_space<vmem_shared>>) target_semaphore(%run_scoped3A : memref<!tpu.dma_semaphore, #tpu.memory_space<semaphore_mem>>)
      %dma_wait3A = tpu.memref_slice %arg7[%add3A_99] : memref<10240xf32, #tpu.memory_space<vmem_shared>> -> memref<128xf32, #tpu.memory_space<vmem_shared>>
      %dma_wait3A_132 = tpu.memref_slice %arg7[%add3A_99] : memref<10240xf32, #tpu.memory_space<vmem_shared>> -> memref<128xf32, #tpu.memory_space<vmem_shared>>
      tpu.wait_dma2 semaphore(%run_scoped3A : memref<!tpu.dma_semaphore, #tpu.memory_space<semaphore_mem>>) src(%arg6 : memref<128xf32, #tpu.memory_space<vmem>>) dst(%dma_wait3A_132 : memref<128xf32, #tpu.memory_space<vmem_shared>>)
      tpu.yield
    }) : () -> ()
    %add3A_100 = arith.constant 384 : i32
    %add3A_101 = arith.addi %mul3A_94, %add3A_100 : i32
    "tpu.region"() ({
      %run_scoped3A = tpu.sem_alloc : memref<!tpu.dma_semaphore, #tpu.memory_space<semaphore_mem>>
      %dma_start3A = tpu.memref_slice %arg7[%add3A_101] : memref<10240xf32, #tpu.memory_space<vmem_shared>> -> memref<128xf32, #tpu.memory_space<vmem_shared>>
      %dma_start3A_131 = tpu.memref_slice %arg7[%add3A_101] : memref<10240xf32, #tpu.memory_space<vmem_shared>> -> memref<128xf32, #tpu.memory_space<vmem_shared>>
      tpu.enqueue_dma source(%arg6 : memref<128xf32, #tpu.memory_space<vmem>>) target(%dma_start3A_131 : memref<128xf32, #tpu.memory_space<vmem_shared>>) target_semaphore(%run_scoped3A : memref<!tpu.dma_semaphore, #tpu.memory_space<semaphore_mem>>)
      %dma_wait3A = tpu.memref_slice %arg7[%add3A_101] : memref<10240xf32, #tpu.memory_space<vmem_shared>> -> memref<128xf32, #tpu.memory_space<vmem_shared>>
      %dma_wait3A_132 = tpu.memref_slice %arg7[%add3A_101] : memref<10240xf32, #tpu.memory_space<vmem_shared>> -> memref<128xf32, #tpu.memory_space<vmem_shared>>
      tpu.wait_dma2 semaphore(%run_scoped3A : memref<!tpu.dma_semaphore, #tpu.memory_space<semaphore_mem>>) src(%arg6 : memref<128xf32, #tpu.memory_space<vmem>>) dst(%dma_wait3A_132 : memref<128xf32, #tpu.memory_space<vmem_shared>>)
      tpu.yield
    }) : () -> ()
    %add3A_102 = arith.constant 512 : i32
    %add3A_103 = arith.addi %mul3A_94, %add3A_102 : i32
    "tpu.region"() ({
      %run_scoped3A = tpu.sem_alloc : memref<!tpu.dma_semaphore, #tpu.memory_space<semaphore_mem>>
      %dma_start3A = tpu.memref_slice %arg7[%add3A_103] : memref<10240xf32, #tpu.memory_space<vmem_shared>> -> memref<128xf32, #tpu.memory_space<vmem_shared>>
      %dma_start3A_131 = tpu.memref_slice %arg7[%add3A_103] : memref<10240xf32, #tpu.memory_space<vmem_shared>> -> memref<128xf32, #tpu.memory_space<vmem_shared>>
      tpu.enqueue_dma source(%arg6 : memref<128xf32, #tpu.memory_space<vmem>>) target(%dma_start3A_131 : memref<128xf32, #tpu.memory_space<vmem_shared>>) target_semaphore(%run_scoped3A : memref<!tpu.dma_semaphore, #tpu.memory_space<semaphore_mem>>)
      %dma_wait3A = tpu.memref_slice %arg7[%add3A_103] : memref<10240xf32, #tpu.memory_space<vmem_shared>> -> memref<128xf32, #tpu.memory_space<vmem_shared>>
      %dma_wait3A_132 = tpu.memref_slice %arg7[%add3A_103] : memref<10240xf32, #tpu.memory_space<vmem_shared>> -> memref<128xf32, #tpu.memory_space<vmem_shared>>
      tpu.wait_dma2 semaphore(%run_scoped3A : memref<!tpu.dma_semaphore, #tpu.memory_space<semaphore_mem>>) src(%arg6 : memref<128xf32, #tpu.memory_space<vmem>>) dst(%dma_wait3A_132 : memref<128xf32, #tpu.memory_space<vmem_shared>>)
      tpu.yield
    }) : () -> ()
    %eq3A = arith.constant 0 : i32
    %eq3A_104 = arith.cmpi eq, %arg0, %eq3A : i32
    %convert_element_type3A = arith.extui %eq3A_104 : i1 to i32
    %cond3A = arith.constant 0 : i32
    %cond3A_105 = arith.cmpi ne, %convert_element_type3A, %cond3A : i32
    scf.if %cond3A_105 {
      %mul3A_131 = arith.constant 52 : i32
      %mul3A_132 = arith.muli %arg1, %mul3A_131 : i32
      "tpu.region"() ({
        %run_scoped3A = tpu.sem_alloc : memref<!tpu.dma_semaphore, #tpu.memory_space<semaphore_mem>>
        %dma_start3A = arith.constant 0 : i32
        %dma_start3A_133 = arith.constant 0 : i32
        %dma_start3A_134 = tpu.memref_slice %arg4[%dma_start3A, %dma_start3A_133] : memref<52x128xi32, #tpu.memory_space<vmem>> -> memref<52x128xi32, #tpu.memory_space<vmem>>
        %dma_start3A_135 = arith.constant 0 : i32
        %dma_start3A_136 = tpu.memref_slice %arg2[%mul3A_132, %dma_start3A_135] : memref<1280x128xi32, #tpu.memory_space<hbm>> -> memref<52x128xi32, #tpu.memory_space<hbm>>
        %dma_start3A_137 = arith.constant 0 : i32
        %dma_start3A_138 = arith.constant 0 : i32
        %dma_start3A_139 = tpu.memref_slice %arg4[%dma_start3A_137, %dma_start3A_138] : memref<52x128xi32, #tpu.memory_space<vmem>> -> memref<52x128xi32, #tpu.memory_space<vmem>>
        %dma_start3A_140 = arith.constant 0 : i32
        %dma_start3A_141 = tpu.memref_slice %arg2[%mul3A_132, %dma_start3A_140] : memref<1280x128xi32, #tpu.memory_space<hbm>> -> memref<52x128xi32, #tpu.memory_space<hbm>>
        tpu.enqueue_dma source(%dma_start3A_141 : memref<52x128xi32, #tpu.memory_space<hbm>>) target(%dma_start3A_139 : memref<52x128xi32, #tpu.memory_space<vmem>>) target_semaphore(%run_scoped3A : memref<!tpu.dma_semaphore, #tpu.memory_space<semaphore_mem>>)
        %dma_wait3A = arith.constant 0 : i32
        %dma_wait3A_142 = arith.constant 0 : i32
        %dma_wait3A_143 = tpu.memref_slice %arg4[%dma_wait3A, %dma_wait3A_142] : memref<52x128xi32, #tpu.memory_space<vmem>> -> memref<52x128xi32, #tpu.memory_space<vmem>>
        %dma_wait3A_144 = arith.constant 0 : i32
        %dma_wait3A_145 = tpu.memref_slice %arg2[%mul3A_132, %dma_wait3A_144] : memref<1280x128xi32, #tpu.memory_space<hbm>> -> memref<52x128xi32, #tpu.memory_space<hbm>>
        %dma_wait3A_146 = arith.constant 0 : i32
        %dma_wait3A_147 = arith.constant 0 : i32
        %dma_wait3A_148 = tpu.memref_slice %arg4[%dma_wait3A_146, %dma_wait3A_147] : memref<52x128xi32, #tpu.memory_space<vmem>> -> memref<52x128xi32, #tpu.memory_space<vmem>>
        %dma_wait3A_149 = arith.constant 0 : i32
        %dma_wait3A_150 = tpu.memref_slice %arg2[%mul3A_132, %dma_wait3A_149] : memref<1280x128xi32, #tpu.memory_space<hbm>> -> memref<52x128xi32, #tpu.memory_space<hbm>>
        tpu.wait_dma2 semaphore(%run_scoped3A : memref<!tpu.dma_semaphore, #tpu.memory_space<semaphore_mem>>) src(%dma_wait3A_150 : memref<52x128xi32, #tpu.memory_space<hbm>>) dst(%dma_wait3A_148 : memref<52x128xi32, #tpu.memory_space<vmem>>)
        tpu.yield
      }) : () -> ()
    } else {
    }
    %eq3A_106 = arith.constant 1 : i32
    %eq3A_107 = arith.cmpi eq, %arg0, %eq3A_106 : i32
    %convert_element_type3A_108 = arith.extui %eq3A_107 : i1 to i32
    %cond3A_109 = arith.constant 0 : i32
    %cond3A_110 = arith.cmpi ne, %convert_element_type3A_108, %cond3A_109 : i32
    scf.if %cond3A_110 {
      %mul3A_131 = arith.constant 28 : i32
      %mul3A_132 = arith.muli %arg1, %mul3A_131 : i32
      %add3A_133 = arith.constant 832 : i32
      %add3A_134 = arith.addi %add3A_133, %mul3A_132 : i32
      "tpu.region"() ({
        %run_scoped3A = tpu.sem_alloc : memref<!tpu.dma_semaphore, #tpu.memory_space<semaphore_mem>>
        %dma_start3A = arith.constant 0 : i32
        %dma_start3A_135 = arith.constant 0 : i32
        %dma_start3A_136 = tpu.memref_slice %arg4[%dma_start3A, %dma_start3A_135] : memref<52x128xi32, #tpu.memory_space<vmem>> -> memref<28x128xi32, #tpu.memory_space<vmem>>
        %dma_start3A_137 = arith.constant 0 : i32
        %dma_start3A_138 = tpu.memref_slice %arg2[%add3A_134, %dma_start3A_137] : memref<1280x128xi32, #tpu.memory_space<hbm>> -> memref<28x128xi32, #tpu.memory_space<hbm>>
        %dma_start3A_139 = arith.constant 0 : i32
        %dma_start3A_140 = arith.constant 0 : i32
        %dma_start3A_141 = tpu.memref_slice %arg4[%dma_start3A_139, %dma_start3A_140] : memref<52x128xi32, #tpu.memory_space<vmem>> -> memref<28x128xi32, #tpu.memory_space<vmem>>
        %dma_start3A_142 = arith.constant 0 : i32
        %dma_start3A_143 = tpu.memref_slice %arg2[%add3A_134, %dma_start3A_142] : memref<1280x128xi32, #tpu.memory_space<hbm>> -> memref<28x128xi32, #tpu.memory_space<hbm>>
        tpu.enqueue_dma source(%dma_start3A_143 : memref<28x128xi32, #tpu.memory_space<hbm>>) target(%dma_start3A_141 : memref<28x128xi32, #tpu.memory_space<vmem>>) target_semaphore(%run_scoped3A : memref<!tpu.dma_semaphore, #tpu.memory_space<semaphore_mem>>)
        %dma_wait3A = arith.constant 0 : i32
        %dma_wait3A_144 = arith.constant 0 : i32
        %dma_wait3A_145 = tpu.memref_slice %arg4[%dma_wait3A, %dma_wait3A_144] : memref<52x128xi32, #tpu.memory_space<vmem>> -> memref<28x128xi32, #tpu.memory_space<vmem>>
        %dma_wait3A_146 = arith.constant 0 : i32
        %dma_wait3A_147 = tpu.memref_slice %arg2[%add3A_134, %dma_wait3A_146] : memref<1280x128xi32, #tpu.memory_space<hbm>> -> memref<28x128xi32, #tpu.memory_space<hbm>>
        %dma_wait3A_148 = arith.constant 0 : i32
        %dma_wait3A_149 = arith.constant 0 : i32
        %dma_wait3A_150 = tpu.memref_slice %arg4[%dma_wait3A_148, %dma_wait3A_149] : memref<52x128xi32, #tpu.memory_space<vmem>> -> memref<28x128xi32, #tpu.memory_space<vmem>>
        %dma_wait3A_151 = arith.constant 0 : i32
        %dma_wait3A_152 = tpu.memref_slice %arg2[%add3A_134, %dma_wait3A_151] : memref<1280x128xi32, #tpu.memory_space<hbm>> -> memref<28x128xi32, #tpu.memory_space<hbm>>
        tpu.wait_dma2 semaphore(%run_scoped3A : memref<!tpu.dma_semaphore, #tpu.memory_space<semaphore_mem>>) src(%dma_wait3A_152 : memref<28x128xi32, #tpu.memory_space<hbm>>) dst(%dma_wait3A_150 : memref<28x128xi32, #tpu.memory_space<vmem>>)
        tpu.yield
      }) : () -> ()
    } else {
    }
    %barrier3A = arith.constant 0 : index
    tpu.barrier barrier_id(%barrier3A)
    %eq3A_111 = arith.constant 0 : i32
    %eq3A_112 = arith.cmpi eq, %arg0, %eq3A_111 : i32
    %convert_element_type3A_113 = arith.extui %eq3A_112 : i1 to i32
    %cond3A_114 = arith.constant 0 : i32
    %cond3A_115 = arith.cmpi ne, %convert_element_type3A_113, %cond3A_114 : i32
    scf.if %cond3A_115 {
      %scan3A = arith.constant 0 : i32
      %scan3A_131 = arith.constant 0 : i32
      %scan3A_132 = arith.constant 52 : i32
      %scan3A_133 = arith.addi %scan3A_131, %scan3A_132 : i32
      %scan3A_134 = arith.constant 1 : i32
      scf.for %scan3A_191 = %scan3A_131 to %scan3A_133 step %scan3A_134  : i32 {
        %dma_start3A = arith.constant 0 : i32
        %dma_start3A_192 = tpu.memref_slice %arg4[%scan3A_191, %dma_start3A] : memref<52x128xi32, #tpu.memory_space<vmem>> -> memref<1x128xi32, #tpu.memory_space<vmem>>
        %dma_start3A_193 = tpu.memref_squeeze %dma_start3A_192 : memref<1x128xi32, #tpu.memory_space<vmem>> -> memref<128xi32, #tpu.memory_space<vmem>>
        %dma_start3A_194 = arith.constant 0 : i32
        %dma_start3A_195 = tpu.memref_slice %arg7[%dma_start3A_194] : memref<10240xf32, #tpu.memory_space<vmem_shared>> -> memref<10240xf32, #tpu.memory_space<vmem_shared>>
        tpu.enqueue_indirect_dma source(%arg5 : memref<128xf32, #tpu.memory_space<vmem>>) target(%dma_start3A_195 : memref<10240xf32, #tpu.memory_space<vmem_shared>>) offsets(%dma_start3A_193 : memref<128xi32, #tpu.memory_space<vmem>>) semaphore(%arg8 : memref<!tpu.dma_semaphore, #tpu.memory_space<semaphore_mem>>) {add = true}
        %ge3A = arith.constant 8 : i32
        %ge3A_196 = arith.cmpi sge, %scan3A_191, %ge3A : i32
        %convert_element_type3A_197 = arith.extui %ge3A_196 : i1 to i32
        %cond3A_198 = arith.constant 0 : i32
        %cond3A_199 = arith.cmpi ne, %convert_element_type3A_197, %cond3A_198 : i32
        scf.if %cond3A_199 {
          %dma_wait3A_200 = arith.constant 0 : i32
          %dma_wait3A_201 = arith.constant 0 : i32
          %dma_wait3A_202 = tpu.memref_slice %arg3[%dma_wait3A_200, %dma_wait3A_201] : memref<2x10000xf32, #tpu.memory_space<hbm>> -> memref<1x128xf32, #tpu.memory_space<hbm>>
          %dma_wait3A_203 = tpu.memref_squeeze %dma_wait3A_202 : memref<1x128xf32, #tpu.memory_space<hbm>> -> memref<128xf32, #tpu.memory_space<hbm>>
          %dma_wait3A_204 = arith.constant 0 : i32
          %dma_wait3A_205 = tpu.memref_slice %arg3[%dma_wait3A_200, %dma_wait3A_204] : memref<2x10000xf32, #tpu.memory_space<hbm>> -> memref<1x128xf32, #tpu.memory_space<hbm>>
          %dma_wait3A_206 = tpu.memref_squeeze %dma_wait3A_205 : memref<1x128xf32, #tpu.memory_space<hbm>> -> memref<128xf32, #tpu.memory_space<hbm>>
          tpu.wait_dma2 semaphore(%arg8 : memref<!tpu.dma_semaphore, #tpu.memory_space<semaphore_mem>>) src(%dma_wait3A_206 : memref<128xf32, #tpu.memory_space<hbm>>) dst(%arg5 : memref<128xf32, #tpu.memory_space<vmem>>)
        } else {
        }
      }
      %scan3A_135 = arith.constant 52 : i32
      %dma_wait3A = arith.constant 0 : i32
      %dma_wait3A_136 = arith.constant 0 : i32
      %dma_wait3A_137 = tpu.memref_slice %arg3[%dma_wait3A, %dma_wait3A_136] : memref<2x10000xf32, #tpu.memory_space<hbm>> -> memref<1x128xf32, #tpu.memory_space<hbm>>
      %dma_wait3A_138 = tpu.memref_squeeze %dma_wait3A_137 : memref<1x128xf32, #tpu.memory_space<hbm>> -> memref<128xf32, #tpu.memory_space<hbm>>
      %dma_wait3A_139 = arith.constant 0 : i32
      %dma_wait3A_140 = tpu.memref_slice %arg3[%dma_wait3A, %dma_wait3A_139] : memref<2x10000xf32, #tpu.memory_space<hbm>> -> memref<1x128xf32, #tpu.memory_space<hbm>>
      %dma_wait3A_141 = tpu.memref_squeeze %dma_wait3A_140 : memref<1x128xf32, #tpu.memory_space<hbm>> -> memref<128xf32, #tpu.memory_space<hbm>>
      tpu.wait_dma2 semaphore(%arg8 : memref<!tpu.dma_semaphore, #tpu.memory_space<semaphore_mem>>) src(%dma_wait3A_141 : memref<128xf32, #tpu.memory_space<hbm>>) dst(%arg5 : memref<128xf32, #tpu.memory_space<vmem>>)
      %dma_wait3A_142 = arith.constant 0 : i32
      %dma_wait3A_143 = arith.constant 0 : i32
      %dma_wait3A_144 = tpu.memref_slice %arg3[%dma_wait3A_142, %dma_wait3A_143] : memref<2x10000xf32, #tpu.memory_space<hbm>> -> memref<1x128xf32, #tpu.memory_space<hbm>>
      %dma_wait3A_145 = tpu.memref_squeeze %dma_wait3A_144 : memref<1x128xf32, #tpu.memory_space<hbm>> -> memref<128xf32, #tpu.memory_space<hbm>>
      %dma_wait3A_146 = arith.constant 0 : i32
      %dma_wait3A_147 = tpu.memref_slice %arg3[%dma_wait3A_142, %dma_wait3A_146] : memref<2x10000xf32, #tpu.memory_space<hbm>> -> memref<1x128xf32, #tpu.memory_space<hbm>>
      %dma_wait3A_148 = tpu.memref_squeeze %dma_wait3A_147 : memref<1x128xf32, #tpu.memory_space<hbm>> -> memref<128xf32, #tpu.memory_space<hbm>>
      tpu.wait_dma2 semaphore(%arg8 : memref<!tpu.dma_semaphore, #tpu.memory_space<semaphore_mem>>) src(%dma_wait3A_148 : memref<128xf32, #tpu.memory_space<hbm>>) dst(%arg5 : memref<128xf32, #tpu.memory_space<vmem>>)
      %dma_wait3A_149 = arith.constant 0 : i32
      %dma_wait3A_150 = arith.constant 0 : i32
      %dma_wait3A_151 = tpu.memref_slice %arg3[%dma_wait3A_149, %dma_wait3A_150] : memref<2x10000xf32, #tpu.memory_space<hbm>> -> memref<1x128xf32, #tpu.memory_space<hbm>>
      %dma_wait3A_152 = tpu.memref_squeeze %dma_wait3A_151 : memref<1x128xf32, #tpu.memory_space<hbm>> -> memref<128xf32, #tpu.memory_space<hbm>>
      %dma_wait3A_153 = arith.constant 0 : i32
      %dma_wait3A_154 = tpu.memref_slice %arg3[%dma_wait3A_149, %dma_wait3A_153] : memref<2x10000xf32, #tpu.memory_space<hbm>> -> memref<1x128xf32, #tpu.memory_space<hbm>>
      %dma_wait3A_155 = tpu.memref_squeeze %dma_wait3A_154 : memref<1x128xf32, #tpu.memory_space<hbm>> -> memref<128xf32, #tpu.memory_space<hbm>>
      tpu.wait_dma2 semaphore(%arg8 : memref<!tpu.dma_semaphore, #tpu.memory_space<semaphore_mem>>) src(%dma_wait3A_155 : memref<128xf32, #tpu.memory_space<hbm>>) dst(%arg5 : memref<128xf32, #tpu.memory_space<vmem>>)
      %dma_wait3A_156 = arith.constant 0 : i32
      %dma_wait3A_157 = arith.constant 0 : i32
      %dma_wait3A_158 = tpu.memref_slice %arg3[%dma_wait3A_156, %dma_wait3A_157] : memref<2x10000xf32, #tpu.memory_space<hbm>> -> memref<1x128xf32, #tpu.memory_space<hbm>>
      %dma_wait3A_159 = tpu.memref_squeeze %dma_wait3A_158 : memref<1x128xf32, #tpu.memory_space<hbm>> -> memref<128xf32, #tpu.memory_space<hbm>>
      %dma_wait3A_160 = arith.constant 0 : i32
      %dma_wait3A_161 = tpu.memref_slice %arg3[%dma_wait3A_156, %dma_wait3A_160] : memref<2x10000xf32, #tpu.memory_space<hbm>> -> memref<1x128xf32, #tpu.memory_space<hbm>>
      %dma_wait3A_162 = tpu.memref_squeeze %dma_wait3A_161 : memref<1x128xf32, #tpu.memory_space<hbm>> -> memref<128xf32, #tpu.memory_space<hbm>>
      tpu.wait_dma2 semaphore(%arg8 : memref<!tpu.dma_semaphore, #tpu.memory_space<semaphore_mem>>) src(%dma_wait3A_162 : memref<128xf32, #tpu.memory_space<hbm>>) dst(%arg5 : memref<128xf32, #tpu.memory_space<vmem>>)
      %dma_wait3A_163 = arith.constant 0 : i32
      %dma_wait3A_164 = arith.constant 0 : i32
      %dma_wait3A_165 = tpu.memref_slice %arg3[%dma_wait3A_163, %dma_wait3A_164] : memref<2x10000xf32, #tpu.memory_space<hbm>> -> memref<1x128xf32, #tpu.memory_space<hbm>>
      %dma_wait3A_166 = tpu.memref_squeeze %dma_wait3A_165 : memref<1x128xf32, #tpu.memory_space<hbm>> -> memref<128xf32, #tpu.memory_space<hbm>>
      %dma_wait3A_167 = arith.constant 0 : i32
      %dma_wait3A_168 = tpu.memref_slice %arg3[%dma_wait3A_163, %dma_wait3A_167] : memref<2x10000xf32, #tpu.memory_space<hbm>> -> memref<1x128xf32, #tpu.memory_space<hbm>>
      %dma_wait3A_169 = tpu.memref_squeeze %dma_wait3A_168 : memref<1x128xf32, #tpu.memory_space<hbm>> -> memref<128xf32, #tpu.memory_space<hbm>>
      tpu.wait_dma2 semaphore(%arg8 : memref<!tpu.dma_semaphore, #tpu.memory_space<semaphore_mem>>) src(%dma_wait3A_169 : memref<128xf32, #tpu.memory_space<hbm>>) dst(%arg5 : memref<128xf32, #tpu.memory_space<vmem>>)
      %dma_wait3A_170 = arith.constant 0 : i32
      %dma_wait3A_171 = arith.constant 0 : i32
      %dma_wait3A_172 = tpu.memref_slice %arg3[%dma_wait3A_170, %dma_wait3A_171] : memref<2x10000xf32, #tpu.memory_space<hbm>> -> memref<1x128xf32, #tpu.memory_space<hbm>>
      %dma_wait3A_173 = tpu.memref_squeeze %dma_wait3A_172 : memref<1x128xf32, #tpu.memory_space<hbm>> -> memref<128xf32, #tpu.memory_space<hbm>>
      %dma_wait3A_174 = arith.constant 0 : i32
      %dma_wait3A_175 = tpu.memref_slice %arg3[%dma_wait3A_170, %dma_wait3A_174] : memref<2x10000xf32, #tpu.memory_space<hbm>> -> memref<1x128xf32, #tpu.memory_space<hbm>>
      %dma_wait3A_176 = tpu.memref_squeeze %dma_wait3A_175 : memref<1x128xf32, #tpu.memory_space<hbm>> -> memref<128xf32, #tpu.memory_space<hbm>>
      tpu.wait_dma2 semaphore(%arg8 : memref<!tpu.dma_semaphore, #tpu.memory_space<semaphore_mem>>) src(%dma_wait3A_176 : memref<128xf32, #tpu.memory_space<hbm>>) dst(%arg5 : memref<128xf32, #tpu.memory_space<vmem>>)
      %dma_wait3A_177 = arith.constant 0 : i32
      %dma_wait3A_178 = arith.constant 0 : i32
      %dma_wait3A_179 = tpu.memref_slice %arg3[%dma_wait3A_177, %dma_wait3A_178] : memref<2x10000xf32, #tpu.memory_space<hbm>> -> memref<1x128xf32, #tpu.memory_space<hbm>>
      %dma_wait3A_180 = tpu.memref_squeeze %dma_wait3A_179 : memref<1x128xf32, #tpu.memory_space<hbm>> -> memref<128xf32, #tpu.memory_space<hbm>>
      %dma_wait3A_181 = arith.constant 0 : i32
      %dma_wait3A_182 = tpu.memref_slice %arg3[%dma_wait3A_177, %dma_wait3A_181] : memref<2x10000xf32, #tpu.memory_space<hbm>> -> memref<1x128xf32, #tpu.memory_space<hbm>>
      %dma_wait3A_183 = tpu.memref_squeeze %dma_wait3A_182 : memref<1x128xf32, #tpu.memory_space<hbm>> -> memref<128xf32, #tpu.memory_space<hbm>>
      tpu.wait_dma2 semaphore(%arg8 : memref<!tpu.dma_semaphore, #tpu.memory_space<semaphore_mem>>) src(%dma_wait3A_183 : memref<128xf32, #tpu.memory_space<hbm>>) dst(%arg5 : memref<128xf32, #tpu.memory_space<vmem>>)
      %dma_wait3A_184 = arith.constant 0 : i32
      %dma_wait3A_185 = arith.constant 0 : i32
      %dma_wait3A_186 = tpu.memref_slice %arg3[%dma_wait3A_184, %dma_wait3A_185] : memref<2x10000xf32, #tpu.memory_space<hbm>> -> memref<1x128xf32, #tpu.memory_space<hbm>>
      %dma_wait3A_187 = tpu.memref_squeeze %dma_wait3A_186 : memref<1x128xf32, #tpu.memory_space<hbm>> -> memref<128xf32, #tpu.memory_space<hbm>>
      %dma_wait3A_188 = arith.constant 0 : i32
      %dma_wait3A_189 = tpu.memref_slice %arg3[%dma_wait3A_184, %dma_wait3A_188] : memref<2x10000xf32, #tpu.memory_space<hbm>> -> memref<1x128xf32, #tpu.memory_space<hbm>>
      %dma_wait3A_190 = tpu.memref_squeeze %dma_wait3A_189 : memref<1x128xf32, #tpu.memory_space<hbm>> -> memref<128xf32, #tpu.memory_space<hbm>>
      tpu.wait_dma2 semaphore(%arg8 : memref<!tpu.dma_semaphore, #tpu.memory_space<semaphore_mem>>) src(%dma_wait3A_190 : memref<128xf32, #tpu.memory_space<hbm>>) dst(%arg5 : memref<128xf32, #tpu.memory_space<vmem>>)
    } else {
    }
    %eq3A_116 = arith.constant 1 : i32
    %eq3A_117 = arith.cmpi eq, %arg0, %eq3A_116 : i32
    %convert_element_type3A_118 = arith.extui %eq3A_117 : i1 to i32
    %cond3A_119 = arith.constant 0 : i32
    %cond3A_120 = arith.cmpi ne, %convert_element_type3A_118, %cond3A_119 : i32
    scf.if %cond3A_120 {
      %scan3A = arith.constant 0 : i32
      %scan3A_131 = arith.constant 0 : i32
      %scan3A_132 = arith.constant 28 : i32
      %scan3A_133 = arith.addi %scan3A_131, %scan3A_132 : i32
      %scan3A_134 = arith.constant 1 : i32
      scf.for %scan3A_191 = %scan3A_131 to %scan3A_133 step %scan3A_134  : i32 {
        %dma_start3A = arith.constant 0 : i32
        %dma_start3A_192 = tpu.memref_slice %arg4[%scan3A_191, %dma_start3A] : memref<52x128xi32, #tpu.memory_space<vmem>> -> memref<1x128xi32, #tpu.memory_space<vmem>>
        %dma_start3A_193 = tpu.memref_squeeze %dma_start3A_192 : memref<1x128xi32, #tpu.memory_space<vmem>> -> memref<128xi32, #tpu.memory_space<vmem>>
        %dma_start3A_194 = arith.constant 0 : i32
        %dma_start3A_195 = tpu.memref_slice %arg7[%dma_start3A_194] : memref<10240xf32, #tpu.memory_space<vmem_shared>> -> memref<10240xf32, #tpu.memory_space<vmem_shared>>
        tpu.enqueue_indirect_dma source(%arg5 : memref<128xf32, #tpu.memory_space<vmem>>) target(%dma_start3A_195 : memref<10240xf32, #tpu.memory_space<vmem_shared>>) offsets(%dma_start3A_193 : memref<128xi32, #tpu.memory_space<vmem>>) semaphore(%arg8 : memref<!tpu.dma_semaphore, #tpu.memory_space<semaphore_mem>>) {add = true}
        %ge3A = arith.constant 8 : i32
        %ge3A_196 = arith.cmpi sge, %scan3A_191, %ge3A : i32
        %convert_element_type3A_197 = arith.extui %ge3A_196 : i1 to i32
        %cond3A_198 = arith.constant 0 : i32
        %cond3A_199 = arith.cmpi ne, %convert_element_type3A_197, %cond3A_198 : i32
        scf.if %cond3A_199 {
          %dma_wait3A_200 = arith.constant 0 : i32
          %dma_wait3A_201 = arith.constant 0 : i32
          %dma_wait3A_202 = tpu.memref_slice %arg3[%dma_wait3A_200, %dma_wait3A_201] : memref<2x10000xf32, #tpu.memory_space<hbm>> -> memref<1x128xf32, #tpu.memory_space<hbm>>
          %dma_wait3A_203 = tpu.memref_squeeze %dma_wait3A_202 : memref<1x128xf32, #tpu.memory_space<hbm>> -> memref<128xf32, #tpu.memory_space<hbm>>
          %dma_wait3A_204 = arith.constant 0 : i32
          %dma_wait3A_205 = tpu.memref_slice %arg3[%dma_wait3A_200, %dma_wait3A_204] : memref<2x10000xf32, #tpu.memory_space<hbm>> -> memref<1x128xf32, #tpu.memory_space<hbm>>
          %dma_wait3A_206 = tpu.memref_squeeze %dma_wait3A_205 : memref<1x128xf32, #tpu.memory_space<hbm>> -> memref<128xf32, #tpu.memory_space<hbm>>
          tpu.wait_dma2 semaphore(%arg8 : memref<!tpu.dma_semaphore, #tpu.memory_space<semaphore_mem>>) src(%dma_wait3A_206 : memref<128xf32, #tpu.memory_space<hbm>>) dst(%arg5 : memref<128xf32, #tpu.memory_space<vmem>>)
        } else {
        }
      }
      %scan3A_135 = arith.constant 28 : i32
      %dma_wait3A = arith.constant 0 : i32
      %dma_wait3A_136 = arith.constant 0 : i32
      %dma_wait3A_137 = tpu.memref_slice %arg3[%dma_wait3A, %dma_wait3A_136] : memref<2x10000xf32, #tpu.memory_space<hbm>> -> memref<1x128xf32, #tpu.memory_space<hbm>>
      %dma_wait3A_138 = tpu.memref_squeeze %dma_wait3A_137 : memref<1x128xf32, #tpu.memory_space<hbm>> -> memref<128xf32, #tpu.memory_space<hbm>>
      %dma_wait3A_139 = arith.constant 0 : i32
      %dma_wait3A_140 = tpu.memref_slice %arg3[%dma_wait3A, %dma_wait3A_139] : memref<2x10000xf32, #tpu.memory_space<hbm>> -> memref<1x128xf32, #tpu.memory_space<hbm>>
      %dma_wait3A_141 = tpu.memref_squeeze %dma_wait3A_140 : memref<1x128xf32, #tpu.memory_space<hbm>> -> memref<128xf32, #tpu.memory_space<hbm>>
      tpu.wait_dma2 semaphore(%arg8 : memref<!tpu.dma_semaphore, #tpu.memory_space<semaphore_mem>>) src(%dma_wait3A_141 : memref<128xf32, #tpu.memory_space<hbm>>) dst(%arg5 : memref<128xf32, #tpu.memory_space<vmem>>)
      %dma_wait3A_142 = arith.constant 0 : i32
      %dma_wait3A_143 = arith.constant 0 : i32
      %dma_wait3A_144 = tpu.memref_slice %arg3[%dma_wait3A_142, %dma_wait3A_143] : memref<2x10000xf32, #tpu.memory_space<hbm>> -> memref<1x128xf32, #tpu.memory_space<hbm>>
      %dma_wait3A_145 = tpu.memref_squeeze %dma_wait3A_144 : memref<1x128xf32, #tpu.memory_space<hbm>> -> memref<128xf32, #tpu.memory_space<hbm>>
      %dma_wait3A_146 = arith.constant 0 : i32
      %dma_wait3A_147 = tpu.memref_slice %arg3[%dma_wait3A_142, %dma_wait3A_146] : memref<2x10000xf32, #tpu.memory_space<hbm>> -> memref<1x128xf32, #tpu.memory_space<hbm>>
      %dma_wait3A_148 = tpu.memref_squeeze %dma_wait3A_147 : memref<1x128xf32, #tpu.memory_space<hbm>> -> memref<128xf32, #tpu.memory_space<hbm>>
      tpu.wait_dma2 semaphore(%arg8 : memref<!tpu.dma_semaphore, #tpu.memory_space<semaphore_mem>>) src(%dma_wait3A_148 : memref<128xf32, #tpu.memory_space<hbm>>) dst(%arg5 : memref<128xf32, #tpu.memory_space<vmem>>)
      %dma_wait3A_149 = arith.constant 0 : i32
      %dma_wait3A_150 = arith.constant 0 : i32
      %dma_wait3A_151 = tpu.memref_slice %arg3[%dma_wait3A_149, %dma_wait3A_150] : memref<2x10000xf32, #tpu.memory_space<hbm>> -> memref<1x128xf32, #tpu.memory_space<hbm>>
      %dma_wait3A_152 = tpu.memref_squeeze %dma_wait3A_151 : memref<1x128xf32, #tpu.memory_space<hbm>> -> memref<128xf32, #tpu.memory_space<hbm>>
      %dma_wait3A_153 = arith.constant 0 : i32
      %dma_wait3A_154 = tpu.memref_slice %arg3[%dma_wait3A_149, %dma_wait3A_153] : memref<2x10000xf32, #tpu.memory_space<hbm>> -> memref<1x128xf32, #tpu.memory_space<hbm>>
      %dma_wait3A_155 = tpu.memref_squeeze %dma_wait3A_154 : memref<1x128xf32, #tpu.memory_space<hbm>> -> memref<128xf32, #tpu.memory_space<hbm>>
      tpu.wait_dma2 semaphore(%arg8 : memref<!tpu.dma_semaphore, #tpu.memory_space<semaphore_mem>>) src(%dma_wait3A_155 : memref<128xf32, #tpu.memory_space<hbm>>) dst(%arg5 : memref<128xf32, #tpu.memory_space<vmem>>)
      %dma_wait3A_156 = arith.constant 0 : i32
      %dma_wait3A_157 = arith.constant 0 : i32
      %dma_wait3A_158 = tpu.memref_slice %arg3[%dma_wait3A_156, %dma_wait3A_157] : memref<2x10000xf32, #tpu.memory_space<hbm>> -> memref<1x128xf32, #tpu.memory_space<hbm>>
      %dma_wait3A_159 = tpu.memref_squeeze %dma_wait3A_158 : memref<1x128xf32, #tpu.memory_space<hbm>> -> memref<128xf32, #tpu.memory_space<hbm>>
      %dma_wait3A_160 = arith.constant 0 : i32
      %dma_wait3A_161 = tpu.memref_slice %arg3[%dma_wait3A_156, %dma_wait3A_160] : memref<2x10000xf32, #tpu.memory_space<hbm>> -> memref<1x128xf32, #tpu.memory_space<hbm>>
      %dma_wait3A_162 = tpu.memref_squeeze %dma_wait3A_161 : memref<1x128xf32, #tpu.memory_space<hbm>> -> memref<128xf32, #tpu.memory_space<hbm>>
      tpu.wait_dma2 semaphore(%arg8 : memref<!tpu.dma_semaphore, #tpu.memory_space<semaphore_mem>>) src(%dma_wait3A_162 : memref<128xf32, #tpu.memory_space<hbm>>) dst(%arg5 : memref<128xf32, #tpu.memory_space<vmem>>)
      %dma_wait3A_163 = arith.constant 0 : i32
      %dma_wait3A_164 = arith.constant 0 : i32
      %dma_wait3A_165 = tpu.memref_slice %arg3[%dma_wait3A_163, %dma_wait3A_164] : memref<2x10000xf32, #tpu.memory_space<hbm>> -> memref<1x128xf32, #tpu.memory_space<hbm>>
      %dma_wait3A_166 = tpu.memref_squeeze %dma_wait3A_165 : memref<1x128xf32, #tpu.memory_space<hbm>> -> memref<128xf32, #tpu.memory_space<hbm>>
      %dma_wait3A_167 = arith.constant 0 : i32
      %dma_wait3A_168 = tpu.memref_slice %arg3[%dma_wait3A_163, %dma_wait3A_167] : memref<2x10000xf32, #tpu.memory_space<hbm>> -> memref<1x128xf32, #tpu.memory_space<hbm>>
      %dma_wait3A_169 = tpu.memref_squeeze %dma_wait3A_168 : memref<1x128xf32, #tpu.memory_space<hbm>> -> memref<128xf32, #tpu.memory_space<hbm>>
      tpu.wait_dma2 semaphore(%arg8 : memref<!tpu.dma_semaphore, #tpu.memory_space<semaphore_mem>>) src(%dma_wait3A_169 : memref<128xf32, #tpu.memory_space<hbm>>) dst(%arg5 : memref<128xf32, #tpu.memory_space<vmem>>)
      %dma_wait3A_170 = arith.constant 0 : i32
      %dma_wait3A_171 = arith.constant 0 : i32
      %dma_wait3A_172 = tpu.memref_slice %arg3[%dma_wait3A_170, %dma_wait3A_171] : memref<2x10000xf32, #tpu.memory_space<hbm>> -> memref<1x128xf32, #tpu.memory_space<hbm>>
      %dma_wait3A_173 = tpu.memref_squeeze %dma_wait3A_172 : memref<1x128xf32, #tpu.memory_space<hbm>> -> memref<128xf32, #tpu.memory_space<hbm>>
      %dma_wait3A_174 = arith.constant 0 : i32
      %dma_wait3A_175 = tpu.memref_slice %arg3[%dma_wait3A_170, %dma_wait3A_174] : memref<2x10000xf32, #tpu.memory_space<hbm>> -> memref<1x128xf32, #tpu.memory_space<hbm>>
      %dma_wait3A_176 = tpu.memref_squeeze %dma_wait3A_175 : memref<1x128xf32, #tpu.memory_space<hbm>> -> memref<128xf32, #tpu.memory_space<hbm>>
      tpu.wait_dma2 semaphore(%arg8 : memref<!tpu.dma_semaphore, #tpu.memory_space<semaphore_mem>>) src(%dma_wait3A_176 : memref<128xf32, #tpu.memory_space<hbm>>) dst(%arg5 : memref<128xf32, #tpu.memory_space<vmem>>)
      %dma_wait3A_177 = arith.constant 0 : i32
      %dma_wait3A_178 = arith.constant 0 : i32
      %dma_wait3A_179 = tpu.memref_slice %arg3[%dma_wait3A_177, %dma_wait3A_178] : memref<2x10000xf32, #tpu.memory_space<hbm>> -> memref<1x128xf32, #tpu.memory_space<hbm>>
      %dma_wait3A_180 = tpu.memref_squeeze %dma_wait3A_179 : memref<1x128xf32, #tpu.memory_space<hbm>> -> memref<128xf32, #tpu.memory_space<hbm>>
      %dma_wait3A_181 = arith.constant 0 : i32
      %dma_wait3A_182 = tpu.memref_slice %arg3[%dma_wait3A_177, %dma_wait3A_181] : memref<2x10000xf32, #tpu.memory_space<hbm>> -> memref<1x128xf32, #tpu.memory_space<hbm>>
      %dma_wait3A_183 = tpu.memref_squeeze %dma_wait3A_182 : memref<1x128xf32, #tpu.memory_space<hbm>> -> memref<128xf32, #tpu.memory_space<hbm>>
      tpu.wait_dma2 semaphore(%arg8 : memref<!tpu.dma_semaphore, #tpu.memory_space<semaphore_mem>>) src(%dma_wait3A_183 : memref<128xf32, #tpu.memory_space<hbm>>) dst(%arg5 : memref<128xf32, #tpu.memory_space<vmem>>)
      %dma_wait3A_184 = arith.constant 0 : i32
      %dma_wait3A_185 = arith.constant 0 : i32
      %dma_wait3A_186 = tpu.memref_slice %arg3[%dma_wait3A_184, %dma_wait3A_185] : memref<2x10000xf32, #tpu.memory_space<hbm>> -> memref<1x128xf32, #tpu.memory_space<hbm>>
      %dma_wait3A_187 = tpu.memref_squeeze %dma_wait3A_186 : memref<1x128xf32, #tpu.memory_space<hbm>> -> memref<128xf32, #tpu.memory_space<hbm>>
      %dma_wait3A_188 = arith.constant 0 : i32
      %dma_wait3A_189 = tpu.memref_slice %arg3[%dma_wait3A_184, %dma_wait3A_188] : memref<2x10000xf32, #tpu.memory_space<hbm>> -> memref<1x128xf32, #tpu.memory_space<hbm>>
      %dma_wait3A_190 = tpu.memref_squeeze %dma_wait3A_189 : memref<1x128xf32, #tpu.memory_space<hbm>> -> memref<128xf32, #tpu.memory_space<hbm>>
      tpu.wait_dma2 semaphore(%arg8 : memref<!tpu.dma_semaphore, #tpu.memory_space<semaphore_mem>>) src(%dma_wait3A_190 : memref<128xf32, #tpu.memory_space<hbm>>) dst(%arg5 : memref<128xf32, #tpu.memory_space<vmem>>)
    } else {
    }
    %barrier3A_121 = arith.constant 0 : index
    tpu.barrier barrier_id(%barrier3A_121)
    %lt3A = arith.constant 15 : i32
    %lt3A_122 = arith.cmpi slt, %arg1, %lt3A : i32
    %convert_element_type3A_123 = arith.extui %lt3A_122 : i1 to i32
    %cond3A_124 = arith.constant 0 : i32
    %cond3A_125 = arith.cmpi ne, %convert_element_type3A_123, %cond3A_124 : i32
    scf.if %cond3A_125 {
      "tpu.region"() ({
        %run_scoped3A = tpu.sem_alloc : memref<!tpu.dma_semaphore, #tpu.memory_space<semaphore_mem>>
        %dma_start3A = tpu.memref_slice %arg3[%arg0, %mul3A_94] : memref<2x10000xf32, #tpu.memory_space<hbm>> -> memref<1x640xf32, #tpu.memory_space<hbm>>
        %dma_start3A_131 = tpu.memref_squeeze %dma_start3A : memref<1x640xf32, #tpu.memory_space<hbm>> -> memref<640xf32, #tpu.memory_space<hbm>>
        %dma_start3A_132 = tpu.memref_slice %arg7[%mul3A_94] : memref<10240xf32, #tpu.memory_space<vmem_shared>> -> memref<640xf32, #tpu.memory_space<vmem_shared>>
        tpu.enqueue_dma source(%dma_start3A_132 : memref<640xf32, #tpu.memory_space<vmem_shared>>) target(%dma_start3A_131 : memref<640xf32, #tpu.memory_space<hbm>>) target_semaphore(%run_scoped3A : memref<!tpu.dma_semaphore, #tpu.memory_space<semaphore_mem>>)
        %dma_wait3A = tpu.memref_slice %arg3[%arg0, %mul3A_94] : memref<2x10000xf32, #tpu.memory_space<hbm>> -> memref<1x640xf32, #tpu.memory_space<hbm>>
        %dma_wait3A_133 = tpu.memref_squeeze %dma_wait3A : memref<1x640xf32, #tpu.memory_space<hbm>> -> memref<640xf32, #tpu.memory_space<hbm>>
        %dma_wait3A_134 = tpu.memref_slice %arg7[%mul3A_94] : memref<10240xf32, #tpu.memory_space<vmem_shared>> -> memref<640xf32, #tpu.memory_space<vmem_shared>>
        tpu.wait_dma2 semaphore(%run_scoped3A : memref<!tpu.dma_semaphore, #tpu.memory_space<semaphore_mem>>) src(%dma_wait3A_134 : memref<640xf32, #tpu.memory_space<vmem_shared>>) dst(%dma_wait3A_133 : memref<640xf32, #tpu.memory_space<hbm>>)
        tpu.yield
      }) : () -> ()
    } else {
    }
    %eq3A_126 = arith.constant 15 : i32
    %eq3A_127 = arith.cmpi eq, %arg1, %eq3A_126 : i32
    %convert_element_type3A_128 = arith.extui %eq3A_127 : i1 to i32
    %cond3A_129 = arith.constant 0 : i32
    %cond3A_130 = arith.cmpi ne, %convert_element_type3A_128, %cond3A_129 : i32
    scf.if %cond3A_130 {
      "tpu.region"() ({
        %run_scoped3A = tpu.sem_alloc : memref<!tpu.dma_semaphore, #tpu.memory_space<semaphore_mem>>
        %dma_start3A = tpu.memref_slice %arg3[%arg0, %mul3A_94] : memref<2x10000xf32, #tpu.memory_space<hbm>> -> memref<1x400xf32, #tpu.memory_space<hbm>>
        %dma_start3A_131 = tpu.memref_squeeze %dma_start3A : memref<1x400xf32, #tpu.memory_space<hbm>> -> memref<400xf32, #tpu.memory_space<hbm>>
        %dma_start3A_132 = tpu.memref_slice %arg7[%mul3A_94] : memref<10240xf32, #tpu.memory_space<vmem_shared>> -> memref<400xf32, #tpu.memory_space<vmem_shared>>
        tpu.enqueue_dma source(%dma_start3A_132 : memref<400xf32, #tpu.memory_space<vmem_shared>>) target(%dma_start3A_131 : memref<400xf32, #tpu.memory_space<hbm>>) target_semaphore(%run_scoped3A : memref<!tpu.dma_semaphore, #tpu.memory_space<semaphore_mem>>)
        %dma_wait3A = tpu.memref_slice %arg3[%arg0, %mul3A_94] : memref<2x10000xf32, #tpu.memory_space<hbm>> -> memref<1x400xf32, #tpu.memory_space<hbm>>
        %dma_wait3A_133 = tpu.memref_squeeze %dma_wait3A : memref<1x400xf32, #tpu.memory_space<hbm>> -> memref<400xf32, #tpu.memory_space<hbm>>
        %dma_wait3A_134 = tpu.memref_slice %arg7[%mul3A_94] : memref<10240xf32, #tpu.memory_space<vmem_shared>> -> memref<400xf32, #tpu.memory_space<vmem_shared>>
        tpu.wait_dma2 semaphore(%run_scoped3A : memref<!tpu.dma_semaphore, #tpu.memory_space<semaphore_mem>>) src(%dma_wait3A_134 : memref<400xf32, #tpu.memory_space<vmem_shared>>) dst(%dma_wait3A_133 : memref<400xf32, #tpu.memory_space<hbm>>)
        tpu.yield
      }) : () -> ()
    } else {
    }
    return
  }
}

#map = affine_map<(d0, d1) -> (0, 0)>
#map1 = affine_map<(d0, d1) -> (0, 0, 0)>
module attributes {stable_mosaic.version = 14 : i64} {
  func.func @agg_kernel(%arg0: i32, %arg1: i32, %arg2: memref<10000x16xf32, #tpu.memory_space<hbm>>, %arg3: memref<1280x128xi32, #tpu.memory_space<hbm>>, %arg4: memref<1280x128xi32, #tpu.memory_space<hbm>>, %arg5: memref<2x10000x16xf32, #tpu.memory_space<hbm>>, %arg6: memref<52x128xi32, #tpu.memory_space<vmem>>, %arg7: memref<52x128xi32, #tpu.memory_space<vmem>>, %arg8: memref<4x128x16xf32, #tpu.memory_space<vmem>>, %arg9: memref<10240x16xf32, #tpu.memory_space<vmem_shared>>, %arg10: memref<!tpu.dma_semaphore, #tpu.memory_space<semaphore_mem>>, %arg11: memref<!tpu.dma_semaphore, #tpu.memory_space<semaphore_mem>>) attributes {dimension_semantics = [#tpu.dimension_semantics<core_parallel>, #tpu.dimension_semantics<subcore_parallel>], iteration_bounds = array<i64: 2, 16>, scalar_prefetch = 0 : i64, scratch_operands = 6 : i64, tpu.core_type = #tpu.core_type<sc_vector_subcore>, window_params = [{transform_indices = #map}, {transform_indices = #map}, {transform_indices = #map}, {transform_indices = #map1}]} {
    %mul3A = arith.constant 640 : i32
    %mul3A_0 = arith.muli %arg1, %mul3A : i32
    %lt3A = arith.constant 15 : i32
    %lt3A_1 = arith.cmpi slt, %arg1, %lt3A : i32
    %convert_element_type3A = arith.extui %lt3A_1 : i1 to i32
    %cond3A = arith.constant 0 : i32
    %cond3A_2 = arith.cmpi ne, %convert_element_type3A, %cond3A : i32
    scf.if %cond3A_2 {
      "tpu.region"() ({
        %run_scoped3A = tpu.sem_alloc : memref<!tpu.dma_semaphore, #tpu.memory_space<semaphore_mem>>
        %dma_start3A = arith.constant 0 : i32
        %dma_start3A_38 = tpu.memref_slice %arg9[%mul3A_0, %dma_start3A] : memref<10240x16xf32, #tpu.memory_space<vmem_shared>> -> memref<640x16xf32, #tpu.memory_space<vmem_shared>>
        %dma_start3A_39 = arith.constant 0 : i32
        %dma_start3A_40 = tpu.memref_slice %arg2[%mul3A_0, %dma_start3A_39] : memref<10000x16xf32, #tpu.memory_space<hbm>> -> memref<640x16xf32, #tpu.memory_space<hbm>>
        tpu.enqueue_dma source(%dma_start3A_40 : memref<640x16xf32, #tpu.memory_space<hbm>>) target(%dma_start3A_38 : memref<640x16xf32, #tpu.memory_space<vmem_shared>>) target_semaphore(%run_scoped3A : memref<!tpu.dma_semaphore, #tpu.memory_space<semaphore_mem>>)
        %dma_wait3A = arith.constant 0 : i32
        %dma_wait3A_41 = tpu.memref_slice %arg9[%mul3A_0, %dma_wait3A] : memref<10240x16xf32, #tpu.memory_space<vmem_shared>> -> memref<640x16xf32, #tpu.memory_space<vmem_shared>>
        %dma_wait3A_42 = arith.constant 0 : i32
        %dma_wait3A_43 = tpu.memref_slice %arg2[%mul3A_0, %dma_wait3A_42] : memref<10000x16xf32, #tpu.memory_space<hbm>> -> memref<640x16xf32, #tpu.memory_space<hbm>>
        tpu.wait_dma2 semaphore(%run_scoped3A : memref<!tpu.dma_semaphore, #tpu.memory_space<semaphore_mem>>) src(%dma_wait3A_43 : memref<640x16xf32, #tpu.memory_space<hbm>>) dst(%dma_wait3A_41 : memref<640x16xf32, #tpu.memory_space<vmem_shared>>)
        tpu.yield
      }) : () -> ()
    } else {
    }
    %eq3A = arith.constant 15 : i32
    %eq3A_3 = arith.cmpi eq, %arg1, %eq3A : i32
    %convert_element_type3A_4 = arith.extui %eq3A_3 : i1 to i32
    %cond3A_5 = arith.constant 0 : i32
    %cond3A_6 = arith.cmpi ne, %convert_element_type3A_4, %cond3A_5 : i32
    scf.if %cond3A_6 {
      "tpu.region"() ({
        %run_scoped3A = tpu.sem_alloc : memref<!tpu.dma_semaphore, #tpu.memory_space<semaphore_mem>>
        %dma_start3A = arith.constant 0 : i32
        %dma_start3A_38 = tpu.memref_slice %arg9[%mul3A_0, %dma_start3A] : memref<10240x16xf32, #tpu.memory_space<vmem_shared>> -> memref<400x16xf32, #tpu.memory_space<vmem_shared>>
        %dma_start3A_39 = arith.constant 0 : i32
        %dma_start3A_40 = tpu.memref_slice %arg2[%mul3A_0, %dma_start3A_39] : memref<10000x16xf32, #tpu.memory_space<hbm>> -> memref<400x16xf32, #tpu.memory_space<hbm>>
        tpu.enqueue_dma source(%dma_start3A_40 : memref<400x16xf32, #tpu.memory_space<hbm>>) target(%dma_start3A_38 : memref<400x16xf32, #tpu.memory_space<vmem_shared>>) target_semaphore(%run_scoped3A : memref<!tpu.dma_semaphore, #tpu.memory_space<semaphore_mem>>)
        %dma_wait3A = arith.constant 0 : i32
        %dma_wait3A_41 = tpu.memref_slice %arg9[%mul3A_0, %dma_wait3A] : memref<10240x16xf32, #tpu.memory_space<vmem_shared>> -> memref<400x16xf32, #tpu.memory_space<vmem_shared>>
        %dma_wait3A_42 = arith.constant 0 : i32
        %dma_wait3A_43 = tpu.memref_slice %arg2[%mul3A_0, %dma_wait3A_42] : memref<10000x16xf32, #tpu.memory_space<hbm>> -> memref<400x16xf32, #tpu.memory_space<hbm>>
        tpu.wait_dma2 semaphore(%run_scoped3A : memref<!tpu.dma_semaphore, #tpu.memory_space<semaphore_mem>>) src(%dma_wait3A_43 : memref<400x16xf32, #tpu.memory_space<hbm>>) dst(%dma_wait3A_41 : memref<400x16xf32, #tpu.memory_space<vmem_shared>>)
        tpu.yield
      }) : () -> ()
    } else {
    }
    %eq3A_7 = arith.constant 0 : i32
    %eq3A_8 = arith.cmpi eq, %arg0, %eq3A_7 : i32
    %convert_element_type3A_9 = arith.extui %eq3A_8 : i1 to i32
    %cond3A_10 = arith.constant 0 : i32
    %cond3A_11 = arith.cmpi ne, %convert_element_type3A_9, %cond3A_10 : i32
    scf.if %cond3A_11 {
      %mul3A_38 = arith.constant 52 : i32
      %mul3A_39 = arith.muli %arg1, %mul3A_38 : i32
      "tpu.region"() ({
        %run_scoped3A = tpu.sem_alloc : memref<!tpu.dma_semaphore, #tpu.memory_space<semaphore_mem>>
        %dma_start3A = arith.constant 0 : i32
        %dma_start3A_42 = arith.constant 0 : i32
        %dma_start3A_43 = tpu.memref_slice %arg6[%dma_start3A, %dma_start3A_42] : memref<52x128xi32, #tpu.memory_space<vmem>> -> memref<52x128xi32, #tpu.memory_space<vmem>>
        %dma_start3A_44 = arith.constant 0 : i32
        %dma_start3A_45 = tpu.memref_slice %arg3[%mul3A_39, %dma_start3A_44] : memref<1280x128xi32, #tpu.memory_space<hbm>> -> memref<52x128xi32, #tpu.memory_space<hbm>>
        %dma_start3A_46 = arith.constant 0 : i32
        %dma_start3A_47 = arith.constant 0 : i32
        %dma_start3A_48 = tpu.memref_slice %arg6[%dma_start3A_46, %dma_start3A_47] : memref<52x128xi32, #tpu.memory_space<vmem>> -> memref<52x128xi32, #tpu.memory_space<vmem>>
        %dma_start3A_49 = arith.constant 0 : i32
        %dma_start3A_50 = tpu.memref_slice %arg3[%mul3A_39, %dma_start3A_49] : memref<1280x128xi32, #tpu.memory_space<hbm>> -> memref<52x128xi32, #tpu.memory_space<hbm>>
        tpu.enqueue_dma source(%dma_start3A_50 : memref<52x128xi32, #tpu.memory_space<hbm>>) target(%dma_start3A_48 : memref<52x128xi32, #tpu.memory_space<vmem>>) target_semaphore(%run_scoped3A : memref<!tpu.dma_semaphore, #tpu.memory_space<semaphore_mem>>)
        %dma_wait3A = arith.constant 0 : i32
        %dma_wait3A_51 = arith.constant 0 : i32
        %dma_wait3A_52 = tpu.memref_slice %arg6[%dma_wait3A, %dma_wait3A_51] : memref<52x128xi32, #tpu.memory_space<vmem>> -> memref<52x128xi32, #tpu.memory_space<vmem>>
        %dma_wait3A_53 = arith.constant 0 : i32
        %dma_wait3A_54 = tpu.memref_slice %arg3[%mul3A_39, %dma_wait3A_53] : memref<1280x128xi32, #tpu.memory_space<hbm>> -> memref<52x128xi32, #tpu.memory_space<hbm>>
        %dma_wait3A_55 = arith.constant 0 : i32
        %dma_wait3A_56 = arith.constant 0 : i32
        %dma_wait3A_57 = tpu.memref_slice %arg6[%dma_wait3A_55, %dma_wait3A_56] : memref<52x128xi32, #tpu.memory_space<vmem>> -> memref<52x128xi32, #tpu.memory_space<vmem>>
        %dma_wait3A_58 = arith.constant 0 : i32
        %dma_wait3A_59 = tpu.memref_slice %arg3[%mul3A_39, %dma_wait3A_58] : memref<1280x128xi32, #tpu.memory_space<hbm>> -> memref<52x128xi32, #tpu.memory_space<hbm>>
        tpu.wait_dma2 semaphore(%run_scoped3A : memref<!tpu.dma_semaphore, #tpu.memory_space<semaphore_mem>>) src(%dma_wait3A_59 : memref<52x128xi32, #tpu.memory_space<hbm>>) dst(%dma_wait3A_57 : memref<52x128xi32, #tpu.memory_space<vmem>>)
        tpu.yield
      }) : () -> ()
      %mul3A_40 = arith.constant 52 : i32
      %mul3A_41 = arith.muli %arg1, %mul3A_40 : i32
      "tpu.region"() ({
        %run_scoped3A = tpu.sem_alloc : memref<!tpu.dma_semaphore, #tpu.memory_space<semaphore_mem>>
        %dma_start3A = arith.constant 0 : i32
        %dma_start3A_42 = arith.constant 0 : i32
        %dma_start3A_43 = tpu.memref_slice %arg7[%dma_start3A, %dma_start3A_42] : memref<52x128xi32, #tpu.memory_space<vmem>> -> memref<52x128xi32, #tpu.memory_space<vmem>>
        %dma_start3A_44 = arith.constant 0 : i32
        %dma_start3A_45 = tpu.memref_slice %arg4[%mul3A_41, %dma_start3A_44] : memref<1280x128xi32, #tpu.memory_space<hbm>> -> memref<52x128xi32, #tpu.memory_space<hbm>>
        %dma_start3A_46 = arith.constant 0 : i32
        %dma_start3A_47 = arith.constant 0 : i32
        %dma_start3A_48 = tpu.memref_slice %arg7[%dma_start3A_46, %dma_start3A_47] : memref<52x128xi32, #tpu.memory_space<vmem>> -> memref<52x128xi32, #tpu.memory_space<vmem>>
        %dma_start3A_49 = arith.constant 0 : i32
        %dma_start3A_50 = tpu.memref_slice %arg4[%mul3A_41, %dma_start3A_49] : memref<1280x128xi32, #tpu.memory_space<hbm>> -> memref<52x128xi32, #tpu.memory_space<hbm>>
        tpu.enqueue_dma source(%dma_start3A_50 : memref<52x128xi32, #tpu.memory_space<hbm>>) target(%dma_start3A_48 : memref<52x128xi32, #tpu.memory_space<vmem>>) target_semaphore(%run_scoped3A : memref<!tpu.dma_semaphore, #tpu.memory_space<semaphore_mem>>)
        %dma_wait3A = arith.constant 0 : i32
        %dma_wait3A_51 = arith.constant 0 : i32
        %dma_wait3A_52 = tpu.memref_slice %arg7[%dma_wait3A, %dma_wait3A_51] : memref<52x128xi32, #tpu.memory_space<vmem>> -> memref<52x128xi32, #tpu.memory_space<vmem>>
        %dma_wait3A_53 = arith.constant 0 : i32
        %dma_wait3A_54 = tpu.memref_slice %arg4[%mul3A_41, %dma_wait3A_53] : memref<1280x128xi32, #tpu.memory_space<hbm>> -> memref<52x128xi32, #tpu.memory_space<hbm>>
        %dma_wait3A_55 = arith.constant 0 : i32
        %dma_wait3A_56 = arith.constant 0 : i32
        %dma_wait3A_57 = tpu.memref_slice %arg7[%dma_wait3A_55, %dma_wait3A_56] : memref<52x128xi32, #tpu.memory_space<vmem>> -> memref<52x128xi32, #tpu.memory_space<vmem>>
        %dma_wait3A_58 = arith.constant 0 : i32
        %dma_wait3A_59 = tpu.memref_slice %arg4[%mul3A_41, %dma_wait3A_58] : memref<1280x128xi32, #tpu.memory_space<hbm>> -> memref<52x128xi32, #tpu.memory_space<hbm>>
        tpu.wait_dma2 semaphore(%run_scoped3A : memref<!tpu.dma_semaphore, #tpu.memory_space<semaphore_mem>>) src(%dma_wait3A_59 : memref<52x128xi32, #tpu.memory_space<hbm>>) dst(%dma_wait3A_57 : memref<52x128xi32, #tpu.memory_space<vmem>>)
        tpu.yield
      }) : () -> ()
    } else {
    }
    %eq3A_12 = arith.constant 1 : i32
    %eq3A_13 = arith.cmpi eq, %arg0, %eq3A_12 : i32
    %convert_element_type3A_14 = arith.extui %eq3A_13 : i1 to i32
    %cond3A_15 = arith.constant 0 : i32
    %cond3A_16 = arith.cmpi ne, %convert_element_type3A_14, %cond3A_15 : i32
    scf.if %cond3A_16 {
      %mul3A_38 = arith.constant 28 : i32
      %mul3A_39 = arith.muli %arg1, %mul3A_38 : i32
      %add3A = arith.constant 832 : i32
      %add3A_40 = arith.addi %add3A, %mul3A_39 : i32
      "tpu.region"() ({
        %run_scoped3A = tpu.sem_alloc : memref<!tpu.dma_semaphore, #tpu.memory_space<semaphore_mem>>
        %dma_start3A = arith.constant 0 : i32
        %dma_start3A_45 = arith.constant 0 : i32
        %dma_start3A_46 = tpu.memref_slice %arg6[%dma_start3A, %dma_start3A_45] : memref<52x128xi32, #tpu.memory_space<vmem>> -> memref<28x128xi32, #tpu.memory_space<vmem>>
        %dma_start3A_47 = arith.constant 0 : i32
        %dma_start3A_48 = tpu.memref_slice %arg3[%add3A_40, %dma_start3A_47] : memref<1280x128xi32, #tpu.memory_space<hbm>> -> memref<28x128xi32, #tpu.memory_space<hbm>>
        %dma_start3A_49 = arith.constant 0 : i32
        %dma_start3A_50 = arith.constant 0 : i32
        %dma_start3A_51 = tpu.memref_slice %arg6[%dma_start3A_49, %dma_start3A_50] : memref<52x128xi32, #tpu.memory_space<vmem>> -> memref<28x128xi32, #tpu.memory_space<vmem>>
        %dma_start3A_52 = arith.constant 0 : i32
        %dma_start3A_53 = tpu.memref_slice %arg3[%add3A_40, %dma_start3A_52] : memref<1280x128xi32, #tpu.memory_space<hbm>> -> memref<28x128xi32, #tpu.memory_space<hbm>>
        tpu.enqueue_dma source(%dma_start3A_53 : memref<28x128xi32, #tpu.memory_space<hbm>>) target(%dma_start3A_51 : memref<28x128xi32, #tpu.memory_space<vmem>>) target_semaphore(%run_scoped3A : memref<!tpu.dma_semaphore, #tpu.memory_space<semaphore_mem>>)
        %dma_wait3A = arith.constant 0 : i32
        %dma_wait3A_54 = arith.constant 0 : i32
        %dma_wait3A_55 = tpu.memref_slice %arg6[%dma_wait3A, %dma_wait3A_54] : memref<52x128xi32, #tpu.memory_space<vmem>> -> memref<28x128xi32, #tpu.memory_space<vmem>>
        %dma_wait3A_56 = arith.constant 0 : i32
        %dma_wait3A_57 = tpu.memref_slice %arg3[%add3A_40, %dma_wait3A_56] : memref<1280x128xi32, #tpu.memory_space<hbm>> -> memref<28x128xi32, #tpu.memory_space<hbm>>
        %dma_wait3A_58 = arith.constant 0 : i32
        %dma_wait3A_59 = arith.constant 0 : i32
        %dma_wait3A_60 = tpu.memref_slice %arg6[%dma_wait3A_58, %dma_wait3A_59] : memref<52x128xi32, #tpu.memory_space<vmem>> -> memref<28x128xi32, #tpu.memory_space<vmem>>
        %dma_wait3A_61 = arith.constant 0 : i32
        %dma_wait3A_62 = tpu.memref_slice %arg3[%add3A_40, %dma_wait3A_61] : memref<1280x128xi32, #tpu.memory_space<hbm>> -> memref<28x128xi32, #tpu.memory_space<hbm>>
        tpu.wait_dma2 semaphore(%run_scoped3A : memref<!tpu.dma_semaphore, #tpu.memory_space<semaphore_mem>>) src(%dma_wait3A_62 : memref<28x128xi32, #tpu.memory_space<hbm>>) dst(%dma_wait3A_60 : memref<28x128xi32, #tpu.memory_space<vmem>>)
        tpu.yield
      }) : () -> ()
      %mul3A_41 = arith.constant 28 : i32
      %mul3A_42 = arith.muli %arg1, %mul3A_41 : i32
      %add3A_43 = arith.constant 832 : i32
      %add3A_44 = arith.addi %add3A_43, %mul3A_42 : i32
      "tpu.region"() ({
        %run_scoped3A = tpu.sem_alloc : memref<!tpu.dma_semaphore, #tpu.memory_space<semaphore_mem>>
        %dma_start3A = arith.constant 0 : i32
        %dma_start3A_45 = arith.constant 0 : i32
        %dma_start3A_46 = tpu.memref_slice %arg7[%dma_start3A, %dma_start3A_45] : memref<52x128xi32, #tpu.memory_space<vmem>> -> memref<28x128xi32, #tpu.memory_space<vmem>>
        %dma_start3A_47 = arith.constant 0 : i32
        %dma_start3A_48 = tpu.memref_slice %arg4[%add3A_44, %dma_start3A_47] : memref<1280x128xi32, #tpu.memory_space<hbm>> -> memref<28x128xi32, #tpu.memory_space<hbm>>
        %dma_start3A_49 = arith.constant 0 : i32
        %dma_start3A_50 = arith.constant 0 : i32
        %dma_start3A_51 = tpu.memref_slice %arg7[%dma_start3A_49, %dma_start3A_50] : memref<52x128xi32, #tpu.memory_space<vmem>> -> memref<28x128xi32, #tpu.memory_space<vmem>>
        %dma_start3A_52 = arith.constant 0 : i32
        %dma_start3A_53 = tpu.memref_slice %arg4[%add3A_44, %dma_start3A_52] : memref<1280x128xi32, #tpu.memory_space<hbm>> -> memref<28x128xi32, #tpu.memory_space<hbm>>
        tpu.enqueue_dma source(%dma_start3A_53 : memref<28x128xi32, #tpu.memory_space<hbm>>) target(%dma_start3A_51 : memref<28x128xi32, #tpu.memory_space<vmem>>) target_semaphore(%run_scoped3A : memref<!tpu.dma_semaphore, #tpu.memory_space<semaphore_mem>>)
        %dma_wait3A = arith.constant 0 : i32
        %dma_wait3A_54 = arith.constant 0 : i32
        %dma_wait3A_55 = tpu.memref_slice %arg7[%dma_wait3A, %dma_wait3A_54] : memref<52x128xi32, #tpu.memory_space<vmem>> -> memref<28x128xi32, #tpu.memory_space<vmem>>
        %dma_wait3A_56 = arith.constant 0 : i32
        %dma_wait3A_57 = tpu.memref_slice %arg4[%add3A_44, %dma_wait3A_56] : memref<1280x128xi32, #tpu.memory_space<hbm>> -> memref<28x128xi32, #tpu.memory_space<hbm>>
        %dma_wait3A_58 = arith.constant 0 : i32
        %dma_wait3A_59 = arith.constant 0 : i32
        %dma_wait3A_60 = tpu.memref_slice %arg7[%dma_wait3A_58, %dma_wait3A_59] : memref<52x128xi32, #tpu.memory_space<vmem>> -> memref<28x128xi32, #tpu.memory_space<vmem>>
        %dma_wait3A_61 = arith.constant 0 : i32
        %dma_wait3A_62 = tpu.memref_slice %arg4[%add3A_44, %dma_wait3A_61] : memref<1280x128xi32, #tpu.memory_space<hbm>> -> memref<28x128xi32, #tpu.memory_space<hbm>>
        tpu.wait_dma2 semaphore(%run_scoped3A : memref<!tpu.dma_semaphore, #tpu.memory_space<semaphore_mem>>) src(%dma_wait3A_62 : memref<28x128xi32, #tpu.memory_space<hbm>>) dst(%dma_wait3A_60 : memref<28x128xi32, #tpu.memory_space<vmem>>)
        tpu.yield
      }) : () -> ()
    } else {
    }
    %barrier3A = arith.constant 0 : index
    tpu.barrier barrier_id(%barrier3A)
    %eq3A_17 = arith.constant 0 : i32
    %eq3A_18 = arith.cmpi eq, %arg0, %eq3A_17 : i32
    %convert_element_type3A_19 = arith.extui %eq3A_18 : i1 to i32
    %cond3A_20 = arith.constant 0 : i32
    %cond3A_21 = arith.cmpi ne, %convert_element_type3A_19, %cond3A_20 : i32
    scf.if %cond3A_21 {
      %dma_start3A = arith.constant 0 : i32
      %dma_start3A_38 = arith.constant 0 : i32
      %dma_start3A_39 = arith.constant 0 : i32
      %dma_start3A_40 = arith.constant 0 : i32
      %dma_start3A_41 = tpu.memref_slice %arg8[%dma_start3A_38, %dma_start3A_39, %dma_start3A_40] : memref<4x128x16xf32, #tpu.memory_space<vmem>> -> memref<1x128x16xf32, #tpu.memory_space<vmem>>
      %dma_start3A_42 = tpu.memref_squeeze %dma_start3A_41 : memref<1x128x16xf32, #tpu.memory_space<vmem>> -> memref<128x16xf32, #tpu.memory_space<vmem>>
      %dma_start3A_43 = arith.constant 0 : i32
      %dma_start3A_44 = tpu.memref_slice %arg6[%dma_start3A, %dma_start3A_43] : memref<52x128xi32, #tpu.memory_space<vmem>> -> memref<1x128xi32, #tpu.memory_space<vmem>>
      %dma_start3A_45 = tpu.memref_squeeze %dma_start3A_44 : memref<1x128xi32, #tpu.memory_space<vmem>> -> memref<128xi32, #tpu.memory_space<vmem>>
      %dma_start3A_46 = arith.constant 0 : i32
      %dma_start3A_47 = arith.constant 0 : i32
      %dma_start3A_48 = tpu.memref_slice %arg2[%dma_start3A_46, %dma_start3A_47] : memref<10000x16xf32, #tpu.memory_space<hbm>> -> memref<10000x16xf32, #tpu.memory_space<hbm>>
      tpu.enqueue_indirect_dma source(%dma_start3A_48 : memref<10000x16xf32, #tpu.memory_space<hbm>>) target(%dma_start3A_42 : memref<128x16xf32, #tpu.memory_space<vmem>>) offsets(%dma_start3A_45 : memref<128xi32, #tpu.memory_space<vmem>>) semaphore(%arg10 : memref<!tpu.dma_semaphore, #tpu.memory_space<semaphore_mem>>)
      %dma_start3A_49 = arith.constant 1 : i32
      %dma_start3A_50 = arith.constant 1 : i32
      %dma_start3A_51 = arith.constant 0 : i32
      %dma_start3A_52 = arith.constant 0 : i32
      %dma_start3A_53 = tpu.memref_slice %arg8[%dma_start3A_50, %dma_start3A_51, %dma_start3A_52] : memref<4x128x16xf32, #tpu.memory_space<vmem>> -> memref<1x128x16xf32, #tpu.memory_space<vmem>>
      %dma_start3A_54 = tpu.memref_squeeze %dma_start3A_53 : memref<1x128x16xf32, #tpu.memory_space<vmem>> -> memref<128x16xf32, #tpu.memory_space<vmem>>
      %dma_start3A_55 = arith.constant 0 : i32
      %dma_start3A_56 = tpu.memref_slice %arg6[%dma_start3A_49, %dma_start3A_55] : memref<52x128xi32, #tpu.memory_space<vmem>> -> memref<1x128xi32, #tpu.memory_space<vmem>>
      %dma_start3A_57 = tpu.memref_squeeze %dma_start3A_56 : memref<1x128xi32, #tpu.memory_space<vmem>> -> memref<128xi32, #tpu.memory_space<vmem>>
      %dma_start3A_58 = arith.constant 0 : i32
      %dma_start3A_59 = arith.constant 0 : i32
      %dma_start3A_60 = tpu.memref_slice %arg2[%dma_start3A_58, %dma_start3A_59] : memref<10000x16xf32, #tpu.memory_space<hbm>> -> memref<10000x16xf32, #tpu.memory_space<hbm>>
      tpu.enqueue_indirect_dma source(%dma_start3A_60 : memref<10000x16xf32, #tpu.memory_space<hbm>>) target(%dma_start3A_54 : memref<128x16xf32, #tpu.memory_space<vmem>>) offsets(%dma_start3A_57 : memref<128xi32, #tpu.memory_space<vmem>>) semaphore(%arg10 : memref<!tpu.dma_semaphore, #tpu.memory_space<semaphore_mem>>)
      %dma_start3A_61 = arith.constant 2 : i32
      %dma_start3A_62 = arith.constant 2 : i32
      %dma_start3A_63 = arith.constant 0 : i32
      %dma_start3A_64 = arith.constant 0 : i32
      %dma_start3A_65 = tpu.memref_slice %arg8[%dma_start3A_62, %dma_start3A_63, %dma_start3A_64] : memref<4x128x16xf32, #tpu.memory_space<vmem>> -> memref<1x128x16xf32, #tpu.memory_space<vmem>>
      %dma_start3A_66 = tpu.memref_squeeze %dma_start3A_65 : memref<1x128x16xf32, #tpu.memory_space<vmem>> -> memref<128x16xf32, #tpu.memory_space<vmem>>
      %dma_start3A_67 = arith.constant 0 : i32
      %dma_start3A_68 = tpu.memref_slice %arg6[%dma_start3A_61, %dma_start3A_67] : memref<52x128xi32, #tpu.memory_space<vmem>> -> memref<1x128xi32, #tpu.memory_space<vmem>>
      %dma_start3A_69 = tpu.memref_squeeze %dma_start3A_68 : memref<1x128xi32, #tpu.memory_space<vmem>> -> memref<128xi32, #tpu.memory_space<vmem>>
      %dma_start3A_70 = arith.constant 0 : i32
      %dma_start3A_71 = arith.constant 0 : i32
      %dma_start3A_72 = tpu.memref_slice %arg2[%dma_start3A_70, %dma_start3A_71] : memref<10000x16xf32, #tpu.memory_space<hbm>> -> memref<10000x16xf32, #tpu.memory_space<hbm>>
      tpu.enqueue_indirect_dma source(%dma_start3A_72 : memref<10000x16xf32, #tpu.memory_space<hbm>>) target(%dma_start3A_66 : memref<128x16xf32, #tpu.memory_space<vmem>>) offsets(%dma_start3A_69 : memref<128xi32, #tpu.memory_space<vmem>>) semaphore(%arg10 : memref<!tpu.dma_semaphore, #tpu.memory_space<semaphore_mem>>)
      %dma_start3A_73 = arith.constant 3 : i32
      %dma_start3A_74 = arith.constant 3 : i32
      %dma_start3A_75 = arith.constant 0 : i32
      %dma_start3A_76 = arith.constant 0 : i32
      %dma_start3A_77 = tpu.memref_slice %arg8[%dma_start3A_74, %dma_start3A_75, %dma_start3A_76] : memref<4x128x16xf32, #tpu.memory_space<vmem>> -> memref<1x128x16xf32, #tpu.memory_space<vmem>>
      %dma_start3A_78 = tpu.memref_squeeze %dma_start3A_77 : memref<1x128x16xf32, #tpu.memory_space<vmem>> -> memref<128x16xf32, #tpu.memory_space<vmem>>
      %dma_start3A_79 = arith.constant 0 : i32
      %dma_start3A_80 = tpu.memref_slice %arg6[%dma_start3A_73, %dma_start3A_79] : memref<52x128xi32, #tpu.memory_space<vmem>> -> memref<1x128xi32, #tpu.memory_space<vmem>>
      %dma_start3A_81 = tpu.memref_squeeze %dma_start3A_80 : memref<1x128xi32, #tpu.memory_space<vmem>> -> memref<128xi32, #tpu.memory_space<vmem>>
      %dma_start3A_82 = arith.constant 0 : i32
      %dma_start3A_83 = arith.constant 0 : i32
      %dma_start3A_84 = tpu.memref_slice %arg2[%dma_start3A_82, %dma_start3A_83] : memref<10000x16xf32, #tpu.memory_space<hbm>> -> memref<10000x16xf32, #tpu.memory_space<hbm>>
      tpu.enqueue_indirect_dma source(%dma_start3A_84 : memref<10000x16xf32, #tpu.memory_space<hbm>>) target(%dma_start3A_78 : memref<128x16xf32, #tpu.memory_space<vmem>>) offsets(%dma_start3A_81 : memref<128xi32, #tpu.memory_space<vmem>>) semaphore(%arg10 : memref<!tpu.dma_semaphore, #tpu.memory_space<semaphore_mem>>)
      %scan3A = arith.constant 0 : i32
      %scan3A_85 = arith.constant 0 : i32
      %scan3A_86 = arith.constant 13 : i32
      %scan3A_87 = arith.addi %scan3A_85, %scan3A_86 : i32
      %scan3A_88 = arith.constant 1 : i32
      scf.for %scan3A_90 = %scan3A_85 to %scan3A_87 step %scan3A_88  : i32 {
        %mul3A_91 = arith.constant 4 : i32
        %mul3A_92 = arith.muli %mul3A_91, %scan3A_90 : i32
        %add3A = arith.constant 0 : i32
        %add3A_93 = arith.addi %mul3A_92, %add3A : i32
        %dma_wait3A = arith.constant 0 : i32
        %dma_wait3A_94 = arith.constant 0 : i32
        %dma_wait3A_95 = arith.constant 0 : i32
        %dma_wait3A_96 = tpu.memref_slice %arg8[%dma_wait3A, %dma_wait3A_94, %dma_wait3A_95] : memref<4x128x16xf32, #tpu.memory_space<vmem>> -> memref<1x128x16xf32, #tpu.memory_space<vmem>>
        %dma_wait3A_97 = tpu.memref_squeeze %dma_wait3A_96 : memref<1x128x16xf32, #tpu.memory_space<vmem>> -> memref<128x16xf32, #tpu.memory_space<vmem>>
        %dma_wait3A_98 = arith.constant 0 : i32
        %dma_wait3A_99 = arith.constant 0 : i32
        %dma_wait3A_100 = tpu.memref_slice %arg2[%dma_wait3A_98, %dma_wait3A_99] : memref<10000x16xf32, #tpu.memory_space<hbm>> -> memref<128x16xf32, #tpu.memory_space<hbm>>
        %dma_wait3A_101 = arith.constant 0 : i32
        %dma_wait3A_102 = arith.constant 0 : i32
        %dma_wait3A_103 = tpu.memref_slice %arg8[%dma_wait3A, %dma_wait3A_101, %dma_wait3A_102] : memref<4x128x16xf32, #tpu.memory_space<vmem>> -> memref<1x128x16xf32, #tpu.memory_space<vmem>>
        %dma_wait3A_104 = tpu.memref_squeeze %dma_wait3A_103 : memref<1x128x16xf32, #tpu.memory_space<vmem>> -> memref<128x16xf32, #tpu.memory_space<vmem>>
        %dma_wait3A_105 = arith.constant 0 : i32
        %dma_wait3A_106 = arith.constant 0 : i32
        %dma_wait3A_107 = tpu.memref_slice %arg2[%dma_wait3A_105, %dma_wait3A_106] : memref<10000x16xf32, #tpu.memory_space<hbm>> -> memref<128x16xf32, #tpu.memory_space<hbm>>
        tpu.wait_dma2 semaphore(%arg10 : memref<!tpu.dma_semaphore, #tpu.memory_space<semaphore_mem>>) src(%dma_wait3A_107 : memref<128x16xf32, #tpu.memory_space<hbm>>) dst(%dma_wait3A_104 : memref<128x16xf32, #tpu.memory_space<vmem>>)
        %run_scoped3A = arith.constant 0 : i32
        "tpu.region"() ({
          %run_scoped3A_196 = tpu.sem_alloc : memref<!tpu.dma_semaphore, #tpu.memory_space<semaphore_mem>>
          %dma_start3A_197 = arith.constant 0 : i32
          %dma_start3A_198 = arith.constant 0 : i32
          %dma_start3A_199 = tpu.memref_slice %arg8[%run_scoped3A, %dma_start3A_197, %dma_start3A_198] : memref<4x128x16xf32, #tpu.memory_space<vmem>> -> memref<1x128x16xf32, #tpu.memory_space<vmem>>
          %dma_start3A_200 = tpu.memref_squeeze %dma_start3A_199 : memref<1x128x16xf32, #tpu.memory_space<vmem>> -> memref<128x16xf32, #tpu.memory_space<vmem>>
          %dma_start3A_201 = arith.constant 0 : i32
          %dma_start3A_202 = tpu.memref_slice %arg7[%add3A_93, %dma_start3A_201] : memref<52x128xi32, #tpu.memory_space<vmem>> -> memref<1x128xi32, #tpu.memory_space<vmem>>
          %dma_start3A_203 = tpu.memref_squeeze %dma_start3A_202 : memref<1x128xi32, #tpu.memory_space<vmem>> -> memref<128xi32, #tpu.memory_space<vmem>>
          %dma_start3A_204 = arith.constant 0 : i32
          %dma_start3A_205 = arith.constant 0 : i32
          %dma_start3A_206 = tpu.memref_slice %arg9[%dma_start3A_204, %dma_start3A_205] : memref<10240x16xf32, #tpu.memory_space<vmem_shared>> -> memref<10240x16xf32, #tpu.memory_space<vmem_shared>>
          tpu.enqueue_indirect_dma source(%dma_start3A_200 : memref<128x16xf32, #tpu.memory_space<vmem>>) target(%dma_start3A_206 : memref<10240x16xf32, #tpu.memory_space<vmem_shared>>) offsets(%dma_start3A_203 : memref<128xi32, #tpu.memory_space<vmem>>) semaphore(%run_scoped3A_196 : memref<!tpu.dma_semaphore, #tpu.memory_space<semaphore_mem>>) {add = true}
          %dma_wait3A_207 = arith.constant 0 : i32
          %dma_wait3A_208 = arith.constant 0 : i32
          %dma_wait3A_209 = tpu.memref_slice %arg8[%run_scoped3A, %dma_wait3A_207, %dma_wait3A_208] : memref<4x128x16xf32, #tpu.memory_space<vmem>> -> memref<1x128x16xf32, #tpu.memory_space<vmem>>
          %dma_wait3A_210 = tpu.memref_squeeze %dma_wait3A_209 : memref<1x128x16xf32, #tpu.memory_space<vmem>> -> memref<128x16xf32, #tpu.memory_space<vmem>>
          %dma_wait3A_211 = arith.constant 0 : i32
          %dma_wait3A_212 = tpu.memref_slice %arg7[%add3A_93, %dma_wait3A_211] : memref<52x128xi32, #tpu.memory_space<vmem>> -> memref<1x128xi32, #tpu.memory_space<vmem>>
          %dma_wait3A_213 = tpu.memref_squeeze %dma_wait3A_212 : memref<1x128xi32, #tpu.memory_space<vmem>> -> memref<128xi32, #tpu.memory_space<vmem>>
          %dma_wait3A_214 = arith.constant 0 : i32
          %dma_wait3A_215 = arith.constant 0 : i32
          %dma_wait3A_216 = tpu.memref_slice %arg9[%dma_wait3A_214, %dma_wait3A_215] : memref<10240x16xf32, #tpu.memory_space<vmem_shared>> -> memref<10240x16xf32, #tpu.memory_space<vmem_shared>>
          tpu.wait_indirect_dma semaphore(%run_scoped3A_196 : memref<!tpu.dma_semaphore, #tpu.memory_space<semaphore_mem>>) src(%dma_wait3A_210 : memref<128x16xf32, #tpu.memory_space<vmem>>) dst(%dma_wait3A_216 : memref<10240x16xf32, #tpu.memory_space<vmem_shared>>)
          tpu.yield
        }) : () -> ()
        %add3A_108 = arith.constant 4 : i32
        %add3A_109 = arith.addi %add3A_93, %add3A_108 : i32
        %lt3A_110 = arith.constant 52 : i32
        %lt3A_111 = arith.cmpi slt, %add3A_109, %lt3A_110 : i32
        %convert_element_type3A_112 = arith.extui %lt3A_111 : i1 to i32
        %cond3A_113 = arith.constant 0 : i32
        %cond3A_114 = arith.cmpi ne, %convert_element_type3A_112, %cond3A_113 : i32
        scf.if %cond3A_114 {
          %add3A_196 = arith.constant 4 : i32
          %add3A_197 = arith.addi %add3A_93, %add3A_196 : i32
          %dma_start3A_198 = arith.constant 0 : i32
          %dma_start3A_199 = arith.constant 0 : i32
          %dma_start3A_200 = arith.constant 0 : i32
          %dma_start3A_201 = tpu.memref_slice %arg8[%dma_start3A_198, %dma_start3A_199, %dma_start3A_200] : memref<4x128x16xf32, #tpu.memory_space<vmem>> -> memref<1x128x16xf32, #tpu.memory_space<vmem>>
          %dma_start3A_202 = tpu.memref_squeeze %dma_start3A_201 : memref<1x128x16xf32, #tpu.memory_space<vmem>> -> memref<128x16xf32, #tpu.memory_space<vmem>>
          %dma_start3A_203 = arith.constant 0 : i32
          %dma_start3A_204 = tpu.memref_slice %arg6[%add3A_197, %dma_start3A_203] : memref<52x128xi32, #tpu.memory_space<vmem>> -> memref<1x128xi32, #tpu.memory_space<vmem>>
          %dma_start3A_205 = tpu.memref_squeeze %dma_start3A_204 : memref<1x128xi32, #tpu.memory_space<vmem>> -> memref<128xi32, #tpu.memory_space<vmem>>
          %dma_start3A_206 = arith.constant 0 : i32
          %dma_start3A_207 = arith.constant 0 : i32
          %dma_start3A_208 = tpu.memref_slice %arg2[%dma_start3A_206, %dma_start3A_207] : memref<10000x16xf32, #tpu.memory_space<hbm>> -> memref<10000x16xf32, #tpu.memory_space<hbm>>
          tpu.enqueue_indirect_dma source(%dma_start3A_208 : memref<10000x16xf32, #tpu.memory_space<hbm>>) target(%dma_start3A_202 : memref<128x16xf32, #tpu.memory_space<vmem>>) offsets(%dma_start3A_205 : memref<128xi32, #tpu.memory_space<vmem>>) semaphore(%arg10 : memref<!tpu.dma_semaphore, #tpu.memory_space<semaphore_mem>>)
        } else {
        }
        %mul3A_115 = arith.constant 4 : i32
        %mul3A_116 = arith.muli %mul3A_115, %scan3A_90 : i32
        %add3A_117 = arith.constant 1 : i32
        %add3A_118 = arith.addi %mul3A_116, %add3A_117 : i32
        %dma_wait3A_119 = arith.constant 0 : i32
        %dma_wait3A_120 = arith.constant 0 : i32
        %dma_wait3A_121 = arith.constant 0 : i32
        %dma_wait3A_122 = tpu.memref_slice %arg8[%dma_wait3A_119, %dma_wait3A_120, %dma_wait3A_121] : memref<4x128x16xf32, #tpu.memory_space<vmem>> -> memref<1x128x16xf32, #tpu.memory_space<vmem>>
        %dma_wait3A_123 = tpu.memref_squeeze %dma_wait3A_122 : memref<1x128x16xf32, #tpu.memory_space<vmem>> -> memref<128x16xf32, #tpu.memory_space<vmem>>
        %dma_wait3A_124 = arith.constant 0 : i32
        %dma_wait3A_125 = arith.constant 0 : i32
        %dma_wait3A_126 = tpu.memref_slice %arg2[%dma_wait3A_124, %dma_wait3A_125] : memref<10000x16xf32, #tpu.memory_space<hbm>> -> memref<128x16xf32, #tpu.memory_space<hbm>>
        %dma_wait3A_127 = arith.constant 0 : i32
        %dma_wait3A_128 = arith.constant 0 : i32
        %dma_wait3A_129 = tpu.memref_slice %arg8[%dma_wait3A_119, %dma_wait3A_127, %dma_wait3A_128] : memref<4x128x16xf32, #tpu.memory_space<vmem>> -> memref<1x128x16xf32, #tpu.memory_space<vmem>>
        %dma_wait3A_130 = tpu.memref_squeeze %dma_wait3A_129 : memref<1x128x16xf32, #tpu.memory_space<vmem>> -> memref<128x16xf32, #tpu.memory_space<vmem>>
        %dma_wait3A_131 = arith.constant 0 : i32
        %dma_wait3A_132 = arith.constant 0 : i32
        %dma_wait3A_133 = tpu.memref_slice %arg2[%dma_wait3A_131, %dma_wait3A_132] : memref<10000x16xf32, #tpu.memory_space<hbm>> -> memref<128x16xf32, #tpu.memory_space<hbm>>
        tpu.wait_dma2 semaphore(%arg10 : memref<!tpu.dma_semaphore, #tpu.memory_space<semaphore_mem>>) src(%dma_wait3A_133 : memref<128x16xf32, #tpu.memory_space<hbm>>) dst(%dma_wait3A_130 : memref<128x16xf32, #tpu.memory_space<vmem>>)
        %run_scoped3A_134 = arith.constant 1 : i32
        "tpu.region"() ({
          %run_scoped3A_196 = tpu.sem_alloc : memref<!tpu.dma_semaphore, #tpu.memory_space<semaphore_mem>>
          %dma_start3A_197 = arith.constant 0 : i32
          %dma_start3A_198 = arith.constant 0 : i32
          %dma_start3A_199 = tpu.memref_slice %arg8[%run_scoped3A_134, %dma_start3A_197, %dma_start3A_198] : memref<4x128x16xf32, #tpu.memory_space<vmem>> -> memref<1x128x16xf32, #tpu.memory_space<vmem>>
          %dma_start3A_200 = tpu.memref_squeeze %dma_start3A_199 : memref<1x128x16xf32, #tpu.memory_space<vmem>> -> memref<128x16xf32, #tpu.memory_space<vmem>>
          %dma_start3A_201 = arith.constant 0 : i32
          %dma_start3A_202 = tpu.memref_slice %arg7[%add3A_118, %dma_start3A_201] : memref<52x128xi32, #tpu.memory_space<vmem>> -> memref<1x128xi32, #tpu.memory_space<vmem>>
          %dma_start3A_203 = tpu.memref_squeeze %dma_start3A_202 : memref<1x128xi32, #tpu.memory_space<vmem>> -> memref<128xi32, #tpu.memory_space<vmem>>
          %dma_start3A_204 = arith.constant 0 : i32
          %dma_start3A_205 = arith.constant 0 : i32
          %dma_start3A_206 = tpu.memref_slice %arg9[%dma_start3A_204, %dma_start3A_205] : memref<10240x16xf32, #tpu.memory_space<vmem_shared>> -> memref<10240x16xf32, #tpu.memory_space<vmem_shared>>
          tpu.enqueue_indirect_dma source(%dma_start3A_200 : memref<128x16xf32, #tpu.memory_space<vmem>>) target(%dma_start3A_206 : memref<10240x16xf32, #tpu.memory_space<vmem_shared>>) offsets(%dma_start3A_203 : memref<128xi32, #tpu.memory_space<vmem>>) semaphore(%run_scoped3A_196 : memref<!tpu.dma_semaphore, #tpu.memory_space<semaphore_mem>>) {add = true}
          %dma_wait3A_207 = arith.constant 0 : i32
          %dma_wait3A_208 = arith.constant 0 : i32
          %dma_wait3A_209 = tpu.memref_slice %arg8[%run_scoped3A_134, %dma_wait3A_207, %dma_wait3A_208] : memref<4x128x16xf32, #tpu.memory_space<vmem>> -> memref<1x128x16xf32, #tpu.memory_space<vmem>>
          %dma_wait3A_210 = tpu.memref_squeeze %dma_wait3A_209 : memref<1x128x16xf32, #tpu.memory_space<vmem>> -> memref<128x16xf32, #tpu.memory_space<vmem>>
          %dma_wait3A_211 = arith.constant 0 : i32
          %dma_wait3A_212 = tpu.memref_slice %arg7[%add3A_118, %dma_wait3A_211] : memref<52x128xi32, #tpu.memory_space<vmem>> -> memref<1x128xi32, #tpu.memory_space<vmem>>
          %dma_wait3A_213 = tpu.memref_squeeze %dma_wait3A_212 : memref<1x128xi32, #tpu.memory_space<vmem>> -> memref<128xi32, #tpu.memory_space<vmem>>
          %dma_wait3A_214 = arith.constant 0 : i32
          %dma_wait3A_215 = arith.constant 0 : i32
          %dma_wait3A_216 = tpu.memref_slice %arg9[%dma_wait3A_214, %dma_wait3A_215] : memref<10240x16xf32, #tpu.memory_space<vmem_shared>> -> memref<10240x16xf32, #tpu.memory_space<vmem_shared>>
          tpu.wait_indirect_dma semaphore(%run_scoped3A_196 : memref<!tpu.dma_semaphore, #tpu.memory_space<semaphore_mem>>) src(%dma_wait3A_210 : memref<128x16xf32, #tpu.memory_space<vmem>>) dst(%dma_wait3A_216 : memref<10240x16xf32, #tpu.memory_space<vmem_shared>>)
          tpu.yield
        }) : () -> ()
        %add3A_135 = arith.constant 4 : i32
        %add3A_136 = arith.addi %add3A_118, %add3A_135 : i32
        %lt3A_137 = arith.constant 52 : i32
        %lt3A_138 = arith.cmpi slt, %add3A_136, %lt3A_137 : i32
        %convert_element_type3A_139 = arith.extui %lt3A_138 : i1 to i32
        %cond3A_140 = arith.constant 0 : i32
        %cond3A_141 = arith.cmpi ne, %convert_element_type3A_139, %cond3A_140 : i32
        scf.if %cond3A_141 {
          %add3A_196 = arith.constant 4 : i32
          %add3A_197 = arith.addi %add3A_118, %add3A_196 : i32
          %dma_start3A_198 = arith.constant 1 : i32
          %dma_start3A_199 = arith.constant 0 : i32
          %dma_start3A_200 = arith.constant 0 : i32
          %dma_start3A_201 = tpu.memref_slice %arg8[%dma_start3A_198, %dma_start3A_199, %dma_start3A_200] : memref<4x128x16xf32, #tpu.memory_space<vmem>> -> memref<1x128x16xf32, #tpu.memory_space<vmem>>
          %dma_start3A_202 = tpu.memref_squeeze %dma_start3A_201 : memref<1x128x16xf32, #tpu.memory_space<vmem>> -> memref<128x16xf32, #tpu.memory_space<vmem>>
          %dma_start3A_203 = arith.constant 0 : i32
          %dma_start3A_204 = tpu.memref_slice %arg6[%add3A_197, %dma_start3A_203] : memref<52x128xi32, #tpu.memory_space<vmem>> -> memref<1x128xi32, #tpu.memory_space<vmem>>
          %dma_start3A_205 = tpu.memref_squeeze %dma_start3A_204 : memref<1x128xi32, #tpu.memory_space<vmem>> -> memref<128xi32, #tpu.memory_space<vmem>>
          %dma_start3A_206 = arith.constant 0 : i32
          %dma_start3A_207 = arith.constant 0 : i32
          %dma_start3A_208 = tpu.memref_slice %arg2[%dma_start3A_206, %dma_start3A_207] : memref<10000x16xf32, #tpu.memory_space<hbm>> -> memref<10000x16xf32, #tpu.memory_space<hbm>>
          tpu.enqueue_indirect_dma source(%dma_start3A_208 : memref<10000x16xf32, #tpu.memory_space<hbm>>) target(%dma_start3A_202 : memref<128x16xf32, #tpu.memory_space<vmem>>) offsets(%dma_start3A_205 : memref<128xi32, #tpu.memory_space<vmem>>) semaphore(%arg10 : memref<!tpu.dma_semaphore, #tpu.memory_space<semaphore_mem>>)
        } else {
        }
        %mul3A_142 = arith.constant 4 : i32
        %mul3A_143 = arith.muli %mul3A_142, %scan3A_90 : i32
        %add3A_144 = arith.constant 2 : i32
        %add3A_145 = arith.addi %mul3A_143, %add3A_144 : i32
        %dma_wait3A_146 = arith.constant 0 : i32
        %dma_wait3A_147 = arith.constant 0 : i32
        %dma_wait3A_148 = arith.constant 0 : i32
        %dma_wait3A_149 = tpu.memref_slice %arg8[%dma_wait3A_146, %dma_wait3A_147, %dma_wait3A_148] : memref<4x128x16xf32, #tpu.memory_space<vmem>> -> memref<1x128x16xf32, #tpu.memory_space<vmem>>
        %dma_wait3A_150 = tpu.memref_squeeze %dma_wait3A_149 : memref<1x128x16xf32, #tpu.memory_space<vmem>> -> memref<128x16xf32, #tpu.memory_space<vmem>>
        %dma_wait3A_151 = arith.constant 0 : i32
        %dma_wait3A_152 = arith.constant 0 : i32
        %dma_wait3A_153 = tpu.memref_slice %arg2[%dma_wait3A_151, %dma_wait3A_152] : memref<10000x16xf32, #tpu.memory_space<hbm>> -> memref<128x16xf32, #tpu.memory_space<hbm>>
        %dma_wait3A_154 = arith.constant 0 : i32
        %dma_wait3A_155 = arith.constant 0 : i32
        %dma_wait3A_156 = tpu.memref_slice %arg8[%dma_wait3A_146, %dma_wait3A_154, %dma_wait3A_155] : memref<4x128x16xf32, #tpu.memory_space<vmem>> -> memref<1x128x16xf32, #tpu.memory_space<vmem>>
        %dma_wait3A_157 = tpu.memref_squeeze %dma_wait3A_156 : memref<1x128x16xf32, #tpu.memory_space<vmem>> -> memref<128x16xf32, #tpu.memory_space<vmem>>
        %dma_wait3A_158 = arith.constant 0 : i32
        %dma_wait3A_159 = arith.constant 0 : i32
        %dma_wait3A_160 = tpu.memref_slice %arg2[%dma_wait3A_158, %dma_wait3A_159] : memref<10000x16xf32, #tpu.memory_space<hbm>> -> memref<128x16xf32, #tpu.memory_space<hbm>>
        tpu.wait_dma2 semaphore(%arg10 : memref<!tpu.dma_semaphore, #tpu.memory_space<semaphore_mem>>) src(%dma_wait3A_160 : memref<128x16xf32, #tpu.memory_space<hbm>>) dst(%dma_wait3A_157 : memref<128x16xf32, #tpu.memory_space<vmem>>)
        %run_scoped3A_161 = arith.constant 2 : i32
        "tpu.region"() ({
          %run_scoped3A_196 = tpu.sem_alloc : memref<!tpu.dma_semaphore, #tpu.memory_space<semaphore_mem>>
          %dma_start3A_197 = arith.constant 0 : i32
          %dma_start3A_198 = arith.constant 0 : i32
          %dma_start3A_199 = tpu.memref_slice %arg8[%run_scoped3A_161, %dma_start3A_197, %dma_start3A_198] : memref<4x128x16xf32, #tpu.memory_space<vmem>> -> memref<1x128x16xf32, #tpu.memory_space<vmem>>
          %dma_start3A_200 = tpu.memref_squeeze %dma_start3A_199 : memref<1x128x16xf32, #tpu.memory_space<vmem>> -> memref<128x16xf32, #tpu.memory_space<vmem>>
          %dma_start3A_201 = arith.constant 0 : i32
          %dma_start3A_202 = tpu.memref_slice %arg7[%add3A_145, %dma_start3A_201] : memref<52x128xi32, #tpu.memory_space<vmem>> -> memref<1x128xi32, #tpu.memory_space<vmem>>
          %dma_start3A_203 = tpu.memref_squeeze %dma_start3A_202 : memref<1x128xi32, #tpu.memory_space<vmem>> -> memref<128xi32, #tpu.memory_space<vmem>>
          %dma_start3A_204 = arith.constant 0 : i32
          %dma_start3A_205 = arith.constant 0 : i32
          %dma_start3A_206 = tpu.memref_slice %arg9[%dma_start3A_204, %dma_start3A_205] : memref<10240x16xf32, #tpu.memory_space<vmem_shared>> -> memref<10240x16xf32, #tpu.memory_space<vmem_shared>>
          tpu.enqueue_indirect_dma source(%dma_start3A_200 : memref<128x16xf32, #tpu.memory_space<vmem>>) target(%dma_start3A_206 : memref<10240x16xf32, #tpu.memory_space<vmem_shared>>) offsets(%dma_start3A_203 : memref<128xi32, #tpu.memory_space<vmem>>) semaphore(%run_scoped3A_196 : memref<!tpu.dma_semaphore, #tpu.memory_space<semaphore_mem>>) {add = true}
          %dma_wait3A_207 = arith.constant 0 : i32
          %dma_wait3A_208 = arith.constant 0 : i32
          %dma_wait3A_209 = tpu.memref_slice %arg8[%run_scoped3A_161, %dma_wait3A_207, %dma_wait3A_208] : memref<4x128x16xf32, #tpu.memory_space<vmem>> -> memref<1x128x16xf32, #tpu.memory_space<vmem>>
          %dma_wait3A_210 = tpu.memref_squeeze %dma_wait3A_209 : memref<1x128x16xf32, #tpu.memory_space<vmem>> -> memref<128x16xf32, #tpu.memory_space<vmem>>
          %dma_wait3A_211 = arith.constant 0 : i32
          %dma_wait3A_212 = tpu.memref_slice %arg7[%add3A_145, %dma_wait3A_211] : memref<52x128xi32, #tpu.memory_space<vmem>> -> memref<1x128xi32, #tpu.memory_space<vmem>>
          %dma_wait3A_213 = tpu.memref_squeeze %dma_wait3A_212 : memref<1x128xi32, #tpu.memory_space<vmem>> -> memref<128xi32, #tpu.memory_space<vmem>>
          %dma_wait3A_214 = arith.constant 0 : i32
          %dma_wait3A_215 = arith.constant 0 : i32
          %dma_wait3A_216 = tpu.memref_slice %arg9[%dma_wait3A_214, %dma_wait3A_215] : memref<10240x16xf32, #tpu.memory_space<vmem_shared>> -> memref<10240x16xf32, #tpu.memory_space<vmem_shared>>
          tpu.wait_indirect_dma semaphore(%run_scoped3A_196 : memref<!tpu.dma_semaphore, #tpu.memory_space<semaphore_mem>>) src(%dma_wait3A_210 : memref<128x16xf32, #tpu.memory_space<vmem>>) dst(%dma_wait3A_216 : memref<10240x16xf32, #tpu.memory_space<vmem_shared>>)
          tpu.yield
        }) : () -> ()
        %add3A_162 = arith.constant 4 : i32
        %add3A_163 = arith.addi %add3A_145, %add3A_162 : i32
        %lt3A_164 = arith.constant 52 : i32
        %lt3A_165 = arith.cmpi slt, %add3A_163, %lt3A_164 : i32
        %convert_element_type3A_166 = arith.extui %lt3A_165 : i1 to i32
        %cond3A_167 = arith.constant 0 : i32
        %cond3A_168 = arith.cmpi ne, %convert_element_type3A_166, %cond3A_167 : i32
        scf.if %cond3A_168 {
          %add3A_196 = arith.constant 4 : i32
          %add3A_197 = arith.addi %add3A_145, %add3A_196 : i32
          %dma_start3A_198 = arith.constant 2 : i32
          %dma_start3A_199 = arith.constant 0 : i32
          %dma_start3A_200 = arith.constant 0 : i32
          %dma_start3A_201 = tpu.memref_slice %arg8[%dma_start3A_198, %dma_start3A_199, %dma_start3A_200] : memref<4x128x16xf32, #tpu.memory_space<vmem>> -> memref<1x128x16xf32, #tpu.memory_space<vmem>>
          %dma_start3A_202 = tpu.memref_squeeze %dma_start3A_201 : memref<1x128x16xf32, #tpu.memory_space<vmem>> -> memref<128x16xf32, #tpu.memory_space<vmem>>
          %dma_start3A_203 = arith.constant 0 : i32
          %dma_start3A_204 = tpu.memref_slice %arg6[%add3A_197, %dma_start3A_203] : memref<52x128xi32, #tpu.memory_space<vmem>> -> memref<1x128xi32, #tpu.memory_space<vmem>>
          %dma_start3A_205 = tpu.memref_squeeze %dma_start3A_204 : memref<1x128xi32, #tpu.memory_space<vmem>> -> memref<128xi32, #tpu.memory_space<vmem>>
          %dma_start3A_206 = arith.constant 0 : i32
          %dma_start3A_207 = arith.constant 0 : i32
          %dma_start3A_208 = tpu.memref_slice %arg2[%dma_start3A_206, %dma_start3A_207] : memref<10000x16xf32, #tpu.memory_space<hbm>> -> memref<10000x16xf32, #tpu.memory_space<hbm>>
          tpu.enqueue_indirect_dma source(%dma_start3A_208 : memref<10000x16xf32, #tpu.memory_space<hbm>>) target(%dma_start3A_202 : memref<128x16xf32, #tpu.memory_space<vmem>>) offsets(%dma_start3A_205 : memref<128xi32, #tpu.memory_space<vmem>>) semaphore(%arg10 : memref<!tpu.dma_semaphore, #tpu.memory_space<semaphore_mem>>)
        } else {
        }
        %mul3A_169 = arith.constant 4 : i32
        %mul3A_170 = arith.muli %mul3A_169, %scan3A_90 : i32
        %add3A_171 = arith.constant 3 : i32
        %add3A_172 = arith.addi %mul3A_170, %add3A_171 : i32
        %dma_wait3A_173 = arith.constant 0 : i32
        %dma_wait3A_174 = arith.constant 0 : i32
        %dma_wait3A_175 = arith.constant 0 : i32
        %dma_wait3A_176 = tpu.memref_slice %arg8[%dma_wait3A_173, %dma_wait3A_174, %dma_wait3A_175] : memref<4x128x16xf32, #tpu.memory_space<vmem>> -> memref<1x128x16xf32, #tpu.memory_space<vmem>>
        %dma_wait3A_177 = tpu.memref_squeeze %dma_wait3A_176 : memref<1x128x16xf32, #tpu.memory_space<vmem>> -> memref<128x16xf32, #tpu.memory_space<vmem>>
        %dma_wait3A_178 = arith.constant 0 : i32
        %dma_wait3A_179 = arith.constant 0 : i32
        %dma_wait3A_180 = tpu.memref_slice %arg2[%dma_wait3A_178, %dma_wait3A_179] : memref<10000x16xf32, #tpu.memory_space<hbm>> -> memref<128x16xf32, #tpu.memory_space<hbm>>
        %dma_wait3A_181 = arith.constant 0 : i32
        %dma_wait3A_182 = arith.constant 0 : i32
        %dma_wait3A_183 = tpu.memref_slice %arg8[%dma_wait3A_173, %dma_wait3A_181, %dma_wait3A_182] : memref<4x128x16xf32, #tpu.memory_space<vmem>> -> memref<1x128x16xf32, #tpu.memory_space<vmem>>
        %dma_wait3A_184 = tpu.memref_squeeze %dma_wait3A_183 : memref<1x128x16xf32, #tpu.memory_space<vmem>> -> memref<128x16xf32, #tpu.memory_space<vmem>>
        %dma_wait3A_185 = arith.constant 0 : i32
        %dma_wait3A_186 = arith.constant 0 : i32
        %dma_wait3A_187 = tpu.memref_slice %arg2[%dma_wait3A_185, %dma_wait3A_186] : memref<10000x16xf32, #tpu.memory_space<hbm>> -> memref<128x16xf32, #tpu.memory_space<hbm>>
        tpu.wait_dma2 semaphore(%arg10 : memref<!tpu.dma_semaphore, #tpu.memory_space<semaphore_mem>>) src(%dma_wait3A_187 : memref<128x16xf32, #tpu.memory_space<hbm>>) dst(%dma_wait3A_184 : memref<128x16xf32, #tpu.memory_space<vmem>>)
        %run_scoped3A_188 = arith.constant 3 : i32
        "tpu.region"() ({
          %run_scoped3A_196 = tpu.sem_alloc : memref<!tpu.dma_semaphore, #tpu.memory_space<semaphore_mem>>
          %dma_start3A_197 = arith.constant 0 : i32
          %dma_start3A_198 = arith.constant 0 : i32
          %dma_start3A_199 = tpu.memref_slice %arg8[%run_scoped3A_188, %dma_start3A_197, %dma_start3A_198] : memref<4x128x16xf32, #tpu.memory_space<vmem>> -> memref<1x128x16xf32, #tpu.memory_space<vmem>>
          %dma_start3A_200 = tpu.memref_squeeze %dma_start3A_199 : memref<1x128x16xf32, #tpu.memory_space<vmem>> -> memref<128x16xf32, #tpu.memory_space<vmem>>
          %dma_start3A_201 = arith.constant 0 : i32
          %dma_start3A_202 = tpu.memref_slice %arg7[%add3A_172, %dma_start3A_201] : memref<52x128xi32, #tpu.memory_space<vmem>> -> memref<1x128xi32, #tpu.memory_space<vmem>>
          %dma_start3A_203 = tpu.memref_squeeze %dma_start3A_202 : memref<1x128xi32, #tpu.memory_space<vmem>> -> memref<128xi32, #tpu.memory_space<vmem>>
          %dma_start3A_204 = arith.constant 0 : i32
          %dma_start3A_205 = arith.constant 0 : i32
          %dma_start3A_206 = tpu.memref_slice %arg9[%dma_start3A_204, %dma_start3A_205] : memref<10240x16xf32, #tpu.memory_space<vmem_shared>> -> memref<10240x16xf32, #tpu.memory_space<vmem_shared>>
          tpu.enqueue_indirect_dma source(%dma_start3A_200 : memref<128x16xf32, #tpu.memory_space<vmem>>) target(%dma_start3A_206 : memref<10240x16xf32, #tpu.memory_space<vmem_shared>>) offsets(%dma_start3A_203 : memref<128xi32, #tpu.memory_space<vmem>>) semaphore(%run_scoped3A_196 : memref<!tpu.dma_semaphore, #tpu.memory_space<semaphore_mem>>) {add = true}
          %dma_wait3A_207 = arith.constant 0 : i32
          %dma_wait3A_208 = arith.constant 0 : i32
          %dma_wait3A_209 = tpu.memref_slice %arg8[%run_scoped3A_188, %dma_wait3A_207, %dma_wait3A_208] : memref<4x128x16xf32, #tpu.memory_space<vmem>> -> memref<1x128x16xf32, #tpu.memory_space<vmem>>
          %dma_wait3A_210 = tpu.memref_squeeze %dma_wait3A_209 : memref<1x128x16xf32, #tpu.memory_space<vmem>> -> memref<128x16xf32, #tpu.memory_space<vmem>>
          %dma_wait3A_211 = arith.constant 0 : i32
          %dma_wait3A_212 = tpu.memref_slice %arg7[%add3A_172, %dma_wait3A_211] : memref<52x128xi32, #tpu.memory_space<vmem>> -> memref<1x128xi32, #tpu.memory_space<vmem>>
          %dma_wait3A_213 = tpu.memref_squeeze %dma_wait3A_212 : memref<1x128xi32, #tpu.memory_space<vmem>> -> memref<128xi32, #tpu.memory_space<vmem>>
          %dma_wait3A_214 = arith.constant 0 : i32
          %dma_wait3A_215 = arith.constant 0 : i32
          %dma_wait3A_216 = tpu.memref_slice %arg9[%dma_wait3A_214, %dma_wait3A_215] : memref<10240x16xf32, #tpu.memory_space<vmem_shared>> -> memref<10240x16xf32, #tpu.memory_space<vmem_shared>>
          tpu.wait_indirect_dma semaphore(%run_scoped3A_196 : memref<!tpu.dma_semaphore, #tpu.memory_space<semaphore_mem>>) src(%dma_wait3A_210 : memref<128x16xf32, #tpu.memory_space<vmem>>) dst(%dma_wait3A_216 : memref<10240x16xf32, #tpu.memory_space<vmem_shared>>)
          tpu.yield
        }) : () -> ()
        %add3A_189 = arith.constant 4 : i32
        %add3A_190 = arith.addi %add3A_172, %add3A_189 : i32
        %lt3A_191 = arith.constant 52 : i32
        %lt3A_192 = arith.cmpi slt, %add3A_190, %lt3A_191 : i32
        %convert_element_type3A_193 = arith.extui %lt3A_192 : i1 to i32
        %cond3A_194 = arith.constant 0 : i32
        %cond3A_195 = arith.cmpi ne, %convert_element_type3A_193, %cond3A_194 : i32
        scf.if %cond3A_195 {
          %add3A_196 = arith.constant 4 : i32
          %add3A_197 = arith.addi %add3A_172, %add3A_196 : i32
          %dma_start3A_198 = arith.constant 3 : i32
          %dma_start3A_199 = arith.constant 0 : i32
          %dma_start3A_200 = arith.constant 0 : i32
          %dma_start3A_201 = tpu.memref_slice %arg8[%dma_start3A_198, %dma_start3A_199, %dma_start3A_200] : memref<4x128x16xf32, #tpu.memory_space<vmem>> -> memref<1x128x16xf32, #tpu.memory_space<vmem>>
          %dma_start3A_202 = tpu.memref_squeeze %dma_start3A_201 : memref<1x128x16xf32, #tpu.memory_space<vmem>> -> memref<128x16xf32, #tpu.memory_space<vmem>>
          %dma_start3A_203 = arith.constant 0 : i32
          %dma_start3A_204 = tpu.memref_slice %arg6[%add3A_197, %dma_start3A_203] : memref<52x128xi32, #tpu.memory_space<vmem>> -> memref<1x128xi32, #tpu.memory_space<vmem>>
          %dma_start3A_205 = tpu.memref_squeeze %dma_start3A_204 : memref<1x128xi32, #tpu.memory_space<vmem>> -> memref<128xi32, #tpu.memory_space<vmem>>
          %dma_start3A_206 = arith.constant 0 : i32
          %dma_start3A_207 = arith.constant 0 : i32
          %dma_start3A_208 = tpu.memref_slice %arg2[%dma_start3A_206, %dma_start3A_207] : memref<10000x16xf32, #tpu.memory_space<hbm>> -> memref<10000x16xf32, #tpu.memory_space<hbm>>
          tpu.enqueue_indirect_dma source(%dma_start3A_208 : memref<10000x16xf32, #tpu.memory_space<hbm>>) target(%dma_start3A_202 : memref<128x16xf32, #tpu.memory_space<vmem>>) offsets(%dma_start3A_205 : memref<128xi32, #tpu.memory_space<vmem>>) semaphore(%arg10 : memref<!tpu.dma_semaphore, #tpu.memory_space<semaphore_mem>>)
        } else {
        }
      }
      %scan3A_89 = arith.constant 13 : i32
    } else {
    }
    %eq3A_22 = arith.constant 1 : i32
    %eq3A_23 = arith.cmpi eq, %arg0, %eq3A_22 : i32
    %convert_element_type3A_24 = arith.extui %eq3A_23 : i1 to i32
    %cond3A_25 = arith.constant 0 : i32
    %cond3A_26 = arith.cmpi ne, %convert_element_type3A_24, %cond3A_25 : i32
    scf.if %cond3A_26 {
      %dma_start3A = arith.constant 0 : i32
      %dma_start3A_38 = arith.constant 0 : i32
      %dma_start3A_39 = arith.constant 0 : i32
      %dma_start3A_40 = arith.constant 0 : i32
      %dma_start3A_41 = tpu.memref_slice %arg8[%dma_start3A_38, %dma_start3A_39, %dma_start3A_40] : memref<4x128x16xf32, #tpu.memory_space<vmem>> -> memref<1x128x16xf32, #tpu.memory_space<vmem>>
      %dma_start3A_42 = tpu.memref_squeeze %dma_start3A_41 : memref<1x128x16xf32, #tpu.memory_space<vmem>> -> memref<128x16xf32, #tpu.memory_space<vmem>>
      %dma_start3A_43 = arith.constant 0 : i32
      %dma_start3A_44 = tpu.memref_slice %arg6[%dma_start3A, %dma_start3A_43] : memref<52x128xi32, #tpu.memory_space<vmem>> -> memref<1x128xi32, #tpu.memory_space<vmem>>
      %dma_start3A_45 = tpu.memref_squeeze %dma_start3A_44 : memref<1x128xi32, #tpu.memory_space<vmem>> -> memref<128xi32, #tpu.memory_space<vmem>>
      %dma_start3A_46 = arith.constant 0 : i32
      %dma_start3A_47 = arith.constant 0 : i32
      %dma_start3A_48 = tpu.memref_slice %arg2[%dma_start3A_46, %dma_start3A_47] : memref<10000x16xf32, #tpu.memory_space<hbm>> -> memref<10000x16xf32, #tpu.memory_space<hbm>>
      tpu.enqueue_indirect_dma source(%dma_start3A_48 : memref<10000x16xf32, #tpu.memory_space<hbm>>) target(%dma_start3A_42 : memref<128x16xf32, #tpu.memory_space<vmem>>) offsets(%dma_start3A_45 : memref<128xi32, #tpu.memory_space<vmem>>) semaphore(%arg10 : memref<!tpu.dma_semaphore, #tpu.memory_space<semaphore_mem>>)
      %dma_start3A_49 = arith.constant 1 : i32
      %dma_start3A_50 = arith.constant 1 : i32
      %dma_start3A_51 = arith.constant 0 : i32
      %dma_start3A_52 = arith.constant 0 : i32
      %dma_start3A_53 = tpu.memref_slice %arg8[%dma_start3A_50, %dma_start3A_51, %dma_start3A_52] : memref<4x128x16xf32, #tpu.memory_space<vmem>> -> memref<1x128x16xf32, #tpu.memory_space<vmem>>
      %dma_start3A_54 = tpu.memref_squeeze %dma_start3A_53 : memref<1x128x16xf32, #tpu.memory_space<vmem>> -> memref<128x16xf32, #tpu.memory_space<vmem>>
      %dma_start3A_55 = arith.constant 0 : i32
      %dma_start3A_56 = tpu.memref_slice %arg6[%dma_start3A_49, %dma_start3A_55] : memref<52x128xi32, #tpu.memory_space<vmem>> -> memref<1x128xi32, #tpu.memory_space<vmem>>
      %dma_start3A_57 = tpu.memref_squeeze %dma_start3A_56 : memref<1x128xi32, #tpu.memory_space<vmem>> -> memref<128xi32, #tpu.memory_space<vmem>>
      %dma_start3A_58 = arith.constant 0 : i32
      %dma_start3A_59 = arith.constant 0 : i32
      %dma_start3A_60 = tpu.memref_slice %arg2[%dma_start3A_58, %dma_start3A_59] : memref<10000x16xf32, #tpu.memory_space<hbm>> -> memref<10000x16xf32, #tpu.memory_space<hbm>>
      tpu.enqueue_indirect_dma source(%dma_start3A_60 : memref<10000x16xf32, #tpu.memory_space<hbm>>) target(%dma_start3A_54 : memref<128x16xf32, #tpu.memory_space<vmem>>) offsets(%dma_start3A_57 : memref<128xi32, #tpu.memory_space<vmem>>) semaphore(%arg10 : memref<!tpu.dma_semaphore, #tpu.memory_space<semaphore_mem>>)
      %dma_start3A_61 = arith.constant 2 : i32
      %dma_start3A_62 = arith.constant 2 : i32
      %dma_start3A_63 = arith.constant 0 : i32
      %dma_start3A_64 = arith.constant 0 : i32
      %dma_start3A_65 = tpu.memref_slice %arg8[%dma_start3A_62, %dma_start3A_63, %dma_start3A_64] : memref<4x128x16xf32, #tpu.memory_space<vmem>> -> memref<1x128x16xf32, #tpu.memory_space<vmem>>
      %dma_start3A_66 = tpu.memref_squeeze %dma_start3A_65 : memref<1x128x16xf32, #tpu.memory_space<vmem>> -> memref<128x16xf32, #tpu.memory_space<vmem>>
      %dma_start3A_67 = arith.constant 0 : i32
      %dma_start3A_68 = tpu.memref_slice %arg6[%dma_start3A_61, %dma_start3A_67] : memref<52x128xi32, #tpu.memory_space<vmem>> -> memref<1x128xi32, #tpu.memory_space<vmem>>
      %dma_start3A_69 = tpu.memref_squeeze %dma_start3A_68 : memref<1x128xi32, #tpu.memory_space<vmem>> -> memref<128xi32, #tpu.memory_space<vmem>>
      %dma_start3A_70 = arith.constant 0 : i32
      %dma_start3A_71 = arith.constant 0 : i32
      %dma_start3A_72 = tpu.memref_slice %arg2[%dma_start3A_70, %dma_start3A_71] : memref<10000x16xf32, #tpu.memory_space<hbm>> -> memref<10000x16xf32, #tpu.memory_space<hbm>>
      tpu.enqueue_indirect_dma source(%dma_start3A_72 : memref<10000x16xf32, #tpu.memory_space<hbm>>) target(%dma_start3A_66 : memref<128x16xf32, #tpu.memory_space<vmem>>) offsets(%dma_start3A_69 : memref<128xi32, #tpu.memory_space<vmem>>) semaphore(%arg10 : memref<!tpu.dma_semaphore, #tpu.memory_space<semaphore_mem>>)
      %dma_start3A_73 = arith.constant 3 : i32
      %dma_start3A_74 = arith.constant 3 : i32
      %dma_start3A_75 = arith.constant 0 : i32
      %dma_start3A_76 = arith.constant 0 : i32
      %dma_start3A_77 = tpu.memref_slice %arg8[%dma_start3A_74, %dma_start3A_75, %dma_start3A_76] : memref<4x128x16xf32, #tpu.memory_space<vmem>> -> memref<1x128x16xf32, #tpu.memory_space<vmem>>
      %dma_start3A_78 = tpu.memref_squeeze %dma_start3A_77 : memref<1x128x16xf32, #tpu.memory_space<vmem>> -> memref<128x16xf32, #tpu.memory_space<vmem>>
      %dma_start3A_79 = arith.constant 0 : i32
      %dma_start3A_80 = tpu.memref_slice %arg6[%dma_start3A_73, %dma_start3A_79] : memref<52x128xi32, #tpu.memory_space<vmem>> -> memref<1x128xi32, #tpu.memory_space<vmem>>
      %dma_start3A_81 = tpu.memref_squeeze %dma_start3A_80 : memref<1x128xi32, #tpu.memory_space<vmem>> -> memref<128xi32, #tpu.memory_space<vmem>>
      %dma_start3A_82 = arith.constant 0 : i32
      %dma_start3A_83 = arith.constant 0 : i32
      %dma_start3A_84 = tpu.memref_slice %arg2[%dma_start3A_82, %dma_start3A_83] : memref<10000x16xf32, #tpu.memory_space<hbm>> -> memref<10000x16xf32, #tpu.memory_space<hbm>>
      tpu.enqueue_indirect_dma source(%dma_start3A_84 : memref<10000x16xf32, #tpu.memory_space<hbm>>) target(%dma_start3A_78 : memref<128x16xf32, #tpu.memory_space<vmem>>) offsets(%dma_start3A_81 : memref<128xi32, #tpu.memory_space<vmem>>) semaphore(%arg10 : memref<!tpu.dma_semaphore, #tpu.memory_space<semaphore_mem>>)
      %scan3A = arith.constant 0 : i32
      %scan3A_85 = arith.constant 0 : i32
      %scan3A_86 = arith.constant 7 : i32
      %scan3A_87 = arith.addi %scan3A_85, %scan3A_86 : i32
      %scan3A_88 = arith.constant 1 : i32
      scf.for %scan3A_90 = %scan3A_85 to %scan3A_87 step %scan3A_88  : i32 {
        %mul3A_91 = arith.constant 4 : i32
        %mul3A_92 = arith.muli %mul3A_91, %scan3A_90 : i32
        %add3A = arith.constant 0 : i32
        %add3A_93 = arith.addi %mul3A_92, %add3A : i32
        %dma_wait3A = arith.constant 0 : i32
        %dma_wait3A_94 = arith.constant 0 : i32
        %dma_wait3A_95 = arith.constant 0 : i32
        %dma_wait3A_96 = tpu.memref_slice %arg8[%dma_wait3A, %dma_wait3A_94, %dma_wait3A_95] : memref<4x128x16xf32, #tpu.memory_space<vmem>> -> memref<1x128x16xf32, #tpu.memory_space<vmem>>
        %dma_wait3A_97 = tpu.memref_squeeze %dma_wait3A_96 : memref<1x128x16xf32, #tpu.memory_space<vmem>> -> memref<128x16xf32, #tpu.memory_space<vmem>>
        %dma_wait3A_98 = arith.constant 0 : i32
        %dma_wait3A_99 = arith.constant 0 : i32
        %dma_wait3A_100 = tpu.memref_slice %arg2[%dma_wait3A_98, %dma_wait3A_99] : memref<10000x16xf32, #tpu.memory_space<hbm>> -> memref<128x16xf32, #tpu.memory_space<hbm>>
        %dma_wait3A_101 = arith.constant 0 : i32
        %dma_wait3A_102 = arith.constant 0 : i32
        %dma_wait3A_103 = tpu.memref_slice %arg8[%dma_wait3A, %dma_wait3A_101, %dma_wait3A_102] : memref<4x128x16xf32, #tpu.memory_space<vmem>> -> memref<1x128x16xf32, #tpu.memory_space<vmem>>
        %dma_wait3A_104 = tpu.memref_squeeze %dma_wait3A_103 : memref<1x128x16xf32, #tpu.memory_space<vmem>> -> memref<128x16xf32, #tpu.memory_space<vmem>>
        %dma_wait3A_105 = arith.constant 0 : i32
        %dma_wait3A_106 = arith.constant 0 : i32
        %dma_wait3A_107 = tpu.memref_slice %arg2[%dma_wait3A_105, %dma_wait3A_106] : memref<10000x16xf32, #tpu.memory_space<hbm>> -> memref<128x16xf32, #tpu.memory_space<hbm>>
        tpu.wait_dma2 semaphore(%arg10 : memref<!tpu.dma_semaphore, #tpu.memory_space<semaphore_mem>>) src(%dma_wait3A_107 : memref<128x16xf32, #tpu.memory_space<hbm>>) dst(%dma_wait3A_104 : memref<128x16xf32, #tpu.memory_space<vmem>>)
        %run_scoped3A = arith.constant 0 : i32
        "tpu.region"() ({
          %run_scoped3A_196 = tpu.sem_alloc : memref<!tpu.dma_semaphore, #tpu.memory_space<semaphore_mem>>
          %dma_start3A_197 = arith.constant 0 : i32
          %dma_start3A_198 = arith.constant 0 : i32
          %dma_start3A_199 = tpu.memref_slice %arg8[%run_scoped3A, %dma_start3A_197, %dma_start3A_198] : memref<4x128x16xf32, #tpu.memory_space<vmem>> -> memref<1x128x16xf32, #tpu.memory_space<vmem>>
          %dma_start3A_200 = tpu.memref_squeeze %dma_start3A_199 : memref<1x128x16xf32, #tpu.memory_space<vmem>> -> memref<128x16xf32, #tpu.memory_space<vmem>>
          %dma_start3A_201 = arith.constant 0 : i32
          %dma_start3A_202 = tpu.memref_slice %arg7[%add3A_93, %dma_start3A_201] : memref<52x128xi32, #tpu.memory_space<vmem>> -> memref<1x128xi32, #tpu.memory_space<vmem>>
          %dma_start3A_203 = tpu.memref_squeeze %dma_start3A_202 : memref<1x128xi32, #tpu.memory_space<vmem>> -> memref<128xi32, #tpu.memory_space<vmem>>
          %dma_start3A_204 = arith.constant 0 : i32
          %dma_start3A_205 = arith.constant 0 : i32
          %dma_start3A_206 = tpu.memref_slice %arg9[%dma_start3A_204, %dma_start3A_205] : memref<10240x16xf32, #tpu.memory_space<vmem_shared>> -> memref<10240x16xf32, #tpu.memory_space<vmem_shared>>
          tpu.enqueue_indirect_dma source(%dma_start3A_200 : memref<128x16xf32, #tpu.memory_space<vmem>>) target(%dma_start3A_206 : memref<10240x16xf32, #tpu.memory_space<vmem_shared>>) offsets(%dma_start3A_203 : memref<128xi32, #tpu.memory_space<vmem>>) semaphore(%run_scoped3A_196 : memref<!tpu.dma_semaphore, #tpu.memory_space<semaphore_mem>>) {add = true}
          %dma_wait3A_207 = arith.constant 0 : i32
          %dma_wait3A_208 = arith.constant 0 : i32
          %dma_wait3A_209 = tpu.memref_slice %arg8[%run_scoped3A, %dma_wait3A_207, %dma_wait3A_208] : memref<4x128x16xf32, #tpu.memory_space<vmem>> -> memref<1x128x16xf32, #tpu.memory_space<vmem>>
          %dma_wait3A_210 = tpu.memref_squeeze %dma_wait3A_209 : memref<1x128x16xf32, #tpu.memory_space<vmem>> -> memref<128x16xf32, #tpu.memory_space<vmem>>
          %dma_wait3A_211 = arith.constant 0 : i32
          %dma_wait3A_212 = tpu.memref_slice %arg7[%add3A_93, %dma_wait3A_211] : memref<52x128xi32, #tpu.memory_space<vmem>> -> memref<1x128xi32, #tpu.memory_space<vmem>>
          %dma_wait3A_213 = tpu.memref_squeeze %dma_wait3A_212 : memref<1x128xi32, #tpu.memory_space<vmem>> -> memref<128xi32, #tpu.memory_space<vmem>>
          %dma_wait3A_214 = arith.constant 0 : i32
          %dma_wait3A_215 = arith.constant 0 : i32
          %dma_wait3A_216 = tpu.memref_slice %arg9[%dma_wait3A_214, %dma_wait3A_215] : memref<10240x16xf32, #tpu.memory_space<vmem_shared>> -> memref<10240x16xf32, #tpu.memory_space<vmem_shared>>
          tpu.wait_indirect_dma semaphore(%run_scoped3A_196 : memref<!tpu.dma_semaphore, #tpu.memory_space<semaphore_mem>>) src(%dma_wait3A_210 : memref<128x16xf32, #tpu.memory_space<vmem>>) dst(%dma_wait3A_216 : memref<10240x16xf32, #tpu.memory_space<vmem_shared>>)
          tpu.yield
        }) : () -> ()
        %add3A_108 = arith.constant 4 : i32
        %add3A_109 = arith.addi %add3A_93, %add3A_108 : i32
        %lt3A_110 = arith.constant 28 : i32
        %lt3A_111 = arith.cmpi slt, %add3A_109, %lt3A_110 : i32
        %convert_element_type3A_112 = arith.extui %lt3A_111 : i1 to i32
        %cond3A_113 = arith.constant 0 : i32
        %cond3A_114 = arith.cmpi ne, %convert_element_type3A_112, %cond3A_113 : i32
        scf.if %cond3A_114 {
          %add3A_196 = arith.constant 4 : i32
          %add3A_197 = arith.addi %add3A_93, %add3A_196 : i32
          %dma_start3A_198 = arith.constant 0 : i32
          %dma_start3A_199 = arith.constant 0 : i32
          %dma_start3A_200 = arith.constant 0 : i32
          %dma_start3A_201 = tpu.memref_slice %arg8[%dma_start3A_198, %dma_start3A_199, %dma_start3A_200] : memref<4x128x16xf32, #tpu.memory_space<vmem>> -> memref<1x128x16xf32, #tpu.memory_space<vmem>>
          %dma_start3A_202 = tpu.memref_squeeze %dma_start3A_201 : memref<1x128x16xf32, #tpu.memory_space<vmem>> -> memref<128x16xf32, #tpu.memory_space<vmem>>
          %dma_start3A_203 = arith.constant 0 : i32
          %dma_start3A_204 = tpu.memref_slice %arg6[%add3A_197, %dma_start3A_203] : memref<52x128xi32, #tpu.memory_space<vmem>> -> memref<1x128xi32, #tpu.memory_space<vmem>>
          %dma_start3A_205 = tpu.memref_squeeze %dma_start3A_204 : memref<1x128xi32, #tpu.memory_space<vmem>> -> memref<128xi32, #tpu.memory_space<vmem>>
          %dma_start3A_206 = arith.constant 0 : i32
          %dma_start3A_207 = arith.constant 0 : i32
          %dma_start3A_208 = tpu.memref_slice %arg2[%dma_start3A_206, %dma_start3A_207] : memref<10000x16xf32, #tpu.memory_space<hbm>> -> memref<10000x16xf32, #tpu.memory_space<hbm>>
          tpu.enqueue_indirect_dma source(%dma_start3A_208 : memref<10000x16xf32, #tpu.memory_space<hbm>>) target(%dma_start3A_202 : memref<128x16xf32, #tpu.memory_space<vmem>>) offsets(%dma_start3A_205 : memref<128xi32, #tpu.memory_space<vmem>>) semaphore(%arg10 : memref<!tpu.dma_semaphore, #tpu.memory_space<semaphore_mem>>)
        } else {
        }
        %mul3A_115 = arith.constant 4 : i32
        %mul3A_116 = arith.muli %mul3A_115, %scan3A_90 : i32
        %add3A_117 = arith.constant 1 : i32
        %add3A_118 = arith.addi %mul3A_116, %add3A_117 : i32
        %dma_wait3A_119 = arith.constant 0 : i32
        %dma_wait3A_120 = arith.constant 0 : i32
        %dma_wait3A_121 = arith.constant 0 : i32
        %dma_wait3A_122 = tpu.memref_slice %arg8[%dma_wait3A_119, %dma_wait3A_120, %dma_wait3A_121] : memref<4x128x16xf32, #tpu.memory_space<vmem>> -> memref<1x128x16xf32, #tpu.memory_space<vmem>>
        %dma_wait3A_123 = tpu.memref_squeeze %dma_wait3A_122 : memref<1x128x16xf32, #tpu.memory_space<vmem>> -> memref<128x16xf32, #tpu.memory_space<vmem>>
        %dma_wait3A_124 = arith.constant 0 : i32
        %dma_wait3A_125 = arith.constant 0 : i32
        %dma_wait3A_126 = tpu.memref_slice %arg2[%dma_wait3A_124, %dma_wait3A_125] : memref<10000x16xf32, #tpu.memory_space<hbm>> -> memref<128x16xf32, #tpu.memory_space<hbm>>
        %dma_wait3A_127 = arith.constant 0 : i32
        %dma_wait3A_128 = arith.constant 0 : i32
        %dma_wait3A_129 = tpu.memref_slice %arg8[%dma_wait3A_119, %dma_wait3A_127, %dma_wait3A_128] : memref<4x128x16xf32, #tpu.memory_space<vmem>> -> memref<1x128x16xf32, #tpu.memory_space<vmem>>
        %dma_wait3A_130 = tpu.memref_squeeze %dma_wait3A_129 : memref<1x128x16xf32, #tpu.memory_space<vmem>> -> memref<128x16xf32, #tpu.memory_space<vmem>>
        %dma_wait3A_131 = arith.constant 0 : i32
        %dma_wait3A_132 = arith.constant 0 : i32
        %dma_wait3A_133 = tpu.memref_slice %arg2[%dma_wait3A_131, %dma_wait3A_132] : memref<10000x16xf32, #tpu.memory_space<hbm>> -> memref<128x16xf32, #tpu.memory_space<hbm>>
        tpu.wait_dma2 semaphore(%arg10 : memref<!tpu.dma_semaphore, #tpu.memory_space<semaphore_mem>>) src(%dma_wait3A_133 : memref<128x16xf32, #tpu.memory_space<hbm>>) dst(%dma_wait3A_130 : memref<128x16xf32, #tpu.memory_space<vmem>>)
        %run_scoped3A_134 = arith.constant 1 : i32
        "tpu.region"() ({
          %run_scoped3A_196 = tpu.sem_alloc : memref<!tpu.dma_semaphore, #tpu.memory_space<semaphore_mem>>
          %dma_start3A_197 = arith.constant 0 : i32
          %dma_start3A_198 = arith.constant 0 : i32
          %dma_start3A_199 = tpu.memref_slice %arg8[%run_scoped3A_134, %dma_start3A_197, %dma_start3A_198] : memref<4x128x16xf32, #tpu.memory_space<vmem>> -> memref<1x128x16xf32, #tpu.memory_space<vmem>>
          %dma_start3A_200 = tpu.memref_squeeze %dma_start3A_199 : memref<1x128x16xf32, #tpu.memory_space<vmem>> -> memref<128x16xf32, #tpu.memory_space<vmem>>
          %dma_start3A_201 = arith.constant 0 : i32
          %dma_start3A_202 = tpu.memref_slice %arg7[%add3A_118, %dma_start3A_201] : memref<52x128xi32, #tpu.memory_space<vmem>> -> memref<1x128xi32, #tpu.memory_space<vmem>>
          %dma_start3A_203 = tpu.memref_squeeze %dma_start3A_202 : memref<1x128xi32, #tpu.memory_space<vmem>> -> memref<128xi32, #tpu.memory_space<vmem>>
          %dma_start3A_204 = arith.constant 0 : i32
          %dma_start3A_205 = arith.constant 0 : i32
          %dma_start3A_206 = tpu.memref_slice %arg9[%dma_start3A_204, %dma_start3A_205] : memref<10240x16xf32, #tpu.memory_space<vmem_shared>> -> memref<10240x16xf32, #tpu.memory_space<vmem_shared>>
          tpu.enqueue_indirect_dma source(%dma_start3A_200 : memref<128x16xf32, #tpu.memory_space<vmem>>) target(%dma_start3A_206 : memref<10240x16xf32, #tpu.memory_space<vmem_shared>>) offsets(%dma_start3A_203 : memref<128xi32, #tpu.memory_space<vmem>>) semaphore(%run_scoped3A_196 : memref<!tpu.dma_semaphore, #tpu.memory_space<semaphore_mem>>) {add = true}
          %dma_wait3A_207 = arith.constant 0 : i32
          %dma_wait3A_208 = arith.constant 0 : i32
          %dma_wait3A_209 = tpu.memref_slice %arg8[%run_scoped3A_134, %dma_wait3A_207, %dma_wait3A_208] : memref<4x128x16xf32, #tpu.memory_space<vmem>> -> memref<1x128x16xf32, #tpu.memory_space<vmem>>
          %dma_wait3A_210 = tpu.memref_squeeze %dma_wait3A_209 : memref<1x128x16xf32, #tpu.memory_space<vmem>> -> memref<128x16xf32, #tpu.memory_space<vmem>>
          %dma_wait3A_211 = arith.constant 0 : i32
          %dma_wait3A_212 = tpu.memref_slice %arg7[%add3A_118, %dma_wait3A_211] : memref<52x128xi32, #tpu.memory_space<vmem>> -> memref<1x128xi32, #tpu.memory_space<vmem>>
          %dma_wait3A_213 = tpu.memref_squeeze %dma_wait3A_212 : memref<1x128xi32, #tpu.memory_space<vmem>> -> memref<128xi32, #tpu.memory_space<vmem>>
          %dma_wait3A_214 = arith.constant 0 : i32
          %dma_wait3A_215 = arith.constant 0 : i32
          %dma_wait3A_216 = tpu.memref_slice %arg9[%dma_wait3A_214, %dma_wait3A_215] : memref<10240x16xf32, #tpu.memory_space<vmem_shared>> -> memref<10240x16xf32, #tpu.memory_space<vmem_shared>>
          tpu.wait_indirect_dma semaphore(%run_scoped3A_196 : memref<!tpu.dma_semaphore, #tpu.memory_space<semaphore_mem>>) src(%dma_wait3A_210 : memref<128x16xf32, #tpu.memory_space<vmem>>) dst(%dma_wait3A_216 : memref<10240x16xf32, #tpu.memory_space<vmem_shared>>)
          tpu.yield
        }) : () -> ()
        %add3A_135 = arith.constant 4 : i32
        %add3A_136 = arith.addi %add3A_118, %add3A_135 : i32
        %lt3A_137 = arith.constant 28 : i32
        %lt3A_138 = arith.cmpi slt, %add3A_136, %lt3A_137 : i32
        %convert_element_type3A_139 = arith.extui %lt3A_138 : i1 to i32
        %cond3A_140 = arith.constant 0 : i32
        %cond3A_141 = arith.cmpi ne, %convert_element_type3A_139, %cond3A_140 : i32
        scf.if %cond3A_141 {
          %add3A_196 = arith.constant 4 : i32
          %add3A_197 = arith.addi %add3A_118, %add3A_196 : i32
          %dma_start3A_198 = arith.constant 1 : i32
          %dma_start3A_199 = arith.constant 0 : i32
          %dma_start3A_200 = arith.constant 0 : i32
          %dma_start3A_201 = tpu.memref_slice %arg8[%dma_start3A_198, %dma_start3A_199, %dma_start3A_200] : memref<4x128x16xf32, #tpu.memory_space<vmem>> -> memref<1x128x16xf32, #tpu.memory_space<vmem>>
          %dma_start3A_202 = tpu.memref_squeeze %dma_start3A_201 : memref<1x128x16xf32, #tpu.memory_space<vmem>> -> memref<128x16xf32, #tpu.memory_space<vmem>>
          %dma_start3A_203 = arith.constant 0 : i32
          %dma_start3A_204 = tpu.memref_slice %arg6[%add3A_197, %dma_start3A_203] : memref<52x128xi32, #tpu.memory_space<vmem>> -> memref<1x128xi32, #tpu.memory_space<vmem>>
          %dma_start3A_205 = tpu.memref_squeeze %dma_start3A_204 : memref<1x128xi32, #tpu.memory_space<vmem>> -> memref<128xi32, #tpu.memory_space<vmem>>
          %dma_start3A_206 = arith.constant 0 : i32
          %dma_start3A_207 = arith.constant 0 : i32
          %dma_start3A_208 = tpu.memref_slice %arg2[%dma_start3A_206, %dma_start3A_207] : memref<10000x16xf32, #tpu.memory_space<hbm>> -> memref<10000x16xf32, #tpu.memory_space<hbm>>
          tpu.enqueue_indirect_dma source(%dma_start3A_208 : memref<10000x16xf32, #tpu.memory_space<hbm>>) target(%dma_start3A_202 : memref<128x16xf32, #tpu.memory_space<vmem>>) offsets(%dma_start3A_205 : memref<128xi32, #tpu.memory_space<vmem>>) semaphore(%arg10 : memref<!tpu.dma_semaphore, #tpu.memory_space<semaphore_mem>>)
        } else {
        }
        %mul3A_142 = arith.constant 4 : i32
        %mul3A_143 = arith.muli %mul3A_142, %scan3A_90 : i32
        %add3A_144 = arith.constant 2 : i32
        %add3A_145 = arith.addi %mul3A_143, %add3A_144 : i32
        %dma_wait3A_146 = arith.constant 0 : i32
        %dma_wait3A_147 = arith.constant 0 : i32
        %dma_wait3A_148 = arith.constant 0 : i32
        %dma_wait3A_149 = tpu.memref_slice %arg8[%dma_wait3A_146, %dma_wait3A_147, %dma_wait3A_148] : memref<4x128x16xf32, #tpu.memory_space<vmem>> -> memref<1x128x16xf32, #tpu.memory_space<vmem>>
        %dma_wait3A_150 = tpu.memref_squeeze %dma_wait3A_149 : memref<1x128x16xf32, #tpu.memory_space<vmem>> -> memref<128x16xf32, #tpu.memory_space<vmem>>
        %dma_wait3A_151 = arith.constant 0 : i32
        %dma_wait3A_152 = arith.constant 0 : i32
        %dma_wait3A_153 = tpu.memref_slice %arg2[%dma_wait3A_151, %dma_wait3A_152] : memref<10000x16xf32, #tpu.memory_space<hbm>> -> memref<128x16xf32, #tpu.memory_space<hbm>>
        %dma_wait3A_154 = arith.constant 0 : i32
        %dma_wait3A_155 = arith.constant 0 : i32
        %dma_wait3A_156 = tpu.memref_slice %arg8[%dma_wait3A_146, %dma_wait3A_154, %dma_wait3A_155] : memref<4x128x16xf32, #tpu.memory_space<vmem>> -> memref<1x128x16xf32, #tpu.memory_space<vmem>>
        %dma_wait3A_157 = tpu.memref_squeeze %dma_wait3A_156 : memref<1x128x16xf32, #tpu.memory_space<vmem>> -> memref<128x16xf32, #tpu.memory_space<vmem>>
        %dma_wait3A_158 = arith.constant 0 : i32
        %dma_wait3A_159 = arith.constant 0 : i32
        %dma_wait3A_160 = tpu.memref_slice %arg2[%dma_wait3A_158, %dma_wait3A_159] : memref<10000x16xf32, #tpu.memory_space<hbm>> -> memref<128x16xf32, #tpu.memory_space<hbm>>
        tpu.wait_dma2 semaphore(%arg10 : memref<!tpu.dma_semaphore, #tpu.memory_space<semaphore_mem>>) src(%dma_wait3A_160 : memref<128x16xf32, #tpu.memory_space<hbm>>) dst(%dma_wait3A_157 : memref<128x16xf32, #tpu.memory_space<vmem>>)
        %run_scoped3A_161 = arith.constant 2 : i32
        "tpu.region"() ({
          %run_scoped3A_196 = tpu.sem_alloc : memref<!tpu.dma_semaphore, #tpu.memory_space<semaphore_mem>>
          %dma_start3A_197 = arith.constant 0 : i32
          %dma_start3A_198 = arith.constant 0 : i32
          %dma_start3A_199 = tpu.memref_slice %arg8[%run_scoped3A_161, %dma_start3A_197, %dma_start3A_198] : memref<4x128x16xf32, #tpu.memory_space<vmem>> -> memref<1x128x16xf32, #tpu.memory_space<vmem>>
          %dma_start3A_200 = tpu.memref_squeeze %dma_start3A_199 : memref<1x128x16xf32, #tpu.memory_space<vmem>> -> memref<128x16xf32, #tpu.memory_space<vmem>>
          %dma_start3A_201 = arith.constant 0 : i32
          %dma_start3A_202 = tpu.memref_slice %arg7[%add3A_145, %dma_start3A_201] : memref<52x128xi32, #tpu.memory_space<vmem>> -> memref<1x128xi32, #tpu.memory_space<vmem>>
          %dma_start3A_203 = tpu.memref_squeeze %dma_start3A_202 : memref<1x128xi32, #tpu.memory_space<vmem>> -> memref<128xi32, #tpu.memory_space<vmem>>
          %dma_start3A_204 = arith.constant 0 : i32
          %dma_start3A_205 = arith.constant 0 : i32
          %dma_start3A_206 = tpu.memref_slice %arg9[%dma_start3A_204, %dma_start3A_205] : memref<10240x16xf32, #tpu.memory_space<vmem_shared>> -> memref<10240x16xf32, #tpu.memory_space<vmem_shared>>
          tpu.enqueue_indirect_dma source(%dma_start3A_200 : memref<128x16xf32, #tpu.memory_space<vmem>>) target(%dma_start3A_206 : memref<10240x16xf32, #tpu.memory_space<vmem_shared>>) offsets(%dma_start3A_203 : memref<128xi32, #tpu.memory_space<vmem>>) semaphore(%run_scoped3A_196 : memref<!tpu.dma_semaphore, #tpu.memory_space<semaphore_mem>>) {add = true}
          %dma_wait3A_207 = arith.constant 0 : i32
          %dma_wait3A_208 = arith.constant 0 : i32
          %dma_wait3A_209 = tpu.memref_slice %arg8[%run_scoped3A_161, %dma_wait3A_207, %dma_wait3A_208] : memref<4x128x16xf32, #tpu.memory_space<vmem>> -> memref<1x128x16xf32, #tpu.memory_space<vmem>>
          %dma_wait3A_210 = tpu.memref_squeeze %dma_wait3A_209 : memref<1x128x16xf32, #tpu.memory_space<vmem>> -> memref<128x16xf32, #tpu.memory_space<vmem>>
          %dma_wait3A_211 = arith.constant 0 : i32
          %dma_wait3A_212 = tpu.memref_slice %arg7[%add3A_145, %dma_wait3A_211] : memref<52x128xi32, #tpu.memory_space<vmem>> -> memref<1x128xi32, #tpu.memory_space<vmem>>
          %dma_wait3A_213 = tpu.memref_squeeze %dma_wait3A_212 : memref<1x128xi32, #tpu.memory_space<vmem>> -> memref<128xi32, #tpu.memory_space<vmem>>
          %dma_wait3A_214 = arith.constant 0 : i32
          %dma_wait3A_215 = arith.constant 0 : i32
          %dma_wait3A_216 = tpu.memref_slice %arg9[%dma_wait3A_214, %dma_wait3A_215] : memref<10240x16xf32, #tpu.memory_space<vmem_shared>> -> memref<10240x16xf32, #tpu.memory_space<vmem_shared>>
          tpu.wait_indirect_dma semaphore(%run_scoped3A_196 : memref<!tpu.dma_semaphore, #tpu.memory_space<semaphore_mem>>) src(%dma_wait3A_210 : memref<128x16xf32, #tpu.memory_space<vmem>>) dst(%dma_wait3A_216 : memref<10240x16xf32, #tpu.memory_space<vmem_shared>>)
          tpu.yield
        }) : () -> ()
        %add3A_162 = arith.constant 4 : i32
        %add3A_163 = arith.addi %add3A_145, %add3A_162 : i32
        %lt3A_164 = arith.constant 28 : i32
        %lt3A_165 = arith.cmpi slt, %add3A_163, %lt3A_164 : i32
        %convert_element_type3A_166 = arith.extui %lt3A_165 : i1 to i32
        %cond3A_167 = arith.constant 0 : i32
        %cond3A_168 = arith.cmpi ne, %convert_element_type3A_166, %cond3A_167 : i32
        scf.if %cond3A_168 {
          %add3A_196 = arith.constant 4 : i32
          %add3A_197 = arith.addi %add3A_145, %add3A_196 : i32
          %dma_start3A_198 = arith.constant 2 : i32
          %dma_start3A_199 = arith.constant 0 : i32
          %dma_start3A_200 = arith.constant 0 : i32
          %dma_start3A_201 = tpu.memref_slice %arg8[%dma_start3A_198, %dma_start3A_199, %dma_start3A_200] : memref<4x128x16xf32, #tpu.memory_space<vmem>> -> memref<1x128x16xf32, #tpu.memory_space<vmem>>
          %dma_start3A_202 = tpu.memref_squeeze %dma_start3A_201 : memref<1x128x16xf32, #tpu.memory_space<vmem>> -> memref<128x16xf32, #tpu.memory_space<vmem>>
          %dma_start3A_203 = arith.constant 0 : i32
          %dma_start3A_204 = tpu.memref_slice %arg6[%add3A_197, %dma_start3A_203] : memref<52x128xi32, #tpu.memory_space<vmem>> -> memref<1x128xi32, #tpu.memory_space<vmem>>
          %dma_start3A_205 = tpu.memref_squeeze %dma_start3A_204 : memref<1x128xi32, #tpu.memory_space<vmem>> -> memref<128xi32, #tpu.memory_space<vmem>>
          %dma_start3A_206 = arith.constant 0 : i32
          %dma_start3A_207 = arith.constant 0 : i32
          %dma_start3A_208 = tpu.memref_slice %arg2[%dma_start3A_206, %dma_start3A_207] : memref<10000x16xf32, #tpu.memory_space<hbm>> -> memref<10000x16xf32, #tpu.memory_space<hbm>>
          tpu.enqueue_indirect_dma source(%dma_start3A_208 : memref<10000x16xf32, #tpu.memory_space<hbm>>) target(%dma_start3A_202 : memref<128x16xf32, #tpu.memory_space<vmem>>) offsets(%dma_start3A_205 : memref<128xi32, #tpu.memory_space<vmem>>) semaphore(%arg10 : memref<!tpu.dma_semaphore, #tpu.memory_space<semaphore_mem>>)
        } else {
        }
        %mul3A_169 = arith.constant 4 : i32
        %mul3A_170 = arith.muli %mul3A_169, %scan3A_90 : i32
        %add3A_171 = arith.constant 3 : i32
        %add3A_172 = arith.addi %mul3A_170, %add3A_171 : i32
        %dma_wait3A_173 = arith.constant 0 : i32
        %dma_wait3A_174 = arith.constant 0 : i32
        %dma_wait3A_175 = arith.constant 0 : i32
        %dma_wait3A_176 = tpu.memref_slice %arg8[%dma_wait3A_173, %dma_wait3A_174, %dma_wait3A_175] : memref<4x128x16xf32, #tpu.memory_space<vmem>> -> memref<1x128x16xf32, #tpu.memory_space<vmem>>
        %dma_wait3A_177 = tpu.memref_squeeze %dma_wait3A_176 : memref<1x128x16xf32, #tpu.memory_space<vmem>> -> memref<128x16xf32, #tpu.memory_space<vmem>>
        %dma_wait3A_178 = arith.constant 0 : i32
        %dma_wait3A_179 = arith.constant 0 : i32
        %dma_wait3A_180 = tpu.memref_slice %arg2[%dma_wait3A_178, %dma_wait3A_179] : memref<10000x16xf32, #tpu.memory_space<hbm>> -> memref<128x16xf32, #tpu.memory_space<hbm>>
        %dma_wait3A_181 = arith.constant 0 : i32
        %dma_wait3A_182 = arith.constant 0 : i32
        %dma_wait3A_183 = tpu.memref_slice %arg8[%dma_wait3A_173, %dma_wait3A_181, %dma_wait3A_182] : memref<4x128x16xf32, #tpu.memory_space<vmem>> -> memref<1x128x16xf32, #tpu.memory_space<vmem>>
        %dma_wait3A_184 = tpu.memref_squeeze %dma_wait3A_183 : memref<1x128x16xf32, #tpu.memory_space<vmem>> -> memref<128x16xf32, #tpu.memory_space<vmem>>
        %dma_wait3A_185 = arith.constant 0 : i32
        %dma_wait3A_186 = arith.constant 0 : i32
        %dma_wait3A_187 = tpu.memref_slice %arg2[%dma_wait3A_185, %dma_wait3A_186] : memref<10000x16xf32, #tpu.memory_space<hbm>> -> memref<128x16xf32, #tpu.memory_space<hbm>>
        tpu.wait_dma2 semaphore(%arg10 : memref<!tpu.dma_semaphore, #tpu.memory_space<semaphore_mem>>) src(%dma_wait3A_187 : memref<128x16xf32, #tpu.memory_space<hbm>>) dst(%dma_wait3A_184 : memref<128x16xf32, #tpu.memory_space<vmem>>)
        %run_scoped3A_188 = arith.constant 3 : i32
        "tpu.region"() ({
          %run_scoped3A_196 = tpu.sem_alloc : memref<!tpu.dma_semaphore, #tpu.memory_space<semaphore_mem>>
          %dma_start3A_197 = arith.constant 0 : i32
          %dma_start3A_198 = arith.constant 0 : i32
          %dma_start3A_199 = tpu.memref_slice %arg8[%run_scoped3A_188, %dma_start3A_197, %dma_start3A_198] : memref<4x128x16xf32, #tpu.memory_space<vmem>> -> memref<1x128x16xf32, #tpu.memory_space<vmem>>
          %dma_start3A_200 = tpu.memref_squeeze %dma_start3A_199 : memref<1x128x16xf32, #tpu.memory_space<vmem>> -> memref<128x16xf32, #tpu.memory_space<vmem>>
          %dma_start3A_201 = arith.constant 0 : i32
          %dma_start3A_202 = tpu.memref_slice %arg7[%add3A_172, %dma_start3A_201] : memref<52x128xi32, #tpu.memory_space<vmem>> -> memref<1x128xi32, #tpu.memory_space<vmem>>
          %dma_start3A_203 = tpu.memref_squeeze %dma_start3A_202 : memref<1x128xi32, #tpu.memory_space<vmem>> -> memref<128xi32, #tpu.memory_space<vmem>>
          %dma_start3A_204 = arith.constant 0 : i32
          %dma_start3A_205 = arith.constant 0 : i32
          %dma_start3A_206 = tpu.memref_slice %arg9[%dma_start3A_204, %dma_start3A_205] : memref<10240x16xf32, #tpu.memory_space<vmem_shared>> -> memref<10240x16xf32, #tpu.memory_space<vmem_shared>>
          tpu.enqueue_indirect_dma source(%dma_start3A_200 : memref<128x16xf32, #tpu.memory_space<vmem>>) target(%dma_start3A_206 : memref<10240x16xf32, #tpu.memory_space<vmem_shared>>) offsets(%dma_start3A_203 : memref<128xi32, #tpu.memory_space<vmem>>) semaphore(%run_scoped3A_196 : memref<!tpu.dma_semaphore, #tpu.memory_space<semaphore_mem>>) {add = true}
          %dma_wait3A_207 = arith.constant 0 : i32
          %dma_wait3A_208 = arith.constant 0 : i32
          %dma_wait3A_209 = tpu.memref_slice %arg8[%run_scoped3A_188, %dma_wait3A_207, %dma_wait3A_208] : memref<4x128x16xf32, #tpu.memory_space<vmem>> -> memref<1x128x16xf32, #tpu.memory_space<vmem>>
          %dma_wait3A_210 = tpu.memref_squeeze %dma_wait3A_209 : memref<1x128x16xf32, #tpu.memory_space<vmem>> -> memref<128x16xf32, #tpu.memory_space<vmem>>
          %dma_wait3A_211 = arith.constant 0 : i32
          %dma_wait3A_212 = tpu.memref_slice %arg7[%add3A_172, %dma_wait3A_211] : memref<52x128xi32, #tpu.memory_space<vmem>> -> memref<1x128xi32, #tpu.memory_space<vmem>>
          %dma_wait3A_213 = tpu.memref_squeeze %dma_wait3A_212 : memref<1x128xi32, #tpu.memory_space<vmem>> -> memref<128xi32, #tpu.memory_space<vmem>>
          %dma_wait3A_214 = arith.constant 0 : i32
          %dma_wait3A_215 = arith.constant 0 : i32
          %dma_wait3A_216 = tpu.memref_slice %arg9[%dma_wait3A_214, %dma_wait3A_215] : memref<10240x16xf32, #tpu.memory_space<vmem_shared>> -> memref<10240x16xf32, #tpu.memory_space<vmem_shared>>
          tpu.wait_indirect_dma semaphore(%run_scoped3A_196 : memref<!tpu.dma_semaphore, #tpu.memory_space<semaphore_mem>>) src(%dma_wait3A_210 : memref<128x16xf32, #tpu.memory_space<vmem>>) dst(%dma_wait3A_216 : memref<10240x16xf32, #tpu.memory_space<vmem_shared>>)
          tpu.yield
        }) : () -> ()
        %add3A_189 = arith.constant 4 : i32
        %add3A_190 = arith.addi %add3A_172, %add3A_189 : i32
        %lt3A_191 = arith.constant 28 : i32
        %lt3A_192 = arith.cmpi slt, %add3A_190, %lt3A_191 : i32
        %convert_element_type3A_193 = arith.extui %lt3A_192 : i1 to i32
        %cond3A_194 = arith.constant 0 : i32
        %cond3A_195 = arith.cmpi ne, %convert_element_type3A_193, %cond3A_194 : i32
        scf.if %cond3A_195 {
          %add3A_196 = arith.constant 4 : i32
          %add3A_197 = arith.addi %add3A_172, %add3A_196 : i32
          %dma_start3A_198 = arith.constant 3 : i32
          %dma_start3A_199 = arith.constant 0 : i32
          %dma_start3A_200 = arith.constant 0 : i32
          %dma_start3A_201 = tpu.memref_slice %arg8[%dma_start3A_198, %dma_start3A_199, %dma_start3A_200] : memref<4x128x16xf32, #tpu.memory_space<vmem>> -> memref<1x128x16xf32, #tpu.memory_space<vmem>>
          %dma_start3A_202 = tpu.memref_squeeze %dma_start3A_201 : memref<1x128x16xf32, #tpu.memory_space<vmem>> -> memref<128x16xf32, #tpu.memory_space<vmem>>
          %dma_start3A_203 = arith.constant 0 : i32
          %dma_start3A_204 = tpu.memref_slice %arg6[%add3A_197, %dma_start3A_203] : memref<52x128xi32, #tpu.memory_space<vmem>> -> memref<1x128xi32, #tpu.memory_space<vmem>>
          %dma_start3A_205 = tpu.memref_squeeze %dma_start3A_204 : memref<1x128xi32, #tpu.memory_space<vmem>> -> memref<128xi32, #tpu.memory_space<vmem>>
          %dma_start3A_206 = arith.constant 0 : i32
          %dma_start3A_207 = arith.constant 0 : i32
          %dma_start3A_208 = tpu.memref_slice %arg2[%dma_start3A_206, %dma_start3A_207] : memref<10000x16xf32, #tpu.memory_space<hbm>> -> memref<10000x16xf32, #tpu.memory_space<hbm>>
          tpu.enqueue_indirect_dma source(%dma_start3A_208 : memref<10000x16xf32, #tpu.memory_space<hbm>>) target(%dma_start3A_202 : memref<128x16xf32, #tpu.memory_space<vmem>>) offsets(%dma_start3A_205 : memref<128xi32, #tpu.memory_space<vmem>>) semaphore(%arg10 : memref<!tpu.dma_semaphore, #tpu.memory_space<semaphore_mem>>)
        } else {
        }
      }
      %scan3A_89 = arith.constant 7 : i32
    } else {
    }
    %barrier3A_27 = arith.constant 0 : index
    tpu.barrier barrier_id(%barrier3A_27)
    %lt3A_28 = arith.constant 15 : i32
    %lt3A_29 = arith.cmpi slt, %arg1, %lt3A_28 : i32
    %convert_element_type3A_30 = arith.extui %lt3A_29 : i1 to i32
    %cond3A_31 = arith.constant 0 : i32
    %cond3A_32 = arith.cmpi ne, %convert_element_type3A_30, %cond3A_31 : i32
    scf.if %cond3A_32 {
      "tpu.region"() ({
        %run_scoped3A = tpu.sem_alloc : memref<!tpu.dma_semaphore, #tpu.memory_space<semaphore_mem>>
        %dma_start3A = arith.constant 0 : i32
        %dma_start3A_38 = tpu.memref_slice %arg5[%arg0, %mul3A_0, %dma_start3A] : memref<2x10000x16xf32, #tpu.memory_space<hbm>> -> memref<1x640x16xf32, #tpu.memory_space<hbm>>
        %dma_start3A_39 = tpu.memref_squeeze %dma_start3A_38 : memref<1x640x16xf32, #tpu.memory_space<hbm>> -> memref<640x16xf32, #tpu.memory_space<hbm>>
        %dma_start3A_40 = arith.constant 0 : i32
        %dma_start3A_41 = tpu.memref_slice %arg9[%mul3A_0, %dma_start3A_40] : memref<10240x16xf32, #tpu.memory_space<vmem_shared>> -> memref<640x16xf32, #tpu.memory_space<vmem_shared>>
        tpu.enqueue_dma source(%dma_start3A_41 : memref<640x16xf32, #tpu.memory_space<vmem_shared>>) target(%dma_start3A_39 : memref<640x16xf32, #tpu.memory_space<hbm>>) target_semaphore(%run_scoped3A : memref<!tpu.dma_semaphore, #tpu.memory_space<semaphore_mem>>)
        %dma_wait3A = arith.constant 0 : i32
        %dma_wait3A_42 = tpu.memref_slice %arg5[%arg0, %mul3A_0, %dma_wait3A] : memref<2x10000x16xf32, #tpu.memory_space<hbm>> -> memref<1x640x16xf32, #tpu.memory_space<hbm>>
        %dma_wait3A_43 = tpu.memref_squeeze %dma_wait3A_42 : memref<1x640x16xf32, #tpu.memory_space<hbm>> -> memref<640x16xf32, #tpu.memory_space<hbm>>
        %dma_wait3A_44 = arith.constant 0 : i32
        %dma_wait3A_45 = tpu.memref_slice %arg9[%mul3A_0, %dma_wait3A_44] : memref<10240x16xf32, #tpu.memory_space<vmem_shared>> -> memref<640x16xf32, #tpu.memory_space<vmem_shared>>
        tpu.wait_dma2 semaphore(%run_scoped3A : memref<!tpu.dma_semaphore, #tpu.memory_space<semaphore_mem>>) src(%dma_wait3A_45 : memref<640x16xf32, #tpu.memory_space<vmem_shared>>) dst(%dma_wait3A_43 : memref<640x16xf32, #tpu.memory_space<hbm>>)
        tpu.yield
      }) : () -> ()
    } else {
    }
    %eq3A_33 = arith.constant 15 : i32
    %eq3A_34 = arith.cmpi eq, %arg1, %eq3A_33 : i32
    %convert_element_type3A_35 = arith.extui %eq3A_34 : i1 to i32
    %cond3A_36 = arith.constant 0 : i32
    %cond3A_37 = arith.cmpi ne, %convert_element_type3A_35, %cond3A_36 : i32
    scf.if %cond3A_37 {
      "tpu.region"() ({
        %run_scoped3A = tpu.sem_alloc : memref<!tpu.dma_semaphore, #tpu.memory_space<semaphore_mem>>
        %dma_start3A = arith.constant 0 : i32
        %dma_start3A_38 = tpu.memref_slice %arg5[%arg0, %mul3A_0, %dma_start3A] : memref<2x10000x16xf32, #tpu.memory_space<hbm>> -> memref<1x400x16xf32, #tpu.memory_space<hbm>>
        %dma_start3A_39 = tpu.memref_squeeze %dma_start3A_38 : memref<1x400x16xf32, #tpu.memory_space<hbm>> -> memref<400x16xf32, #tpu.memory_space<hbm>>
        %dma_start3A_40 = arith.constant 0 : i32
        %dma_start3A_41 = tpu.memref_slice %arg9[%mul3A_0, %dma_start3A_40] : memref<10240x16xf32, #tpu.memory_space<vmem_shared>> -> memref<400x16xf32, #tpu.memory_space<vmem_shared>>
        tpu.enqueue_dma source(%dma_start3A_41 : memref<400x16xf32, #tpu.memory_space<vmem_shared>>) target(%dma_start3A_39 : memref<400x16xf32, #tpu.memory_space<hbm>>) target_semaphore(%run_scoped3A : memref<!tpu.dma_semaphore, #tpu.memory_space<semaphore_mem>>)
        %dma_wait3A = arith.constant 0 : i32
        %dma_wait3A_42 = tpu.memref_slice %arg5[%arg0, %mul3A_0, %dma_wait3A] : memref<2x10000x16xf32, #tpu.memory_space<hbm>> -> memref<1x400x16xf32, #tpu.memory_space<hbm>>
        %dma_wait3A_43 = tpu.memref_squeeze %dma_wait3A_42 : memref<1x400x16xf32, #tpu.memory_space<hbm>> -> memref<400x16xf32, #tpu.memory_space<hbm>>
        %dma_wait3A_44 = arith.constant 0 : i32
        %dma_wait3A_45 = tpu.memref_slice %arg9[%mul3A_0, %dma_wait3A_44] : memref<10240x16xf32, #tpu.memory_space<vmem_shared>> -> memref<400x16xf32, #tpu.memory_space<vmem_shared>>
        tpu.wait_dma2 semaphore(%run_scoped3A : memref<!tpu.dma_semaphore, #tpu.memory_space<semaphore_mem>>) src(%dma_wait3A_45 : memref<400x16xf32, #tpu.memory_space<vmem_shared>>) dst(%dma_wait3A_43 : memref<400x16xf32, #tpu.memory_space<hbm>>)
        tpu.yield
      }) : () -> ()
    } else {
    }
    return
  }
}

module attributes {stable_mosaic.version = 14 : i64} {
  func.func @body(%arg0: memref<1250x8x256xf32, #tpu.memory_space<vmem>>, %arg1: memref<256x16xf32, #tpu.memory_space<vmem>>, %arg2: memref<1250x128xf32, #tpu.memory_space<vmem>>) attributes {dimension_semantics = [], scalar_prefetch = 0 : i64, scratch_operands = 0 : i64, tpu.core_type = #tpu.core_type<tc>} {
    %get3A = arith.constant 0 : index
    %get3A_0 = arith.constant 0 : index
    %get3A_1 = vector.load %arg1[%get3A, %get3A_0] : memref<256x16xf32, #tpu.memory_space<vmem>>, vector<256x16xf32>
    %get3A_2 = arith.constant 0 : index
    %get3A_3 = arith.constant 0 : index
    %get3A_4 = arith.constant 0 : index
    %get3A_5 = vector.load %arg0[%get3A_2, %get3A_3, %get3A_4] : memref<1250x8x256xf32, #tpu.memory_space<vmem>>, vector<1250x1x256xf32>
    %get3A_6 = vector.shape_cast %get3A_5 : vector<1250x1x256xf32> to vector<1250x256xf32>
    %dot_general3A = arith.constant dense<0.000000e+00> : vector<1250x16xf32>
    %dot_general3A_7 = tpu.matmul %get3A_6, %get3A_1, %dot_general3A {dimension_numbers = #tpu.dot_dimension_numbers<[1], [0], [0], [1], [0, 0, 1, 1], [], []>, transpose_lhs_hint = false} : vector<1250x256xf32>, vector<256x16xf32>, vector<1250x16xf32> -> vector<1250x16xf32>
    %swap3A = arith.constant 0 : index
    %swap3A_8 = arith.constant 0 : index
    %swap3A_9 = vector.load %arg2[%swap3A, %swap3A_8] : memref<1250x128xf32, #tpu.memory_space<vmem>>, vector<1250x16xf32>
    tpu.vector_store %arg2[%swap3A, %swap3A_8], %dot_general3A_7 {strides = array<i32>} : memref<1250x128xf32, #tpu.memory_space<vmem>>, vector<1250x16xf32>,
    %get3A_10 = arith.constant 0 : index
    %get3A_11 = arith.constant 1 : index
    %get3A_12 = arith.constant 0 : index
    %get3A_13 = vector.load %arg0[%get3A_10, %get3A_11, %get3A_12] : memref<1250x8x256xf32, #tpu.memory_space<vmem>>, vector<1250x1x256xf32>
    %get3A_14 = vector.shape_cast %get3A_13 : vector<1250x1x256xf32> to vector<1250x256xf32>
    %dot_general3A_15 = arith.constant dense<0.000000e+00> : vector<1250x16xf32>
    %dot_general3A_16 = tpu.matmul %get3A_14, %get3A_1, %dot_general3A_15 {dimension_numbers = #tpu.dot_dimension_numbers<[1], [0], [0], [1], [0, 0, 1, 1], [], []>, transpose_lhs_hint = false} : vector<1250x256xf32>, vector<256x16xf32>, vector<1250x16xf32> -> vector<1250x16xf32>
    %swap3A_17 = arith.constant 0 : index
    %swap3A_18 = arith.constant 16 : index
    %swap3A_19 = vector.load %arg2[%swap3A_17, %swap3A_18] : memref<1250x128xf32, #tpu.memory_space<vmem>>, vector<1250x16xf32>
    tpu.vector_store %arg2[%swap3A_17, %swap3A_18], %dot_general3A_16 {strides = array<i32>} : memref<1250x128xf32, #tpu.memory_space<vmem>>, vector<1250x16xf32>,
    %get3A_20 = arith.constant 0 : index
    %get3A_21 = arith.constant 2 : index
    %get3A_22 = arith.constant 0 : index
    %get3A_23 = vector.load %arg0[%get3A_20, %get3A_21, %get3A_22] : memref<1250x8x256xf32, #tpu.memory_space<vmem>>, vector<1250x1x256xf32>
    %get3A_24 = vector.shape_cast %get3A_23 : vector<1250x1x256xf32> to vector<1250x256xf32>
    %dot_general3A_25 = arith.constant dense<0.000000e+00> : vector<1250x16xf32>
    %dot_general3A_26 = tpu.matmul %get3A_24, %get3A_1, %dot_general3A_25 {dimension_numbers = #tpu.dot_dimension_numbers<[1], [0], [0], [1], [0, 0, 1, 1], [], []>, transpose_lhs_hint = false} : vector<1250x256xf32>, vector<256x16xf32>, vector<1250x16xf32> -> vector<1250x16xf32>
    %swap3A_27 = arith.constant 0 : index
    %swap3A_28 = arith.constant 32 : index
    %swap3A_29 = vector.load %arg2[%swap3A_27, %swap3A_28] : memref<1250x128xf32, #tpu.memory_space<vmem>>, vector<1250x16xf32>
    tpu.vector_store %arg2[%swap3A_27, %swap3A_28], %dot_general3A_26 {strides = array<i32>} : memref<1250x128xf32, #tpu.memory_space<vmem>>, vector<1250x16xf32>,
    %get3A_30 = arith.constant 0 : index
    %get3A_31 = arith.constant 3 : index
    %get3A_32 = arith.constant 0 : index
    %get3A_33 = vector.load %arg0[%get3A_30, %get3A_31, %get3A_32] : memref<1250x8x256xf32, #tpu.memory_space<vmem>>, vector<1250x1x256xf32>
    %get3A_34 = vector.shape_cast %get3A_33 : vector<1250x1x256xf32> to vector<1250x256xf32>
    %dot_general3A_35 = arith.constant dense<0.000000e+00> : vector<1250x16xf32>
    %dot_general3A_36 = tpu.matmul %get3A_34, %get3A_1, %dot_general3A_35 {dimension_numbers = #tpu.dot_dimension_numbers<[1], [0], [0], [1], [0, 0, 1, 1], [], []>, transpose_lhs_hint = false} : vector<1250x256xf32>, vector<256x16xf32>, vector<1250x16xf32> -> vector<1250x16xf32>
    %swap3A_37 = arith.constant 0 : index
    %swap3A_38 = arith.constant 48 : index
    %swap3A_39 = vector.load %arg2[%swap3A_37, %swap3A_38] : memref<1250x128xf32, #tpu.memory_space<vmem>>, vector<1250x16xf32>
    tpu.vector_store %arg2[%swap3A_37, %swap3A_38], %dot_general3A_36 {strides = array<i32>} : memref<1250x128xf32, #tpu.memory_space<vmem>>, vector<1250x16xf32>,
    %get3A_40 = arith.constant 0 : index
    %get3A_41 = arith.constant 4 : index
    %get3A_42 = arith.constant 0 : index
    %get3A_43 = vector.load %arg0[%get3A_40, %get3A_41, %get3A_42] : memref<1250x8x256xf32, #tpu.memory_space<vmem>>, vector<1250x1x256xf32>
    %get3A_44 = vector.shape_cast %get3A_43 : vector<1250x1x256xf32> to vector<1250x256xf32>
    %dot_general3A_45 = arith.constant dense<0.000000e+00> : vector<1250x16xf32>
    %dot_general3A_46 = tpu.matmul %get3A_44, %get3A_1, %dot_general3A_45 {dimension_numbers = #tpu.dot_dimension_numbers<[1], [0], [0], [1], [0, 0, 1, 1], [], []>, transpose_lhs_hint = false} : vector<1250x256xf32>, vector<256x16xf32>, vector<1250x16xf32> -> vector<1250x16xf32>
    %swap3A_47 = arith.constant 0 : index
    %swap3A_48 = arith.constant 64 : index
    %swap3A_49 = vector.load %arg2[%swap3A_47, %swap3A_48] : memref<1250x128xf32, #tpu.memory_space<vmem>>, vector<1250x16xf32>
    tpu.vector_store %arg2[%swap3A_47, %swap3A_48], %dot_general3A_46 {strides = array<i32>} : memref<1250x128xf32, #tpu.memory_space<vmem>>, vector<1250x16xf32>,
    %get3A_50 = arith.constant 0 : index
    %get3A_51 = arith.constant 5 : index
    %get3A_52 = arith.constant 0 : index
    %get3A_53 = vector.load %arg0[%get3A_50, %get3A_51, %get3A_52] : memref<1250x8x256xf32, #tpu.memory_space<vmem>>, vector<1250x1x256xf32>
    %get3A_54 = vector.shape_cast %get3A_53 : vector<1250x1x256xf32> to vector<1250x256xf32>
    %dot_general3A_55 = arith.constant dense<0.000000e+00> : vector<1250x16xf32>
    %dot_general3A_56 = tpu.matmul %get3A_54, %get3A_1, %dot_general3A_55 {dimension_numbers = #tpu.dot_dimension_numbers<[1], [0], [0], [1], [0, 0, 1, 1], [], []>, transpose_lhs_hint = false} : vector<1250x256xf32>, vector<256x16xf32>, vector<1250x16xf32> -> vector<1250x16xf32>
    %swap3A_57 = arith.constant 0 : index
    %swap3A_58 = arith.constant 80 : index
    %swap3A_59 = vector.load %arg2[%swap3A_57, %swap3A_58] : memref<1250x128xf32, #tpu.memory_space<vmem>>, vector<1250x16xf32>
    tpu.vector_store %arg2[%swap3A_57, %swap3A_58], %dot_general3A_56 {strides = array<i32>} : memref<1250x128xf32, #tpu.memory_space<vmem>>, vector<1250x16xf32>,
    %get3A_60 = arith.constant 0 : index
    %get3A_61 = arith.constant 6 : index
    %get3A_62 = arith.constant 0 : index
    %get3A_63 = vector.load %arg0[%get3A_60, %get3A_61, %get3A_62] : memref<1250x8x256xf32, #tpu.memory_space<vmem>>, vector<1250x1x256xf32>
    %get3A_64 = vector.shape_cast %get3A_63 : vector<1250x1x256xf32> to vector<1250x256xf32>
    %dot_general3A_65 = arith.constant dense<0.000000e+00> : vector<1250x16xf32>
    %dot_general3A_66 = tpu.matmul %get3A_64, %get3A_1, %dot_general3A_65 {dimension_numbers = #tpu.dot_dimension_numbers<[1], [0], [0], [1], [0, 0, 1, 1], [], []>, transpose_lhs_hint = false} : vector<1250x256xf32>, vector<256x16xf32>, vector<1250x16xf32> -> vector<1250x16xf32>
    %swap3A_67 = arith.constant 0 : index
    %swap3A_68 = arith.constant 96 : index
    %swap3A_69 = vector.load %arg2[%swap3A_67, %swap3A_68] : memref<1250x128xf32, #tpu.memory_space<vmem>>, vector<1250x16xf32>
    tpu.vector_store %arg2[%swap3A_67, %swap3A_68], %dot_general3A_66 {strides = array<i32>} : memref<1250x128xf32, #tpu.memory_space<vmem>>, vector<1250x16xf32>,
    %get3A_70 = arith.constant 0 : index
    %get3A_71 = arith.constant 7 : index
    %get3A_72 = arith.constant 0 : index
    %get3A_73 = vector.load %arg0[%get3A_70, %get3A_71, %get3A_72] : memref<1250x8x256xf32, #tpu.memory_space<vmem>>, vector<1250x1x256xf32>
    %get3A_74 = vector.shape_cast %get3A_73 : vector<1250x1x256xf32> to vector<1250x256xf32>
    %dot_general3A_75 = arith.constant dense<0.000000e+00> : vector<1250x16xf32>
    %dot_general3A_76 = tpu.matmul %get3A_74, %get3A_1, %dot_general3A_75 {dimension_numbers = #tpu.dot_dimension_numbers<[1], [0], [0], [1], [0, 0, 1, 1], [], []>, transpose_lhs_hint = false} : vector<1250x256xf32>, vector<256x16xf32>, vector<1250x16xf32> -> vector<1250x16xf32>
    %swap3A_77 = arith.constant 0 : index
    %swap3A_78 = arith.constant 112 : index
    %swap3A_79 = vector.load %arg2[%swap3A_77, %swap3A_78] : memref<1250x128xf32, #tpu.memory_space<vmem>>, vector<1250x16xf32>
    tpu.vector_store %arg2[%swap3A_77, %swap3A_78], %dot_general3A_76 {strides = array<i32>} : memref<1250x128xf32, #tpu.memory_space<vmem>>, vector<1250x16xf32>,
    return
  }
}

module attributes {stable_mosaic.version = 14 : i64} {
  func.func @body(%arg0: memref<1250x128xf32, #tpu.memory_space<vmem>>, %arg1: memref<2x1250x8xf32, #tpu.memory_space<vmem>>, %arg2: memref<1250x128xf32, #tpu.memory_space<vmem>>, %arg3: memref<1250x128xf32, #tpu.memory_space<vmem>>) attributes {dimension_semantics = [], scalar_prefetch = 0 : i64, scratch_operands = 0 : i64, tpu.core_type = #tpu.core_type<tc>} {
    %get3A = arith.constant 0 : index
    %get3A_0 = arith.constant 0 : index
    %get3A_1 = arith.constant 0 : index
    %get3A_2 = vector.load %arg1[%get3A, %get3A_0, %get3A_1] : memref<2x1250x8xf32, #tpu.memory_space<vmem>>, vector<2x1250x8xf32>
    %get3A_3 = arith.constant 0 : index
    %get3A_4 = arith.constant 0 : index
    %get3A_5 = vector.load %arg0[%get3A_3, %get3A_4] : memref<1250x128xf32, #tpu.memory_space<vmem>>, vector<1250x128xf32>
    %slice3A = vector.extract_strided_slice %get3A_2 {offsets = [0, 0, 0], sizes = [1, 1250, 1], strides = [1, 1, 1]} : vector<2x1250x8xf32> to vector<1x1250x1xf32>
    %squeeze3A = vector.shape_cast %slice3A : vector<1x1250x1xf32> to vector<1250xf32>
    %add3A = arith.constant 1.000000e+00 : f32
    %add3A_6 = vector.broadcast %add3A : f32 to vector<1250xf32>
    %add3A_7 = arith.addf %add3A_6, %squeeze3A : vector<1250xf32>
    %slice3A_8 = vector.extract_strided_slice %get3A_2 {offsets = [1, 0, 0], sizes = [1, 1250, 1], strides = [1, 1, 1]} : vector<2x1250x8xf32> to vector<1x1250x1xf32>
    %squeeze3A_9 = vector.shape_cast %slice3A_8 : vector<1x1250x1xf32> to vector<1250xf32>
    %add3A_10 = arith.addf %add3A_7, %squeeze3A_9 : vector<1250xf32>
    %rsqrt3A = math.rsqrt %add3A_10 : vector<1250xf32>
    %broadcast_in_dim3A = vector.shape_cast %rsqrt3A : vector<1250xf32> to vector<1250x1xf32>
    %slice3A_11 = vector.extract_strided_slice %get3A_5 {offsets = [0, 0], sizes = [1250, 16], strides = [1, 1]} : vector<1250x128xf32> to vector<1250x16xf32>
    %mul3A = vector.broadcast %broadcast_in_dim3A : vector<1250x1xf32> to vector<1250x16xf32>
    %mul3A_12 = arith.mulf %mul3A, %slice3A_11 : vector<1250x16xf32>
    %swap3A = arith.constant 0 : index
    %swap3A_13 = arith.constant 0 : index
    %swap3A_14 = vector.load %arg2[%swap3A, %swap3A_13] : memref<1250x128xf32, #tpu.memory_space<vmem>>, vector<1250x16xf32>
    tpu.vector_store %arg2[%swap3A, %swap3A_13], %mul3A_12 {strides = array<i32>} : memref<1250x128xf32, #tpu.memory_space<vmem>>, vector<1250x16xf32>,
    %broadcast_in_dim3A_15 = vector.shape_cast %broadcast_in_dim3A : vector<1250x1xf32> to vector<1250x1xf32>
    %broadcast_in_dim3A_16 = vector.broadcast %broadcast_in_dim3A_15 : vector<1250x1xf32> to vector<1250x16xf32>
    %swap3A_17 = arith.constant 0 : index
    %swap3A_18 = arith.constant 0 : index
    %swap3A_19 = vector.load %arg3[%swap3A_17, %swap3A_18] : memref<1250x128xf32, #tpu.memory_space<vmem>>, vector<1250x16xf32>
    tpu.vector_store %arg3[%swap3A_17, %swap3A_18], %broadcast_in_dim3A_16 {strides = array<i32>} : memref<1250x128xf32, #tpu.memory_space<vmem>>, vector<1250x16xf32>,
    %slice3A_20 = vector.extract_strided_slice %get3A_2 {offsets = [0, 0, 1], sizes = [1, 1250, 1], strides = [1, 1, 1]} : vector<2x1250x8xf32> to vector<1x1250x1xf32>
    %squeeze3A_21 = vector.shape_cast %slice3A_20 : vector<1x1250x1xf32> to vector<1250xf32>
    %add3A_22 = arith.constant 1.000000e+00 : f32
    %add3A_23 = vector.broadcast %add3A_22 : f32 to vector<1250xf32>
    %add3A_24 = arith.addf %add3A_23, %squeeze3A_21 : vector<1250xf32>
    %slice3A_25 = vector.extract_strided_slice %get3A_2 {offsets = [1, 0, 1], sizes = [1, 1250, 1], strides = [1, 1, 1]} : vector<2x1250x8xf32> to vector<1x1250x1xf32>
    %squeeze3A_26 = vector.shape_cast %slice3A_25 : vector<1x1250x1xf32> to vector<1250xf32>
    %add3A_27 = arith.addf %add3A_24, %squeeze3A_26 : vector<1250xf32>
    %rsqrt3A_28 = math.rsqrt %add3A_27 : vector<1250xf32>
    %broadcast_in_dim3A_29 = vector.shape_cast %rsqrt3A_28 : vector<1250xf32> to vector<1250x1xf32>
    %slice3A_30 = vector.extract_strided_slice %get3A_5 {offsets = [0, 16], sizes = [1250, 16], strides = [1, 1]} : vector<1250x128xf32> to vector<1250x16xf32>
    %mul3A_31 = vector.broadcast %broadcast_in_dim3A_29 : vector<1250x1xf32> to vector<1250x16xf32>
    %mul3A_32 = arith.mulf %mul3A_31, %slice3A_30 : vector<1250x16xf32>
    %swap3A_33 = arith.constant 0 : index
    %swap3A_34 = arith.constant 16 : index
    %swap3A_35 = vector.load %arg2[%swap3A_33, %swap3A_34] : memref<1250x128xf32, #tpu.memory_space<vmem>>, vector<1250x16xf32>
    tpu.vector_store %arg2[%swap3A_33, %swap3A_34], %mul3A_32 {strides = array<i32>} : memref<1250x128xf32, #tpu.memory_space<vmem>>, vector<1250x16xf32>,
    %broadcast_in_dim3A_36 = vector.shape_cast %broadcast_in_dim3A_29 : vector<1250x1xf32> to vector<1250x1xf32>
    %broadcast_in_dim3A_37 = vector.broadcast %broadcast_in_dim3A_36 : vector<1250x1xf32> to vector<1250x16xf32>
    %swap3A_38 = arith.constant 0 : index
    %swap3A_39 = arith.constant 16 : index
    %swap3A_40 = vector.load %arg3[%swap3A_38, %swap3A_39] : memref<1250x128xf32, #tpu.memory_space<vmem>>, vector<1250x16xf32>
    tpu.vector_store %arg3[%swap3A_38, %swap3A_39], %broadcast_in_dim3A_37 {strides = array<i32>} : memref<1250x128xf32, #tpu.memory_space<vmem>>, vector<1250x16xf32>,
    %slice3A_41 = vector.extract_strided_slice %get3A_2 {offsets = [0, 0, 2], sizes = [1, 1250, 1], strides = [1, 1, 1]} : vector<2x1250x8xf32> to vector<1x1250x1xf32>
    %squeeze3A_42 = vector.shape_cast %slice3A_41 : vector<1x1250x1xf32> to vector<1250xf32>
    %add3A_43 = arith.constant 1.000000e+00 : f32
    %add3A_44 = vector.broadcast %add3A_43 : f32 to vector<1250xf32>
    %add3A_45 = arith.addf %add3A_44, %squeeze3A_42 : vector<1250xf32>
    %slice3A_46 = vector.extract_strided_slice %get3A_2 {offsets = [1, 0, 2], sizes = [1, 1250, 1], strides = [1, 1, 1]} : vector<2x1250x8xf32> to vector<1x1250x1xf32>
    %squeeze3A_47 = vector.shape_cast %slice3A_46 : vector<1x1250x1xf32> to vector<1250xf32>
    %add3A_48 = arith.addf %add3A_45, %squeeze3A_47 : vector<1250xf32>
    %rsqrt3A_49 = math.rsqrt %add3A_48 : vector<1250xf32>
    %broadcast_in_dim3A_50 = vector.shape_cast %rsqrt3A_49 : vector<1250xf32> to vector<1250x1xf32>
    %slice3A_51 = vector.extract_strided_slice %get3A_5 {offsets = [0, 32], sizes = [1250, 16], strides = [1, 1]} : vector<1250x128xf32> to vector<1250x16xf32>
    %mul3A_52 = vector.broadcast %broadcast_in_dim3A_50 : vector<1250x1xf32> to vector<1250x16xf32>
    %mul3A_53 = arith.mulf %mul3A_52, %slice3A_51 : vector<1250x16xf32>
    %swap3A_54 = arith.constant 0 : index
    %swap3A_55 = arith.constant 32 : index
    %swap3A_56 = vector.load %arg2[%swap3A_54, %swap3A_55] : memref<1250x128xf32, #tpu.memory_space<vmem>>, vector<1250x16xf32>
    tpu.vector_store %arg2[%swap3A_54, %swap3A_55], %mul3A_53 {strides = array<i32>} : memref<1250x128xf32, #tpu.memory_space<vmem>>, vector<1250x16xf32>,
    %broadcast_in_dim3A_57 = vector.shape_cast %broadcast_in_dim3A_50 : vector<1250x1xf32> to vector<1250x1xf32>
    %broadcast_in_dim3A_58 = vector.broadcast %broadcast_in_dim3A_57 : vector<1250x1xf32> to vector<1250x16xf32>
    %swap3A_59 = arith.constant 0 : index
    %swap3A_60 = arith.constant 32 : index
    %swap3A_61 = vector.load %arg3[%swap3A_59, %swap3A_60] : memref<1250x128xf32, #tpu.memory_space<vmem>>, vector<1250x16xf32>
    tpu.vector_store %arg3[%swap3A_59, %swap3A_60], %broadcast_in_dim3A_58 {strides = array<i32>} : memref<1250x128xf32, #tpu.memory_space<vmem>>, vector<1250x16xf32>,
    %slice3A_62 = vector.extract_strided_slice %get3A_2 {offsets = [0, 0, 3], sizes = [1, 1250, 1], strides = [1, 1, 1]} : vector<2x1250x8xf32> to vector<1x1250x1xf32>
    %squeeze3A_63 = vector.shape_cast %slice3A_62 : vector<1x1250x1xf32> to vector<1250xf32>
    %add3A_64 = arith.constant 1.000000e+00 : f32
    %add3A_65 = vector.broadcast %add3A_64 : f32 to vector<1250xf32>
    %add3A_66 = arith.addf %add3A_65, %squeeze3A_63 : vector<1250xf32>
    %slice3A_67 = vector.extract_strided_slice %get3A_2 {offsets = [1, 0, 3], sizes = [1, 1250, 1], strides = [1, 1, 1]} : vector<2x1250x8xf32> to vector<1x1250x1xf32>
    %squeeze3A_68 = vector.shape_cast %slice3A_67 : vector<1x1250x1xf32> to vector<1250xf32>
    %add3A_69 = arith.addf %add3A_66, %squeeze3A_68 : vector<1250xf32>
    %rsqrt3A_70 = math.rsqrt %add3A_69 : vector<1250xf32>
    %broadcast_in_dim3A_71 = vector.shape_cast %rsqrt3A_70 : vector<1250xf32> to vector<1250x1xf32>
    %slice3A_72 = vector.extract_strided_slice %get3A_5 {offsets = [0, 48], sizes = [1250, 16], strides = [1, 1]} : vector<1250x128xf32> to vector<1250x16xf32>
    %mul3A_73 = vector.broadcast %broadcast_in_dim3A_71 : vector<1250x1xf32> to vector<1250x16xf32>
    %mul3A_74 = arith.mulf %mul3A_73, %slice3A_72 : vector<1250x16xf32>
    %swap3A_75 = arith.constant 0 : index
    %swap3A_76 = arith.constant 48 : index
    %swap3A_77 = vector.load %arg2[%swap3A_75, %swap3A_76] : memref<1250x128xf32, #tpu.memory_space<vmem>>, vector<1250x16xf32>
    tpu.vector_store %arg2[%swap3A_75, %swap3A_76], %mul3A_74 {strides = array<i32>} : memref<1250x128xf32, #tpu.memory_space<vmem>>, vector<1250x16xf32>,
    %broadcast_in_dim3A_78 = vector.shape_cast %broadcast_in_dim3A_71 : vector<1250x1xf32> to vector<1250x1xf32>
    %broadcast_in_dim3A_79 = vector.broadcast %broadcast_in_dim3A_78 : vector<1250x1xf32> to vector<1250x16xf32>
    %swap3A_80 = arith.constant 0 : index
    %swap3A_81 = arith.constant 48 : index
    %swap3A_82 = vector.load %arg3[%swap3A_80, %swap3A_81] : memref<1250x128xf32, #tpu.memory_space<vmem>>, vector<1250x16xf32>
    tpu.vector_store %arg3[%swap3A_80, %swap3A_81], %broadcast_in_dim3A_79 {strides = array<i32>} : memref<1250x128xf32, #tpu.memory_space<vmem>>, vector<1250x16xf32>,
    %slice3A_83 = vector.extract_strided_slice %get3A_2 {offsets = [0, 0, 4], sizes = [1, 1250, 1], strides = [1, 1, 1]} : vector<2x1250x8xf32> to vector<1x1250x1xf32>
    %squeeze3A_84 = vector.shape_cast %slice3A_83 : vector<1x1250x1xf32> to vector<1250xf32>
    %add3A_85 = arith.constant 1.000000e+00 : f32
    %add3A_86 = vector.broadcast %add3A_85 : f32 to vector<1250xf32>
    %add3A_87 = arith.addf %add3A_86, %squeeze3A_84 : vector<1250xf32>
    %slice3A_88 = vector.extract_strided_slice %get3A_2 {offsets = [1, 0, 4], sizes = [1, 1250, 1], strides = [1, 1, 1]} : vector<2x1250x8xf32> to vector<1x1250x1xf32>
    %squeeze3A_89 = vector.shape_cast %slice3A_88 : vector<1x1250x1xf32> to vector<1250xf32>
    %add3A_90 = arith.addf %add3A_87, %squeeze3A_89 : vector<1250xf32>
    %rsqrt3A_91 = math.rsqrt %add3A_90 : vector<1250xf32>
    %broadcast_in_dim3A_92 = vector.shape_cast %rsqrt3A_91 : vector<1250xf32> to vector<1250x1xf32>
    %slice3A_93 = vector.extract_strided_slice %get3A_5 {offsets = [0, 64], sizes = [1250, 16], strides = [1, 1]} : vector<1250x128xf32> to vector<1250x16xf32>
    %mul3A_94 = vector.broadcast %broadcast_in_dim3A_92 : vector<1250x1xf32> to vector<1250x16xf32>
    %mul3A_95 = arith.mulf %mul3A_94, %slice3A_93 : vector<1250x16xf32>
    %swap3A_96 = arith.constant 0 : index
    %swap3A_97 = arith.constant 64 : index
    %swap3A_98 = vector.load %arg2[%swap3A_96, %swap3A_97] : memref<1250x128xf32, #tpu.memory_space<vmem>>, vector<1250x16xf32>
    tpu.vector_store %arg2[%swap3A_96, %swap3A_97], %mul3A_95 {strides = array<i32>} : memref<1250x128xf32, #tpu.memory_space<vmem>>, vector<1250x16xf32>,
    %broadcast_in_dim3A_99 = vector.shape_cast %broadcast_in_dim3A_92 : vector<1250x1xf32> to vector<1250x1xf32>
    %broadcast_in_dim3A_100 = vector.broadcast %broadcast_in_dim3A_99 : vector<1250x1xf32> to vector<1250x16xf32>
    %swap3A_101 = arith.constant 0 : index
    %swap3A_102 = arith.constant 64 : index
    %swap3A_103 = vector.load %arg3[%swap3A_101, %swap3A_102] : memref<1250x128xf32, #tpu.memory_space<vmem>>, vector<1250x16xf32>
    tpu.vector_store %arg3[%swap3A_101, %swap3A_102], %broadcast_in_dim3A_100 {strides = array<i32>} : memref<1250x128xf32, #tpu.memory_space<vmem>>, vector<1250x16xf32>,
    %slice3A_104 = vector.extract_strided_slice %get3A_2 {offsets = [0, 0, 5], sizes = [1, 1250, 1], strides = [1, 1, 1]} : vector<2x1250x8xf32> to vector<1x1250x1xf32>
    %squeeze3A_105 = vector.shape_cast %slice3A_104 : vector<1x1250x1xf32> to vector<1250xf32>
    %add3A_106 = arith.constant 1.000000e+00 : f32
    %add3A_107 = vector.broadcast %add3A_106 : f32 to vector<1250xf32>
    %add3A_108 = arith.addf %add3A_107, %squeeze3A_105 : vector<1250xf32>
    %slice3A_109 = vector.extract_strided_slice %get3A_2 {offsets = [1, 0, 5], sizes = [1, 1250, 1], strides = [1, 1, 1]} : vector<2x1250x8xf32> to vector<1x1250x1xf32>
    %squeeze3A_110 = vector.shape_cast %slice3A_109 : vector<1x1250x1xf32> to vector<1250xf32>
    %add3A_111 = arith.addf %add3A_108, %squeeze3A_110 : vector<1250xf32>
    %rsqrt3A_112 = math.rsqrt %add3A_111 : vector<1250xf32>
    %broadcast_in_dim3A_113 = vector.shape_cast %rsqrt3A_112 : vector<1250xf32> to vector<1250x1xf32>
    %slice3A_114 = vector.extract_strided_slice %get3A_5 {offsets = [0, 80], sizes = [1250, 16], strides = [1, 1]} : vector<1250x128xf32> to vector<1250x16xf32>
    %mul3A_115 = vector.broadcast %broadcast_in_dim3A_113 : vector<1250x1xf32> to vector<1250x16xf32>
    %mul3A_116 = arith.mulf %mul3A_115, %slice3A_114 : vector<1250x16xf32>
    %swap3A_117 = arith.constant 0 : index
    %swap3A_118 = arith.constant 80 : index
    %swap3A_119 = vector.load %arg2[%swap3A_117, %swap3A_118] : memref<1250x128xf32, #tpu.memory_space<vmem>>, vector<1250x16xf32>
    tpu.vector_store %arg2[%swap3A_117, %swap3A_118], %mul3A_116 {strides = array<i32>} : memref<1250x128xf32, #tpu.memory_space<vmem>>, vector<1250x16xf32>,
    %broadcast_in_dim3A_120 = vector.shape_cast %broadcast_in_dim3A_113 : vector<1250x1xf32> to vector<1250x1xf32>
    %broadcast_in_dim3A_121 = vector.broadcast %broadcast_in_dim3A_120 : vector<1250x1xf32> to vector<1250x16xf32>
    %swap3A_122 = arith.constant 0 : index
    %swap3A_123 = arith.constant 80 : index
    %swap3A_124 = vector.load %arg3[%swap3A_122, %swap3A_123] : memref<1250x128xf32, #tpu.memory_space<vmem>>, vector<1250x16xf32>
    tpu.vector_store %arg3[%swap3A_122, %swap3A_123], %broadcast_in_dim3A_121 {strides = array<i32>} : memref<1250x128xf32, #tpu.memory_space<vmem>>, vector<1250x16xf32>,
    %slice3A_125 = vector.extract_strided_slice %get3A_2 {offsets = [0, 0, 6], sizes = [1, 1250, 1], strides = [1, 1, 1]} : vector<2x1250x8xf32> to vector<1x1250x1xf32>
    %squeeze3A_126 = vector.shape_cast %slice3A_125 : vector<1x1250x1xf32> to vector<1250xf32>
    %add3A_127 = arith.constant 1.000000e+00 : f32
    %add3A_128 = vector.broadcast %add3A_127 : f32 to vector<1250xf32>
    %add3A_129 = arith.addf %add3A_128, %squeeze3A_126 : vector<1250xf32>
    %slice3A_130 = vector.extract_strided_slice %get3A_2 {offsets = [1, 0, 6], sizes = [1, 1250, 1], strides = [1, 1, 1]} : vector<2x1250x8xf32> to vector<1x1250x1xf32>
    %squeeze3A_131 = vector.shape_cast %slice3A_130 : vector<1x1250x1xf32> to vector<1250xf32>
    %add3A_132 = arith.addf %add3A_129, %squeeze3A_131 : vector<1250xf32>
    %rsqrt3A_133 = math.rsqrt %add3A_132 : vector<1250xf32>
    %broadcast_in_dim3A_134 = vector.shape_cast %rsqrt3A_133 : vector<1250xf32> to vector<1250x1xf32>
    %slice3A_135 = vector.extract_strided_slice %get3A_5 {offsets = [0, 96], sizes = [1250, 16], strides = [1, 1]} : vector<1250x128xf32> to vector<1250x16xf32>
    %mul3A_136 = vector.broadcast %broadcast_in_dim3A_134 : vector<1250x1xf32> to vector<1250x16xf32>
    %mul3A_137 = arith.mulf %mul3A_136, %slice3A_135 : vector<1250x16xf32>
    %swap3A_138 = arith.constant 0 : index
    %swap3A_139 = arith.constant 96 : index
    %swap3A_140 = vector.load %arg2[%swap3A_138, %swap3A_139] : memref<1250x128xf32, #tpu.memory_space<vmem>>, vector<1250x16xf32>
    tpu.vector_store %arg2[%swap3A_138, %swap3A_139], %mul3A_137 {strides = array<i32>} : memref<1250x128xf32, #tpu.memory_space<vmem>>, vector<1250x16xf32>,
    %broadcast_in_dim3A_141 = vector.shape_cast %broadcast_in_dim3A_134 : vector<1250x1xf32> to vector<1250x1xf32>
    %broadcast_in_dim3A_142 = vector.broadcast %broadcast_in_dim3A_141 : vector<1250x1xf32> to vector<1250x16xf32>
    %swap3A_143 = arith.constant 0 : index
    %swap3A_144 = arith.constant 96 : index
    %swap3A_145 = vector.load %arg3[%swap3A_143, %swap3A_144] : memref<1250x128xf32, #tpu.memory_space<vmem>>, vector<1250x16xf32>
    tpu.vector_store %arg3[%swap3A_143, %swap3A_144], %broadcast_in_dim3A_142 {strides = array<i32>} : memref<1250x128xf32, #tpu.memory_space<vmem>>, vector<1250x16xf32>,
    %slice3A_146 = vector.extract_strided_slice %get3A_2 {offsets = [0, 0, 7], sizes = [1, 1250, 1], strides = [1, 1, 1]} : vector<2x1250x8xf32> to vector<1x1250x1xf32>
    %squeeze3A_147 = vector.shape_cast %slice3A_146 : vector<1x1250x1xf32> to vector<1250xf32>
    %add3A_148 = arith.constant 1.000000e+00 : f32
    %add3A_149 = vector.broadcast %add3A_148 : f32 to vector<1250xf32>
    %add3A_150 = arith.addf %add3A_149, %squeeze3A_147 : vector<1250xf32>
    %slice3A_151 = vector.extract_strided_slice %get3A_2 {offsets = [1, 0, 7], sizes = [1, 1250, 1], strides = [1, 1, 1]} : vector<2x1250x8xf32> to vector<1x1250x1xf32>
    %squeeze3A_152 = vector.shape_cast %slice3A_151 : vector<1x1250x1xf32> to vector<1250xf32>
    %add3A_153 = arith.addf %add3A_150, %squeeze3A_152 : vector<1250xf32>
    %rsqrt3A_154 = math.rsqrt %add3A_153 : vector<1250xf32>
    %broadcast_in_dim3A_155 = vector.shape_cast %rsqrt3A_154 : vector<1250xf32> to vector<1250x1xf32>
    %slice3A_156 = vector.extract_strided_slice %get3A_5 {offsets = [0, 112], sizes = [1250, 16], strides = [1, 1]} : vector<1250x128xf32> to vector<1250x16xf32>
    %mul3A_157 = vector.broadcast %broadcast_in_dim3A_155 : vector<1250x1xf32> to vector<1250x16xf32>
    %mul3A_158 = arith.mulf %mul3A_157, %slice3A_156 : vector<1250x16xf32>
    %swap3A_159 = arith.constant 0 : index
    %swap3A_160 = arith.constant 112 : index
    %swap3A_161 = vector.load %arg2[%swap3A_159, %swap3A_160] : memref<1250x128xf32, #tpu.memory_space<vmem>>, vector<1250x16xf32>
    tpu.vector_store %arg2[%swap3A_159, %swap3A_160], %mul3A_158 {strides = array<i32>} : memref<1250x128xf32, #tpu.memory_space<vmem>>, vector<1250x16xf32>,
    %broadcast_in_dim3A_162 = vector.shape_cast %broadcast_in_dim3A_155 : vector<1250x1xf32> to vector<1250x1xf32>
    %broadcast_in_dim3A_163 = vector.broadcast %broadcast_in_dim3A_162 : vector<1250x1xf32> to vector<1250x16xf32>
    %swap3A_164 = arith.constant 0 : index
    %swap3A_165 = arith.constant 112 : index
    %swap3A_166 = vector.load %arg3[%swap3A_164, %swap3A_165] : memref<1250x128xf32, #tpu.memory_space<vmem>>, vector<1250x16xf32>
    tpu.vector_store %arg3[%swap3A_164, %swap3A_165], %broadcast_in_dim3A_163 {strides = array<i32>} : memref<1250x128xf32, #tpu.memory_space<vmem>>, vector<1250x16xf32>,
    return
  }
}

module attributes {stable_mosaic.version = 14 : i64} {
  func.func @body(%arg0: memref<2x1250x128xf32, #tpu.memory_space<vmem>>, %arg1: memref<1250x128xf32, #tpu.memory_space<vmem>>, %arg2: memref<1250x128xf32, #tpu.memory_space<vmem>>, %arg3: memref<1x128xf32, #tpu.memory_space<vmem>>, %arg4: memref<1250x128xf32, #tpu.memory_space<vmem>>) attributes {dimension_semantics = [], scalar_prefetch = 0 : i64, scratch_operands = 0 : i64, tpu.core_type = #tpu.core_type<tc>} {
    %get3A = arith.constant 0 : index
    %get3A_0 = arith.constant 0 : index
    %get3A_1 = vector.load %arg2[%get3A, %get3A_0] : memref<1250x128xf32, #tpu.memory_space<vmem>>, vector<1250x128xf32>
    %get3A_2 = arith.constant 0 : index
    %get3A_3 = arith.constant 0 : index
    %get3A_4 = arith.constant 0 : index
    %get3A_5 = vector.load %arg0[%get3A_2, %get3A_3, %get3A_4] : memref<2x1250x128xf32, #tpu.memory_space<vmem>>, vector<1x1250x128xf32>
    %get3A_6 = vector.shape_cast %get3A_5 : vector<1x1250x128xf32> to vector<1250x128xf32>
    %get3A_7 = arith.constant 1 : index
    %get3A_8 = arith.constant 0 : index
    %get3A_9 = arith.constant 0 : index
    %get3A_10 = vector.load %arg0[%get3A_7, %get3A_8, %get3A_9] : memref<2x1250x128xf32, #tpu.memory_space<vmem>>, vector<1x1250x128xf32>
    %get3A_11 = vector.shape_cast %get3A_10 : vector<1x1250x128xf32> to vector<1250x128xf32>
    %add3A = arith.addf %get3A_6, %get3A_11 : vector<1250x128xf32>
    %get3A_12 = arith.constant 0 : index
    %get3A_13 = arith.constant 0 : index
    %get3A_14 = vector.load %arg1[%get3A_12, %get3A_13] : memref<1250x128xf32, #tpu.memory_space<vmem>>, vector<1250x128xf32>
    %sub3A = arith.subf %add3A, %get3A_14 : vector<1250x128xf32>
    %mul3A = arith.mulf %get3A_1, %sub3A : vector<1250x128xf32>
    %get3A_15 = arith.constant 0 : index
    %get3A_16 = arith.constant 0 : index
    %get3A_17 = vector.load %arg3[%get3A_15, %get3A_16] : memref<1x128xf32, #tpu.memory_space<vmem>>, vector<1x128xf32>
    %add3A_18 = vector.broadcast %get3A_17 : vector<1x128xf32> to vector<1250x128xf32>
    %add3A_19 = arith.addf %mul3A, %add3A_18 : vector<1250x128xf32>
    %max3A = arith.constant 0.000000e+00 : f32
    %max3A_20 = vector.broadcast %max3A : f32 to vector<1250x128xf32>
    %max3A_21 = arith.maximumf %add3A_19, %max3A_20 : vector<1250x128xf32>
    %mul3A_22 = arith.mulf %get3A_1, %max3A_21 : vector<1250x128xf32>
    %swap3A = arith.constant 0 : index
    %swap3A_23 = arith.constant 0 : index
    %swap3A_24 = vector.load %arg4[%swap3A, %swap3A_23] : memref<1250x128xf32, #tpu.memory_space<vmem>>, vector<1250x128xf32>
    tpu.vector_store %arg4[%swap3A, %swap3A_23], %mul3A_22 {strides = array<i32>} : memref<1250x128xf32, #tpu.memory_space<vmem>>, vector<1250x128xf32>,
    return
  }
}

module attributes {stable_mosaic.version = 14 : i64} {
  func.func @body(%arg0: memref<2x1250x128xf32, #tpu.memory_space<vmem>>, %arg1: memref<1250x128xf32, #tpu.memory_space<vmem>>, %arg2: memref<1250x128xf32, #tpu.memory_space<vmem>>, %arg3: memref<128x16xf32, #tpu.memory_space<vmem>>, %arg4: memref<1x16xf32, #tpu.memory_space<vmem>>, %arg5: memref<1250x16xf32, #tpu.memory_space<vmem>>) attributes {dimension_semantics = [], scalar_prefetch = 0 : i64, scratch_operands = 0 : i64, tpu.core_type = #tpu.core_type<tc>} {
    %get3A = arith.constant 0 : index
    %get3A_0 = arith.constant 0 : index
    %get3A_1 = vector.load %arg2[%get3A, %get3A_0] : memref<1250x128xf32, #tpu.memory_space<vmem>>, vector<1250x128xf32>
    %get3A_2 = arith.constant 0 : index
    %get3A_3 = arith.constant 0 : index
    %get3A_4 = arith.constant 0 : index
    %get3A_5 = vector.load %arg0[%get3A_2, %get3A_3, %get3A_4] : memref<2x1250x128xf32, #tpu.memory_space<vmem>>, vector<1x1250x128xf32>
    %get3A_6 = vector.shape_cast %get3A_5 : vector<1x1250x128xf32> to vector<1250x128xf32>
    %get3A_7 = arith.constant 1 : index
    %get3A_8 = arith.constant 0 : index
    %get3A_9 = arith.constant 0 : index
    %get3A_10 = vector.load %arg0[%get3A_7, %get3A_8, %get3A_9] : memref<2x1250x128xf32, #tpu.memory_space<vmem>>, vector<1x1250x128xf32>
    %get3A_11 = vector.shape_cast %get3A_10 : vector<1x1250x128xf32> to vector<1250x128xf32>
    %add3A = arith.addf %get3A_6, %get3A_11 : vector<1250x128xf32>
    %get3A_12 = arith.constant 0 : index
    %get3A_13 = arith.constant 0 : index
    %get3A_14 = vector.load %arg1[%get3A_12, %get3A_13] : memref<1250x128xf32, #tpu.memory_space<vmem>>, vector<1250x128xf32>
    %sub3A = arith.subf %add3A, %get3A_14 : vector<1250x128xf32>
    %mul3A = arith.mulf %get3A_1, %sub3A : vector<1250x128xf32>
    %get3A_15 = arith.constant 0 : index
    %get3A_16 = arith.constant 0 : index
    %get3A_17 = vector.load %arg3[%get3A_15, %get3A_16] : memref<128x16xf32, #tpu.memory_space<vmem>>, vector<128x16xf32>
    %dot_general3A = arith.constant dense<0.000000e+00> : vector<1250x16xf32>
    %dot_general3A_18 = tpu.matmul %mul3A, %get3A_17, %dot_general3A {dimension_numbers = #tpu.dot_dimension_numbers<[1], [0], [0], [1], [0, 0, 1, 1], [], []>, transpose_lhs_hint = false} : vector<1250x128xf32>, vector<128x16xf32>, vector<1250x16xf32> -> vector<1250x16xf32>
    %get3A_19 = arith.constant 0 : index
    %get3A_20 = arith.constant 0 : index
    %get3A_21 = vector.load %arg4[%get3A_19, %get3A_20] : memref<1x16xf32, #tpu.memory_space<vmem>>, vector<1x16xf32>
    %add3A_22 = vector.broadcast %get3A_21 : vector<1x16xf32> to vector<1250x16xf32>
    %add3A_23 = arith.addf %dot_general3A_18, %add3A_22 : vector<1250x16xf32>
    %slice3A = vector.extract_strided_slice %add3A_23 {offsets = [0, 1], sizes = [1250, 15], strides = [1, 1]} : vector<1250x16xf32> to vector<1250x15xf32>
    %slice3A_24 = vector.extract_strided_slice %add3A_23 {offsets = [0, 0], sizes = [1250, 1], strides = [1, 1]} : vector<1250x16xf32> to vector<1250x1xf32>
    %concatenate3A = tpu.concatenate %slice3A, %slice3A_24 in 1 : vector<1250x15xf32>, vector<1250x1xf32> -> vector<1250x16xf32>
    %slice3A_25 = vector.extract_strided_slice %add3A_23 {offsets = [0, 15], sizes = [1250, 1], strides = [1, 1]} : vector<1250x16xf32> to vector<1250x1xf32>
    %slice3A_26 = vector.extract_strided_slice %add3A_23 {offsets = [0, 0], sizes = [1250, 15], strides = [1, 1]} : vector<1250x16xf32> to vector<1250x15xf32>
    %concatenate3A_27 = tpu.concatenate %slice3A_25, %slice3A_26 in 1 : vector<1250x1xf32>, vector<1250x15xf32> -> vector<1250x16xf32>
    %iota3A = tpu.iota {dimensions = array<i32: 1>} : vector<1250x16xi32>
    %jit3A = arith.constant 2 : i32
    %eq3A = arith.constant 0 : i32
    %eq3A_28 = arith.cmpi eq, %jit3A, %eq3A : i32
    %jit3A_29 = arith.constant 1 : i32
    %select_n3A = arith.select %eq3A_28, %jit3A_29, %jit3A : i32
    %rem3A = vector.broadcast %select_n3A : i32 to vector<1250x16xi32>
    %rem3A_30 = arith.remsi %iota3A, %rem3A : vector<1250x16xi32>
    %ne3A = arith.constant 0 : i32
    %ne3A_31 = vector.broadcast %ne3A : i32 to vector<1250x16xi32>
    %ne3A_32 = arith.cmpi ne, %rem3A_30, %ne3A_31 : vector<1250x16xi32>
    %lt3A = arith.constant 0 : i32
    %lt3A_33 = vector.broadcast %lt3A : i32 to vector<1250x16xi32>
    %lt3A_34 = arith.cmpi slt, %rem3A_30, %lt3A_33 : vector<1250x16xi32>
    %lt3A_35 = arith.constant 0 : i32
    %lt3A_36 = arith.cmpi slt, %select_n3A, %lt3A_35 : i32
    %ne3A_37 = vector.broadcast %lt3A_36 : i1 to vector<1250x16xi1>
    %ne3A_38 = vector.broadcast %ne3A_37 : vector<1250x16xi1> to vector<1250x16xi1>
    %ne3A_39 = arith.xori %lt3A_34, %ne3A_38 : vector<1250x16xi1>
    %and3A = arith.andi %ne3A_39, %ne3A_32 : vector<1250x16xi1>
    %add3A_40 = vector.broadcast %select_n3A : i32 to vector<1250x16xi32>
    %add3A_41 = arith.addi %rem3A_30, %add3A_40 : vector<1250x16xi32>
    %select_n3A_42 = arith.select %and3A, %add3A_41, %rem3A_30 : vector<1250x16xi1>, vector<1250x16xi32>
    %eq3A_43 = arith.constant 0 : i32
    %eq3A_44 = vector.broadcast %eq3A_43 : i32 to vector<1250x16xi32>
    %eq3A_45 = arith.cmpi eq, %select_n3A_42, %eq3A_44 : vector<1250x16xi32>
    %select_n3A_46 = arith.select %eq3A_45, %concatenate3A, %concatenate3A_27 : vector<1250x16xi1>, vector<1250x16xf32>
    %max3A = arith.maximumf %add3A_23, %select_n3A_46 : vector<1250x16xf32>
    %sub3A_47 = arith.subf %add3A_23, %max3A : vector<1250x16xf32>
    %exp3A = math.exp %sub3A_47 : vector<1250x16xf32>
    %sub3A_48 = arith.subf %select_n3A_46, %max3A : vector<1250x16xf32>
    %exp3A_49 = math.exp %sub3A_48 : vector<1250x16xf32>
    %add3A_50 = arith.addf %exp3A, %exp3A_49 : vector<1250x16xf32>
    %log3A = math.log %add3A_50 : vector<1250x16xf32>
    %add3A_51 = arith.addf %max3A, %log3A : vector<1250x16xf32>
    %sub3A_52 = arith.subf %add3A_23, %add3A_51 : vector<1250x16xf32>
    %swap3A = arith.constant 0 : index
    %swap3A_53 = arith.constant 0 : index
    %swap3A_54 = vector.load %arg5[%swap3A, %swap3A_53] : memref<1250x16xf32, #tpu.memory_space<vmem>>, vector<1250x16xf32>
    tpu.vector_store %arg5[%swap3A, %swap3A_53], %sub3A_52 {strides = array<i32>} : memref<1250x16xf32, #tpu.memory_space<vmem>>, vector<1250x16xf32>,
    return
  }
}

</mosaic_0001>

<sc_bundles>
// kernel: kernel.12.cloned.1.call-start
scs
__scs_entry_jumppad:
0x0: {  	(pc) =	sbr.rel $0x88, $3  }
0x1: {  	(tag) =	ssettag $0x0;
	lr =	simm.s32 $0x1  }
0x2: {  	[smem:$0x3F9B] =	sst lr;
	_ =	strace $0xD0000000  }
0x3: {  	_ = 	snop  }
0x4: {  	_ = 	snop  }
0x5: {  	_ = 	snop  }
0x6: {  	_ = 	snop  }
0x7: {  	_ = 	snop  }
__scs_overlays_trampoline_lowered:
0x8: {  	[smem:$0x3FAA] =	sst s0  }
0x9: {  	[smem:$0x3FAB] =	sst s1  }
0xa: {  	[smem:$0x3FAC] =	sst s2  }
0xb: {  	[smem:$0x3FAD] =	sst s3  }
0xc: {  	[smem:$0x3FAE] =	sst s4  }
0xd: {  	[smem:$0x3FAF] =	sst s5  }
0xe: {  	[smem:$0x3FB0] =	sst s6  }
0xf: {  	[smem:$0x3FB1] =	sst s7  }
0x10: {  	[smem:$0x3FB2] =	sst s8  }
0x11: {  	[smem:$0x3FB3] =	sst s9;
	s0 =	simm.s32 @!p0 $0x0  }
0x12: {  	s1 =	sld [smem:$0x3F99];
	s0 =	simm.s32 @p0 $0x1  }
0x13: {  	[smem:$0x3FB4] =	sst s0;
	s0 =	simm.s32 @!p1 $0x0  }
0x14: {  	s2 =	sld [smem:$0x3F98];
	s0 =	simm.s32 @p1 $0x1  }
0x15: {  	[smem:$0x3FB5] =	sst s0;
	s0 =	simm.s32 @!p2 $0x0  }
0x16: {  	s3 =	sld [smem:$0x3FDB];
	s0 =	simm.s32 @p2 $0x1  }
0x17: {  	s4 =	simm.s32 $0x1BF5;
	[smem:$0x3FB7] =	sst s0  }
0x18: {  	s0 =	sld [smem:$0x3F9A];
	_ =	swait.ge [sflag:s4], $0x0  }
0x19: {  	s7 =	sld [smem:$0x3F9B]  }
0x1a: {  	s8 =	sadd.s32 $0xFFFFE003, lr  }
0x1b: {  	s9 =	sadd.s32 $0xFFFFFEF7, lr;
	s5 =	simm.s32 $0xFFFFFFFF;
	p2 =	slt.u32 s8, $0xFFFFF086  }
0x1c: {  	p1 =	slt.u32 s9, $0xF7A;
	s5 =	simm.s32 @!p2 $0x0  }
0x1d: {  	s5 =	simm.s32 @p1 $0x1;
	p0 =	seq.s32 s7, s2  }
0x1e: {  	s7 =	smul.u32 @!p0 $0xF7A, s2;
	p2 =	seq.s32 @!p0 s5, $0x0  }
0x1f: {  	s9 =	smul.u32 $0xF7A, s1;
	s8 =	simm.s32 @!p0 $0x1BF5;
	p2 =	por !p2, p0  }
0x20: {  	[sflag:s8] =	ssyncset.s32 @!p0 $0xFFFFF086;
	s6 =	sadd.s32 @!p0 s3, s7;
	s7 =	simm.s32 @!p0 $0x108  }
0x21: {  	s3 =	sadd.s32 s3, s9;
	s6 =	sadd.s32 @!p0 $0x88, s6;
	s7 =	simm.s32 @p2 $0x1082  }
0x22: {  	[simem:s7], [sflag:s8] =	dma.local @!p0 [hbm:s6], $0xF7A  }
0x23: {  	s9 =	sor.u32 $0xD0000000, s2;
	s6 =	simm.s32 $0x108;
	_ =	swait.ge @!p0 [sflag:s8], $0x0  }
0x24: {  	s3 =	sadd.s32 $0x88, s3;
	s6 =	simm.s32 @!p1 $0x1082;
	[sflag:s4] =	ssyncset.s32 $0xFFFFF086  }
0x25: {  	[simem:s6], [sflag:s4] =	dma.local [hbm:s3], $0xF7A  }
0x26: {  	[smem:$0x3F9B] =	sst s1;
	(tag) =	ssettag s2;
	_ =	strace s9  }
0x27: {  	s1 =	sld [smem:$0x3FAB]  }
0x28: {  	s2 =	sld [smem:$0x3FAC]  }
0x29: {  	s4 =	sld [smem:$0x3FAE]  }
0x2a: {  	p0 =	seq.s32 s5, $0x0;
	s5 =	sld [smem:$0x3FAF]  }
0x2b: {  	s6 =	sld [smem:$0x3FB0]  }
0x2c: {  	s7 =	sld [smem:$0x3FB1]  }
0x2d: {  	s3 =	simm.s32 $0x108;
	s8 =	sld [smem:$0x3FB2]  }
0x2e: {  	s3 =	simm.s32 @!p0 $0x1082;
	s9 =	sld [smem:$0x3FB3]  }
0x2f: {  	lr =	sadd.s32 s0, s3;
	s0 =	sld [smem:$0x3FAA]  }
0x30: {  	s3 =	sld [smem:$0x3FAD]  }
0x31: {  	[smem:$0x3FB6] =	sst s10  }
0x32: {  	s10 =	sld [smem:$0x3FB4];
	_ =	sdelay $0x3  }
0x33: {  	p0 =	seq.s32 s10, $0x1;
	s10 =	sld [smem:$0x3FB6];
	_ =	sdelay $0x3  }
0x34: {  	[smem:$0x3FB6] =	sst s10  }
0x35: {  	s10 =	sld [smem:$0x3FB5];
	_ =	sdelay $0x3  }
0x36: {  	p1 =	seq.s32 s10, $0x1;
	s10 =	sld [smem:$0x3FB6];
	_ =	sdelay $0x3  }
0x37: {  	[smem:$0x3FB6] =	sst s10  }
0x38: {  	s10 =	sld [smem:$0x3FB7]  }
0x39: {  	_ = 	snop;
	(pc) =	sbr.ind lr, $3  }
0x3a: {  	_ = 	snop  }
0x3b: {  	_ = 	snop  }
0x3c: {  	p2 =	seq.s32 s10, $0x1;
	s10 =	sld [smem:$0x3FB6]  }
0x3d: {  	_ =	shalt  }
0x3e: {  	_ =	shalt  }
0x3f: {  	_ =	shalt  }
0x40: {  	_ =	shalt  }
0x41: {  	_ =	shalt  }
0x42: {  	_ =	shalt  }
0x43: {  	_ =	shalt  }
0x44: {  	_ =	shalt  }
0x45: {  	_ =	shalt  }
0x46: {  	_ =	shalt  }
0x47: {  	_ =	shalt  }
0x48: {  	_ =	shalt  }
0x49: {  	_ =	shalt  }
0x4a: {  	_ =	shalt  }
0x4b: {  	_ =	shalt  }
0x4c: {  	_ =	shalt  }
0x4d: {  	_ =	shalt  }
0x4e: {  	_ =	shalt  }
0x4f: {  	_ =	shalt  }
0x50: {  	_ =	shalt  }
0x51: {  	_ =	shalt  }
0x52: {  	_ =	shalt  }
0x53: {  	_ =	shalt  }
0x54: {  	_ =	shalt  }
0x55: {  	_ =	shalt  }
0x56: {  	_ =	shalt  }
0x57: {  	_ =	shalt  }
0x58: {  	_ =	shalt  }
0x59: {  	_ =	shalt  }
0x5a: {  	_ =	shalt  }
0x5b: {  	_ =	shalt  }
0x5c: {  	_ =	shalt  }
0x5d: {  	_ =	shalt  }
0x5e: {  	_ =	shalt  }
0x5f: {  	_ =	shalt  }
0x60: {  	_ =	shalt  }
0x61: {  	_ =	shalt  }
0x62: {  	_ =	shalt  }
0x63: {  	_ =	shalt  }
0x64: {  	_ =	shalt  }
0x65: {  	_ =	shalt  }
0x66: {  	_ =	shalt  }
0x67: {  	_ =	shalt  }
0x68: {  	_ =	shalt  }
0x69: {  	_ =	shalt  }
0x6a: {  	_ =	shalt  }
0x6b: {  	_ =	shalt  }
0x6c: {  	_ =	shalt  }
0x6d: {  	_ =	shalt  }
0x6e: {  	_ =	shalt  }
0x6f: {  	_ =	shalt  }
0x70: {  	_ =	shalt  }
0x71: {  	_ =	shalt  }
0x72: {  	_ =	shalt  }
0x73: {  	_ =	shalt  }
0x74: {  	_ =	shalt  }
0x75: {  	_ =	shalt  }
0x76: {  	_ =	shalt  }
0x77: {  	_ =	shalt  }
0x78: {  	_ =	shalt  }
0x79: {  	_ =	shalt  }
0x7a: {  	_ =	shalt  }
0x7b: {  	_ =	shalt  }
0x7c: {  	_ =	shalt  }
0x7d: {  	_ =	shalt  }
0x7e: {  	_ =	shalt  }
0x7f: {  	_ =	shalt  }
0x80: {  	_ =	shalt  }
0x81: {  	_ =	shalt  }
0x82: {  	_ =	shalt  }
0x83: {  	_ =	shalt  }
0x84: {  	_ =	shalt  }
0x85: {  	_ =	shalt  }
0x86: {  	_ =	shalt  }
0x87: {  	_ =	shalt  }
.Lfunc_end0:
.L_simem_size_0:
called_computation.1_lowered:
.L_overlay_start_0:
0x88: {  	s2 =	sld [smem:$0x3FD9]  }
0x89: {  	s3 =	sld [smem:$0x3FFE];
	_ =	sdelay $0x1  }
0x8a: {  	s1 =	srdreg.scid  }
0x8b: {  	s0 =	sand.u32 $0x1, s1  }
0x8c: {  	s16 =	sshll.u32 s0, $0xA;
	s2 =	sadd.s32 s3, s2  }
0x8d: {  	s2 =	sadd.s32 s2, s16  }
0x8e: {  	[smem:$0x3FC2] =	sst s2  }
0x8f: {  	_ = 	snop  }
0x90: {  	(tm) =	ssettm $0x1  }
0x91: {  	s17 =	sld [smem:$0x3FFB];
	_ =	sdelay $0x3  }
0x92: {  	_ =	strace s17  }
0x93: {  	s2 =	sld [smem:$0x3FFC];
	_ =	sdelay $0x3  }
0x94: {  	_ =	strace s2  }
0x95: {  	s2 =	sld [smem:$0x3FFD];
	_ =	sdelay $0x3  }
0x96: {  	_ =	strace s2  }
0x97: {  	_ =	strace $0x8FFFFFFF  }
0x98: {  	s18 =	sld [smem:$0x3FDB];
	_ =	sdelay $0x1  }
0x99: {  	s19 =	simm.s32 $_scs_section_size  }
0x9a: {  	s4 =	simm.s32 $_size__tile_overlayer_lowered;
	s5 =	simm.s32 $_tile_overlayer_lowered  }
0x9b: {  	s22 =	simm.s32 $0x1BFF;
	s21 =	sshll.u32 s5, $0x1;
	s2 =	sadd.s32 s19, s18  }
0x9c: {  	s6 =	simm.s32 $0x0;
	s20 =	sshll.u32 s4, $0x1;
	s4 =	sadd.s32 s21, s2  }
0x9d: {  	[timem:s6], [sflag:s22] =	dma.local [hbm:s4], s20  }
0x9e: {  	_ =	swait.ge [sflag:s22], s20  }
0x9f: {  	s3 =	ssub.s32 $0x0, s20;
	[sflag:s22] =	ssyncset.done $0x0  }
0xa0: {  	[sflag:s22] =	ssyncadd.s32 s3;
	_ =	sdelay $0x1  }
0xa1: {  	s23 =	simm.s32 $0x1B8B  }
0xa2: {  	_ =	swait.ge [sflag:s23], $0x1  }
0xa3: {  	[sflag:s23] =	ssyncset.done $0x0  }
0xa4: {  	s25 =	simm.s32 $0x1B8E;
	s24 =	sld [smem:$0x3FFE];
	[sflag:s23] =	ssyncadd.s32 $0xFFFFFFFF  }
0xa5: {  	s26 =	simm.s32 $execute0_lowered;
	[smem:$0x3FD2] =	sst s25  }
0xa6: {  	s4 =	sshll.u32 s26, $0x1;
	_ =	strace $0x80000049;
	[dreg:$0x1] =	wrdreg $0xFFFFFFFF  }
0xa7: {  	s28 =	simm.s32 $_size_execute0_lowered;
	s2 =	sadd.s32 s2, s4;
	[dreg:$0x0] =	wrdreg $0x0  }
0xa8: {  	s4 =	sshll.u32 s28, $0x1;
	[dreg:$0x2] =	wrdreg s2  }
0xa9: {  	[dreg:$0x3] =	wrdreg s4  }
0xaa: {  	[dreg:$0x4] =	wrdreg $0xC0  }
0xab: {  	_ =	task [dreg:s6], $0x5FFFF  }
0xac: {  	[dreg:$0x1] =	wrdreg $0xFFFFFFFF  }
0xad: {  	[dreg:$0x0] =	wrdreg $0x60  }
0xae: {  	[dreg:$0x2] =	wrdreg s24  }
0xaf: {  	[dreg:$0x3] =	wrdreg $0x54000  }
0xb0: {  	[dreg:$0x4] =	wrdreg $0x9  }
0xb1: {  	_ =	task.clear_ibuf [dreg:s6], $0x5FFFF;
	_ =	strace $0x90000049  }
0xb2: {  	s29 =	simm.s32 $0x9;
	_ =	strace $0x8000004B  }
0xb3: {  	_ =	swait.ge [sflag:s29], $0x1  }
0xb4: {  	[sflag:s29] =	ssyncadd.s32 $0xFFFFFFFF  }
0xb5: {  	_ =	strace $0x9000004B  }
0xb6: {  	_ =	sfence  }
0xb7: {  	s30 =	sld [smem:$0x0];
	_ =	sdelay $0x2  }
0xb8: {  	s31 =	sshll.u32 s1, $0xD;
	s1 =	sshrl.u32 s1, $0x2  }
0xb9: {  	s3 =	sand.u32 $0x4000, s31;
	s1 =	sadd.s32 s1, s30  }
0xba: {  	s0 =	sor.u32 s3, s0;
	s1 =	sshll.u32 s1, $0x11  }
0xbb: {  	s0 =	sor.u32 s1, s0  }
0xbc: {  	s0 =	sadd.s32 $0x8F2B, s0  }
0xbd: {  	[sflag:s0] =	ssyncadd.remote.s32 $0x1  }
0xbe: {  	_ =	sfence.sel $0xFFFF  }
0xbf: {  	[dreg:$0x0] =	wrdreg $0xFFFFFFFF;
	(pc) =	sbr.abs _section_cstart, $3  }
0xc0: {  	[dreg:$0x1] =	wrdreg $0xFFFFFFFF  }
0xc1: {  	_ =	task.clear_ibuf [dreg:s6], $0x2FFFF;
	_ =	strace $0x9FFFFFFF  }
0xc2: {  	(tm) =	ssettm $0x7FFFFFFF  }
0xc3: {  	_ =	shalt  }
tec
execute0_lowered:
.L_overlay_start_1:
0x0: {  	(tag) =	ssettag $0x1  }
0x1: {  	s6 =	rddreg [dreg:$0x0]  }
0x2: {  	s1 =	rddreg [dreg:$0x1]  }
0x3: {  	s0 =	rddreg [dreg:$0x2];
	s2 =	simm.s32 $0x0  }
0x4: {  	s5 =	srdreg.scid;
	s3 =	stileid.u32;
	s19 =	simm.s32 $0x80  }
0x5: {  	s20 =	simm.s32 $0x3400;
	s21 =	simm.s32 $0x3C00;
	s22 =	simm.s32 $0x100  }
0x6: {  	s23 =	simm.s32 $0x4400;
	s24 =	simm.s32 $0x180;
	s25 =	simm.s32 $0x4C00  }
0x7: {  	s26 =	simm.s32 $0x1;
	[smem:$0x7FF] =	sst s2;
	s4 =	sadd.s32 $0xC200, s6  }
0x8: {  	s9 =	sadd.s32 $0x7200, s6;
	s17 =	sand.u32 $0x1, s5;
	s11 =	smul.u32 $0x2800, s3  }
0x9: {  	s10 =	sadd.s32 $0x1800, s6;
	s12 =	sadd.s32 $0x11200, s6;
	s13 =	smul.u32 $0xE00, s3  }
0xa: {  	s15 =	sadd.s32 $0x25800, s1;
	s29 =	smul.u32 $0x340, s3;
	s6 =	sadd.s32 $0x10D00, s6  }
0xb: {  	p0 =	seq.s32 s3, $0xF;
	_ =	strace $0x8000004A;
	s5 =	ssub.s32 $0x2, s17  }
0xc: {  	s18 =	smul.u32 $0x27100, s17;
	p1 =	seq.s32 s17, $0x0;
	s17 =	simm.s32 $0x2  }
0xd: {  	s7 =	sshrl.u32 s5, $0x1;
	s8 =	sshrl.u32 s11, $0x3;
	s16 =	sadd.s32 s11, s1  }
0xe: {  	s28 =	sshrl.u32 s13, $0x3;
	s14 =	ssub.s32 s5, s7;
	s5 =	sadd.s32 s4, s8  }
0xf: {  	s30 =	sadd.s32 $0x3400, s28;
	s11 =	sadd.s32 s11, s18;
	s31 =	sshrl.u32 s18, $0x3  }
.Ltmp0:
0x10: {  	s18 =	sshll.u32 @!p0 s3, $0x6;
	s16 =	sshrl.u32 @!p0 s16, $0x3;
	(pc) =	sbr.rel .LBB2_1-.Ltmp0, $4  }
0x11: {  	s7 =	sadd.s32 s9, s30;
	s8 =	sadd.s32 s10, s30;
	s9 =	sadd.s32 s9, s29  }
0x12: {  	s10 =	sadd.s32 s10, s29;
	s11 =	sshrl.u32 s11, $0x3;
	s13 =	sadd.s32 s12, s31  }
0x13: {  	s11 =	sadd.s32 s12, s11;
	s12 =	sadd.s32 $0x4B00, s13;
	s13 =	smax.u32 s14, $0x1  }
0x14: {  	s14 =	sshrl.u32 @p0 s15, $0x3;
	s15 =	sor.u32 @!p0 $0x1C02, s18;
	s18 =	simm.s32 $0x1A00  }
.LBB2_7:
0x15: {  	[tilespmem:s25], [sflag:$0x1] =	stream.indirect.gather [hbm4b:s4+s19], $0x10, s29, s19, $0xb8;
	[tilespmem:$0x7C00] =	vst v63  }
0x16: {  	s28 =	simm.s32 $0x3380  }
0x17: {  	s29 =	simm.s32 $0x3300;
	s30 =	simm.s32 $0x3280;
	s31 =	simm.s32 $0x3200  }
.LBB2_8:
0x18: {  	_ =	swait.ge [sflag:s26], $0x800  }
0x19: {  	[sflag:s26] =	ssyncset.done $0x0  }
0x1a: {  	[sflag:s26] =	ssyncadd.s32 $0xFFFFF800  }
0x1b: {  	[spmem:s1] =	stream.indirect.scatter.add.f32 [tilespmem:s20], [sflag:$0x2], $0x10, s31, s19, $0xb8;
	[tilespmem:$0x7C00] =	vst v63  }
0x1c: {  	_ =	swait.ge [sflag:s17], $0x800  }
0x1d: {  	[sflag:s17] =	ssyncset.done $0x0  }
0x1e: {  	[sflag:s17] =	ssyncadd.s32 $0xFFFFF800  }
0x1f: {  	_ =	swait.ge [sflag:s26], $0x800  }
0x20: {  	[sflag:s26] =	ssyncset.done $0x0  }
0x21: {  	[sflag:s26] =	ssyncadd.s32 $0xFFFFF800  }
0x22: {  	[spmem:s1] =	stream.indirect.scatter.add.f32 [tilespmem:s21], [sflag:$0x2], $0x10, s30, s19, $0xb8;
	[tilespmem:$0x7C00] =	vst v63  }
0x23: {  	_ =	swait.ge [sflag:s17], $0x800  }
0x24: {  	[sflag:s17] =	ssyncset.done $0x0  }
0x25: {  	[sflag:s17] =	ssyncadd.s32 $0xFFFFF800  }
0x26: {  	_ =	swait.ge [sflag:s26], $0x800  }
0x27: {  	[sflag:s26] =	ssyncset.done $0x0  }
0x28: {  	[sflag:s26] =	ssyncadd.s32 $0xFFFFF800  }
0x29: {  	[spmem:s1] =	stream.indirect.scatter.add.f32 [tilespmem:s23], [sflag:$0x2], $0x10, s29, s19, $0xb8;
	[tilespmem:$0x7C00] =	vst v63  }
0x2a: {  	_ =	swait.ge [sflag:s17], $0x800  }
0x2b: {  	[sflag:s17] =	ssyncset.done $0x0  }
0x2c: {  	[sflag:s17] =	ssyncadd.s32 $0xFFFFF800  }
0x2d: {  	_ =	swait.ge [sflag:s26], $0x800  }
0x2e: {  	[sflag:s26] =	ssyncset.done $0x0  }
0x2f: {  	[sflag:s26] =	ssyncadd.s32 $0xFFFFF800  }
0x30: {  	[spmem:s1] =	stream.indirect.scatter.add.f32 [tilespmem:s25], [sflag:$0x2], $0x10, s28, s19, $0xb8;
	[tilespmem:$0x7C00] =	vst v63  }
0x31: {  	_ =	swait.ge [sflag:s17], $0x800  }
0x32: {  	[sflag:s17] =	ssyncset.done $0x0  }
0x33: {  	[sflag:s17] =	ssyncadd.s32 $0xFFFFF800  }
0x34: {  	s28 =	simm.s32 @p0 $0x1FC2;
	[bflag:$0x0] =	sbarrier.arrive $0xFFFF  }
0x35: {  	[hbm:s12], [sflag:s28] =	dma.local @p0 [spmem:s14], $0x320  }
0x36: {  	s28 =	simm.s32 @p0 $0x2  }
0x37: {  	s2 =	sadd.s32 $0x1, s2;
	_ =	swait.ge @p0 [sflag:s28], $0x320  }
0x38: {  	p2 =	sne.s32 s2, s13;
	[sflag:s28] =	ssyncset.done @p0 $0x0  }
.Ltmp1:
0x39: {  	[sflag:s28] =	ssyncadd.s32 @p0 $0xFFFFFCE0;
	s28 =	simm.s32 @!p0 $0x2;
	(pc) =	sbr.rel @!p2 .LBB2_9-.Ltmp1, $4  }
0x3a: {  	[hbm:s11], [sflag:s15] =	dma.local @!p0 [spmem:s16], $0x500  }
0x3b: {  	_ =	swait.ge @!p0 [sflag:s28], $0x500  }
0x3c: {  	[sflag:s28] =	ssyncset.done @!p0 $0x0  }
0x3d: {  	[sflag:s28] =	ssyncadd.s32 @!p0 $0xFFFFFB00  }
.LBB2_1:
0x3e: {  	s28 =	simm.s32 @p0 $0x1FC2  }
0x3f: {  	[spmem:s14], [sflag:s28] =	dma.local @p0 [hbm:s6], $0x320  }
0x40: {  	s28 =	simm.s32 @p0 $0x2  }
0x41: {  	_ =	swait.ge @p0 [sflag:s28], $0x320  }
0x42: {  	[sflag:s28] =	ssyncset.done @p0 $0x0  }
.Ltmp2:
0x43: {  	[sflag:s28] =	ssyncadd.s32 @p0 $0xFFFFFCE0;
	s28 =	simm.s32 @!p0 $0x2;
	(pc) =	sbr.rel @!p1 .LBB2_2-.Ltmp2, $4  }
0x44: {  	[spmem:s16], [sflag:s15] =	dma.local @!p0 [hbm:s5], $0x500  }
0x45: {  	_ =	swait.ge @!p0 [sflag:s28], $0x500  }
0x46: {  	[sflag:s28] =	ssyncset.done @!p0 $0x0  }
0x47: {  	[sflag:s28] =	ssyncadd.s32 @!p0 $0xFFFFFB00;
	s28 =	simm.s32 $0x0  }
0x48: {  	[tilespmem:s28], [sflag:$0x2] =	stream.linear.gather [hbm4b:s9+s28], $0x1A00, $0x38;
	[tilespmem:$0x7C00] =	vst v63  }
0x49: {  	_ =	swait.ge [sflag:s17], $0x1A00  }
0x4a: {  	[sflag:s17] =	ssyncset.done $0x0  }
0x4b: {  	[sflag:s17] =	ssyncadd.s32 $0xFFFFE600  }
0x4c: {  	[tilespmem:s18], [sflag:$0x2] =	stream.linear.gather [hbm4b:s10+s28], $0x1A00, $0x38;
	[tilespmem:$0x7C00] =	vst v63  }
0x4d: {  	_ =	swait.ge [sflag:s17], $0x1A00  }
0x4e: {  	[sflag:s17] =	ssyncset.done $0x0  }
0x4f: {  	[sflag:s17] =	ssyncadd.s32 $0xFFFFE600  }
0x50: {  	[bflag:$0x0] =	sbarrier.arrive $0xFFFF  }
0x51: {  	[tilespmem:s20], [sflag:$0x1] =	stream.indirect.gather [hbm4b:s4+s19], $0x10, s28, s19, $0xb8;
	[tilespmem:$0x7C00] =	vst v63  }
0x52: {  	_ = 	snop  }
0x53: {  	[tilespmem:s21], [sflag:$0x1] =	stream.indirect.gather [hbm4b:s4+s19], $0x10, s19, s19, $0xb8;
	[tilespmem:$0x7C00] =	vst v63  }
0x54: {  	_ = 	snop  }
0x55: {  	[tilespmem:s23], [sflag:$0x1] =	stream.indirect.gather [hbm4b:s4+s19], $0x10, s22, s19, $0xb8;
	[tilespmem:$0x7C00] =	vst v63  }
0x56: {  	_ = 	snop  }
0x57: {  	[tilespmem:s25], [sflag:$0x1] =	stream.indirect.gather [hbm4b:s4+s19], $0x10, s24, s19, $0xb8;
	[tilespmem:$0x7C00] =	vst v63  }
0x58: {  	_ =	swait.ge [sflag:s26], $0x800  }
0x59: {  	[sflag:s26] =	ssyncset.done $0x0  }
0x5a: {  	s28 =	simm.s32 $0x1A00;
	[sflag:s26] =	ssyncadd.s32 $0xFFFFF800  }
0x5b: {  	[spmem:s1] =	stream.indirect.scatter.add.f32 [tilespmem:s20], [sflag:$0x2], $0x10, s28, s19, $0xb8;
	[tilespmem:$0x7C00] =	vst v63  }
0x5c: {  	_ =	swait.ge [sflag:s17], $0x800  }
0x5d: {  	[sflag:s17] =	ssyncset.done $0x0  }
0x5e: {  	s28 =	simm.s32 $0x200;
	[sflag:s17] =	ssyncadd.s32 $0xFFFFF800  }
0x5f: {  	[tilespmem:s20], [sflag:$0x1] =	stream.indirect.gather [hbm4b:s4+s19], $0x10, s28, s19, $0xb8;
	[tilespmem:$0x7C00] =	vst v63  }
0x60: {  	_ =	swait.ge [sflag:s26], $0x800  }
0x61: {  	[sflag:s26] =	ssyncset.done $0x0  }
0x62: {  	s28 =	simm.s32 $0x1A80;
	[sflag:s26] =	ssyncadd.s32 $0xFFFFF800  }
0x63: {  	[spmem:s1] =	stream.indirect.scatter.add.f32 [tilespmem:s21], [sflag:$0x2], $0x10, s28, s19, $0xb8;
	[tilespmem:$0x7C00] =	vst v63  }
0x64: {  	_ =	swait.ge [sflag:s17], $0x800  }
0x65: {  	[sflag:s17] =	ssyncset.done $0x0  }
0x66: {  	s28 =	simm.s32 $0x280;
	[sflag:s17] =	ssyncadd.s32 $0xFFFFF800  }
0x67: {  	[tilespmem:s21], [sflag:$0x1] =	stream.indirect.gather [hbm4b:s4+s19], $0x10, s28, s19, $0xb8;
	[tilespmem:$0x7C00] =	vst v63  }
0x68: {  	_ =	swait.ge [sflag:s26], $0x800  }
0x69: {  	[sflag:s26] =	ssyncset.done $0x0  }
0x6a: {  	s28 =	simm.s32 $0x1B00;
	[sflag:s26] =	ssyncadd.s32 $0xFFFFF800  }
0x6b: {  	[spmem:s1] =	stream.indirect.scatter.add.f32 [tilespmem:s23], [sflag:$0x2], $0x10, s28, s19, $0xb8;
	[tilespmem:$0x7C00] =	vst v63  }
0x6c: {  	_ =	swait.ge [sflag:s17], $0x800  }
0x6d: {  	[sflag:s17] =	ssyncset.done $0x0  }
0x6e: {  	s28 =	simm.s32 $0x300;
	[sflag:s17] =	ssyncadd.s32 $0xFFFFF800  }
0x6f: {  	[tilespmem:s23], [sflag:$0x1] =	stream.indirect.gather [hbm4b:s4+s19], $0x10, s28, s19, $0xb8;
	[tilespmem:$0x7C00] =	vst v63  }
0x70: {  	_ =	swait.ge [sflag:s26], $0x800  }
0x71: {  	p2 =	por $0x0, $0x0;
	[sflag:s26] =	ssyncset.done $0x0  }
.Ltmp3:
0x72: {  	s28 =	simm.s32 $0x1B80;
	[sflag:s26] =	ssyncadd.s32 $0xFFFFF800;
	(pc) =	sbr.rel @p2 .LBB2_7-.Ltmp3, $4  }
0x73: {  	[spmem:s1] =	stream.indirect.scatter.add.f32 [tilespmem:s25], [sflag:$0x2], $0x10, s28, s19, $0xb8;
	[tilespmem:$0x7C00] =	vst v63  }
0x74: {  	_ =	swait.ge [sflag:s17], $0x800  }
0x75: {  	[sflag:s17] =	ssyncset.done $0x0  }
0x76: {  	s29 =	simm.s32 $0x380;
	s28 =	simm.s32 $0x800;
	[sflag:s17] =	ssyncadd.s32 $0xFFFFF800  }
.LBB2_6:
0x77: {  	[tilespmem:s25], [sflag:$0x1] =	stream.indirect.gather [hbm4b:s4+s19], $0x10, s29, s19, $0xb8;
	[tilespmem:$0x7C00] =	vst v63  }
0x78: {  	s29 =	smov.u32 s28  }
0x79: {  	p2 =	seq.s32 s28, $0x5800;
	s28 =	sadd.s32 $0x800, s28;
	_ =	swait.ge [sflag:s26], $0x800  }
0x7a: {  	s29 =	sshra.s32 s29, $0x2;
	[sflag:s26] =	ssyncset.done $0x0  }
0x7b: {  	s30 =	sadd.s32 $0x1A00, s29;
	[sflag:s26] =	ssyncadd.s32 $0xFFFFF800  }
0x7c: {  	[spmem:s1] =	stream.indirect.scatter.add.f32 [tilespmem:s20], [sflag:$0x2], $0x10, s30, s19, $0xb8;
	[tilespmem:$0x7C00] =	vst v63  }
0x7d: {  	_ =	swait.ge [sflag:s17], $0x800  }
0x7e: {  	[sflag:s17] =	ssyncset.done $0x0  }
0x7f: {  	s30 =	sadd.s32 $0x200, s29;
	[sflag:s17] =	ssyncadd.s32 $0xFFFFF800  }
0x80: {  	[tilespmem:s20], [sflag:$0x1] =	stream.indirect.gather [hbm4b:s4+s19], $0x10, s30, s19, $0xb8;
	[tilespmem:$0x7C00] =	vst v63  }
0x81: {  	_ =	swait.ge [sflag:s26], $0x800  }
0x82: {  	[sflag:s26] =	ssyncset.done $0x0  }
0x83: {  	s30 =	sadd.s32 $0x1A80, s29;
	[sflag:s26] =	ssyncadd.s32 $0xFFFFF800  }
0x84: {  	[spmem:s1] =	stream.indirect.scatter.add.f32 [tilespmem:s21], [sflag:$0x2], $0x10, s30, s19, $0xb8;
	[tilespmem:$0x7C00] =	vst v63  }
0x85: {  	_ =	swait.ge [sflag:s17], $0x800  }
0x86: {  	[sflag:s17] =	ssyncset.done $0x0  }
0x87: {  	s30 =	sadd.s32 $0x280, s29;
	[sflag:s17] =	ssyncadd.s32 $0xFFFFF800  }
0x88: {  	[tilespmem:s21], [sflag:$0x1] =	stream.indirect.gather [hbm4b:s4+s19], $0x10, s30, s19, $0xb8;
	[tilespmem:$0x7C00] =	vst v63  }
0x89: {  	_ =	swait.ge [sflag:s26], $0x800  }
0x8a: {  	[sflag:s26] =	ssyncset.done $0x0  }
0x8b: {  	s30 =	sadd.s32 $0x1B00, s29;
	[sflag:s26] =	ssyncadd.s32 $0xFFFFF800  }
0x8c: {  	[spmem:s1] =	stream.indirect.scatter.add.f32 [tilespmem:s23], [sflag:$0x2], $0x10, s30, s19, $0xb8;
	[tilespmem:$0x7C00] =	vst v63  }
0x8d: {  	_ =	swait.ge [sflag:s17], $0x800  }
0x8e: {  	[sflag:s17] =	ssyncset.done $0x0  }
0x8f: {  	s30 =	sadd.s32 $0x300, s29;
	[sflag:s17] =	ssyncadd.s32 $0xFFFFF800  }
0x90: {  	[tilespmem:s23], [sflag:$0x1] =	stream.indirect.gather [hbm4b:s4+s19], $0x10, s30, s19, $0xb8;
	[tilespmem:$0x7C00] =	vst v63  }
0x91: {  	_ =	swait.ge [sflag:s26], $0x800  }
0x92: {  	[sflag:s26] =	ssyncset.done $0x0  }
.Ltmp4:
0x93: {  	s30 =	sadd.s32 $0x1B80, s29;
	[sflag:s26] =	ssyncadd.s32 $0xFFFFF800;
	(pc) =	sbr.rel @!p2 .LBB2_6-.Ltmp4, $4  }
0x94: {  	[spmem:s1] =	stream.indirect.scatter.add.f32 [tilespmem:s25], [sflag:$0x2], $0x10, s30, s19, $0xb8;
	[tilespmem:$0x7C00] =	vst v63  }
0x95: {  	_ =	swait.ge [sflag:s17], $0x800  }
0x96: {  	[sflag:s17] =	ssyncset.done $0x0  }
0x97: {  	s29 =	sadd.s32 $0x380, s29;
	[sflag:s17] =	ssyncadd.s32 $0xFFFFF800  }
.Ltmp5:
0x98: {  	_ = 	snop;
	(pc) =	sbr.rel .LBB2_7-.Ltmp5, $1  }
0x99: {  	_ =	sdelay $0x3  }
.LBB2_2:
0x9a: {  	[tilespmem:s28], [sflag:$0x2] =	stream.linear.gather [hbm4b:s7+s28], $0xE00, $0x38;
	[tilespmem:$0x7C00] =	vst v63  }
0x9b: {  	_ =	swait.ge [sflag:s17], $0xE00  }
0x9c: {  	[sflag:s17] =	ssyncset.done $0x0  }
0x9d: {  	[sflag:s17] =	ssyncadd.s32 $0xFFFFF200  }
0x9e: {  	[tilespmem:s18], [sflag:$0x2] =	stream.linear.gather [hbm4b:s8+s28], $0xE00, $0x38;
	[tilespmem:$0x7C00] =	vst v63  }
0x9f: {  	_ =	swait.ge [sflag:s17], $0xE00  }
0xa0: {  	[sflag:s17] =	ssyncset.done $0x0  }
0xa1: {  	[sflag:s17] =	ssyncadd.s32 $0xFFFFF200  }
0xa2: {  	[bflag:$0x0] =	sbarrier.arrive $0xFFFF  }
0xa3: {  	[tilespmem:s20], [sflag:$0x1] =	stream.indirect.gather [hbm4b:s4+s19], $0x10, s28, s19, $0xb8;
	[tilespmem:$0x7C00] =	vst v63  }
0xa4: {  	_ = 	snop  }
0xa5: {  	[tilespmem:s21], [sflag:$0x1] =	stream.indirect.gather [hbm4b:s4+s19], $0x10, s19, s19, $0xb8;
	[tilespmem:$0x7C00] =	vst v63  }
0xa6: {  	_ = 	snop  }
0xa7: {  	[tilespmem:s23], [sflag:$0x1] =	stream.indirect.gather [hbm4b:s4+s19], $0x10, s22, s19, $0xb8;
	[tilespmem:$0x7C00] =	vst v63  }
0xa8: {  	_ = 	snop  }
0xa9: {  	[tilespmem:s25], [sflag:$0x1] =	stream.indirect.gather [hbm4b:s4+s19], $0x10, s24, s19, $0xb8;
	[tilespmem:$0x7C00] =	vst v63  }
0xaa: {  	_ =	swait.ge [sflag:s26], $0x800  }
0xab: {  	[sflag:s26] =	ssyncset.done $0x0  }
0xac: {  	s28 =	simm.s32 $0x1A00;
	[sflag:s26] =	ssyncadd.s32 $0xFFFFF800  }
0xad: {  	[spmem:s1] =	stream.indirect.scatter.add.f32 [tilespmem:s20], [sflag:$0x2], $0x10, s28, s19, $0xb8;
	[tilespmem:$0x7C00] =	vst v63  }
0xae: {  	_ =	swait.ge [sflag:s17], $0x800  }
0xaf: {  	[sflag:s17] =	ssyncset.done $0x0  }
0xb0: {  	s28 =	simm.s32 $0x200;
	[sflag:s17] =	ssyncadd.s32 $0xFFFFF800  }
0xb1: {  	[tilespmem:s20], [sflag:$0x1] =	stream.indirect.gather [hbm4b:s4+s19], $0x10, s28, s19, $0xb8;
	[tilespmem:$0x7C00] =	vst v63  }
0xb2: {  	_ =	swait.ge [sflag:s26], $0x800  }
0xb3: {  	[sflag:s26] =	ssyncset.done $0x0  }
0xb4: {  	s28 =	simm.s32 $0x1A80;
	[sflag:s26] =	ssyncadd.s32 $0xFFFFF800  }
0xb5: {  	[spmem:s1] =	stream.indirect.scatter.add.f32 [tilespmem:s21], [sflag:$0x2], $0x10, s28, s19, $0xb8;
	[tilespmem:$0x7C00] =	vst v63  }
0xb6: {  	_ =	swait.ge [sflag:s17], $0x800  }
0xb7: {  	[sflag:s17] =	ssyncset.done $0x0  }
0xb8: {  	s28 =	simm.s32 $0x280;
	[sflag:s17] =	ssyncadd.s32 $0xFFFFF800  }
0xb9: {  	[tilespmem:s21], [sflag:$0x1] =	stream.indirect.gather [hbm4b:s4+s19], $0x10, s28, s19, $0xb8;
	[tilespmem:$0x7C00] =	vst v63  }
0xba: {  	_ =	swait.ge [sflag:s26], $0x800  }
0xbb: {  	[sflag:s26] =	ssyncset.done $0x0  }
0xbc: {  	s28 =	simm.s32 $0x1B00;
	[sflag:s26] =	ssyncadd.s32 $0xFFFFF800  }
0xbd: {  	[spmem:s1] =	stream.indirect.scatter.add.f32 [tilespmem:s23], [sflag:$0x2], $0x10, s28, s19, $0xb8;
	[tilespmem:$0x7C00] =	vst v63  }
0xbe: {  	_ =	swait.ge [sflag:s17], $0x800  }
0xbf: {  	[sflag:s17] =	ssyncset.done $0x0  }
0xc0: {  	s28 =	simm.s32 $0x300;
	[sflag:s17] =	ssyncadd.s32 $0xFFFFF800  }
0xc1: {  	[tilespmem:s23], [sflag:$0x1] =	stream.indirect.gather [hbm4b:s4+s19], $0x10, s28, s19, $0xb8;
	[tilespmem:$0x7C00] =	vst v63  }
0xc2: {  	_ =	swait.ge [sflag:s26], $0x800  }
0xc3: {  	[sflag:s26] =	ssyncset.done $0x0  }
0xc4: {  	s28 =	simm.s32 $0x1B80;
	[sflag:s26] =	ssyncadd.s32 $0xFFFFF800  }
0xc5: {  	[spmem:s1] =	stream.indirect.scatter.add.f32 [tilespmem:s25], [sflag:$0x2], $0x10, s28, s19, $0xb8;
	[tilespmem:$0x7C00] =	vst v63  }
0xc6: {  	_ =	swait.ge [sflag:s17], $0x800  }
0xc7: {  	[sflag:s17] =	ssyncset.done $0x0  }
0xc8: {  	s29 =	simm.s32 $0x380;
	s28 =	simm.s32 $0x800;
	[sflag:s17] =	ssyncadd.s32 $0xFFFFF800  }
.LBB2_3:
0xc9: {  	[tilespmem:s25], [sflag:$0x1] =	stream.indirect.gather [hbm4b:s4+s19], $0x10, s29, s19, $0xb8;
	[tilespmem:$0x7C00] =	vst v63  }
0xca: {  	s29 =	smov.u32 s28  }
0xcb: {  	p2 =	sne.s32 s28, $0x2800;
	s28 =	sadd.s32 $0x800, s28;
	_ =	swait.ge [sflag:s26], $0x800  }
0xcc: {  	s29 =	sshra.s32 s29, $0x2;
	[sflag:s26] =	ssyncset.done $0x0  }
0xcd: {  	s30 =	sadd.s32 $0x1A00, s29;
	[sflag:s26] =	ssyncadd.s32 $0xFFFFF800  }
0xce: {  	[spmem:s1] =	stream.indirect.scatter.add.f32 [tilespmem:s20], [sflag:$0x2], $0x10, s30, s19, $0xb8;
	[tilespmem:$0x7C00] =	vst v63  }
0xcf: {  	_ =	swait.ge [sflag:s17], $0x800  }
0xd0: {  	[sflag:s17] =	ssyncset.done $0x0  }
0xd1: {  	s30 =	sadd.s32 $0x200, s29;
	[sflag:s17] =	ssyncadd.s32 $0xFFFFF800  }
0xd2: {  	[tilespmem:s20], [sflag:$0x1] =	stream.indirect.gather [hbm4b:s4+s19], $0x10, s30, s19, $0xb8;
	[tilespmem:$0x7C00] =	vst v63  }
0xd3: {  	_ =	swait.ge [sflag:s26], $0x800  }
0xd4: {  	[sflag:s26] =	ssyncset.done $0x0  }
0xd5: {  	s30 =	sadd.s32 $0x1A80, s29;
	[sflag:s26] =	ssyncadd.s32 $0xFFFFF800  }
0xd6: {  	[spmem:s1] =	stream.indirect.scatter.add.f32 [tilespmem:s21], [sflag:$0x2], $0x10, s30, s19, $0xb8;
	[tilespmem:$0x7C00] =	vst v63  }
0xd7: {  	_ =	swait.ge [sflag:s17], $0x800  }
0xd8: {  	[sflag:s17] =	ssyncset.done $0x0  }
0xd9: {  	s30 =	sadd.s32 $0x280, s29;
	[sflag:s17] =	ssyncadd.s32 $0xFFFFF800  }
0xda: {  	[tilespmem:s21], [sflag:$0x1] =	stream.indirect.gather [hbm4b:s4+s19], $0x10, s30, s19, $0xb8;
	[tilespmem:$0x7C00] =	vst v63  }
0xdb: {  	_ =	swait.ge [sflag:s26], $0x800  }
0xdc: {  	[sflag:s26] =	ssyncset.done $0x0  }
0xdd: {  	s30 =	sadd.s32 $0x1B00, s29;
	[sflag:s26] =	ssyncadd.s32 $0xFFFFF800  }
0xde: {  	[spmem:s1] =	stream.indirect.scatter.add.f32 [tilespmem:s23], [sflag:$0x2], $0x10, s30, s19, $0xb8;
	[tilespmem:$0x7C00] =	vst v63  }
0xdf: {  	_ =	swait.ge [sflag:s17], $0x800  }
0xe0: {  	[sflag:s17] =	ssyncset.done $0x0  }
0xe1: {  	s30 =	sadd.s32 $0x300, s29;
	[sflag:s17] =	ssyncadd.s32 $0xFFFFF800  }
0xe2: {  	[tilespmem:s23], [sflag:$0x1] =	stream.indirect.gather [hbm4b:s4+s19], $0x10, s30, s19, $0xb8;
	[tilespmem:$0x7C00] =	vst v63  }
0xe3: {  	_ =	swait.ge [sflag:s26], $0x800  }
0xe4: {  	[sflag:s26] =	ssyncset.done $0x0  }
.Ltmp6:
0xe5: {  	s30 =	sadd.s32 $0x1B80, s29;
	[sflag:s26] =	ssyncadd.s32 $0xFFFFF800;
	(pc) =	sbr.rel @p2 .LBB2_3-.Ltmp6, $4  }
0xe6: {  	[spmem:s1] =	stream.indirect.scatter.add.f32 [tilespmem:s25], [sflag:$0x2], $0x10, s30, s19, $0xb8;
	[tilespmem:$0x7C00] =	vst v63  }
0xe7: {  	_ =	swait.ge [sflag:s17], $0x800  }
0xe8: {  	[sflag:s17] =	ssyncset.done $0x0  }
0xe9: {  	s29 =	sadd.s32 $0x380, s29;
	[sflag:s17] =	ssyncadd.s32 $0xFFFFF800  }
.Ltmp7:
0xea: {  	(pc) =	sbr.rel .LBB2_8-.Ltmp7, $4  }
0xeb: {  	_ = 	snop  }
0xec: {  	[tilespmem:s25], [sflag:$0x1] =	stream.indirect.gather [hbm4b:s4+s19], $0x10, s29, s19, $0xb8;
	[tilespmem:$0x7C00] =	vst v63  }
0xed: {  	s28 =	simm.s32 $0x2780  }
0xee: {  	s29 =	simm.s32 $0x2700;
	s30 =	simm.s32 $0x2680;
	s31 =	simm.s32 $0x2600  }
.LBB2_9:
0xef: {  	_ =	sfence.sel $0x180000  }
0xf0: {  	[bflag:$0x0] =	sbarrier.arrive $0xFFFF  }
0xf1: {  	p0 =	sne.s32 s3, $0x0;
	_ =	strace $0x9000004A  }
0xf2: {  	s0 =	sadd.s32 @!p0 $0x100000, s0;
	[bflag:$0x2] =	sbarrier.arrive $0xFFFF  }
0xf3: {  	[sflag:s0] =	ssyncadd.tile.s32 @!p0 $0x1;
	_ =	shalt  }
.Lfunc_end2:
_tile_overlayer_lowered:
.L_overlay_start_2:
0xf4: {  	(tag) =	ssettag $0x2  }
0xf5: {  	s0 =	rddreg [dreg:$0x0];
	s2 =	stileid.u32  }
0xf6: {  	s1 =	rddreg [dreg:$0x1];
	p0 =	sne.s32 s2, $0x0  }
0xf7: {  	s3 =	rddreg [dreg:$0x2];
	[bflag:$0x3] =	sbarrier.arrive $0xFFFF;
	s2 =	simm.s32 @!p0 $0x1C02  }
0xf8: {  	[timem:s3], [sflag:s2] =	dma.local @!p0 [hbm:s0], s1  }
0xf9: {  	s0 =	simm.s32 @!p0 $0x2  }
0xfa: {  	_ =	swait.ge @!p0 [sflag:s0], s1  }
0xfb: {  	s1 =	ssub.s32 @!p0 $0x0, s1;
	[sflag:s0] =	ssyncset.done @!p0 $0x0  }
0xfc: {  	[sflag:s0] =	ssyncadd.s32 @!p0 s1  }
0xfd: {  	[bflag:$0x3] =	sbarrier.arrive $0xFFFF  }
0xfe: {  	_ =	shalt  }

// kernel: kernel.15.cloned.1.call-start
scs
__scs_entry_jumppad:
0x0: {  	(pc) =	sbr.rel $0x88, $3  }
0x1: {  	(tag) =	ssettag $0x0;
	lr =	simm.s32 $0x1  }
0x2: {  	[smem:$0x3F9B] =	sst lr;
	_ =	strace $0xD0000000  }
0x3: {  	_ = 	snop  }
0x4: {  	_ = 	snop  }
0x5: {  	_ = 	snop  }
0x6: {  	_ = 	snop  }
0x7: {  	_ = 	snop  }
__scs_overlays_trampoline_lowered:
0x8: {  	[smem:$0x3FAA] =	sst s0  }
0x9: {  	[smem:$0x3FAB] =	sst s1  }
0xa: {  	[smem:$0x3FAC] =	sst s2  }
0xb: {  	[smem:$0x3FAD] =	sst s3  }
0xc: {  	[smem:$0x3FAE] =	sst s4  }
0xd: {  	[smem:$0x3FAF] =	sst s5  }
0xe: {  	[smem:$0x3FB0] =	sst s6  }
0xf: {  	[smem:$0x3FB1] =	sst s7  }
0x10: {  	[smem:$0x3FB2] =	sst s8  }
0x11: {  	[smem:$0x3FB3] =	sst s9;
	s0 =	simm.s32 @!p0 $0x0  }
0x12: {  	s1 =	sld [smem:$0x3F99];
	s0 =	simm.s32 @p0 $0x1  }
0x13: {  	[smem:$0x3FB4] =	sst s0;
	s0 =	simm.s32 @!p1 $0x0  }
0x14: {  	s2 =	sld [smem:$0x3F98];
	s0 =	simm.s32 @p1 $0x1  }
0x15: {  	[smem:$0x3FB5] =	sst s0;
	s0 =	simm.s32 @!p2 $0x0  }
0x16: {  	s3 =	sld [smem:$0x3FDB];
	s0 =	simm.s32 @p2 $0x1  }
0x17: {  	s4 =	simm.s32 $0x1BF5;
	[smem:$0x3FB7] =	sst s0  }
0x18: {  	s0 =	sld [smem:$0x3F9A];
	_ =	swait.ge [sflag:s4], $0x0  }
0x19: {  	s7 =	sld [smem:$0x3F9B]  }
0x1a: {  	s8 =	sadd.s32 $0xFFFFE003, lr  }
0x1b: {  	s9 =	sadd.s32 $0xFFFFFEF7, lr;
	s5 =	simm.s32 $0xFFFFFFFF;
	p2 =	slt.u32 s8, $0xFFFFF086  }
0x1c: {  	p1 =	slt.u32 s9, $0xF7A;
	s5 =	simm.s32 @!p2 $0x0  }
0x1d: {  	s5 =	simm.s32 @p1 $0x1;
	p0 =	seq.s32 s7, s2  }
0x1e: {  	s7 =	smul.u32 @!p0 $0xF7A, s2;
	p2 =	seq.s32 @!p0 s5, $0x0  }
0x1f: {  	s9 =	smul.u32 $0xF7A, s1;
	s8 =	simm.s32 @!p0 $0x1BF5;
	p2 =	por !p2, p0  }
0x20: {  	[sflag:s8] =	ssyncset.s32 @!p0 $0xFFFFF086;
	s6 =	sadd.s32 @!p0 s3, s7;
	s7 =	simm.s32 @!p0 $0x108  }
0x21: {  	s3 =	sadd.s32 s3, s9;
	s6 =	sadd.s32 @!p0 $0x88, s6;
	s7 =	simm.s32 @p2 $0x1082  }
0x22: {  	[simem:s7], [sflag:s8] =	dma.local @!p0 [hbm:s6], $0xF7A  }
0x23: {  	s9 =	sor.u32 $0xD0000000, s2;
	s6 =	simm.s32 $0x108;
	_ =	swait.ge @!p0 [sflag:s8], $0x0  }
0x24: {  	s3 =	sadd.s32 $0x88, s3;
	s6 =	simm.s32 @!p1 $0x1082;
	[sflag:s4] =	ssyncset.s32 $0xFFFFF086  }
0x25: {  	[simem:s6], [sflag:s4] =	dma.local [hbm:s3], $0xF7A  }
0x26: {  	[smem:$0x3F9B] =	sst s1;
	(tag) =	ssettag s2;
	_ =	strace s9  }
0x27: {  	s1 =	sld [smem:$0x3FAB]  }
0x28: {  	s2 =	sld [smem:$0x3FAC]  }
0x29: {  	s4 =	sld [smem:$0x3FAE]  }
0x2a: {  	p0 =	seq.s32 s5, $0x0;
	s5 =	sld [smem:$0x3FAF]  }
0x2b: {  	s6 =	sld [smem:$0x3FB0]  }
0x2c: {  	s7 =	sld [smem:$0x3FB1]  }
0x2d: {  	s3 =	simm.s32 $0x108;
	s8 =	sld [smem:$0x3FB2]  }
0x2e: {  	s3 =	simm.s32 @!p0 $0x1082;
	s9 =	sld [smem:$0x3FB3]  }
0x2f: {  	lr =	sadd.s32 s0, s3;
	s0 =	sld [smem:$0x3FAA]  }
0x30: {  	s3 =	sld [smem:$0x3FAD]  }
0x31: {  	[smem:$0x3FB6] =	sst s10  }
0x32: {  	s10 =	sld [smem:$0x3FB4];
	_ =	sdelay $0x3  }
0x33: {  	p0 =	seq.s32 s10, $0x1;
	s10 =	sld [smem:$0x3FB6];
	_ =	sdelay $0x3  }
0x34: {  	[smem:$0x3FB6] =	sst s10  }
0x35: {  	s10 =	sld [smem:$0x3FB5];
	_ =	sdelay $0x3  }
0x36: {  	p1 =	seq.s32 s10, $0x1;
	s10 =	sld [smem:$0x3FB6];
	_ =	sdelay $0x3  }
0x37: {  	[smem:$0x3FB6] =	sst s10  }
0x38: {  	s10 =	sld [smem:$0x3FB7]  }
0x39: {  	_ = 	snop;
	(pc) =	sbr.ind lr, $3  }
0x3a: {  	_ = 	snop  }
0x3b: {  	_ = 	snop  }
0x3c: {  	p2 =	seq.s32 s10, $0x1;
	s10 =	sld [smem:$0x3FB6]  }
0x3d: {  	_ =	shalt  }
0x3e: {  	_ =	shalt  }
0x3f: {  	_ =	shalt  }
0x40: {  	_ =	shalt  }
0x41: {  	_ =	shalt  }
0x42: {  	_ =	shalt  }
0x43: {  	_ =	shalt  }
0x44: {  	_ =	shalt  }
0x45: {  	_ =	shalt  }
0x46: {  	_ =	shalt  }
0x47: {  	_ =	shalt  }
0x48: {  	_ =	shalt  }
0x49: {  	_ =	shalt  }
0x4a: {  	_ =	shalt  }
0x4b: {  	_ =	shalt  }
0x4c: {  	_ =	shalt  }
0x4d: {  	_ =	shalt  }
0x4e: {  	_ =	shalt  }
0x4f: {  	_ =	shalt  }
0x50: {  	_ =	shalt  }
0x51: {  	_ =	shalt  }
0x52: {  	_ =	shalt  }
0x53: {  	_ =	shalt  }
0x54: {  	_ =	shalt  }
0x55: {  	_ =	shalt  }
0x56: {  	_ =	shalt  }
0x57: {  	_ =	shalt  }
0x58: {  	_ =	shalt  }
0x59: {  	_ =	shalt  }
0x5a: {  	_ =	shalt  }
0x5b: {  	_ =	shalt  }
0x5c: {  	_ =	shalt  }
0x5d: {  	_ =	shalt  }
0x5e: {  	_ =	shalt  }
0x5f: {  	_ =	shalt  }
0x60: {  	_ =	shalt  }
0x61: {  	_ =	shalt  }
0x62: {  	_ =	shalt  }
0x63: {  	_ =	shalt  }
0x64: {  	_ =	shalt  }
0x65: {  	_ =	shalt  }
0x66: {  	_ =	shalt  }
0x67: {  	_ =	shalt  }
0x68: {  	_ =	shalt  }
0x69: {  	_ =	shalt  }
0x6a: {  	_ =	shalt  }
0x6b: {  	_ =	shalt  }
0x6c: {  	_ =	shalt  }
0x6d: {  	_ =	shalt  }
0x6e: {  	_ =	shalt  }
0x6f: {  	_ =	shalt  }
0x70: {  	_ =	shalt  }
0x71: {  	_ =	shalt  }
0x72: {  	_ =	shalt  }
0x73: {  	_ =	shalt  }
0x74: {  	_ =	shalt  }
0x75: {  	_ =	shalt  }
0x76: {  	_ =	shalt  }
0x77: {  	_ =	shalt  }
0x78: {  	_ =	shalt  }
0x79: {  	_ =	shalt  }
0x7a: {  	_ =	shalt  }
0x7b: {  	_ =	shalt  }
0x7c: {  	_ =	shalt  }
0x7d: {  	_ =	shalt  }
0x7e: {  	_ =	shalt  }
0x7f: {  	_ =	shalt  }
0x80: {  	_ =	shalt  }
0x81: {  	_ =	shalt  }
0x82: {  	_ =	shalt  }
0x83: {  	_ =	shalt  }
0x84: {  	_ =	shalt  }
0x85: {  	_ =	shalt  }
0x86: {  	_ =	shalt  }
0x87: {  	_ =	shalt  }
.Lfunc_end0:
.L_simem_size_0:
called_computation.2_lowered:
.L_overlay_start_0:
0x88: {  	s2 =	sld [smem:$0x3FD9]  }
0x89: {  	s3 =	sld [smem:$0x3FFE];
	_ =	sdelay $0x1  }
0x8a: {  	s1 =	srdreg.scid  }
0x8b: {  	s0 =	sand.u32 $0x1, s1  }
0x8c: {  	s16 =	sshll.u32 s0, $0xA;
	s2 =	sadd.s32 s3, s2  }
0x8d: {  	s2 =	sadd.s32 s2, s16  }
0x8e: {  	[smem:$0x3FC2] =	sst s2  }
0x8f: {  	_ = 	snop  }
0x90: {  	(tm) =	ssettm $0x1  }
0x91: {  	s17 =	sld [smem:$0x3FFB];
	_ =	sdelay $0x3  }
0x92: {  	_ =	strace s17  }
0x93: {  	s2 =	sld [smem:$0x3FFC];
	_ =	sdelay $0x3  }
0x94: {  	_ =	strace s2  }
0x95: {  	s2 =	sld [smem:$0x3FFD];
	_ =	sdelay $0x3  }
0x96: {  	_ =	strace s2  }
0x97: {  	_ =	strace $0x8FFFFFFF  }
0x98: {  	s18 =	sld [smem:$0x3FDB];
	_ =	sdelay $0x1  }
0x99: {  	s19 =	simm.s32 $_scs_section_size  }
0x9a: {  	s4 =	simm.s32 $_size__tile_overlayer_lowered;
	s5 =	simm.s32 $_tile_overlayer_lowered  }
0x9b: {  	s22 =	simm.s32 $0x1BFF;
	s21 =	sshll.u32 s5, $0x1;
	s2 =	sadd.s32 s19, s18  }
0x9c: {  	s6 =	simm.s32 $0x0;
	s20 =	sshll.u32 s4, $0x1;
	s4 =	sadd.s32 s21, s2  }
0x9d: {  	[timem:s6], [sflag:s22] =	dma.local [hbm:s4], s20  }
0x9e: {  	_ =	swait.ge [sflag:s22], s20  }
0x9f: {  	s3 =	ssub.s32 $0x0, s20;
	[sflag:s22] =	ssyncset.done $0x0  }
0xa0: {  	[sflag:s22] =	ssyncadd.s32 s3;
	_ =	sdelay $0x1  }
0xa1: {  	s23 =	simm.s32 $0x1B8B  }
0xa2: {  	_ =	swait.ge [sflag:s23], $0x1  }
0xa3: {  	[sflag:s23] =	ssyncset.done $0x0  }
0xa4: {  	s25 =	simm.s32 $0x1B8E;
	s24 =	sld [smem:$0x3FFE];
	[sflag:s23] =	ssyncadd.s32 $0xFFFFFFFF  }
0xa5: {  	s26 =	simm.s32 $execute0_lowered;
	[smem:$0x3FD2] =	sst s25  }
0xa6: {  	s4 =	sshll.u32 s26, $0x1;
	_ =	strace $0x8000004C;
	[dreg:$0x1] =	wrdreg $0xFFFFFFFF  }
0xa7: {  	s28 =	simm.s32 $_size_execute0_lowered;
	s2 =	sadd.s32 s2, s4;
	[dreg:$0x0] =	wrdreg $0x0  }
0xa8: {  	s4 =	sshll.u32 s28, $0x1;
	[dreg:$0x2] =	wrdreg s2  }
0xa9: {  	[dreg:$0x3] =	wrdreg s4  }
0xaa: {  	[dreg:$0x4] =	wrdreg $0xC0  }
0xab: {  	_ =	task [dreg:s6], $0x5FFFF  }
0xac: {  	[dreg:$0x1] =	wrdreg $0xFFFFFFFF  }
0xad: {  	[dreg:$0x0] =	wrdreg $0x60  }
0xae: {  	[dreg:$0x2] =	wrdreg s24  }
0xaf: {  	[dreg:$0x3] =	wrdreg $0x54000  }
0xb0: {  	[dreg:$0x4] =	wrdreg $0x9  }
0xb1: {  	_ =	task.clear_ibuf [dreg:s6], $0x5FFFF;
	_ =	strace $0x9000004C  }
0xb2: {  	s29 =	simm.s32 $0x9;
	_ =	strace $0x8000004E  }
0xb3: {  	_ =	swait.ge [sflag:s29], $0x1  }
0xb4: {  	[sflag:s29] =	ssyncadd.s32 $0xFFFFFFFF  }
0xb5: {  	_ =	strace $0x9000004E  }
0xb6: {  	_ =	sfence  }
0xb7: {  	s30 =	sld [smem:$0x0];
	_ =	sdelay $0x2  }
0xb8: {  	s31 =	sshll.u32 s1, $0xD;
	s1 =	sshrl.u32 s1, $0x2  }
0xb9: {  	s3 =	sand.u32 $0x4000, s31;
	s1 =	sadd.s32 s1, s30  }
0xba: {  	s0 =	sor.u32 s3, s0;
	s1 =	sshll.u32 s1, $0x11  }
0xbb: {  	s0 =	sor.u32 s1, s0  }
0xbc: {  	s0 =	sadd.s32 $0x8F2B, s0  }
0xbd: {  	[sflag:s0] =	ssyncadd.remote.s32 $0x1  }
0xbe: {  	_ =	sfence.sel $0xFFFF  }
0xbf: {  	[dreg:$0x0] =	wrdreg $0xFFFFFFFF;
	(pc) =	sbr.abs _section_cstart, $3  }
0xc0: {  	[dreg:$0x1] =	wrdreg $0xFFFFFFFF  }
0xc1: {  	_ =	task.clear_ibuf [dreg:s6], $0x2FFFF;
	_ =	strace $0x9FFFFFFF  }
0xc2: {  	(tm) =	ssettm $0x7FFFFFFF  }
0xc3: {  	_ =	shalt  }
tec
execute0_lowered:
.L_overlay_start_1:
0x0: {  	(tag) =	ssettag $0x1  }
0x1: {  	s6 =	rddreg [dreg:$0x0]  }
0x2: {  	s1 =	rddreg [dreg:$0x1]  }
0x3: {  	s0 =	rddreg [dreg:$0x2];
	s2 =	simm.s32 $0x0  }
0x4: {  	s5 =	srdreg.scid;
	s3 =	stileid.u32;
	s19 =	simm.s32 $0x80  }
0x5: {  	s20 =	simm.s32 $0x3400;
	s21 =	simm.s32 $0x3C00;
	s22 =	simm.s32 $0x100  }
0x6: {  	s23 =	simm.s32 $0x4400;
	s24 =	simm.s32 $0x180;
	s25 =	simm.s32 $0x4C00  }
0x7: {  	s26 =	simm.s32 $0x1;
	[smem:$0x7FF] =	sst s2;
	s4 =	sadd.s32 $0xC200, s6  }
0x8: {  	s9 =	sadd.s32 $0x7200, s6;
	s17 =	sand.u32 $0x1, s5;
	s11 =	smul.u32 $0x2800, s3  }
0x9: {  	s10 =	sadd.s32 $0x1800, s6;
	s12 =	sadd.s32 $0x11200, s6;
	s13 =	smul.u32 $0xE00, s3  }
0xa: {  	s15 =	sadd.s32 $0x25800, s1;
	s29 =	smul.u32 $0x340, s3;
	s6 =	sadd.s32 $0x10D00, s6  }
0xb: {  	p0 =	seq.s32 s3, $0xF;
	_ =	strace $0x8000004D;
	s5 =	ssub.s32 $0x2, s17  }
0xc: {  	s18 =	smul.u32 $0x27100, s17;
	p1 =	seq.s32 s17, $0x0;
	s17 =	simm.s32 $0x2  }
0xd: {  	s7 =	sshrl.u32 s5, $0x1;
	s8 =	sshrl.u32 s11, $0x3;
	s16 =	sadd.s32 s11, s1  }
0xe: {  	s28 =	sshrl.u32 s13, $0x3;
	s14 =	ssub.s32 s5, s7;
	s5 =	sadd.s32 s4, s8  }
0xf: {  	s30 =	sadd.s32 $0x3400, s28;
	s11 =	sadd.s32 s11, s18;
	s31 =	sshrl.u32 s18, $0x3  }
.Ltmp0:
0x10: {  	s18 =	sshll.u32 @!p0 s3, $0x6;
	s16 =	sshrl.u32 @!p0 s16, $0x3;
	(pc) =	sbr.rel .LBB2_1-.Ltmp0, $4  }
0x11: {  	s7 =	sadd.s32 s9, s30;
	s8 =	sadd.s32 s10, s30;
	s9 =	sadd.s32 s9, s29  }
0x12: {  	s10 =	sadd.s32 s10, s29;
	s11 =	sshrl.u32 s11, $0x3;
	s13 =	sadd.s32 s12, s31  }
0x13: {  	s11 =	sadd.s32 s12, s11;
	s12 =	sadd.s32 $0x4B00, s13;
	s13 =	smax.u32 s14, $0x1  }
0x14: {  	s14 =	sshrl.u32 @p0 s15, $0x3;
	s15 =	sor.u32 @!p0 $0x1C02, s18;
	s18 =	simm.s32 $0x1A00  }
.LBB2_7:
0x15: {  	[tilespmem:s25], [sflag:$0x1] =	stream.indirect.gather [hbm4b:s4+s19], $0x10, s29, s19, $0xb8;
	[tilespmem:$0x7C00] =	vst v63  }
0x16: {  	s28 =	simm.s32 $0x3380  }
0x17: {  	s29 =	simm.s32 $0x3300;
	s30 =	simm.s32 $0x3280;
	s31 =	simm.s32 $0x3200  }
.LBB2_8:
0x18: {  	_ =	swait.ge [sflag:s26], $0x800  }
0x19: {  	[sflag:s26] =	ssyncset.done $0x0  }
0x1a: {  	[sflag:s26] =	ssyncadd.s32 $0xFFFFF800  }
0x1b: {  	[spmem:s1] =	stream.indirect.scatter.add.f32 [tilespmem:s20], [sflag:$0x2], $0x10, s31, s19, $0xb8;
	[tilespmem:$0x7C00] =	vst v63  }
0x1c: {  	_ =	swait.ge [sflag:s17], $0x800  }
0x1d: {  	[sflag:s17] =	ssyncset.done $0x0  }
0x1e: {  	[sflag:s17] =	ssyncadd.s32 $0xFFFFF800  }
0x1f: {  	_ =	swait.ge [sflag:s26], $0x800  }
0x20: {  	[sflag:s26] =	ssyncset.done $0x0  }
0x21: {  	[sflag:s26] =	ssyncadd.s32 $0xFFFFF800  }
0x22: {  	[spmem:s1] =	stream.indirect.scatter.add.f32 [tilespmem:s21], [sflag:$0x2], $0x10, s30, s19, $0xb8;
	[tilespmem:$0x7C00] =	vst v63  }
0x23: {  	_ =	swait.ge [sflag:s17], $0x800  }
0x24: {  	[sflag:s17] =	ssyncset.done $0x0  }
0x25: {  	[sflag:s17] =	ssyncadd.s32 $0xFFFFF800  }
0x26: {  	_ =	swait.ge [sflag:s26], $0x800  }
0x27: {  	[sflag:s26] =	ssyncset.done $0x0  }
0x28: {  	[sflag:s26] =	ssyncadd.s32 $0xFFFFF800  }
0x29: {  	[spmem:s1] =	stream.indirect.scatter.add.f32 [tilespmem:s23], [sflag:$0x2], $0x10, s29, s19, $0xb8;
	[tilespmem:$0x7C00] =	vst v63  }
0x2a: {  	_ =	swait.ge [sflag:s17], $0x800  }
0x2b: {  	[sflag:s17] =	ssyncset.done $0x0  }
0x2c: {  	[sflag:s17] =	ssyncadd.s32 $0xFFFFF800  }
0x2d: {  	_ =	swait.ge [sflag:s26], $0x800  }
0x2e: {  	[sflag:s26] =	ssyncset.done $0x0  }
0x2f: {  	[sflag:s26] =	ssyncadd.s32 $0xFFFFF800  }
0x30: {  	[spmem:s1] =	stream.indirect.scatter.add.f32 [tilespmem:s25], [sflag:$0x2], $0x10, s28, s19, $0xb8;
	[tilespmem:$0x7C00] =	vst v63  }
0x31: {  	_ =	swait.ge [sflag:s17], $0x800  }
0x32: {  	[sflag:s17] =	ssyncset.done $0x0  }
0x33: {  	[sflag:s17] =	ssyncadd.s32 $0xFFFFF800  }
0x34: {  	s28 =	simm.s32 @p0 $0x1FC2;
	[bflag:$0x0] =	sbarrier.arrive $0xFFFF  }
0x35: {  	[hbm:s12], [sflag:s28] =	dma.local @p0 [spmem:s14], $0x320  }
0x36: {  	s28 =	simm.s32 @p0 $0x2  }
0x37: {  	s2 =	sadd.s32 $0x1, s2;
	_ =	swait.ge @p0 [sflag:s28], $0x320  }
0x38: {  	p2 =	sne.s32 s2, s13;
	[sflag:s28] =	ssyncset.done @p0 $0x0  }
.Ltmp1:
0x39: {  	[sflag:s28] =	ssyncadd.s32 @p0 $0xFFFFFCE0;
	s28 =	simm.s32 @!p0 $0x2;
	(pc) =	sbr.rel @!p2 .LBB2_9-.Ltmp1, $4  }
0x3a: {  	[hbm:s11], [sflag:s15] =	dma.local @!p0 [spmem:s16], $0x500  }
0x3b: {  	_ =	swait.ge @!p0 [sflag:s28], $0x500  }
0x3c: {  	[sflag:s28] =	ssyncset.done @!p0 $0x0  }
0x3d: {  	[sflag:s28] =	ssyncadd.s32 @!p0 $0xFFFFFB00  }
.LBB2_1:
0x3e: {  	s28 =	simm.s32 @p0 $0x1FC2  }
0x3f: {  	[spmem:s14], [sflag:s28] =	dma.local @p0 [hbm:s6], $0x320  }
0x40: {  	s28 =	simm.s32 @p0 $0x2  }
0x41: {  	_ =	swait.ge @p0 [sflag:s28], $0x320  }
0x42: {  	[sflag:s28] =	ssyncset.done @p0 $0x0  }
.Ltmp2:
0x43: {  	[sflag:s28] =	ssyncadd.s32 @p0 $0xFFFFFCE0;
	s28 =	simm.s32 @!p0 $0x2;
	(pc) =	sbr.rel @!p1 .LBB2_2-.Ltmp2, $4  }
0x44: {  	[spmem:s16], [sflag:s15] =	dma.local @!p0 [hbm:s5], $0x500  }
0x45: {  	_ =	swait.ge @!p0 [sflag:s28], $0x500  }
0x46: {  	[sflag:s28] =	ssyncset.done @!p0 $0x0  }
0x47: {  	[sflag:s28] =	ssyncadd.s32 @!p0 $0xFFFFFB00;
	s28 =	simm.s32 $0x0  }
0x48: {  	[tilespmem:s28], [sflag:$0x2] =	stream.linear.gather [hbm4b:s9+s28], $0x1A00, $0x38;
	[tilespmem:$0x7C00] =	vst v63  }
0x49: {  	_ =	swait.ge [sflag:s17], $0x1A00  }
0x4a: {  	[sflag:s17] =	ssyncset.done $0x0  }
0x4b: {  	[sflag:s17] =	ssyncadd.s32 $0xFFFFE600  }
0x4c: {  	[tilespmem:s18], [sflag:$0x2] =	stream.linear.gather [hbm4b:s10+s28], $0x1A00, $0x38;
	[tilespmem:$0x7C00] =	vst v63  }
0x4d: {  	_ =	swait.ge [sflag:s17], $0x1A00  }
0x4e: {  	[sflag:s17] =	ssyncset.done $0x0  }
0x4f: {  	[sflag:s17] =	ssyncadd.s32 $0xFFFFE600  }
0x50: {  	[bflag:$0x0] =	sbarrier.arrive $0xFFFF  }
0x51: {  	[tilespmem:s20], [sflag:$0x1] =	stream.indirect.gather [hbm4b:s4+s19], $0x10, s28, s19, $0xb8;
	[tilespmem:$0x7C00] =	vst v63  }
0x52: {  	_ = 	snop  }
0x53: {  	[tilespmem:s21], [sflag:$0x1] =	stream.indirect.gather [hbm4b:s4+s19], $0x10, s19, s19, $0xb8;
	[tilespmem:$0x7C00] =	vst v63  }
0x54: {  	_ = 	snop  }
0x55: {  	[tilespmem:s23], [sflag:$0x1] =	stream.indirect.gather [hbm4b:s4+s19], $0x10, s22, s19, $0xb8;
	[tilespmem:$0x7C00] =	vst v63  }
0x56: {  	_ = 	snop  }
0x57: {  	[tilespmem:s25], [sflag:$0x1] =	stream.indirect.gather [hbm4b:s4+s19], $0x10, s24, s19, $0xb8;
	[tilespmem:$0x7C00] =	vst v63  }
0x58: {  	_ =	swait.ge [sflag:s26], $0x800  }
0x59: {  	[sflag:s26] =	ssyncset.done $0x0  }
0x5a: {  	s28 =	simm.s32 $0x1A00;
	[sflag:s26] =	ssyncadd.s32 $0xFFFFF800  }
0x5b: {  	[spmem:s1] =	stream.indirect.scatter.add.f32 [tilespmem:s20], [sflag:$0x2], $0x10, s28, s19, $0xb8;
	[tilespmem:$0x7C00] =	vst v63  }
0x5c: {  	_ =	swait.ge [sflag:s17], $0x800  }
0x5d: {  	[sflag:s17] =	ssyncset.done $0x0  }
0x5e: {  	s28 =	simm.s32 $0x200;
	[sflag:s17] =	ssyncadd.s32 $0xFFFFF800  }
0x5f: {  	[tilespmem:s20], [sflag:$0x1] =	stream.indirect.gather [hbm4b:s4+s19], $0x10, s28, s19, $0xb8;
	[tilespmem:$0x7C00] =	vst v63  }
0x60: {  	_ =	swait.ge [sflag:s26], $0x800  }
0x61: {  	[sflag:s26] =	ssyncset.done $0x0  }
0x62: {  	s28 =	simm.s32 $0x1A80;
	[sflag:s26] =	ssyncadd.s32 $0xFFFFF800  }
0x63: {  	[spmem:s1] =	stream.indirect.scatter.add.f32 [tilespmem:s21], [sflag:$0x2], $0x10, s28, s19, $0xb8;
	[tilespmem:$0x7C00] =	vst v63  }
0x64: {  	_ =	swait.ge [sflag:s17], $0x800  }
0x65: {  	[sflag:s17] =	ssyncset.done $0x0  }
0x66: {  	s28 =	simm.s32 $0x280;
	[sflag:s17] =	ssyncadd.s32 $0xFFFFF800  }
0x67: {  	[tilespmem:s21], [sflag:$0x1] =	stream.indirect.gather [hbm4b:s4+s19], $0x10, s28, s19, $0xb8;
	[tilespmem:$0x7C00] =	vst v63  }
0x68: {  	_ =	swait.ge [sflag:s26], $0x800  }
0x69: {  	[sflag:s26] =	ssyncset.done $0x0  }
0x6a: {  	s28 =	simm.s32 $0x1B00;
	[sflag:s26] =	ssyncadd.s32 $0xFFFFF800  }
0x6b: {  	[spmem:s1] =	stream.indirect.scatter.add.f32 [tilespmem:s23], [sflag:$0x2], $0x10, s28, s19, $0xb8;
	[tilespmem:$0x7C00] =	vst v63  }
0x6c: {  	_ =	swait.ge [sflag:s17], $0x800  }
0x6d: {  	[sflag:s17] =	ssyncset.done $0x0  }
0x6e: {  	s28 =	simm.s32 $0x300;
	[sflag:s17] =	ssyncadd.s32 $0xFFFFF800  }
0x6f: {  	[tilespmem:s23], [sflag:$0x1] =	stream.indirect.gather [hbm4b:s4+s19], $0x10, s28, s19, $0xb8;
	[tilespmem:$0x7C00] =	vst v63  }
0x70: {  	_ =	swait.ge [sflag:s26], $0x800  }
0x71: {  	p2 =	por $0x0, $0x0;
	[sflag:s26] =	ssyncset.done $0x0  }
.Ltmp3:
0x72: {  	s28 =	simm.s32 $0x1B80;
	[sflag:s26] =	ssyncadd.s32 $0xFFFFF800;
	(pc) =	sbr.rel @p2 .LBB2_7-.Ltmp3, $4  }
0x73: {  	[spmem:s1] =	stream.indirect.scatter.add.f32 [tilespmem:s25], [sflag:$0x2], $0x10, s28, s19, $0xb8;
	[tilespmem:$0x7C00] =	vst v63  }
0x74: {  	_ =	swait.ge [sflag:s17], $0x800  }
0x75: {  	[sflag:s17] =	ssyncset.done $0x0  }
0x76: {  	s29 =	simm.s32 $0x380;
	s28 =	simm.s32 $0x800;
	[sflag:s17] =	ssyncadd.s32 $0xFFFFF800  }
.LBB2_6:
0x77: {  	[tilespmem:s25], [sflag:$0x1] =	stream.indirect.gather [hbm4b:s4+s19], $0x10, s29, s19, $0xb8;
	[tilespmem:$0x7C00] =	vst v63  }
0x78: {  	s29 =	smov.u32 s28  }
0x79: {  	p2 =	seq.s32 s28, $0x5800;
	s28 =	sadd.s32 $0x800, s28;
	_ =	swait.ge [sflag:s26], $0x800  }
0x7a: {  	s29 =	sshra.s32 s29, $0x2;
	[sflag:s26] =	ssyncset.done $0x0  }
0x7b: {  	s30 =	sadd.s32 $0x1A00, s29;
	[sflag:s26] =	ssyncadd.s32 $0xFFFFF800  }
0x7c: {  	[spmem:s1] =	stream.indirect.scatter.add.f32 [tilespmem:s20], [sflag:$0x2], $0x10, s30, s19, $0xb8;
	[tilespmem:$0x7C00] =	vst v63  }
0x7d: {  	_ =	swait.ge [sflag:s17], $0x800  }
0x7e: {  	[sflag:s17] =	ssyncset.done $0x0  }
0x7f: {  	s30 =	sadd.s32 $0x200, s29;
	[sflag:s17] =	ssyncadd.s32 $0xFFFFF800  }
0x80: {  	[tilespmem:s20], [sflag:$0x1] =	stream.indirect.gather [hbm4b:s4+s19], $0x10, s30, s19, $0xb8;
	[tilespmem:$0x7C00] =	vst v63  }
0x81: {  	_ =	swait.ge [sflag:s26], $0x800  }
0x82: {  	[sflag:s26] =	ssyncset.done $0x0  }
0x83: {  	s30 =	sadd.s32 $0x1A80, s29;
	[sflag:s26] =	ssyncadd.s32 $0xFFFFF800  }
0x84: {  	[spmem:s1] =	stream.indirect.scatter.add.f32 [tilespmem:s21], [sflag:$0x2], $0x10, s30, s19, $0xb8;
	[tilespmem:$0x7C00] =	vst v63  }
0x85: {  	_ =	swait.ge [sflag:s17], $0x800  }
0x86: {  	[sflag:s17] =	ssyncset.done $0x0  }
0x87: {  	s30 =	sadd.s32 $0x280, s29;
	[sflag:s17] =	ssyncadd.s32 $0xFFFFF800  }
0x88: {  	[tilespmem:s21], [sflag:$0x1] =	stream.indirect.gather [hbm4b:s4+s19], $0x10, s30, s19, $0xb8;
	[tilespmem:$0x7C00] =	vst v63  }
0x89: {  	_ =	swait.ge [sflag:s26], $0x800  }
0x8a: {  	[sflag:s26] =	ssyncset.done $0x0  }
0x8b: {  	s30 =	sadd.s32 $0x1B00, s29;
	[sflag:s26] =	ssyncadd.s32 $0xFFFFF800  }
0x8c: {  	[spmem:s1] =	stream.indirect.scatter.add.f32 [tilespmem:s23], [sflag:$0x2], $0x10, s30, s19, $0xb8;
	[tilespmem:$0x7C00] =	vst v63  }
0x8d: {  	_ =	swait.ge [sflag:s17], $0x800  }
0x8e: {  	[sflag:s17] =	ssyncset.done $0x0  }
0x8f: {  	s30 =	sadd.s32 $0x300, s29;
	[sflag:s17] =	ssyncadd.s32 $0xFFFFF800  }
0x90: {  	[tilespmem:s23], [sflag:$0x1] =	stream.indirect.gather [hbm4b:s4+s19], $0x10, s30, s19, $0xb8;
	[tilespmem:$0x7C00] =	vst v63  }
0x91: {  	_ =	swait.ge [sflag:s26], $0x800  }
0x92: {  	[sflag:s26] =	ssyncset.done $0x0  }
.Ltmp4:
0x93: {  	s30 =	sadd.s32 $0x1B80, s29;
	[sflag:s26] =	ssyncadd.s32 $0xFFFFF800;
	(pc) =	sbr.rel @!p2 .LBB2_6-.Ltmp4, $4  }
0x94: {  	[spmem:s1] =	stream.indirect.scatter.add.f32 [tilespmem:s25], [sflag:$0x2], $0x10, s30, s19, $0xb8;
	[tilespmem:$0x7C00] =	vst v63  }
0x95: {  	_ =	swait.ge [sflag:s17], $0x800  }
0x96: {  	[sflag:s17] =	ssyncset.done $0x0  }
0x97: {  	s29 =	sadd.s32 $0x380, s29;
	[sflag:s17] =	ssyncadd.s32 $0xFFFFF800  }
.Ltmp5:
0x98: {  	_ = 	snop;
	(pc) =	sbr.rel .LBB2_7-.Ltmp5, $1  }
0x99: {  	_ =	sdelay $0x3  }
.LBB2_2:
0x9a: {  	[tilespmem:s28], [sflag:$0x2] =	stream.linear.gather [hbm4b:s7+s28], $0xE00, $0x38;
	[tilespmem:$0x7C00] =	vst v63  }
0x9b: {  	_ =	swait.ge [sflag:s17], $0xE00  }
0x9c: {  	[sflag:s17] =	ssyncset.done $0x0  }
0x9d: {  	[sflag:s17] =	ssyncadd.s32 $0xFFFFF200  }
0x9e: {  	[tilespmem:s18], [sflag:$0x2] =	stream.linear.gather [hbm4b:s8+s28], $0xE00, $0x38;
	[tilespmem:$0x7C00] =	vst v63  }
0x9f: {  	_ =	swait.ge [sflag:s17], $0xE00  }
0xa0: {  	[sflag:s17] =	ssyncset.done $0x0  }
0xa1: {  	[sflag:s17] =	ssyncadd.s32 $0xFFFFF200  }
0xa2: {  	[bflag:$0x0] =	sbarrier.arrive $0xFFFF  }
0xa3: {  	[tilespmem:s20], [sflag:$0x1] =	stream.indirect.gather [hbm4b:s4+s19], $0x10, s28, s19, $0xb8;
	[tilespmem:$0x7C00] =	vst v63  }
0xa4: {  	_ = 	snop  }
0xa5: {  	[tilespmem:s21], [sflag:$0x1] =	stream.indirect.gather [hbm4b:s4+s19], $0x10, s19, s19, $0xb8;
	[tilespmem:$0x7C00] =	vst v63  }
0xa6: {  	_ = 	snop  }
0xa7: {  	[tilespmem:s23], [sflag:$0x1] =	stream.indirect.gather [hbm4b:s4+s19], $0x10, s22, s19, $0xb8;
	[tilespmem:$0x7C00] =	vst v63  }
0xa8: {  	_ = 	snop  }
0xa9: {  	[tilespmem:s25], [sflag:$0x1] =	stream.indirect.gather [hbm4b:s4+s19], $0x10, s24, s19, $0xb8;
	[tilespmem:$0x7C00] =	vst v63  }
0xaa: {  	_ =	swait.ge [sflag:s26], $0x800  }
0xab: {  	[sflag:s26] =	ssyncset.done $0x0  }
0xac: {  	s28 =	simm.s32 $0x1A00;
	[sflag:s26] =	ssyncadd.s32 $0xFFFFF800  }
0xad: {  	[spmem:s1] =	stream.indirect.scatter.add.f32 [tilespmem:s20], [sflag:$0x2], $0x10, s28, s19, $0xb8;
	[tilespmem:$0x7C00] =	vst v63  }
0xae: {  	_ =	swait.ge [sflag:s17], $0x800  }
0xaf: {  	[sflag:s17] =	ssyncset.done $0x0  }
0xb0: {  	s28 =	simm.s32 $0x200;
	[sflag:s17] =	ssyncadd.s32 $0xFFFFF800  }
0xb1: {  	[tilespmem:s20], [sflag:$0x1] =	stream.indirect.gather [hbm4b:s4+s19], $0x10, s28, s19, $0xb8;
	[tilespmem:$0x7C00] =	vst v63  }
0xb2: {  	_ =	swait.ge [sflag:s26], $0x800  }
0xb3: {  	[sflag:s26] =	ssyncset.done $0x0  }
0xb4: {  	s28 =	simm.s32 $0x1A80;
	[sflag:s26] =	ssyncadd.s32 $0xFFFFF800  }
0xb5: {  	[spmem:s1] =	stream.indirect.scatter.add.f32 [tilespmem:s21], [sflag:$0x2], $0x10, s28, s19, $0xb8;
	[tilespmem:$0x7C00] =	vst v63  }
0xb6: {  	_ =	swait.ge [sflag:s17], $0x800  }
0xb7: {  	[sflag:s17] =	ssyncset.done $0x0  }
0xb8: {  	s28 =	simm.s32 $0x280;
	[sflag:s17] =	ssyncadd.s32 $0xFFFFF800  }
0xb9: {  	[tilespmem:s21], [sflag:$0x1] =	stream.indirect.gather [hbm4b:s4+s19], $0x10, s28, s19, $0xb8;
	[tilespmem:$0x7C00] =	vst v63  }
0xba: {  	_ =	swait.ge [sflag:s26], $0x800  }
0xbb: {  	[sflag:s26] =	ssyncset.done $0x0  }
0xbc: {  	s28 =	simm.s32 $0x1B00;
	[sflag:s26] =	ssyncadd.s32 $0xFFFFF800  }
0xbd: {  	[spmem:s1] =	stream.indirect.scatter.add.f32 [tilespmem:s23], [sflag:$0x2], $0x10, s28, s19, $0xb8;
	[tilespmem:$0x7C00] =	vst v63  }
0xbe: {  	_ =	swait.ge [sflag:s17], $0x800  }
0xbf: {  	[sflag:s17] =	ssyncset.done $0x0  }
0xc0: {  	s28 =	simm.s32 $0x300;
	[sflag:s17] =	ssyncadd.s32 $0xFFFFF800  }
0xc1: {  	[tilespmem:s23], [sflag:$0x1] =	stream.indirect.gather [hbm4b:s4+s19], $0x10, s28, s19, $0xb8;
	[tilespmem:$0x7C00] =	vst v63  }
0xc2: {  	_ =	swait.ge [sflag:s26], $0x800  }
0xc3: {  	[sflag:s26] =	ssyncset.done $0x0  }
0xc4: {  	s28 =	simm.s32 $0x1B80;
	[sflag:s26] =	ssyncadd.s32 $0xFFFFF800  }
0xc5: {  	[spmem:s1] =	stream.indirect.scatter.add.f32 [tilespmem:s25], [sflag:$0x2], $0x10, s28, s19, $0xb8;
	[tilespmem:$0x7C00] =	vst v63  }
0xc6: {  	_ =	swait.ge [sflag:s17], $0x800  }
0xc7: {  	[sflag:s17] =	ssyncset.done $0x0  }
0xc8: {  	s29 =	simm.s32 $0x380;
	s28 =	simm.s32 $0x800;
	[sflag:s17] =	ssyncadd.s32 $0xFFFFF800  }
.LBB2_3:
0xc9: {  	[tilespmem:s25], [sflag:$0x1] =	stream.indirect.gather [hbm4b:s4+s19], $0x10, s29, s19, $0xb8;
	[tilespmem:$0x7C00] =	vst v63  }
0xca: {  	s29 =	smov.u32 s28  }
0xcb: {  	p2 =	sne.s32 s28, $0x2800;
	s28 =	sadd.s32 $0x800, s28;
	_ =	swait.ge [sflag:s26], $0x800  }
0xcc: {  	s29 =	sshra.s32 s29, $0x2;
	[sflag:s26] =	ssyncset.done $0x0  }
0xcd: {  	s30 =	sadd.s32 $0x1A00, s29;
	[sflag:s26] =	ssyncadd.s32 $0xFFFFF800  }
0xce: {  	[spmem:s1] =	stream.indirect.scatter.add.f32 [tilespmem:s20], [sflag:$0x2], $0x10, s30, s19, $0xb8;
	[tilespmem:$0x7C00] =	vst v63  }
0xcf: {  	_ =	swait.ge [sflag:s17], $0x800  }
0xd0: {  	[sflag:s17] =	ssyncset.done $0x0  }
0xd1: {  	s30 =	sadd.s32 $0x200, s29;
	[sflag:s17] =	ssyncadd.s32 $0xFFFFF800  }
0xd2: {  	[tilespmem:s20], [sflag:$0x1] =	stream.indirect.gather [hbm4b:s4+s19], $0x10, s30, s19, $0xb8;
	[tilespmem:$0x7C00] =	vst v63  }
0xd3: {  	_ =	swait.ge [sflag:s26], $0x800  }
0xd4: {  	[sflag:s26] =	ssyncset.done $0x0  }
0xd5: {  	s30 =	sadd.s32 $0x1A80, s29;
	[sflag:s26] =	ssyncadd.s32 $0xFFFFF800  }
0xd6: {  	[spmem:s1] =	stream.indirect.scatter.add.f32 [tilespmem:s21], [sflag:$0x2], $0x10, s30, s19, $0xb8;
	[tilespmem:$0x7C00] =	vst v63  }
0xd7: {  	_ =	swait.ge [sflag:s17], $0x800  }
0xd8: {  	[sflag:s17] =	ssyncset.done $0x0  }
0xd9: {  	s30 =	sadd.s32 $0x280, s29;
	[sflag:s17] =	ssyncadd.s32 $0xFFFFF800  }
0xda: {  	[tilespmem:s21], [sflag:$0x1] =	stream.indirect.gather [hbm4b:s4+s19], $0x10, s30, s19, $0xb8;
	[tilespmem:$0x7C00] =	vst v63  }
0xdb: {  	_ =	swait.ge [sflag:s26], $0x800  }
0xdc: {  	[sflag:s26] =	ssyncset.done $0x0  }
0xdd: {  	s30 =	sadd.s32 $0x1B00, s29;
	[sflag:s26] =	ssyncadd.s32 $0xFFFFF800  }
0xde: {  	[spmem:s1] =	stream.indirect.scatter.add.f32 [tilespmem:s23], [sflag:$0x2], $0x10, s30, s19, $0xb8;
	[tilespmem:$0x7C00] =	vst v63  }
0xdf: {  	_ =	swait.ge [sflag:s17], $0x800  }
0xe0: {  	[sflag:s17] =	ssyncset.done $0x0  }
0xe1: {  	s30 =	sadd.s32 $0x300, s29;
	[sflag:s17] =	ssyncadd.s32 $0xFFFFF800  }
0xe2: {  	[tilespmem:s23], [sflag:$0x1] =	stream.indirect.gather [hbm4b:s4+s19], $0x10, s30, s19, $0xb8;
	[tilespmem:$0x7C00] =	vst v63  }
0xe3: {  	_ =	swait.ge [sflag:s26], $0x800  }
0xe4: {  	[sflag:s26] =	ssyncset.done $0x0  }
.Ltmp6:
0xe5: {  	s30 =	sadd.s32 $0x1B80, s29;
	[sflag:s26] =	ssyncadd.s32 $0xFFFFF800;
	(pc) =	sbr.rel @p2 .LBB2_3-.Ltmp6, $4  }
0xe6: {  	[spmem:s1] =	stream.indirect.scatter.add.f32 [tilespmem:s25], [sflag:$0x2], $0x10, s30, s19, $0xb8;
	[tilespmem:$0x7C00] =	vst v63  }
0xe7: {  	_ =	swait.ge [sflag:s17], $0x800  }
0xe8: {  	[sflag:s17] =	ssyncset.done $0x0  }
0xe9: {  	s29 =	sadd.s32 $0x380, s29;
	[sflag:s17] =	ssyncadd.s32 $0xFFFFF800  }
.Ltmp7:
0xea: {  	(pc) =	sbr.rel .LBB2_8-.Ltmp7, $4  }
0xeb: {  	_ = 	snop  }
0xec: {  	[tilespmem:s25], [sflag:$0x1] =	stream.indirect.gather [hbm4b:s4+s19], $0x10, s29, s19, $0xb8;
	[tilespmem:$0x7C00] =	vst v63  }
0xed: {  	s28 =	simm.s32 $0x2780  }
0xee: {  	s29 =	simm.s32 $0x2700;
	s30 =	simm.s32 $0x2680;
	s31 =	simm.s32 $0x2600  }
.LBB2_9:
0xef: {  	_ =	sfence.sel $0x180000  }
0xf0: {  	[bflag:$0x0] =	sbarrier.arrive $0xFFFF  }
0xf1: {  	p0 =	sne.s32 s3, $0x0;
	_ =	strace $0x9000004D  }
0xf2: {  	s0 =	sadd.s32 @!p0 $0x100000, s0;
	[bflag:$0x2] =	sbarrier.arrive $0xFFFF  }
0xf3: {  	[sflag:s0] =	ssyncadd.tile.s32 @!p0 $0x1;
	_ =	shalt  }
.Lfunc_end2:
_tile_overlayer_lowered:
.L_overlay_start_2:
0xf4: {  	(tag) =	ssettag $0x2  }
0xf5: {  	s0 =	rddreg [dreg:$0x0];
	s2 =	stileid.u32  }
0xf6: {  	s1 =	rddreg [dreg:$0x1];
	p0 =	sne.s32 s2, $0x0  }
0xf7: {  	s3 =	rddreg [dreg:$0x2];
	[bflag:$0x3] =	sbarrier.arrive $0xFFFF;
	s2 =	simm.s32 @!p0 $0x1C02  }
0xf8: {  	[timem:s3], [sflag:s2] =	dma.local @!p0 [hbm:s0], s1  }
0xf9: {  	s0 =	simm.s32 @!p0 $0x2  }
0xfa: {  	_ =	swait.ge @!p0 [sflag:s0], s1  }
0xfb: {  	s1 =	ssub.s32 @!p0 $0x0, s1;
	[sflag:s0] =	ssyncset.done @!p0 $0x0  }
0xfc: {  	[sflag:s0] =	ssyncadd.s32 @!p0 s1  }
0xfd: {  	[bflag:$0x3] =	sbarrier.arrive $0xFFFF  }
0xfe: {  	_ =	shalt  }

// kernel: kernel.9.cloned.1.call-start
scs
__scs_entry_jumppad:
0x0: {  	(pc) =	sbr.rel $0x88, $3  }
0x1: {  	(tag) =	ssettag $0x0;
	lr =	simm.s32 $0x1  }
0x2: {  	[smem:$0x3F9B] =	sst lr;
	_ =	strace $0xD0000000  }
0x3: {  	_ = 	snop  }
0x4: {  	_ = 	snop  }
0x5: {  	_ = 	snop  }
0x6: {  	_ = 	snop  }
0x7: {  	_ = 	snop  }
__scs_overlays_trampoline_lowered:
0x8: {  	[smem:$0x3FAA] =	sst s0  }
0x9: {  	[smem:$0x3FAB] =	sst s1  }
0xa: {  	[smem:$0x3FAC] =	sst s2  }
0xb: {  	[smem:$0x3FAD] =	sst s3  }
0xc: {  	[smem:$0x3FAE] =	sst s4  }
0xd: {  	[smem:$0x3FAF] =	sst s5  }
0xe: {  	[smem:$0x3FB0] =	sst s6  }
0xf: {  	[smem:$0x3FB1] =	sst s7  }
0x10: {  	[smem:$0x3FB2] =	sst s8  }
0x11: {  	[smem:$0x3FB3] =	sst s9;
	s0 =	simm.s32 @!p0 $0x0  }
0x12: {  	s1 =	sld [smem:$0x3F99];
	s0 =	simm.s32 @p0 $0x1  }
0x13: {  	[smem:$0x3FB4] =	sst s0;
	s0 =	simm.s32 @!p1 $0x0  }
0x14: {  	s2 =	sld [smem:$0x3F98];
	s0 =	simm.s32 @p1 $0x1  }
0x15: {  	[smem:$0x3FB5] =	sst s0;
	s0 =	simm.s32 @!p2 $0x0  }
0x16: {  	s3 =	sld [smem:$0x3FDB];
	s0 =	simm.s32 @p2 $0x1  }
0x17: {  	s4 =	simm.s32 $0x1BF5;
	[smem:$0x3FB7] =	sst s0  }
0x18: {  	s0 =	sld [smem:$0x3F9A];
	_ =	swait.ge [sflag:s4], $0x0  }
0x19: {  	s7 =	sld [smem:$0x3F9B]  }
0x1a: {  	s8 =	sadd.s32 $0xFFFFE003, lr  }
0x1b: {  	s9 =	sadd.s32 $0xFFFFFEF7, lr;
	s5 =	simm.s32 $0xFFFFFFFF;
	p2 =	slt.u32 s8, $0xFFFFF086  }
0x1c: {  	p1 =	slt.u32 s9, $0xF7A;
	s5 =	simm.s32 @!p2 $0x0  }
0x1d: {  	s5 =	simm.s32 @p1 $0x1;
	p0 =	seq.s32 s7, s2  }
0x1e: {  	s7 =	smul.u32 @!p0 $0xF7A, s2;
	p2 =	seq.s32 @!p0 s5, $0x0  }
0x1f: {  	s9 =	smul.u32 $0xF7A, s1;
	s8 =	simm.s32 @!p0 $0x1BF5;
	p2 =	por !p2, p0  }
0x20: {  	[sflag:s8] =	ssyncset.s32 @!p0 $0xFFFFF086;
	s6 =	sadd.s32 @!p0 s3, s7;
	s7 =	simm.s32 @!p0 $0x108  }
0x21: {  	s3 =	sadd.s32 s3, s9;
	s6 =	sadd.s32 @!p0 $0x88, s6;
	s7 =	simm.s32 @p2 $0x1082  }
0x22: {  	[simem:s7], [sflag:s8] =	dma.local @!p0 [hbm:s6], $0xF7A  }
0x23: {  	s9 =	sor.u32 $0xD0000000, s2;
	s6 =	simm.s32 $0x108;
	_ =	swait.ge @!p0 [sflag:s8], $0x0  }
0x24: {  	s3 =	sadd.s32 $0x88, s3;
	s6 =	simm.s32 @!p1 $0x1082;
	[sflag:s4] =	ssyncset.s32 $0xFFFFF086  }
0x25: {  	[simem:s6], [sflag:s4] =	dma.local [hbm:s3], $0xF7A  }
0x26: {  	[smem:$0x3F9B] =	sst s1;
	(tag) =	ssettag s2;
	_ =	strace s9  }
0x27: {  	s1 =	sld [smem:$0x3FAB]  }
0x28: {  	s2 =	sld [smem:$0x3FAC]  }
0x29: {  	s4 =	sld [smem:$0x3FAE]  }
0x2a: {  	p0 =	seq.s32 s5, $0x0;
	s5 =	sld [smem:$0x3FAF]  }
0x2b: {  	s6 =	sld [smem:$0x3FB0]  }
0x2c: {  	s7 =	sld [smem:$0x3FB1]  }
0x2d: {  	s3 =	simm.s32 $0x108;
	s8 =	sld [smem:$0x3FB2]  }
0x2e: {  	s3 =	simm.s32 @!p0 $0x1082;
	s9 =	sld [smem:$0x3FB3]  }
0x2f: {  	lr =	sadd.s32 s0, s3;
	s0 =	sld [smem:$0x3FAA]  }
0x30: {  	s3 =	sld [smem:$0x3FAD]  }
0x31: {  	[smem:$0x3FB6] =	sst s10  }
0x32: {  	s10 =	sld [smem:$0x3FB4];
	_ =	sdelay $0x3  }
0x33: {  	p0 =	seq.s32 s10, $0x1;
	s10 =	sld [smem:$0x3FB6];
	_ =	sdelay $0x3  }
0x34: {  	[smem:$0x3FB6] =	sst s10  }
0x35: {  	s10 =	sld [smem:$0x3FB5];
	_ =	sdelay $0x3  }
0x36: {  	p1 =	seq.s32 s10, $0x1;
	s10 =	sld [smem:$0x3FB6];
	_ =	sdelay $0x3  }
0x37: {  	[smem:$0x3FB6] =	sst s10  }
0x38: {  	s10 =	sld [smem:$0x3FB7]  }
0x39: {  	_ = 	snop;
	(pc) =	sbr.ind lr, $3  }
0x3a: {  	_ = 	snop  }
0x3b: {  	_ = 	snop  }
0x3c: {  	p2 =	seq.s32 s10, $0x1;
	s10 =	sld [smem:$0x3FB6]  }
0x3d: {  	_ =	shalt  }
0x3e: {  	_ =	shalt  }
0x3f: {  	_ =	shalt  }
0x40: {  	_ =	shalt  }
0x41: {  	_ =	shalt  }
0x42: {  	_ =	shalt  }
0x43: {  	_ =	shalt  }
0x44: {  	_ =	shalt  }
0x45: {  	_ =	shalt  }
0x46: {  	_ =	shalt  }
0x47: {  	_ =	shalt  }
0x48: {  	_ =	shalt  }
0x49: {  	_ =	shalt  }
0x4a: {  	_ =	shalt  }
0x4b: {  	_ =	shalt  }
0x4c: {  	_ =	shalt  }
0x4d: {  	_ =	shalt  }
0x4e: {  	_ =	shalt  }
0x4f: {  	_ =	shalt  }
0x50: {  	_ =	shalt  }
0x51: {  	_ =	shalt  }
0x52: {  	_ =	shalt  }
0x53: {  	_ =	shalt  }
0x54: {  	_ =	shalt  }
0x55: {  	_ =	shalt  }
0x56: {  	_ =	shalt  }
0x57: {  	_ =	shalt  }
0x58: {  	_ =	shalt  }
0x59: {  	_ =	shalt  }
0x5a: {  	_ =	shalt  }
0x5b: {  	_ =	shalt  }
0x5c: {  	_ =	shalt  }
0x5d: {  	_ =	shalt  }
0x5e: {  	_ =	shalt  }
0x5f: {  	_ =	shalt  }
0x60: {  	_ =	shalt  }
0x61: {  	_ =	shalt  }
0x62: {  	_ =	shalt  }
0x63: {  	_ =	shalt  }
0x64: {  	_ =	shalt  }
0x65: {  	_ =	shalt  }
0x66: {  	_ =	shalt  }
0x67: {  	_ =	shalt  }
0x68: {  	_ =	shalt  }
0x69: {  	_ =	shalt  }
0x6a: {  	_ =	shalt  }
0x6b: {  	_ =	shalt  }
0x6c: {  	_ =	shalt  }
0x6d: {  	_ =	shalt  }
0x6e: {  	_ =	shalt  }
0x6f: {  	_ =	shalt  }
0x70: {  	_ =	shalt  }
0x71: {  	_ =	shalt  }
0x72: {  	_ =	shalt  }
0x73: {  	_ =	shalt  }
0x74: {  	_ =	shalt  }
0x75: {  	_ =	shalt  }
0x76: {  	_ =	shalt  }
0x77: {  	_ =	shalt  }
0x78: {  	_ =	shalt  }
0x79: {  	_ =	shalt  }
0x7a: {  	_ =	shalt  }
0x7b: {  	_ =	shalt  }
0x7c: {  	_ =	shalt  }
0x7d: {  	_ =	shalt  }
0x7e: {  	_ =	shalt  }
0x7f: {  	_ =	shalt  }
0x80: {  	_ =	shalt  }
0x81: {  	_ =	shalt  }
0x82: {  	_ =	shalt  }
0x83: {  	_ =	shalt  }
0x84: {  	_ =	shalt  }
0x85: {  	_ =	shalt  }
0x86: {  	_ =	shalt  }
0x87: {  	_ =	shalt  }
.Lfunc_end0:
.L_simem_size_0:
called_computation_lowered:
.L_overlay_start_0:
0x88: {  	s2 =	sld [smem:$0x3FD9]  }
0x89: {  	s3 =	sld [smem:$0x3FFE];
	_ =	sdelay $0x1  }
0x8a: {  	s1 =	srdreg.scid  }
0x8b: {  	s0 =	sand.u32 $0x1, s1  }
0x8c: {  	s16 =	sshll.u32 s0, $0xA;
	s2 =	sadd.s32 s3, s2  }
0x8d: {  	s2 =	sadd.s32 s2, s16  }
0x8e: {  	[smem:$0x3FC2] =	sst s2  }
0x8f: {  	_ = 	snop  }
0x90: {  	(tm) =	ssettm $0x1  }
0x91: {  	s17 =	sld [smem:$0x3FFB];
	_ =	sdelay $0x3  }
0x92: {  	_ =	strace s17  }
0x93: {  	s2 =	sld [smem:$0x3FFC];
	_ =	sdelay $0x3  }
0x94: {  	_ =	strace s2  }
0x95: {  	s2 =	sld [smem:$0x3FFD];
	_ =	sdelay $0x3  }
0x96: {  	_ =	strace s2  }
0x97: {  	_ =	strace $0x8FFFFFFF  }
0x98: {  	s18 =	sld [smem:$0x3FDB];
	_ =	sdelay $0x1  }
0x99: {  	s19 =	simm.s32 $_scs_section_size  }
0x9a: {  	s4 =	simm.s32 $_size__tile_overlayer_lowered;
	s5 =	simm.s32 $_tile_overlayer_lowered  }
0x9b: {  	s22 =	simm.s32 $0x1BFF;
	s21 =	sshll.u32 s5, $0x1;
	s2 =	sadd.s32 s19, s18  }
0x9c: {  	s6 =	simm.s32 $0x0;
	s20 =	sshll.u32 s4, $0x1;
	s4 =	sadd.s32 s21, s2  }
0x9d: {  	[timem:s6], [sflag:s22] =	dma.local [hbm:s4], s20  }
0x9e: {  	_ =	swait.ge [sflag:s22], s20  }
0x9f: {  	s3 =	ssub.s32 $0x0, s20;
	[sflag:s22] =	ssyncset.done $0x0  }
0xa0: {  	[sflag:s22] =	ssyncadd.s32 s3;
	_ =	sdelay $0x1  }
0xa1: {  	s23 =	simm.s32 $0x1B8B  }
0xa2: {  	_ =	swait.ge [sflag:s23], $0x1  }
0xa3: {  	[sflag:s23] =	ssyncset.done $0x0  }
0xa4: {  	s25 =	simm.s32 $0x1B8E;
	s24 =	sld [smem:$0x3FFE];
	[sflag:s23] =	ssyncadd.s32 $0xFFFFFFFF  }
0xa5: {  	s26 =	simm.s32 $execute0_lowered;
	[smem:$0x3FD2] =	sst s25  }
0xa6: {  	s4 =	sshll.u32 s26, $0x1;
	_ =	strace $0x80000046;
	[dreg:$0x1] =	wrdreg $0xFFFFFFFF  }
0xa7: {  	s28 =	simm.s32 $_size_execute0_lowered;
	s2 =	sadd.s32 s2, s4;
	[dreg:$0x0] =	wrdreg $0x0  }
0xa8: {  	s4 =	sshll.u32 s28, $0x1;
	[dreg:$0x2] =	wrdreg s2  }
0xa9: {  	[dreg:$0x3] =	wrdreg s4  }
0xaa: {  	[dreg:$0x4] =	wrdreg $0xC0  }
0xab: {  	_ =	task [dreg:s6], $0x5FFFF  }
0xac: {  	[dreg:$0x1] =	wrdreg $0xFFFFFFFF  }
0xad: {  	[dreg:$0x0] =	wrdreg $0x60  }
0xae: {  	[dreg:$0x2] =	wrdreg s24  }
0xaf: {  	[dreg:$0x3] =	wrdreg $0x1B000  }
0xb0: {  	[dreg:$0x4] =	wrdreg $0x9  }
0xb1: {  	_ =	task.clear_ibuf [dreg:s6], $0x5FFFF;
	_ =	strace $0x90000046  }
0xb2: {  	s29 =	simm.s32 $0x9;
	_ =	strace $0x80000048  }
0xb3: {  	_ =	swait.ge [sflag:s29], $0x1  }
0xb4: {  	[sflag:s29] =	ssyncadd.s32 $0xFFFFFFFF  }
0xb5: {  	_ =	strace $0x90000048  }
0xb6: {  	_ =	sfence  }
0xb7: {  	s30 =	sld [smem:$0x0];
	_ =	sdelay $0x2  }
0xb8: {  	s31 =	sshll.u32 s1, $0xD;
	s1 =	sshrl.u32 s1, $0x2  }
0xb9: {  	s3 =	sand.u32 $0x4000, s31;
	s1 =	sadd.s32 s1, s30  }
0xba: {  	s0 =	sor.u32 s3, s0;
	s1 =	sshll.u32 s1, $0x11  }
0xbb: {  	s0 =	sor.u32 s1, s0  }
0xbc: {  	s0 =	sadd.s32 $0x8F2B, s0  }
0xbd: {  	[sflag:s0] =	ssyncadd.remote.s32 $0x1  }
0xbe: {  	_ =	sfence.sel $0xFFFF  }
0xbf: {  	[dreg:$0x0] =	wrdreg $0xFFFFFFFF;
	(pc) =	sbr.abs _section_cstart, $3  }
0xc0: {  	[dreg:$0x1] =	wrdreg $0xFFFFFFFF  }
0xc1: {  	_ =	task.clear_ibuf [dreg:s6], $0x2FFFF;
	_ =	strace $0x9FFFFFFF  }
0xc2: {  	(tm) =	ssettm $0x7FFFFFFF  }
0xc3: {  	_ =	shalt  }
tec
execute0_lowered:
.L_overlay_start_1:
0x0: {  	(tag) =	ssettag $0x1  }
0x1: {  	s5 =	rddreg [dreg:$0x0]  }
0x2: {  	s2 =	rddreg [dreg:$0x1]  }
0x3: {  	s0 =	rddreg [dreg:$0x2];
	s3 =	simm.s32 $0x0  }
0x4: {  	s4 =	srdreg.scid;
	s1 =	stileid.u32;
	s18 =	simm.s32 $0x1  }
0x5: {  	[smem:$0x7FF] =	sst s3;
	s14 =	sand.u32 $0x1, s4;
	s9 =	smul.u32 $0x280, s1  }
0x6: {  	s10 =	sadd.s32 $0x1800, s5;
	s8 =	smul.u32 $0xE00, s1;
	s11 =	sadd.s32 $0x6800, s5  }
0x7: {  	s16 =	smul.u32 $0x340, s1;
	p1 =	seq.s32 s1, $0xF;
	_ =	strace $0x80000047  }
0x8: {  	s6 =	ssub.s32 $0x2, s14;
	s15 =	smul.u32 $0x2710, s14;
	p0 =	seq.s32 s14, $0x0  }
0x9: {  	s14 =	simm.s32 $0x1A80;
	s20 =	sshll.u32 @!p1 s1, $0x6;
	s7 =	sshrl.u32 s6, $0x1  }
0xa: {  	s4 =	sadd.s32 s9, s2;
	s12 =	sshrl.u32 s8, $0x3;
	s20 =	sor.u32 @!p1 $0x1C02, s20  }
0xb: {  	s13 =	ssub.s32 s6, s7;
	s5 =	sadd.s32 $0x80, s4;
	s6 =	sadd.s32 $0x100, s4  }
0xc: {  	s7 =	sadd.s32 $0x180, s4;
	s8 =	sadd.s32 $0x200, s4;
	s12 =	sadd.s32 s10, s12  }
.Ltmp0:
0xd: {  	s17 =	sadd.s32 s9, s15;
	s15 =	sshrl.u32 s15, $0x3;
	(pc) =	sbr.rel .LBB2_1-.Ltmp0, $4  }
0xe: {  	s10 =	sadd.s32 s10, s16;
	s16 =	simm.s32 $0x80;
	s19 =	sshrl.u32 @p1 s4, $0x3  }
0xf: {  	s21 =	sshrl.u32 @!p1 s4, $0x3;
	s9 =	sadd.s32 $0x3400, s12;
	s31 =	sshrl.u32 s17, $0x3  }
0x10: {  	s15 =	sadd.s32 s11, s15;
	s13 =	smax.u32 s13, $0x1;
	s17 =	simm.s32 $0x1A00  }
0x11: {  	v0 =	vimm.f32 $1.000000000e+00;
	v1 =	vimm.f32 $0.0e+00;
	s11 =	sadd.s32 s11, s31;
	s12 =	sadd.s32 $0x4B0, s15;
	s15 =	simm.s32 $0x2  }
.LBB2_7:
0x12: {  	[sflag:s24] =	ssyncadd.s32 @!p2 $0xFFFFFF80  }
.LBB2_8:
0x13: {  	_ =	swait.ge [sflag:s18], $0x80  }
0x14: {  	[sflag:s18] =	ssyncset.done $0x0  }
0x15: {  	[sflag:s18] =	ssyncadd.s32 $0xFFFFFF80  }
0x16: {  	_ =	swait.ge [sflag:s18], $0x80  }
0x17: {  	[sflag:s18] =	ssyncset.done $0x0  }
0x18: {  	[sflag:s18] =	ssyncadd.s32 $0xFFFFFF80  }
0x19: {  	_ =	swait.ge [sflag:s18], $0x80  }
0x1a: {  	[sflag:s18] =	ssyncset.done $0x0  }
0x1b: {  	[sflag:s18] =	ssyncadd.s32 $0xFFFFFF80  }
0x1c: {  	_ =	swait.ge [sflag:s18], $0x80  }
0x1d: {  	[sflag:s18] =	ssyncset.done $0x0  }
0x1e: {  	[sflag:s18] =	ssyncadd.s32 $0xFFFFFF80  }
0x1f: {  	_ =	swait.ge [sflag:s18], $0x80  }
0x20: {  	[sflag:s18] =	ssyncset.done $0x0  }
0x21: {  	[sflag:s18] =	ssyncadd.s32 $0xFFFFFF80  }
0x22: {  	_ =	swait.ge [sflag:s18], $0x80  }
0x23: {  	[sflag:s18] =	ssyncset.done $0x0  }
0x24: {  	[sflag:s18] =	ssyncadd.s32 $0xFFFFFF80  }
0x25: {  	_ =	swait.ge [sflag:s18], $0x80  }
0x26: {  	[sflag:s18] =	ssyncset.done $0x0  }
0x27: {  	[sflag:s18] =	ssyncadd.s32 $0xFFFFFF80  }
0x28: {  	_ =	swait.ge [sflag:s18], $0x80  }
0x29: {  	[sflag:s18] =	ssyncset.done $0x0  }
0x2a: {  	[sflag:s18] =	ssyncadd.s32 $0xFFFFFF80  }
0x2b: {  	s22 =	simm.s32 @p1 $0x1FC2;
	[bflag:$0x0] =	sbarrier.arrive $0xFFFF  }
0x2c: {  	[hbm:s12], [sflag:s22] =	dma.local @p1 [spmem:s19], $0x32  }
0x2d: {  	s22 =	simm.s32 @p1 $0x2  }
0x2e: {  	s3 =	sadd.s32 $0x1, s3;
	_ =	swait.ge @p1 [sflag:s22], $0x32  }
0x2f: {  	p2 =	sne.s32 s3, s13;
	[sflag:s22] =	ssyncset.done @p1 $0x0  }
.Ltmp1:
0x30: {  	[sflag:s22] =	ssyncadd.s32 @p1 $0xFFFFFFCE;
	s22 =	simm.s32 @!p1 $0x2;
	(pc) =	sbr.rel @!p2 .LBB2_9-.Ltmp1, $4  }
0x31: {  	[hbm:s11], [sflag:s20] =	dma.local @!p1 [spmem:s21], $0x50  }
0x32: {  	_ =	swait.ge @!p1 [sflag:s22], $0x50  }
0x33: {  	[sflag:s22] =	ssyncset.done @!p1 $0x0  }
0x34: {  	[sflag:s22] =	ssyncadd.s32 @!p1 $0xFFFFFFB0  }
.LBB2_1:
0x35: {  	[tilespmem:$0x1A00] =	vst v0  }
0x36: {  	[tilespmem:$0x1A80] =	vst v1  }
0x37: {  	[tilespmem:$0x1A10] =	vst v0  }
0x38: {  	[tilespmem:$0x1A90] =	vst v1  }
0x39: {  	[tilespmem:$0x1A20] =	vst v0  }
0x3a: {  	[tilespmem:$0x1AA0] =	vst v1  }
0x3b: {  	[tilespmem:$0x1A30] =	vst v0  }
0x3c: {  	[tilespmem:$0x1AB0] =	vst v1  }
0x3d: {  	[tilespmem:$0x1A40] =	vst v0  }
0x3e: {  	[tilespmem:$0x1AC0] =	vst v1  }
0x3f: {  	[tilespmem:$0x1A50] =	vst v0  }
0x40: {  	[tilespmem:$0x1AD0] =	vst v1  }
0x41: {  	[tilespmem:$0x1A60] =	vst v0  }
0x42: {  	[tilespmem:$0x1AE0] =	vst v1  }
0x43: {  	[tilespmem:$0x1A70] =	vst v0  }
0x44: {  	[tilespmem:$0x1AF0] =	vst v1  }
0x45: {  	[spmem:s4] =	stream.linear.scatter [tilespmem:s14], [sflag:$0x2], $0x80, $0x38;
	[tilespmem:$0x1D80] =	vst v63  }
0x46: {  	_ =	swait.ge [sflag:s15], $0x80  }
0x47: {  	[sflag:s15] =	ssyncset.done $0x0  }
0x48: {  	[sflag:s15] =	ssyncadd.s32 $0xFFFFFF80  }
0x49: {  	[spmem:s5] =	stream.linear.scatter [tilespmem:s14], [sflag:$0x2], $0x80, $0x38;
	[tilespmem:$0x1D80] =	vst v63  }
0x4a: {  	_ =	swait.ge [sflag:s15], $0x80  }
0x4b: {  	[sflag:s15] =	ssyncset.done $0x0  }
0x4c: {  	[sflag:s15] =	ssyncadd.s32 $0xFFFFFF80  }
0x4d: {  	[spmem:s6] =	stream.linear.scatter [tilespmem:s14], [sflag:$0x2], $0x80, $0x38;
	[tilespmem:$0x1D80] =	vst v63  }
0x4e: {  	_ =	swait.ge [sflag:s15], $0x80  }
0x4f: {  	[sflag:s15] =	ssyncset.done $0x0  }
0x50: {  	[sflag:s15] =	ssyncadd.s32 $0xFFFFFF80  }
0x51: {  	[spmem:s7] =	stream.linear.scatter [tilespmem:s14], [sflag:$0x2], $0x80, $0x38;
	[tilespmem:$0x1D80] =	vst v63  }
0x52: {  	_ =	swait.ge [sflag:s15], $0x80  }
0x53: {  	[sflag:s15] =	ssyncset.done $0x0  }
.Ltmp2:
0x54: {  	[sflag:s15] =	ssyncadd.s32 $0xFFFFFF80;
	(pc) =	sbr.rel @!p0 .LBB2_2-.Ltmp2, $4  }
0x55: {  	[spmem:s8] =	stream.linear.scatter [tilespmem:s14], [sflag:$0x2], $0x80, $0x38;
	[tilespmem:$0x1D80] =	vst v63  }
0x56: {  	_ =	swait.ge [sflag:s15], $0x80  }
0x57: {  	[sflag:s15] =	ssyncset.done $0x0  }
0x58: {  	s22 =	simm.s32 $0x0;
	[sflag:s15] =	ssyncadd.s32 $0xFFFFFF80  }
0x59: {  	[tilespmem:s22], [sflag:$0x2] =	stream.linear.gather [hbm4b:s10+s22], $0x1A00, $0x38;
	[tilespmem:$0x1D80] =	vst v63  }
0x5a: {  	_ =	swait.ge [sflag:s15], $0x1A00  }
0x5b: {  	[sflag:s15] =	ssyncset.done $0x0  }
0x5c: {  	p2 =	por $0x1, $0x1;
	[sflag:s15] =	ssyncadd.s32 $0xFFFFE600  }
0x5d: {  	s24 =	simm.s32 @!p2 $0x1;
	[bflag:$0x0] =	sbarrier.arrive $0xFFFF  }
0x5e: {  	[spmem:s2] =	stream.indirect.scatter.add.f32 [tilespmem:s17], [sflag:$0x1], $0x1, s22, s16, $0xb8;
	[tilespmem:$0x1D80] =	vst v63  }
0x5f: {  	_ =	swait.ge @!p2 [sflag:s24], $0x80  }
0x60: {  	s23 =	simm.s32 $0x1;
	[sflag:s24] =	ssyncset.done @!p2 $0x0  }
.LBB2_6:
0x61: {  	[sflag:s24] =	ssyncadd.s32 @!p2 $0xFFFFFF80  }
0x62: {  	s22 =	sadd.s32 $0x80, s22;
	s24 =	smov.u32 s23;
	s23 =	sadd.s32 $0x1, s23  }
0x63: {  	p3 =	seq.s32 s23, $0x34  }
0x64: {  	[spmem:s2] =	stream.indirect.scatter.add.f32 [tilespmem:s17], [sflag:$0x1], $0x1, s22, s16, $0xb8;
	[tilespmem:$0x1D80] =	vst v63  }
.Ltmp3:
0x65: {  	_ = 	snop;
	(pc) =	sbr.rel @!p3 .LBB2_6-.Ltmp3, $4  }
0x66: {  	p2 =	slt.u32 s24, $0x8  }
0x67: {  	s24 =	simm.s32 @!p2 $0x1  }
0x68: {  	_ =	swait.ge @!p2 [sflag:s24], $0x80  }
0x69: {  	[sflag:s24] =	ssyncset.done @!p2 $0x0  }
.Ltmp4:
0x6a: {  	_ = 	snop;
	(pc) =	sbr.rel .LBB2_7-.Ltmp4, $1  }
0x6b: {  	_ =	sdelay $0x3  }
.LBB2_2:
0x6c: {  	[tilespmem:s22], [sflag:$0x2] =	stream.linear.gather [hbm4b:s9+s22], $0xE00, $0x38;
	[tilespmem:$0x1D80] =	vst v63  }
0x6d: {  	_ =	swait.ge [sflag:s15], $0xE00  }
0x6e: {  	[sflag:s15] =	ssyncset.done $0x0  }
0x6f: {  	p2 =	por $0x1, $0x1;
	[sflag:s15] =	ssyncadd.s32 $0xFFFFF200  }
0x70: {  	s24 =	simm.s32 @!p2 $0x1;
	[bflag:$0x0] =	sbarrier.arrive $0xFFFF  }
0x71: {  	[spmem:s2] =	stream.indirect.scatter.add.f32 [tilespmem:s17], [sflag:$0x1], $0x1, s22, s16, $0xb8;
	[tilespmem:$0x1D80] =	vst v63  }
0x72: {  	_ =	swait.ge @!p2 [sflag:s24], $0x80  }
0x73: {  	s23 =	simm.s32 $0x1;
	[sflag:s24] =	ssyncset.done @!p2 $0x0  }
.LBB2_3:
0x74: {  	[sflag:s24] =	ssyncadd.s32 @!p2 $0xFFFFFF80  }
0x75: {  	s22 =	sadd.s32 $0x80, s22;
	s24 =	smov.u32 s23;
	s23 =	sadd.s32 $0x1, s23  }
0x76: {  	p3 =	sne.s32 s23, $0x1C  }
0x77: {  	[spmem:s2] =	stream.indirect.scatter.add.f32 [tilespmem:s17], [sflag:$0x1], $0x1, s22, s16, $0xb8;
	[tilespmem:$0x1D80] =	vst v63  }
.Ltmp5:
0x78: {  	_ = 	snop;
	(pc) =	sbr.rel @p3 .LBB2_3-.Ltmp5, $4  }
0x79: {  	p2 =	slt.u32 s24, $0x8  }
0x7a: {  	s24 =	simm.s32 @!p2 $0x1  }
0x7b: {  	_ =	swait.ge @!p2 [sflag:s24], $0x80  }
0x7c: {  	[sflag:s24] =	ssyncset.done @!p2 $0x0  }
.Ltmp6:
0x7d: {  	(pc) =	sbr.rel .LBB2_8-.Ltmp6, $2  }
0x7e: {  	_ =	sdelay $0x2  }
0x7f: {  	[sflag:s24] =	ssyncadd.s32 @!p2 $0xFFFFFF80  }
.LBB2_9:
0x80: {  	_ =	sfence.sel $0x180000  }
0x81: {  	[bflag:$0x0] =	sbarrier.arrive $0xFFFF  }
0x82: {  	p0 =	sne.s32 s1, $0x0;
	_ =	strace $0x90000047  }
0x83: {  	s0 =	sadd.s32 @!p0 $0x100000, s0;
	[bflag:$0x2] =	sbarrier.arrive $0xFFFF  }
0x84: {  	[sflag:s0] =	ssyncadd.tile.s32 @!p0 $0x1;
	_ =	shalt  }
.Lfunc_end2:
_tile_overlayer_lowered:
.L_overlay_start_2:
0x85: {  	(tag) =	ssettag $0x2  }
0x86: {  	s0 =	rddreg [dreg:$0x0];
	s2 =	stileid.u32  }
0x87: {  	s1 =	rddreg [dreg:$0x1];
	p0 =	sne.s32 s2, $0x0  }
0x88: {  	s3 =	rddreg [dreg:$0x2];
	[bflag:$0x3] =	sbarrier.arrive $0xFFFF;
	s2 =	simm.s32 @!p0 $0x1C02  }
0x89: {  	[timem:s3], [sflag:s2] =	dma.local @!p0 [hbm:s0], s1  }
0x8a: {  	s0 =	simm.s32 @!p0 $0x2  }
0x8b: {  	_ =	swait.ge @!p0 [sflag:s0], s1  }
0x8c: {  	s1 =	ssub.s32 @!p0 $0x0, s1;
	[sflag:s0] =	ssyncset.done @!p0 $0x0  }
0x8d: {  	[sflag:s0] =	ssyncadd.s32 @!p0 s1  }
0x8e: {  	[bflag:$0x3] =	sbarrier.arrive $0xFFFF  }
0x8f: {  	_ =	shalt  }

</sc_bundles>
